<compile_context>
chip_gen: v7x
topology: tpu7x:2x2x1
jax: 0.10.2.dev20260603
libtpu: 0.0.44.dev20260713+nightly
codegen_flags: <defaults>
</compile_context>

<pallas_src>
import functools

import jax
import jax.numpy as jnp
from jax import lax
from jax.experimental import pallas as pl
from jax.experimental.pallas import tpu as pltpu
from jax.experimental.pallas import tpu_sc as plsc

_N = 10000
_E = 320000
_F = 128
_G = 64
_CLS = 39
_EPS = 1e-6
_MAXN = 1000.0

_NC = 2
_NS = 16
_EPT = _E // (_NC * _NS)
_CH = 128
_NFULL = _EPT // _CH
_TAIL = _EPT - _NFULL * _CH
_BCH = 26
_NBLK = _NFULL // _BCH
_BE = _BCH * _CH
_NPAIR = (_NBLK - 1) // 2
_RPT = 624
_RREM = _N - _NS * _RPT



def _sinh(a):
    return 0.5 * (jnp.exp(a) - jnp.exp(-a))


def _exp_coef(r2, sqrt_c):
    lnorm = jnp.sqrt(jnp.clip(r2 + _EPS, 1e-6, None))
    cut = jnp.minimum(lnorm, 50.0)
    coef = sqrt_c * _sinh(cut / sqrt_c) / lnorm
    m2 = coef * coef * r2
    norm = jnp.sqrt(jnp.clip(m2, 1e-12, None))
    scale = jnp.minimum(1.0, _MAXN / norm)
    sigma = coef * scale
    m2s = jnp.where(m2 == jnp.inf, 0.0, m2 * scale * scale)
    return sigma, m2s


def _log_coef(m2, sqrt_c1, sqrt_c2):
    head = jnp.sqrt(sqrt_c1 * sqrt_c1 + m2)
    z = jnp.clip(head / sqrt_c2 + _EPS, 1.0, None)
    dist = sqrt_c2 * jnp.log(z + jnp.sqrt(jnp.clip(z * z - 1.0, 1e-12,
                                                   None)))
    tmp = jnp.sqrt(jnp.clip(m2, 1e-12, None) + _EPS)
    return dist / tmp


def _pair_sigma(r2, sqrt_c1, sqrt_c2):
    sigma_e, m2 = _exp_coef(r2, sqrt_c1)
    return sigma_e * _log_coef(m2, sqrt_c1, sqrt_c2)



def _xtan_body(x_ref, o_ref):
    t = x_ref[...]
    r2 = jnp.sum(t * t, axis=1, keepdims=True)
    norm = jnp.sqrt(jnp.clip(r2, 1e-12, None))
    scale = jnp.minimum(1.0, _MAXN / norm)
    m2 = r2 * scale * scale
    o_ref[...] = (scale * _log_coef(m2, 1.0, 1.0)) * t


def _xtan(xt):
    b = 2000
    return pl.pallas_call(
        _xtan_body,
        grid=(_N // b,),
        in_specs=[pl.BlockSpec((b, _F), lambda i: (i, 0))],
        out_specs=pl.BlockSpec((b, _F), lambda i: (i, 0)),
        out_shape=jax.ShapeDtypeStruct((_N, _F), jnp.float32),
    )(xt)



def _sc_body(xtan_hbm, src_hbm, dst_hbm, zero_hbm, out_hbm,
             sblk, dblk, sblk2, dblk2, rows0, rows1, sidx_t, didx_t,
             rows_t, acc, sem, gsem, ssem, isem):
    c = lax.axis_index("c")
    s = lax.axis_index("s")
    tid = c * _NS + s

    rowbase = s * _RPT
    pltpu.sync_copy(zero_hbm, acc.at[pl.ds(rowbase, _RPT)])

    @pl.when(s == _NS - 1)
    def _():
        pltpu.sync_copy(zero_hbm.at[pl.ds(0, _RREM)],
                        acc.at[pl.ds(_NS * _RPT, _RREM)])

    plsc.subcore_barrier()

    ebase = tid * _EPT
    rows = (rows0, rows1)

    def run_block(sb, db):
        g = [None] * _BCH
        s = [None] * _BCH
        g[0] = pltpu.async_copy(xtan_hbm.at[sb.at[pl.ds(0, _CH)]],
                                rows0, gsem)
        for k in range(1, _BCH):
            cur = rows[(k - 1) % 2]
            nxt = rows[k % 2]
            if k >= 2:
                s[k - 2].wait()
            g[k] = pltpu.async_copy(
                xtan_hbm.at[sb.at[pl.ds(k * _CH, _CH)]], nxt, gsem)
            g[k - 1].wait()
            s[k - 1] = pltpu.async_copy(
                cur, acc.at[db.at[pl.ds((k - 1) * _CH, _CH)]],
                ssem, add=True)
        last = rows[(_BCH - 1) % 2]
        g[_BCH - 1].wait()
        s[_BCH - 1] = pltpu.async_copy(
            last, acc.at[db.at[pl.ds((_BCH - 1) * _CH, _CH)]],
            ssem, add=True)
        s[_BCH - 2].wait()
        s[_BCH - 1].wait()

    def pf(blk, sb, db):
        base = ebase + jnp.minimum(blk, _NBLK - 1) * _BE
        pltpu.async_copy(src_hbm.at[pl.ds(base, _BE)], sb, isem)
        pltpu.async_copy(dst_hbm.at[pl.ds(base, _BE)], db, isem)

    def pf_wait(sb, db):
        pltpu.make_async_copy(src_hbm.at[pl.ds(ebase, _BE)], sb, isem).wait()
        pltpu.make_async_copy(dst_hbm.at[pl.ds(ebase, _BE)], db, isem).wait()

    pltpu.sync_copy(src_hbm.at[pl.ds(ebase, _BE)], sblk)
    pltpu.sync_copy(dst_hbm.at[pl.ds(ebase, _BE)], dblk)
    if _NBLK > 1:
        pf(1, sblk2, dblk2)
    run_block(sblk, dblk)

    def pair_body(i, carry):
        pf_wait(sblk2, dblk2)
        pf(2 * i + 2, sblk, dblk)
        run_block(sblk2, dblk2)
        pf_wait(sblk, dblk)
        pf(2 * i + 3, sblk2, dblk2)
        run_block(sblk, dblk)
        return carry

    if _NBLK > 1:
        lax.fori_loop(0, _NPAIR, pair_body, 0)
        pf_wait(sblk2, dblk2)

    start = ebase + _NFULL * _CH
    pltpu.sync_copy(src_hbm.at[pl.ds(start, _TAIL)], sidx_t)
    pltpu.sync_copy(dst_hbm.at[pl.ds(start, _TAIL)], didx_t)
    pltpu.async_copy(xtan_hbm.at[sidx_t], rows_t, sem).wait()
    pltpu.sync_copy(rows_t, acc.at[didx_t], add=True)

    plsc.subcore_barrier()

    pltpu.sync_copy(acc.at[pl.ds(rowbase, _RPT)],
                    out_hbm.at[pl.ds(c * _N + rowbase, _RPT)])

    @pl.when(s == _NS - 1)
    def _():
        pltpu.sync_copy(acc.at[pl.ds(_NS * _RPT, _RREM)],
                        out_hbm.at[pl.ds(c * _N + _NS * _RPT, _RREM)])


def _sc_scatter(x_tan, src, dst, zero_rows):
    mesh = plsc.VectorSubcoreMesh(core_axis_name="c", subcore_axis_name="s")
    f = pl.kernel(
        _sc_body,
        out_type=jax.ShapeDtypeStruct((_NC * _N, _F), jnp.float32),
        mesh=mesh,
        scratch_types=[
            pltpu.VMEM((_BE,), jnp.int32),
            pltpu.VMEM((_BE,), jnp.int32),
            pltpu.VMEM((_BE,), jnp.int32),
            pltpu.VMEM((_BE,), jnp.int32),
            pltpu.VMEM((_CH, _F), jnp.float32),
            pltpu.VMEM((_CH, _F), jnp.float32),
            pltpu.VMEM((_TAIL,), jnp.int32),
            pltpu.VMEM((_TAIL,), jnp.int32),
            pltpu.VMEM((_TAIL, _F), jnp.float32),
            pltpu.VMEM_SHARED((_N, _F), jnp.float32),
            pltpu.SemaphoreType.DMA,
            pltpu.SemaphoreType.DMA,
            pltpu.SemaphoreType.DMA,
            pltpu.SemaphoreType.DMA,
        ],
    )
    return f(x_tan, src, dst, zero_rows)



_B2 = 2000
_NB2 = _N // _B2


_FH = _F - 1


def _tail_body(xt_ref, p0_ref, p1_ref, b_ref,
               w0_ref, b0_ref, w1_ref, b1_ref, wc_ref, bc_ref,
               olog_ref, oprob_ref, acc_ref):
    i = pl.program_id(0)
    dn = (((1,), (1,)), ((), ()))

    htan = xt_ref[...] + p0_ref[...] + p1_ref[...]
    s1 = _pair_sigma(jnp.sum(htan * htan, axis=1, keepdims=True), 1.0, 2.0)
    mx = s1 * lax.dot_general(htan, w0_ref[...], dn,
                              preferred_element_type=jnp.float32) \
        + b0_ref[...]
    s2 = _pair_sigma(jnp.sum(mx * mx, axis=1, keepdims=True), 2.0, 2.0)
    a = jax.nn.relu(mx)
    ra = jnp.sum(a * a, axis=1, keepdims=True)
    s3 = _pair_sigma(s2 * s2 * ra, 2.0, 2.0)
    mx = (s2 * s3) * lax.dot_general(a, w1_ref[...], dn,
                                     preferred_element_type=jnp.float32) \
        + b1_ref[...]
    s4 = _pair_sigma(jnp.sum(mx * mx, axis=1, keepdims=True), 2.0, 2.0)
    a = jax.nn.relu(mx)
    ra = jnp.sum(a * a, axis=1, keepdims=True)
    s5 = _pair_sigma(s4 * s4 * ra, 1.0, 1.0)
    tt = (s4 * s5) * a

    bvals = b_ref[...].reshape(1, _B2)
    gid = lax.broadcasted_iota(jnp.int32, (_G, _B2), 0)
    oh = jnp.where(gid == bvals, 1.0, 0.0)
    pp = jnp.dot(oh, tt, preferred_element_type=jnp.float32)

    @pl.when(i == 0)
    def _():
        acc_ref[...] = pp

    @pl.when(i > 0)
    def _():
        acc_ref[...] = acc_ref[...] + pp

    @pl.when(i == _NB2 - 1)
    def _():
        hp = acc_ref[...]
        s6 = _pair_sigma(jnp.sum(hp * hp, axis=1, keepdims=True), 1.0, 1.0)
        mxc = s6 * lax.dot_general(hp, wc_ref[...], dn,
                                   preferred_element_type=jnp.float32) \
            + bc_ref[...]
        s7 = _pair_sigma(jnp.sum(mxc * mxc, axis=1, keepdims=True), 1.0, 1.0)
        lt = s7 * mxc
        olog_ref[...] = lt
        m = jnp.maximum(jnp.max(lt, axis=1, keepdims=True), 0.0)
        e = jnp.exp(lt - m)
        denom = jnp.sum(e, axis=1, keepdims=True) + jnp.exp(-m)
        st = e / denom
        se, _ = _exp_coef(jnp.sum(st * st, axis=1, keepdims=True), 1.0)
        oprob_ref[...] = se * st


def _tail_call(x_tan, p0, p1, batch3, w0, b0, w1, b1, wc, bc):
    blk = lambda i: (i, 0)
    fixed = lambda i: (0, 0)
    return pl.pallas_call(
        _tail_body,
        grid=(_NB2,),
        in_specs=[
            pl.BlockSpec((_B2, _F), blk),
            pl.BlockSpec((_B2, _F), blk),
            pl.BlockSpec((_B2, _F), lambda i: (i + _NB2, 0)),
            pl.BlockSpec((1, 1, _B2), lambda i: (i, 0, 0)),
            pl.BlockSpec((_FH, _F), fixed),
            pl.BlockSpec((1, _FH), fixed),
            pl.BlockSpec((_FH, _FH), fixed),
            pl.BlockSpec((1, _FH), fixed),
            pl.BlockSpec((_CLS, _FH), fixed),
            pl.BlockSpec((1, _CLS), fixed),
        ],
        out_specs=[
            pl.BlockSpec((_G, _CLS), fixed),
            pl.BlockSpec((_G, _CLS), fixed),
        ],
        out_shape=[
            jax.ShapeDtypeStruct((_G, _CLS), jnp.float32),
            jax.ShapeDtypeStruct((_G, _CLS), jnp.float32),
        ],
        scratch_shapes=[pltpu.VMEM((_G, _FH), jnp.float32)],
    )(x_tan, p0, p1, batch3, w0, b0, w1, b1, wc, bc)



def kernel(x, edge_index, batch, W0, b0, W1, b1, Wc, bc):
    xt = x[:, 1:]
    x_tan = _xtan(xt)

    src = edge_index[0]
    dst = edge_index[1]
    zero_rows = jnp.zeros((_RPT, _F), jnp.float32)
    parts = _sc_scatter(x_tan, src, dst, zero_rows)

    batch3 = batch.reshape(_NB2, 1, _B2)

    olog, oprob = _tail_call(x_tan, parts, parts, batch3,
                             W0, b0.reshape(1, _FH),
                             W1, b1.reshape(1, _FH),
                             Wc, bc.reshape(1, _CLS))
    return olog, oprob

# --- scband reference (transcript-rebuilt; emitter-appended) ---
"""Pipeline reference for scband-classifier-25177098289489 (READ-ONLY COPY).

The authoritative reference and input builder live on the scoring server;
editing this copy changes nothing except your own understanding.
"""

import jax, jax.numpy as jnp
import numpy as np

N_NODES = 10000
N_EDGES = 320000
IN_FEAT = 128
OUT_DIM = 128
NUM_CLASSES = 40
NUM_GRAPHS = 64
C_IN = 1.0
C_OUT = 1.0
C_HID = 4.0
GIN_EPS = 0.0
EPS = 1e-6
MAX_NORM = 1000.0

def arcosh(z):
    return jnp.log(z + jnp.sqrt(jnp.clip(z * z - 1.0, 1e-12, None)))

def lorentz_normalize(p, c):
    tail = p[:, 1:]
    norm = jnp.sqrt(jnp.clip(jnp.sum(tail * tail, axis=1, keepdims=True), 1e-12, None))
    scale = jnp.minimum(jnp.ones_like(norm), MAX_NORM / norm)
    tail = tail * scale
    head = jnp.sqrt(c + jnp.sum(tail * tail, axis=1, keepdims=True))
    return jnp.concatenate([head, tail], axis=1)

def normalize_tangent_zero(p):
    return jnp.concatenate([jnp.zeros_like(p[:, :1]), p[:, 1:]], axis=1)

def exp_map_zero(dp, c):
    dp = normalize_tangent_zero(dp)
    sqrt_c = jnp.sqrt(c)
    sq = jnp.sum(dp[:, 1:] * dp[:, 1:], axis=1, keepdims=True)
    dp_lnorm = jnp.sqrt(jnp.clip(sq + EPS, 1e-6, None))
    dp_cut = jnp.clip(dp_lnorm, None, 50.0)
    head = sqrt_c * jnp.cosh(dp_cut / sqrt_c)
    coef = sqrt_c * jnp.sinh(dp_cut / sqrt_c) / dp_lnorm
    res = jnp.concatenate([head, coef * dp[:, 1:]], axis=1)
    return lorentz_normalize(res, c)

def log_map_zero(y, c):
    sqrt_c = jnp.sqrt(c)
    y0 = y[:, :1]
    dist = sqrt_c * arcosh(jnp.clip(y0 / sqrt_c + EPS, 1.0, None))
    tail = y[:, 1:]
    tmp_norm = jnp.sqrt(jnp.clip(jnp.sum(tail * tail, axis=1, keepdims=True), 1e-12, None) + EPS)
    y_tan_tail = dist * tail / tmp_norm
    return jnp.concatenate([jnp.zeros_like(y0), y_tan_tail], axis=1)

def lorentz_linear(x, W, b, c):
    x_tan = log_map_zero(x, c)
    mx = x_tan[:, 1:] @ W.T + b
    mx = jnp.concatenate([x_tan[:, :1], mx], axis=1)
    out = exp_map_zero(mx, c)
    cond = jnp.all(out == 0, axis=1, keepdims=True)
    return jnp.where(cond, jnp.zeros_like(out), out)

def lorentz_act(x, c_in, c_out, act):
    xt = act(log_map_zero(x, c_in))
    xt = normalize_tangent_zero(xt)
    return exp_map_zero(xt, c_out)

def _forward(x, edge_index, batch, W0, b0, W1, b1, Wc, bc):
    x = lorentz_normalize(x, C_IN)
    x_tan = log_map_zero(x, C_IN)
    src = edge_index[0]
    dst = edge_index[1]
    agg = jax.ops.segment_sum(jnp.take(x_tan, src, axis=0), dst, num_segments=N_NODES)
    h_tan = (1.0 + GIN_EPS) * x_tan + agg
    h_tan = normalize_tangent_zero(h_tan)
    h = exp_map_zero(h_tan, C_IN)
    h = lorentz_linear(h, W0, b0, C_HID)
    h = lorentz_act(h, C_HID, C_HID, jax.nn.relu)
    h = lorentz_linear(h, W1, b1, C_HID)
    h = lorentz_act(h, C_HID, C_OUT, jax.nn.relu)
    h_tangential = log_map_zero(h, C_OUT)
    h_pool = jax.ops.segment_sum(h_tangential, batch, num_segments=NUM_GRAPHS)
    h_exp = exp_map_zero(h_pool, C_OUT)
    h_cls = lorentz_linear(h_exp, Wc, bc, C_OUT)
    h_log = log_map_zero(h_cls, C_OUT)
    h_prob = lorentz_act(h_cls, C_OUT, C_OUT, lambda z: jax.nn.softmax(z, axis=1))
    return (h_log[:, 1:], h_prob[:, 1:])

def setup_inputs(seed: int = 0):
    key = jax.random.key(seed)
    ks = jax.random.split(key, 8)
    x = jax.random.normal(ks[0], (N_NODES, IN_FEAT + 1), dtype=jnp.float32)
    edge_index = jax.random.randint(ks[1], (2, N_EDGES), 0, N_NODES, dtype=jnp.int32)
    batch = jnp.sort(jax.random.randint(ks[2], (N_NODES,), 0, NUM_GRAPHS, dtype=jnp.int32))
    s0 = 1.0 / np.sqrt(IN_FEAT)
    W0 = jax.random.uniform(ks[3], (OUT_DIM - 1, IN_FEAT), minval=-s0, maxval=s0, dtype=jnp.float32)
    b0 = jnp.zeros((OUT_DIM - 1,), dtype=jnp.float32)
    s1 = 1.0 / np.sqrt(OUT_DIM - 1)
    W1 = jax.random.uniform(ks[4], (OUT_DIM - 1, OUT_DIM - 1), minval=-s1, maxval=s1, dtype=jnp.float32)
    b1 = jnp.zeros((OUT_DIM - 1,), dtype=jnp.float32)
    Wc = jax.random.uniform(ks[5], (NUM_CLASSES - 1, OUT_DIM - 1), minval=-s1, maxval=s1, dtype=jnp.float32)
    bc = jnp.zeros((NUM_CLASSES - 1,), dtype=jnp.float32)
    return {'x': x, 'edge_index': edge_index, 'batch': batch, 'W0': W0, 'b0': b0, 'W1': W1, 'b1': b1, 'Wc': Wc, 'bc': bc}

def reference(x, edge_index, batch, W0, b0, W1, b1, Wc, bc):
    return _forward(x, edge_index, batch, W0, b0, W1, b1, Wc, bc)

if __name__ == "__main__":
    import jax
    _d = setup_inputs()
    print(jax.jit(kernel)(*tuple(_d.values())))

</pallas_src>

<mosaic_0001>
#map = affine_map<(d0, d1) -> (0, 0)>
#map1 = affine_map<(d0, d1) -> (0)>
module attributes {stable_mosaic.version = 14 : i64} {
  func.func @_sc_body(%arg0: i32, %arg1: i32, %arg2: memref<10000x128xf32, #tpu.memory_space<hbm>>, %arg3: memref<320000xi32, #tpu.memory_space<hbm>>, %arg4: memref<320000xi32, #tpu.memory_space<hbm>>, %arg5: memref<624x128xf32, #tpu.memory_space<hbm>>, %arg6: memref<20000x128xf32, #tpu.memory_space<hbm>>, %arg7: memref<3328xi32, #tpu.memory_space<vmem>>, %arg8: memref<3328xi32, #tpu.memory_space<vmem>>, %arg9: memref<3328xi32, #tpu.memory_space<vmem>>, %arg10: memref<3328xi32, #tpu.memory_space<vmem>>, %arg11: memref<128x128xf32, #tpu.memory_space<vmem>>, %arg12: memref<128x128xf32, #tpu.memory_space<vmem>>, %arg13: memref<16xi32, #tpu.memory_space<vmem>>, %arg14: memref<16xi32, #tpu.memory_space<vmem>>, %arg15: memref<16x128xf32, #tpu.memory_space<vmem>>, %arg16: memref<10000x128xf32, #tpu.memory_space<vmem_shared>>, %arg17: memref<!tpu.dma_semaphore, #tpu.memory_space<semaphore_mem>>, %arg18: memref<!tpu.dma_semaphore, #tpu.memory_space<semaphore_mem>>, %arg19: memref<!tpu.dma_semaphore, #tpu.memory_space<semaphore_mem>>, %arg20: memref<!tpu.dma_semaphore, #tpu.memory_space<semaphore_mem>>) attributes {dimension_semantics = [#tpu.dimension_semantics<core_parallel>, #tpu.dimension_semantics<subcore_parallel>], iteration_bounds = array<i64: 2, 16>, scalar_prefetch = 0 : i64, scratch_operands = 14 : i64, tpu.core_type = #tpu.core_type<sc_vector_subcore>, window_params = [{transform_indices = #map}, {transform_indices = #map1}, {transform_indices = #map1}, {transform_indices = #map}, {transform_indices = #map}]} {
    %mul3A = arith.constant 16 : i32
    %mul3A_0 = arith.muli %arg0, %mul3A : i32
    %add3A = arith.addi %mul3A_0, %arg1 : i32
    %mul3A_1 = arith.constant 624 : i32
    %mul3A_2 = arith.muli %arg1, %mul3A_1 : i32
    "tpu.region"() ({
      %run_scoped3A = tpu.sem_alloc : memref<!tpu.dma_semaphore, #tpu.memory_space<semaphore_mem>>
      %dma_start3A_1631 = arith.constant 0 : i32
      %dma_start3A_1632 = tpu.memref_slice %arg16[%mul3A_2, %dma_start3A_1631] : memref<10000x128xf32, #tpu.memory_space<vmem_shared>> -> memref<624x128xf32, #tpu.memory_space<vmem_shared>>
      tpu.enqueue_dma source(%arg5 : memref<624x128xf32, #tpu.memory_space<hbm>>) target(%dma_start3A_1632 : memref<624x128xf32, #tpu.memory_space<vmem_shared>>) target_semaphore(%run_scoped3A : memref<!tpu.dma_semaphore, #tpu.memory_space<semaphore_mem>>)
      %dma_wait3A_1633 = arith.constant 0 : i32
      %dma_wait3A_1634 = tpu.memref_slice %arg16[%mul3A_2, %dma_wait3A_1633] : memref<10000x128xf32, #tpu.memory_space<vmem_shared>> -> memref<624x128xf32, #tpu.memory_space<vmem_shared>>
      tpu.wait_dma2 semaphore(%run_scoped3A : memref<!tpu.dma_semaphore, #tpu.memory_space<semaphore_mem>>) src(%arg5 : memref<624x128xf32, #tpu.memory_space<hbm>>) dst(%dma_wait3A_1634 : memref<624x128xf32, #tpu.memory_space<vmem_shared>>)
      tpu.yield
    }) : () -> ()
    %eq3A = arith.constant 15 : i32
    %eq3A_3 = arith.cmpi eq, %arg1, %eq3A : i32
    %convert_element_type3A = arith.extui %eq3A_3 : i1 to i32
    %cond3A = arith.constant 0 : i32
    %cond3A_4 = arith.cmpi ne, %convert_element_type3A, %cond3A : i32
    scf.if %cond3A_4 {
      "tpu.region"() ({
        %run_scoped3A = tpu.sem_alloc : memref<!tpu.dma_semaphore, #tpu.memory_space<semaphore_mem>>
        %dma_start3A_1631 = arith.constant 9984 : i32
        %dma_start3A_1632 = arith.constant 0 : i32
        %dma_start3A_1633 = tpu.memref_slice %arg16[%dma_start3A_1631, %dma_start3A_1632] : memref<10000x128xf32, #tpu.memory_space<vmem_shared>> -> memref<16x128xf32, #tpu.memory_space<vmem_shared>>
        %dma_start3A_1634 = arith.constant 0 : i32
        %dma_start3A_1635 = arith.constant 0 : i32
        %dma_start3A_1636 = tpu.memref_slice %arg5[%dma_start3A_1634, %dma_start3A_1635] : memref<624x128xf32, #tpu.memory_space<hbm>> -> memref<16x128xf32, #tpu.memory_space<hbm>>
        tpu.enqueue_dma source(%dma_start3A_1636 : memref<16x128xf32, #tpu.memory_space<hbm>>) target(%dma_start3A_1633 : memref<16x128xf32, #tpu.memory_space<vmem_shared>>) target_semaphore(%run_scoped3A : memref<!tpu.dma_semaphore, #tpu.memory_space<semaphore_mem>>)
        %dma_wait3A_1637 = arith.constant 9984 : i32
        %dma_wait3A_1638 = arith.constant 0 : i32
        %dma_wait3A_1639 = tpu.memref_slice %arg16[%dma_wait3A_1637, %dma_wait3A_1638] : memref<10000x128xf32, #tpu.memory_space<vmem_shared>> -> memref<16x128xf32, #tpu.memory_space<vmem_shared>>
        %dma_wait3A_1640 = arith.constant 0 : i32
        %dma_wait3A_1641 = arith.constant 0 : i32
        %dma_wait3A_1642 = tpu.memref_slice %arg5[%dma_wait3A_1640, %dma_wait3A_1641] : memref<624x128xf32, #tpu.memory_space<hbm>> -> memref<16x128xf32, #tpu.memory_space<hbm>>
        tpu.wait_dma2 semaphore(%run_scoped3A : memref<!tpu.dma_semaphore, #tpu.memory_space<semaphore_mem>>) src(%dma_wait3A_1642 : memref<16x128xf32, #tpu.memory_space<hbm>>) dst(%dma_wait3A_1639 : memref<16x128xf32, #tpu.memory_space<vmem_shared>>)
        tpu.yield
      }) : () -> ()
    } else {
    }
    %barrier3A = arith.constant 0 : index
    tpu.barrier barrier_id(%barrier3A)
    %mul3A_5 = arith.constant 10000 : i32
    %mul3A_6 = arith.muli %add3A, %mul3A_5 : i32
    "tpu.region"() ({
      %run_scoped3A = tpu.sem_alloc : memref<!tpu.dma_semaphore, #tpu.memory_space<semaphore_mem>>
      %dma_start3A_1631 = tpu.memref_slice %arg3[%mul3A_6] : memref<320000xi32, #tpu.memory_space<hbm>> -> memref<3328xi32, #tpu.memory_space<hbm>>
      %dma_start3A_1632 = tpu.memref_slice %arg3[%mul3A_6] : memref<320000xi32, #tpu.memory_space<hbm>> -> memref<3328xi32, #tpu.memory_space<hbm>>
      tpu.enqueue_dma source(%dma_start3A_1632 : memref<3328xi32, #tpu.memory_space<hbm>>) target(%arg7 : memref<3328xi32, #tpu.memory_space<vmem>>) target_semaphore(%run_scoped3A : memref<!tpu.dma_semaphore, #tpu.memory_space<semaphore_mem>>)
      %dma_wait3A_1633 = tpu.memref_slice %arg3[%mul3A_6] : memref<320000xi32, #tpu.memory_space<hbm>> -> memref<3328xi32, #tpu.memory_space<hbm>>
      %dma_wait3A_1634 = tpu.memref_slice %arg3[%mul3A_6] : memref<320000xi32, #tpu.memory_space<hbm>> -> memref<3328xi32, #tpu.memory_space<hbm>>
      tpu.wait_dma2 semaphore(%run_scoped3A : memref<!tpu.dma_semaphore, #tpu.memory_space<semaphore_mem>>) src(%dma_wait3A_1634 : memref<3328xi32, #tpu.memory_space<hbm>>) dst(%arg7 : memref<3328xi32, #tpu.memory_space<vmem>>)
      tpu.yield
    }) : () -> ()
    "tpu.region"() ({
      %run_scoped3A = tpu.sem_alloc : memref<!tpu.dma_semaphore, #tpu.memory_space<semaphore_mem>>
      %dma_start3A_1631 = tpu.memref_slice %arg4[%mul3A_6] : memref<320000xi32, #tpu.memory_space<hbm>> -> memref<3328xi32, #tpu.memory_space<hbm>>
      %dma_start3A_1632 = tpu.memref_slice %arg4[%mul3A_6] : memref<320000xi32, #tpu.memory_space<hbm>> -> memref<3328xi32, #tpu.memory_space<hbm>>
      tpu.enqueue_dma source(%dma_start3A_1632 : memref<3328xi32, #tpu.memory_space<hbm>>) target(%arg8 : memref<3328xi32, #tpu.memory_space<vmem>>) target_semaphore(%run_scoped3A : memref<!tpu.dma_semaphore, #tpu.memory_space<semaphore_mem>>)
      %dma_wait3A_1633 = tpu.memref_slice %arg4[%mul3A_6] : memref<320000xi32, #tpu.memory_space<hbm>> -> memref<3328xi32, #tpu.memory_space<hbm>>
      %dma_wait3A_1634 = tpu.memref_slice %arg4[%mul3A_6] : memref<320000xi32, #tpu.memory_space<hbm>> -> memref<3328xi32, #tpu.memory_space<hbm>>
      tpu.wait_dma2 semaphore(%run_scoped3A : memref<!tpu.dma_semaphore, #tpu.memory_space<semaphore_mem>>) src(%dma_wait3A_1634 : memref<3328xi32, #tpu.memory_space<hbm>>) dst(%arg8 : memref<3328xi32, #tpu.memory_space<vmem>>)
      tpu.yield
    }) : () -> ()
    %min3A = arith.constant 1 : i32
    %min3A_7 = arith.constant 2 : i32
    %min3A_8 = arith.minsi %min3A, %min3A_7 : i32
    %mul3A_9 = arith.constant 3328 : i32
    %mul3A_10 = arith.muli %min3A_8, %mul3A_9 : i32
    %add3A_11 = arith.addi %mul3A_6, %mul3A_10 : i32
    %dma_start3A = tpu.memref_slice %arg3[%add3A_11] : memref<320000xi32, #tpu.memory_space<hbm>> -> memref<3328xi32, #tpu.memory_space<hbm>>
    %dma_start3A_12 = tpu.memref_slice %arg3[%add3A_11] : memref<320000xi32, #tpu.memory_space<hbm>> -> memref<3328xi32, #tpu.memory_space<hbm>>
    tpu.enqueue_dma source(%dma_start3A_12 : memref<3328xi32, #tpu.memory_space<hbm>>) target(%arg9 : memref<3328xi32, #tpu.memory_space<vmem>>) target_semaphore(%arg20 : memref<!tpu.dma_semaphore, #tpu.memory_space<semaphore_mem>>)
    %dma_start3A_13 = tpu.memref_slice %arg4[%add3A_11] : memref<320000xi32, #tpu.memory_space<hbm>> -> memref<3328xi32, #tpu.memory_space<hbm>>
    %dma_start3A_14 = tpu.memref_slice %arg4[%add3A_11] : memref<320000xi32, #tpu.memory_space<hbm>> -> memref<3328xi32, #tpu.memory_space<hbm>>
    tpu.enqueue_dma source(%dma_start3A_14 : memref<3328xi32, #tpu.memory_space<hbm>>) target(%arg10 : memref<3328xi32, #tpu.memory_space<vmem>>) target_semaphore(%arg20 : memref<!tpu.dma_semaphore, #tpu.memory_space<semaphore_mem>>)
    %dma_start3A_15 = arith.constant 0 : i32
    %dma_start3A_16 = tpu.memref_slice %arg7[%dma_start3A_15] : memref<3328xi32, #tpu.memory_space<vmem>> -> memref<128xi32, #tpu.memory_space<vmem>>
    %dma_start3A_17 = arith.constant 0 : i32
    %dma_start3A_18 = arith.constant 0 : i32
    %dma_start3A_19 = tpu.memref_slice %arg2[%dma_start3A_17, %dma_start3A_18] : memref<10000x128xf32, #tpu.memory_space<hbm>> -> memref<10000x128xf32, #tpu.memory_space<hbm>>
    tpu.enqueue_indirect_dma source(%dma_start3A_19 : memref<10000x128xf32, #tpu.memory_space<hbm>>) target(%arg11 : memref<128x128xf32, #tpu.memory_space<vmem>>) offsets(%dma_start3A_16 : memref<128xi32, #tpu.memory_space<vmem>>) semaphore(%arg18 : memref<!tpu.dma_semaphore, #tpu.memory_space<semaphore_mem>>)
    %dma_start3A_20 = arith.constant 128 : i32
    %dma_start3A_21 = tpu.memref_slice %arg7[%dma_start3A_20] : memref<3328xi32, #tpu.memory_space<vmem>> -> memref<128xi32, #tpu.memory_space<vmem>>
    %dma_start3A_22 = arith.constant 0 : i32
    %dma_start3A_23 = arith.constant 0 : i32
    %dma_start3A_24 = tpu.memref_slice %arg2[%dma_start3A_22, %dma_start3A_23] : memref<10000x128xf32, #tpu.memory_space<hbm>> -> memref<10000x128xf32, #tpu.memory_space<hbm>>
    tpu.enqueue_indirect_dma source(%dma_start3A_24 : memref<10000x128xf32, #tpu.memory_space<hbm>>) target(%arg12 : memref<128x128xf32, #tpu.memory_space<vmem>>) offsets(%dma_start3A_21 : memref<128xi32, #tpu.memory_space<vmem>>) semaphore(%arg18 : memref<!tpu.dma_semaphore, #tpu.memory_space<semaphore_mem>>)
    %dma_wait3A = arith.constant 0 : i32
    %dma_wait3A_25 = tpu.memref_slice %arg7[%dma_wait3A] : memref<3328xi32, #tpu.memory_space<vmem>> -> memref<128xi32, #tpu.memory_space<vmem>>
    %dma_wait3A_26 = arith.constant 0 : i32
    %dma_wait3A_27 = arith.constant 0 : i32
    %dma_wait3A_28 = tpu.memref_slice %arg2[%dma_wait3A_26, %dma_wait3A_27] : memref<10000x128xf32, #tpu.memory_space<hbm>> -> memref<10000x128xf32, #tpu.memory_space<hbm>>
    tpu.wait_indirect_dma semaphore(%arg18 : memref<!tpu.dma_semaphore, #tpu.memory_space<semaphore_mem>>) src(%dma_wait3A_28 : memref<10000x128xf32, #tpu.memory_space<hbm>>) dst(%arg11 : memref<128x128xf32, #tpu.memory_space<vmem>>)
    %dma_start3A_29 = arith.constant 0 : i32
    %dma_start3A_30 = tpu.memref_slice %arg8[%dma_start3A_29] : memref<3328xi32, #tpu.memory_space<vmem>> -> memref<128xi32, #tpu.memory_space<vmem>>
    %dma_start3A_31 = arith.constant 0 : i32
    %dma_start3A_32 = arith.constant 0 : i32
    %dma_start3A_33 = tpu.memref_slice %arg16[%dma_start3A_31, %dma_start3A_32] : memref<10000x128xf32, #tpu.memory_space<vmem_shared>> -> memref<10000x128xf32, #tpu.memory_space<vmem_shared>>
    tpu.enqueue_indirect_dma source(%arg11 : memref<128x128xf32, #tpu.memory_space<vmem>>) target(%dma_start3A_33 : memref<10000x128xf32, #tpu.memory_space<vmem_shared>>) offsets(%dma_start3A_30 : memref<128xi32, #tpu.memory_space<vmem>>) semaphore(%arg19 : memref<!tpu.dma_semaphore, #tpu.memory_space<semaphore_mem>>) {add = true}
    %dma_wait3A_34 = arith.constant 0 : i32
    %dma_wait3A_35 = tpu.memref_slice %arg8[%dma_wait3A_34] : memref<3328xi32, #tpu.memory_space<vmem>> -> memref<128xi32, #tpu.memory_space<vmem>>
    %dma_wait3A_36 = arith.constant 0 : i32
    %dma_wait3A_37 = arith.constant 0 : i32
    %dma_wait3A_38 = tpu.memref_slice %arg16[%dma_wait3A_36, %dma_wait3A_37] : memref<10000x128xf32, #tpu.memory_space<vmem_shared>> -> memref<10000x128xf32, #tpu.memory_space<vmem_shared>>
    tpu.wait_indirect_dma semaphore(%arg19 : memref<!tpu.dma_semaphore, #tpu.memory_space<semaphore_mem>>) src(%arg11 : memref<128x128xf32, #tpu.memory_space<vmem>>) dst(%dma_wait3A_38 : memref<10000x128xf32, #tpu.memory_space<vmem_shared>>)
    %dma_start3A_39 = arith.constant 256 : i32
    %dma_start3A_40 = tpu.memref_slice %arg7[%dma_start3A_39] : memref<3328xi32, #tpu.memory_space<vmem>> -> memref<128xi32, #tpu.memory_space<vmem>>
    %dma_start3A_41 = arith.constant 0 : i32
    %dma_start3A_42 = arith.constant 0 : i32
    %dma_start3A_43 = tpu.memref_slice %arg2[%dma_start3A_41, %dma_start3A_42] : memref<10000x128xf32, #tpu.memory_space<hbm>> -> memref<10000x128xf32, #tpu.memory_space<hbm>>
    tpu.enqueue_indirect_dma source(%dma_start3A_43 : memref<10000x128xf32, #tpu.memory_space<hbm>>) target(%arg11 : memref<128x128xf32, #tpu.memory_space<vmem>>) offsets(%dma_start3A_40 : memref<128xi32, #tpu.memory_space<vmem>>) semaphore(%arg18 : memref<!tpu.dma_semaphore, #tpu.memory_space<semaphore_mem>>)
    %dma_wait3A_44 = arith.constant 128 : i32
    %dma_wait3A_45 = tpu.memref_slice %arg7[%dma_wait3A_44] : memref<3328xi32, #tpu.memory_space<vmem>> -> memref<128xi32, #tpu.memory_space<vmem>>
    %dma_wait3A_46 = arith.constant 0 : i32
    %dma_wait3A_47 = arith.constant 0 : i32
    %dma_wait3A_48 = tpu.memref_slice %arg2[%dma_wait3A_46, %dma_wait3A_47] : memref<10000x128xf32, #tpu.memory_space<hbm>> -> memref<10000x128xf32, #tpu.memory_space<hbm>>
    tpu.wait_indirect_dma semaphore(%arg18 : memref<!tpu.dma_semaphore, #tpu.memory_space<semaphore_mem>>) src(%dma_wait3A_48 : memref<10000x128xf32, #tpu.memory_space<hbm>>) dst(%arg12 : memref<128x128xf32, #tpu.memory_space<vmem>>)
    %dma_start3A_49 = arith.constant 128 : i32
    %dma_start3A_50 = tpu.memref_slice %arg8[%dma_start3A_49] : memref<3328xi32, #tpu.memory_space<vmem>> -> memref<128xi32, #tpu.memory_space<vmem>>
    %dma_start3A_51 = arith.constant 0 : i32
    %dma_start3A_52 = arith.constant 0 : i32
    %dma_start3A_53 = tpu.memref_slice %arg16[%dma_start3A_51, %dma_start3A_52] : memref<10000x128xf32, #tpu.memory_space<vmem_shared>> -> memref<10000x128xf32, #tpu.memory_space<vmem_shared>>
    tpu.enqueue_indirect_dma source(%arg12 : memref<128x128xf32, #tpu.memory_space<vmem>>) target(%dma_start3A_53 : memref<10000x128xf32, #tpu.memory_space<vmem_shared>>) offsets(%dma_start3A_50 : memref<128xi32, #tpu.memory_space<vmem>>) semaphore(%arg19 : memref<!tpu.dma_semaphore, #tpu.memory_space<semaphore_mem>>) {add = true}
    %dma_wait3A_54 = arith.constant 128 : i32
    %dma_wait3A_55 = tpu.memref_slice %arg8[%dma_wait3A_54] : memref<3328xi32, #tpu.memory_space<vmem>> -> memref<128xi32, #tpu.memory_space<vmem>>
    %dma_wait3A_56 = arith.constant 0 : i32
    %dma_wait3A_57 = arith.constant 0 : i32
    %dma_wait3A_58 = tpu.memref_slice %arg16[%dma_wait3A_56, %dma_wait3A_57] : memref<10000x128xf32, #tpu.memory_space<vmem_shared>> -> memref<10000x128xf32, #tpu.memory_space<vmem_shared>>
    tpu.wait_indirect_dma semaphore(%arg19 : memref<!tpu.dma_semaphore, #tpu.memory_space<semaphore_mem>>) src(%arg12 : memref<128x128xf32, #tpu.memory_space<vmem>>) dst(%dma_wait3A_58 : memref<10000x128xf32, #tpu.memory_space<vmem_shared>>)
    %dma_start3A_59 = arith.constant 384 : i32
    %dma_start3A_60 = tpu.memref_slice %arg7[%dma_start3A_59] : memref<3328xi32, #tpu.memory_space<vmem>> -> memref<128xi32, #tpu.memory_space<vmem>>
    %dma_start3A_61 = arith.constant 0 : i32
    %dma_start3A_62 = arith.constant 0 : i32
    %dma_start3A_63 = tpu.memref_slice %arg2[%dma_start3A_61, %dma_start3A_62] : memref<10000x128xf32, #tpu.memory_space<hbm>> -> memref<10000x128xf32, #tpu.memory_space<hbm>>
    tpu.enqueue_indirect_dma source(%dma_start3A_63 : memref<10000x128xf32, #tpu.memory_space<hbm>>) target(%arg12 : memref<128x128xf32, #tpu.memory_space<vmem>>) offsets(%dma_start3A_60 : memref<128xi32, #tpu.memory_space<vmem>>) semaphore(%arg18 : memref<!tpu.dma_semaphore, #tpu.memory_space<semaphore_mem>>)
    %dma_wait3A_64 = arith.constant 256 : i32
    %dma_wait3A_65 = tpu.memref_slice %arg7[%dma_wait3A_64] : memref<3328xi32, #tpu.memory_space<vmem>> -> memref<128xi32, #tpu.memory_space<vmem>>
    %dma_wait3A_66 = arith.constant 0 : i32
    %dma_wait3A_67 = arith.constant 0 : i32
    %dma_wait3A_68 = tpu.memref_slice %arg2[%dma_wait3A_66, %dma_wait3A_67] : memref<10000x128xf32, #tpu.memory_space<hbm>> -> memref<10000x128xf32, #tpu.memory_space<hbm>>
    tpu.wait_indirect_dma semaphore(%arg18 : memref<!tpu.dma_semaphore, #tpu.memory_space<semaphore_mem>>) src(%dma_wait3A_68 : memref<10000x128xf32, #tpu.memory_space<hbm>>) dst(%arg11 : memref<128x128xf32, #tpu.memory_space<vmem>>)
    %dma_start3A_69 = arith.constant 256 : i32
    %dma_start3A_70 = tpu.memref_slice %arg8[%dma_start3A_69] : memref<3328xi32, #tpu.memory_space<vmem>> -> memref<128xi32, #tpu.memory_space<vmem>>
    %dma_start3A_71 = arith.constant 0 : i32
    %dma_start3A_72 = arith.constant 0 : i32
    %dma_start3A_73 = tpu.memref_slice %arg16[%dma_start3A_71, %dma_start3A_72] : memref<10000x128xf32, #tpu.memory_space<vmem_shared>> -> memref<10000x128xf32, #tpu.memory_space<vmem_shared>>
    tpu.enqueue_indirect_dma source(%arg11 : memref<128x128xf32, #tpu.memory_space<vmem>>) target(%dma_start3A_73 : memref<10000x128xf32, #tpu.memory_space<vmem_shared>>) offsets(%dma_start3A_70 : memref<128xi32, #tpu.memory_space<vmem>>) semaphore(%arg19 : memref<!tpu.dma_semaphore, #tpu.memory_space<semaphore_mem>>) {add = true}
    %dma_wait3A_74 = arith.constant 256 : i32
    %dma_wait3A_75 = tpu.memref_slice %arg8[%dma_wait3A_74] : memref<3328xi32, #tpu.memory_space<vmem>> -> memref<128xi32, #tpu.memory_space<vmem>>
    %dma_wait3A_76 = arith.constant 0 : i32
    %dma_wait3A_77 = arith.constant 0 : i32
    %dma_wait3A_78 = tpu.memref_slice %arg16[%dma_wait3A_76, %dma_wait3A_77] : memref<10000x128xf32, #tpu.memory_space<vmem_shared>> -> memref<10000x128xf32, #tpu.memory_space<vmem_shared>>
    tpu.wait_indirect_dma semaphore(%arg19 : memref<!tpu.dma_semaphore, #tpu.memory_space<semaphore_mem>>) src(%arg11 : memref<128x128xf32, #tpu.memory_space<vmem>>) dst(%dma_wait3A_78 : memref<10000x128xf32, #tpu.memory_space<vmem_shared>>)
    %dma_start3A_79 = arith.constant 512 : i32
    %dma_start3A_80 = tpu.memref_slice %arg7[%dma_start3A_79] : memref<3328xi32, #tpu.memory_space<vmem>> -> memref<128xi32, #tpu.memory_space<vmem>>
    %dma_start3A_81 = arith.constant 0 : i32
    %dma_start3A_82 = arith.constant 0 : i32
    %dma_start3A_83 = tpu.memref_slice %arg2[%dma_start3A_81, %dma_start3A_82] : memref<10000x128xf32, #tpu.memory_space<hbm>> -> memref<10000x128xf32, #tpu.memory_space<hbm>>
    tpu.enqueue_indirect_dma source(%dma_start3A_83 : memref<10000x128xf32, #tpu.memory_space<hbm>>) target(%arg11 : memref<128x128xf32, #tpu.memory_space<vmem>>) offsets(%dma_start3A_80 : memref<128xi32, #tpu.memory_space<vmem>>) semaphore(%arg18 : memref<!tpu.dma_semaphore, #tpu.memory_space<semaphore_mem>>)
    %dma_wait3A_84 = arith.constant 384 : i32
    %dma_wait3A_85 = tpu.memref_slice %arg7[%dma_wait3A_84] : memref<3328xi32, #tpu.memory_space<vmem>> -> memref<128xi32, #tpu.memory_space<vmem>>
    %dma_wait3A_86 = arith.constant 0 : i32
    %dma_wait3A_87 = arith.constant 0 : i32
    %dma_wait3A_88 = tpu.memref_slice %arg2[%dma_wait3A_86, %dma_wait3A_87] : memref<10000x128xf32, #tpu.memory_space<hbm>> -> memref<10000x128xf32, #tpu.memory_space<hbm>>
    tpu.wait_indirect_dma semaphore(%arg18 : memref<!tpu.dma_semaphore, #tpu.memory_space<semaphore_mem>>) src(%dma_wait3A_88 : memref<10000x128xf32, #tpu.memory_space<hbm>>) dst(%arg12 : memref<128x128xf32, #tpu.memory_space<vmem>>)
    %dma_start3A_89 = arith.constant 384 : i32
    %dma_start3A_90 = tpu.memref_slice %arg8[%dma_start3A_89] : memref<3328xi32, #tpu.memory_space<vmem>> -> memref<128xi32, #tpu.memory_space<vmem>>
    %dma_start3A_91 = arith.constant 0 : i32
    %dma_start3A_92 = arith.constant 0 : i32
    %dma_start3A_93 = tpu.memref_slice %arg16[%dma_start3A_91, %dma_start3A_92] : memref<10000x128xf32, #tpu.memory_space<vmem_shared>> -> memref<10000x128xf32, #tpu.memory_space<vmem_shared>>
    tpu.enqueue_indirect_dma source(%arg12 : memref<128x128xf32, #tpu.memory_space<vmem>>) target(%dma_start3A_93 : memref<10000x128xf32, #tpu.memory_space<vmem_shared>>) offsets(%dma_start3A_90 : memref<128xi32, #tpu.memory_space<vmem>>) semaphore(%arg19 : memref<!tpu.dma_semaphore, #tpu.memory_space<semaphore_mem>>) {add = true}
    %dma_wait3A_94 = arith.constant 384 : i32
    %dma_wait3A_95 = tpu.memref_slice %arg8[%dma_wait3A_94] : memref<3328xi32, #tpu.memory_space<vmem>> -> memref<128xi32, #tpu.memory_space<vmem>>
    %dma_wait3A_96 = arith.constant 0 : i32
    %dma_wait3A_97 = arith.constant 0 : i32
    %dma_wait3A_98 = tpu.memref_slice %arg16[%dma_wait3A_96, %dma_wait3A_97] : memref<10000x128xf32, #tpu.memory_space<vmem_shared>> -> memref<10000x128xf32, #tpu.memory_space<vmem_shared>>
    tpu.wait_indirect_dma semaphore(%arg19 : memref<!tpu.dma_semaphore, #tpu.memory_space<semaphore_mem>>) src(%arg12 : memref<128x128xf32, #tpu.memory_space<vmem>>) dst(%dma_wait3A_98 : memref<10000x128xf32, #tpu.memory_space<vmem_shared>>)
    %dma_start3A_99 = arith.constant 640 : i32
    %dma_start3A_100 = tpu.memref_slice %arg7[%dma_start3A_99] : memref<3328xi32, #tpu.memory_space<vmem>> -> memref<128xi32, #tpu.memory_space<vmem>>
    %dma_start3A_101 = arith.constant 0 : i32
    %dma_start3A_102 = arith.constant 0 : i32
    %dma_start3A_103 = tpu.memref_slice %arg2[%dma_start3A_101, %dma_start3A_102] : memref<10000x128xf32, #tpu.memory_space<hbm>> -> memref<10000x128xf32, #tpu.memory_space<hbm>>
    tpu.enqueue_indirect_dma source(%dma_start3A_103 : memref<10000x128xf32, #tpu.memory_space<hbm>>) target(%arg12 : memref<128x128xf32, #tpu.memory_space<vmem>>) offsets(%dma_start3A_100 : memref<128xi32, #tpu.memory_space<vmem>>) semaphore(%arg18 : memref<!tpu.dma_semaphore, #tpu.memory_space<semaphore_mem>>)
    %dma_wait3A_104 = arith.constant 512 : i32
    %dma_wait3A_105 = tpu.memref_slice %arg7[%dma_wait3A_104] : memref<3328xi32, #tpu.memory_space<vmem>> -> memref<128xi32, #tpu.memory_space<vmem>>
    %dma_wait3A_106 = arith.constant 0 : i32
    %dma_wait3A_107 = arith.constant 0 : i32
    %dma_wait3A_108 = tpu.memref_slice %arg2[%dma_wait3A_106, %dma_wait3A_107] : memref<10000x128xf32, #tpu.memory_space<hbm>> -> memref<10000x128xf32, #tpu.memory_space<hbm>>
    tpu.wait_indirect_dma semaphore(%arg18 : memref<!tpu.dma_semaphore, #tpu.memory_space<semaphore_mem>>) src(%dma_wait3A_108 : memref<10000x128xf32, #tpu.memory_space<hbm>>) dst(%arg11 : memref<128x128xf32, #tpu.memory_space<vmem>>)
    %dma_start3A_109 = arith.constant 512 : i32
    %dma_start3A_110 = tpu.memref_slice %arg8[%dma_start3A_109] : memref<3328xi32, #tpu.memory_space<vmem>> -> memref<128xi32, #tpu.memory_space<vmem>>
    %dma_start3A_111 = arith.constant 0 : i32
    %dma_start3A_112 = arith.constant 0 : i32
    %dma_start3A_113 = tpu.memref_slice %arg16[%dma_start3A_111, %dma_start3A_112] : memref<10000x128xf32, #tpu.memory_space<vmem_shared>> -> memref<10000x128xf32, #tpu.memory_space<vmem_shared>>
    tpu.enqueue_indirect_dma source(%arg11 : memref<128x128xf32, #tpu.memory_space<vmem>>) target(%dma_start3A_113 : memref<10000x128xf32, #tpu.memory_space<vmem_shared>>) offsets(%dma_start3A_110 : memref<128xi32, #tpu.memory_space<vmem>>) semaphore(%arg19 : memref<!tpu.dma_semaphore, #tpu.memory_space<semaphore_mem>>) {add = true}
    %dma_wait3A_114 = arith.constant 512 : i32
    %dma_wait3A_115 = tpu.memref_slice %arg8[%dma_wait3A_114] : memref<3328xi32, #tpu.memory_space<vmem>> -> memref<128xi32, #tpu.memory_space<vmem>>
    %dma_wait3A_116 = arith.constant 0 : i32
    %dma_wait3A_117 = arith.constant 0 : i32
    %dma_wait3A_118 = tpu.memref_slice %arg16[%dma_wait3A_116, %dma_wait3A_117] : memref<10000x128xf32, #tpu.memory_space<vmem_shared>> -> memref<10000x128xf32, #tpu.memory_space<vmem_shared>>
    tpu.wait_indirect_dma semaphore(%arg19 : memref<!tpu.dma_semaphore, #tpu.memory_space<semaphore_mem>>) src(%arg11 : memref<128x128xf32, #tpu.memory_space<vmem>>) dst(%dma_wait3A_118 : memref<10000x128xf32, #tpu.memory_space<vmem_shared>>)
    %dma_start3A_119 = arith.constant 768 : i32
    %dma_start3A_120 = tpu.memref_slice %arg7[%dma_start3A_119] : memref<3328xi32, #tpu.memory_space<vmem>> -> memref<128xi32, #tpu.memory_space<vmem>>
    %dma_start3A_121 = arith.constant 0 : i32
    %dma_start3A_122 = arith.constant 0 : i32
    %dma_start3A_123 = tpu.memref_slice %arg2[%dma_start3A_121, %dma_start3A_122] : memref<10000x128xf32, #tpu.memory_space<hbm>> -> memref<10000x128xf32, #tpu.memory_space<hbm>>
    tpu.enqueue_indirect_dma source(%dma_start3A_123 : memref<10000x128xf32, #tpu.memory_space<hbm>>) target(%arg11 : memref<128x128xf32, #tpu.memory_space<vmem>>) offsets(%dma_start3A_120 : memref<128xi32, #tpu.memory_space<vmem>>) semaphore(%arg18 : memref<!tpu.dma_semaphore, #tpu.memory_space<semaphore_mem>>)
    %dma_wait3A_124 = arith.constant 640 : i32
    %dma_wait3A_125 = tpu.memref_slice %arg7[%dma_wait3A_124] : memref<3328xi32, #tpu.memory_space<vmem>> -> memref<128xi32, #tpu.memory_space<vmem>>
    %dma_wait3A_126 = arith.constant 0 : i32
    %dma_wait3A_127 = arith.constant 0 : i32
    %dma_wait3A_128 = tpu.memref_slice %arg2[%dma_wait3A_126, %dma_wait3A_127] : memref<10000x128xf32, #tpu.memory_space<hbm>> -> memref<10000x128xf32, #tpu.memory_space<hbm>>
    tpu.wait_indirect_dma semaphore(%arg18 : memref<!tpu.dma_semaphore, #tpu.memory_space<semaphore_mem>>) src(%dma_wait3A_128 : memref<10000x128xf32, #tpu.memory_space<hbm>>) dst(%arg12 : memref<128x128xf32, #tpu.memory_space<vmem>>)
    %dma_start3A_129 = arith.constant 640 : i32
    %dma_start3A_130 = tpu.memref_slice %arg8[%dma_start3A_129] : memref<3328xi32, #tpu.memory_space<vmem>> -> memref<128xi32, #tpu.memory_space<vmem>>
    %dma_start3A_131 = arith.constant 0 : i32
    %dma_start3A_132 = arith.constant 0 : i32
    %dma_start3A_133 = tpu.memref_slice %arg16[%dma_start3A_131, %dma_start3A_132] : memref<10000x128xf32, #tpu.memory_space<vmem_shared>> -> memref<10000x128xf32, #tpu.memory_space<vmem_shared>>
    tpu.enqueue_indirect_dma source(%arg12 : memref<128x128xf32, #tpu.memory_space<vmem>>) target(%dma_start3A_133 : memref<10000x128xf32, #tpu.memory_space<vmem_shared>>) offsets(%dma_start3A_130 : memref<128xi32, #tpu.memory_space<vmem>>) semaphore(%arg19 : memref<!tpu.dma_semaphore, #tpu.memory_space<semaphore_mem>>) {add = true}
    %dma_wait3A_134 = arith.constant 640 : i32
    %dma_wait3A_135 = tpu.memref_slice %arg8[%dma_wait3A_134] : memref<3328xi32, #tpu.memory_space<vmem>> -> memref<128xi32, #tpu.memory_space<vmem>>
    %dma_wait3A_136 = arith.constant 0 : i32
    %dma_wait3A_137 = arith.constant 0 : i32
    %dma_wait3A_138 = tpu.memref_slice %arg16[%dma_wait3A_136, %dma_wait3A_137] : memref<10000x128xf32, #tpu.memory_space<vmem_shared>> -> memref<10000x128xf32, #tpu.memory_space<vmem_shared>>
    tpu.wait_indirect_dma semaphore(%arg19 : memref<!tpu.dma_semaphore, #tpu.memory_space<semaphore_mem>>) src(%arg12 : memref<128x128xf32, #tpu.memory_space<vmem>>) dst(%dma_wait3A_138 : memref<10000x128xf32, #tpu.memory_space<vmem_shared>>)
    %dma_start3A_139 = arith.constant 896 : i32
    %dma_start3A_140 = tpu.memref_slice %arg7[%dma_start3A_139] : memref<3328xi32, #tpu.memory_space<vmem>> -> memref<128xi32, #tpu.memory_space<vmem>>
    %dma_start3A_141 = arith.constant 0 : i32
    %dma_start3A_142 = arith.constant 0 : i32
    %dma_start3A_143 = tpu.memref_slice %arg2[%dma_start3A_141, %dma_start3A_142] : memref<10000x128xf32, #tpu.memory_space<hbm>> -> memref<10000x128xf32, #tpu.memory_space<hbm>>
    tpu.enqueue_indirect_dma source(%dma_start3A_143 : memref<10000x128xf32, #tpu.memory_space<hbm>>) target(%arg12 : memref<128x128xf32, #tpu.memory_space<vmem>>) offsets(%dma_start3A_140 : memref<128xi32, #tpu.memory_space<vmem>>) semaphore(%arg18 : memref<!tpu.dma_semaphore, #tpu.memory_space<semaphore_mem>>)
    %dma_wait3A_144 = arith.constant 768 : i32
    %dma_wait3A_145 = tpu.memref_slice %arg7[%dma_wait3A_144] : memref<3328xi32, #tpu.memory_space<vmem>> -> memref<128xi32, #tpu.memory_space<vmem>>
    %dma_wait3A_146 = arith.constant 0 : i32
    %dma_wait3A_147 = arith.constant 0 : i32
    %dma_wait3A_148 = tpu.memref_slice %arg2[%dma_wait3A_146, %dma_wait3A_147] : memref<10000x128xf32, #tpu.memory_space<hbm>> -> memref<10000x128xf32, #tpu.memory_space<hbm>>
    tpu.wait_indirect_dma semaphore(%arg18 : memref<!tpu.dma_semaphore, #tpu.memory_space<semaphore_mem>>) src(%dma_wait3A_148 : memref<10000x128xf32, #tpu.memory_space<hbm>>) dst(%arg11 : memref<128x128xf32, #tpu.memory_space<vmem>>)
    %dma_start3A_149 = arith.constant 768 : i32
    %dma_start3A_150 = tpu.memref_slice %arg8[%dma_start3A_149] : memref<3328xi32, #tpu.memory_space<vmem>> -> memref<128xi32, #tpu.memory_space<vmem>>
    %dma_start3A_151 = arith.constant 0 : i32
    %dma_start3A_152 = arith.constant 0 : i32
    %dma_start3A_153 = tpu.memref_slice %arg16[%dma_start3A_151, %dma_start3A_152] : memref<10000x128xf32, #tpu.memory_space<vmem_shared>> -> memref<10000x128xf32, #tpu.memory_space<vmem_shared>>
    tpu.enqueue_indirect_dma source(%arg11 : memref<128x128xf32, #tpu.memory_space<vmem>>) target(%dma_start3A_153 : memref<10000x128xf32, #tpu.memory_space<vmem_shared>>) offsets(%dma_start3A_150 : memref<128xi32, #tpu.memory_space<vmem>>) semaphore(%arg19 : memref<!tpu.dma_semaphore, #tpu.memory_space<semaphore_mem>>) {add = true}
    %dma_wait3A_154 = arith.constant 768 : i32
    %dma_wait3A_155 = tpu.memref_slice %arg8[%dma_wait3A_154] : memref<3328xi32, #tpu.memory_space<vmem>> -> memref<128xi32, #tpu.memory_space<vmem>>
    %dma_wait3A_156 = arith.constant 0 : i32
    %dma_wait3A_157 = arith.constant 0 : i32
    %dma_wait3A_158 = tpu.memref_slice %arg16[%dma_wait3A_156, %dma_wait3A_157] : memref<10000x128xf32, #tpu.memory_space<vmem_shared>> -> memref<10000x128xf32, #tpu.memory_space<vmem_shared>>
    tpu.wait_indirect_dma semaphore(%arg19 : memref<!tpu.dma_semaphore, #tpu.memory_space<semaphore_mem>>) src(%arg11 : memref<128x128xf32, #tpu.memory_space<vmem>>) dst(%dma_wait3A_158 : memref<10000x128xf32, #tpu.memory_space<vmem_shared>>)
    %dma_start3A_159 = arith.constant 1024 : i32
    %dma_start3A_160 = tpu.memref_slice %arg7[%dma_start3A_159] : memref<3328xi32, #tpu.memory_space<vmem>> -> memref<128xi32, #tpu.memory_space<vmem>>
    %dma_start3A_161 = arith.constant 0 : i32
    %dma_start3A_162 = arith.constant 0 : i32
    %dma_start3A_163 = tpu.memref_slice %arg2[%dma_start3A_161, %dma_start3A_162] : memref<10000x128xf32, #tpu.memory_space<hbm>> -> memref<10000x128xf32, #tpu.memory_space<hbm>>
    tpu.enqueue_indirect_dma source(%dma_start3A_163 : memref<10000x128xf32, #tpu.memory_space<hbm>>) target(%arg11 : memref<128x128xf32, #tpu.memory_space<vmem>>) offsets(%dma_start3A_160 : memref<128xi32, #tpu.memory_space<vmem>>) semaphore(%arg18 : memref<!tpu.dma_semaphore, #tpu.memory_space<semaphore_mem>>)
    %dma_wait3A_164 = arith.constant 896 : i32
    %dma_wait3A_165 = tpu.memref_slice %arg7[%dma_wait3A_164] : memref<3328xi32, #tpu.memory_space<vmem>> -> memref<128xi32, #tpu.memory_space<vmem>>
    %dma_wait3A_166 = arith.constant 0 : i32
    %dma_wait3A_167 = arith.constant 0 : i32
    %dma_wait3A_168 = tpu.memref_slice %arg2[%dma_wait3A_166, %dma_wait3A_167] : memref<10000x128xf32, #tpu.memory_space<hbm>> -> memref<10000x128xf32, #tpu.memory_space<hbm>>
    tpu.wait_indirect_dma semaphore(%arg18 : memref<!tpu.dma_semaphore, #tpu.memory_space<semaphore_mem>>) src(%dma_wait3A_168 : memref<10000x128xf32, #tpu.memory_space<hbm>>) dst(%arg12 : memref<128x128xf32, #tpu.memory_space<vmem>>)
    %dma_start3A_169 = arith.constant 896 : i32
    %dma_start3A_170 = tpu.memref_slice %arg8[%dma_start3A_169] : memref<3328xi32, #tpu.memory_space<vmem>> -> memref<128xi32, #tpu.memory_space<vmem>>
    %dma_start3A_171 = arith.constant 0 : i32
    %dma_start3A_172 = arith.constant 0 : i32
    %dma_start3A_173 = tpu.memref_slice %arg16[%dma_start3A_171, %dma_start3A_172] : memref<10000x128xf32, #tpu.memory_space<vmem_shared>> -> memref<10000x128xf32, #tpu.memory_space<vmem_shared>>
    tpu.enqueue_indirect_dma source(%arg12 : memref<128x128xf32, #tpu.memory_space<vmem>>) target(%dma_start3A_173 : memref<10000x128xf32, #tpu.memory_space<vmem_shared>>) offsets(%dma_start3A_170 : memref<128xi32, #tpu.memory_space<vmem>>) semaphore(%arg19 : memref<!tpu.dma_semaphore, #tpu.memory_space<semaphore_mem>>) {add = true}
    %dma_wait3A_174 = arith.constant 896 : i32
    %dma_wait3A_175 = tpu.memref_slice %arg8[%dma_wait3A_174] : memref<3328xi32, #tpu.memory_space<vmem>> -> memref<128xi32, #tpu.memory_space<vmem>>
    %dma_wait3A_176 = arith.constant 0 : i32
    %dma_wait3A_177 = arith.constant 0 : i32
    %dma_wait3A_178 = tpu.memref_slice %arg16[%dma_wait3A_176, %dma_wait3A_177] : memref<10000x128xf32, #tpu.memory_space<vmem_shared>> -> memref<10000x128xf32, #tpu.memory_space<vmem_shared>>
    tpu.wait_indirect_dma semaphore(%arg19 : memref<!tpu.dma_semaphore, #tpu.memory_space<semaphore_mem>>) src(%arg12 : memref<128x128xf32, #tpu.memory_space<vmem>>) dst(%dma_wait3A_178 : memref<10000x128xf32, #tpu.memory_space<vmem_shared>>)
    %dma_start3A_179 = arith.constant 1152 : i32
    %dma_start3A_180 = tpu.memref_slice %arg7[%dma_start3A_179] : memref<3328xi32, #tpu.memory_space<vmem>> -> memref<128xi32, #tpu.memory_space<vmem>>
    %dma_start3A_181 = arith.constant 0 : i32
    %dma_start3A_182 = arith.constant 0 : i32
    %dma_start3A_183 = tpu.memref_slice %arg2[%dma_start3A_181, %dma_start3A_182] : memref<10000x128xf32, #tpu.memory_space<hbm>> -> memref<10000x128xf32, #tpu.memory_space<hbm>>
    tpu.enqueue_indirect_dma source(%dma_start3A_183 : memref<10000x128xf32, #tpu.memory_space<hbm>>) target(%arg12 : memref<128x128xf32, #tpu.memory_space<vmem>>) offsets(%dma_start3A_180 : memref<128xi32, #tpu.memory_space<vmem>>) semaphore(%arg18 : memref<!tpu.dma_semaphore, #tpu.memory_space<semaphore_mem>>)
    %dma_wait3A_184 = arith.constant 1024 : i32
    %dma_wait3A_185 = tpu.memref_slice %arg7[%dma_wait3A_184] : memref<3328xi32, #tpu.memory_space<vmem>> -> memref<128xi32, #tpu.memory_space<vmem>>
    %dma_wait3A_186 = arith.constant 0 : i32
    %dma_wait3A_187 = arith.constant 0 : i32
    %dma_wait3A_188 = tpu.memref_slice %arg2[%dma_wait3A_186, %dma_wait3A_187] : memref<10000x128xf32, #tpu.memory_space<hbm>> -> memref<10000x128xf32, #tpu.memory_space<hbm>>
    tpu.wait_indirect_dma semaphore(%arg18 : memref<!tpu.dma_semaphore, #tpu.memory_space<semaphore_mem>>) src(%dma_wait3A_188 : memref<10000x128xf32, #tpu.memory_space<hbm>>) dst(%arg11 : memref<128x128xf32, #tpu.memory_space<vmem>>)
    %dma_start3A_189 = arith.constant 1024 : i32
    %dma_start3A_190 = tpu.memref_slice %arg8[%dma_start3A_189] : memref<3328xi32, #tpu.memory_space<vmem>> -> memref<128xi32, #tpu.memory_space<vmem>>
    %dma_start3A_191 = arith.constant 0 : i32
    %dma_start3A_192 = arith.constant 0 : i32
    %dma_start3A_193 = tpu.memref_slice %arg16[%dma_start3A_191, %dma_start3A_192] : memref<10000x128xf32, #tpu.memory_space<vmem_shared>> -> memref<10000x128xf32, #tpu.memory_space<vmem_shared>>
    tpu.enqueue_indirect_dma source(%arg11 : memref<128x128xf32, #tpu.memory_space<vmem>>) target(%dma_start3A_193 : memref<10000x128xf32, #tpu.memory_space<vmem_shared>>) offsets(%dma_start3A_190 : memref<128xi32, #tpu.memory_space<vmem>>) semaphore(%arg19 : memref<!tpu.dma_semaphore, #tpu.memory_space<semaphore_mem>>) {add = true}
    %dma_wait3A_194 = arith.constant 1024 : i32
    %dma_wait3A_195 = tpu.memref_slice %arg8[%dma_wait3A_194] : memref<3328xi32, #tpu.memory_space<vmem>> -> memref<128xi32, #tpu.memory_space<vmem>>
    %dma_wait3A_196 = arith.constant 0 : i32
    %dma_wait3A_197 = arith.constant 0 : i32
    %dma_wait3A_198 = tpu.memref_slice %arg16[%dma_wait3A_196, %dma_wait3A_197] : memref<10000x128xf32, #tpu.memory_space<vmem_shared>> -> memref<10000x128xf32, #tpu.memory_space<vmem_shared>>
    tpu.wait_indirect_dma semaphore(%arg19 : memref<!tpu.dma_semaphore, #tpu.memory_space<semaphore_mem>>) src(%arg11 : memref<128x128xf32, #tpu.memory_space<vmem>>) dst(%dma_wait3A_198 : memref<10000x128xf32, #tpu.memory_space<vmem_shared>>)
    %dma_start3A_199 = arith.constant 1280 : i32
    %dma_start3A_200 = tpu.memref_slice %arg7[%dma_start3A_199] : memref<3328xi32, #tpu.memory_space<vmem>> -> memref<128xi32, #tpu.memory_space<vmem>>
    %dma_start3A_201 = arith.constant 0 : i32
    %dma_start3A_202 = arith.constant 0 : i32
    %dma_start3A_203 = tpu.memref_slice %arg2[%dma_start3A_201, %dma_start3A_202] : memref<10000x128xf32, #tpu.memory_space<hbm>> -> memref<10000x128xf32, #tpu.memory_space<hbm>>
    tpu.enqueue_indirect_dma source(%dma_start3A_203 : memref<10000x128xf32, #tpu.memory_space<hbm>>) target(%arg11 : memref<128x128xf32, #tpu.memory_space<vmem>>) offsets(%dma_start3A_200 : memref<128xi32, #tpu.memory_space<vmem>>) semaphore(%arg18 : memref<!tpu.dma_semaphore, #tpu.memory_space<semaphore_mem>>)
    %dma_wait3A_204 = arith.constant 1152 : i32
    %dma_wait3A_205 = tpu.memref_slice %arg7[%dma_wait3A_204] : memref<3328xi32, #tpu.memory_space<vmem>> -> memref<128xi32, #tpu.memory_space<vmem>>
    %dma_wait3A_206 = arith.constant 0 : i32
    %dma_wait3A_207 = arith.constant 0 : i32
    %dma_wait3A_208 = tpu.memref_slice %arg2[%dma_wait3A_206, %dma_wait3A_207] : memref<10000x128xf32, #tpu.memory_space<hbm>> -> memref<10000x128xf32, #tpu.memory_space<hbm>>
    tpu.wait_indirect_dma semaphore(%arg18 : memref<!tpu.dma_semaphore, #tpu.memory_space<semaphore_mem>>) src(%dma_wait3A_208 : memref<10000x128xf32, #tpu.memory_space<hbm>>) dst(%arg12 : memref<128x128xf32, #tpu.memory_space<vmem>>)
    %dma_start3A_209 = arith.constant 1152 : i32
    %dma_start3A_210 = tpu.memref_slice %arg8[%dma_start3A_209] : memref<3328xi32, #tpu.memory_space<vmem>> -> memref<128xi32, #tpu.memory_space<vmem>>
    %dma_start3A_211 = arith.constant 0 : i32
    %dma_start3A_212 = arith.constant 0 : i32
    %dma_start3A_213 = tpu.memref_slice %arg16[%dma_start3A_211, %dma_start3A_212] : memref<10000x128xf32, #tpu.memory_space<vmem_shared>> -> memref<10000x128xf32, #tpu.memory_space<vmem_shared>>
    tpu.enqueue_indirect_dma source(%arg12 : memref<128x128xf32, #tpu.memory_space<vmem>>) target(%dma_start3A_213 : memref<10000x128xf32, #tpu.memory_space<vmem_shared>>) offsets(%dma_start3A_210 : memref<128xi32, #tpu.memory_space<vmem>>) semaphore(%arg19 : memref<!tpu.dma_semaphore, #tpu.memory_space<semaphore_mem>>) {add = true}
    %dma_wait3A_214 = arith.constant 1152 : i32
    %dma_wait3A_215 = tpu.memref_slice %arg8[%dma_wait3A_214] : memref<3328xi32, #tpu.memory_space<vmem>> -> memref<128xi32, #tpu.memory_space<vmem>>
    %dma_wait3A_216 = arith.constant 0 : i32
    %dma_wait3A_217 = arith.constant 0 : i32
    %dma_wait3A_218 = tpu.memref_slice %arg16[%dma_wait3A_216, %dma_wait3A_217] : memref<10000x128xf32, #tpu.memory_space<vmem_shared>> -> memref<10000x128xf32, #tpu.memory_space<vmem_shared>>
    tpu.wait_indirect_dma semaphore(%arg19 : memref<!tpu.dma_semaphore, #tpu.memory_space<semaphore_mem>>) src(%arg12 : memref<128x128xf32, #tpu.memory_space<vmem>>) dst(%dma_wait3A_218 : memref<10000x128xf32, #tpu.memory_space<vmem_shared>>)
    %dma_start3A_219 = arith.constant 1408 : i32
    %dma_start3A_220 = tpu.memref_slice %arg7[%dma_start3A_219] : memref<3328xi32, #tpu.memory_space<vmem>> -> memref<128xi32, #tpu.memory_space<vmem>>
    %dma_start3A_221 = arith.constant 0 : i32
    %dma_start3A_222 = arith.constant 0 : i32
    %dma_start3A_223 = tpu.memref_slice %arg2[%dma_start3A_221, %dma_start3A_222] : memref<10000x128xf32, #tpu.memory_space<hbm>> -> memref<10000x128xf32, #tpu.memory_space<hbm>>
    tpu.enqueue_indirect_dma source(%dma_start3A_223 : memref<10000x128xf32, #tpu.memory_space<hbm>>) target(%arg12 : memref<128x128xf32, #tpu.memory_space<vmem>>) offsets(%dma_start3A_220 : memref<128xi32, #tpu.memory_space<vmem>>) semaphore(%arg18 : memref<!tpu.dma_semaphore, #tpu.memory_space<semaphore_mem>>)
    %dma_wait3A_224 = arith.constant 1280 : i32
    %dma_wait3A_225 = tpu.memref_slice %arg7[%dma_wait3A_224] : memref<3328xi32, #tpu.memory_space<vmem>> -> memref<128xi32, #tpu.memory_space<vmem>>
    %dma_wait3A_226 = arith.constant 0 : i32
    %dma_wait3A_227 = arith.constant 0 : i32
    %dma_wait3A_228 = tpu.memref_slice %arg2[%dma_wait3A_226, %dma_wait3A_227] : memref<10000x128xf32, #tpu.memory_space<hbm>> -> memref<10000x128xf32, #tpu.memory_space<hbm>>
    tpu.wait_indirect_dma semaphore(%arg18 : memref<!tpu.dma_semaphore, #tpu.memory_space<semaphore_mem>>) src(%dma_wait3A_228 : memref<10000x128xf32, #tpu.memory_space<hbm>>) dst(%arg11 : memref<128x128xf32, #tpu.memory_space<vmem>>)
    %dma_start3A_229 = arith.constant 1280 : i32
    %dma_start3A_230 = tpu.memref_slice %arg8[%dma_start3A_229] : memref<3328xi32, #tpu.memory_space<vmem>> -> memref<128xi32, #tpu.memory_space<vmem>>
    %dma_start3A_231 = arith.constant 0 : i32
    %dma_start3A_232 = arith.constant 0 : i32
    %dma_start3A_233 = tpu.memref_slice %arg16[%dma_start3A_231, %dma_start3A_232] : memref<10000x128xf32, #tpu.memory_space<vmem_shared>> -> memref<10000x128xf32, #tpu.memory_space<vmem_shared>>
    tpu.enqueue_indirect_dma source(%arg11 : memref<128x128xf32, #tpu.memory_space<vmem>>) target(%dma_start3A_233 : memref<10000x128xf32, #tpu.memory_space<vmem_shared>>) offsets(%dma_start3A_230 : memref<128xi32, #tpu.memory_space<vmem>>) semaphore(%arg19 : memref<!tpu.dma_semaphore, #tpu.memory_space<semaphore_mem>>) {add = true}
    %dma_wait3A_234 = arith.constant 1280 : i32
    %dma_wait3A_235 = tpu.memref_slice %arg8[%dma_wait3A_234] : memref<3328xi32, #tpu.memory_space<vmem>> -> memref<128xi32, #tpu.memory_space<vmem>>
    %dma_wait3A_236 = arith.constant 0 : i32
    %dma_wait3A_237 = arith.constant 0 : i32
    %dma_wait3A_238 = tpu.memref_slice %arg16[%dma_wait3A_236, %dma_wait3A_237] : memref<10000x128xf32, #tpu.memory_space<vmem_shared>> -> memref<10000x128xf32, #tpu.memory_space<vmem_shared>>
    tpu.wait_indirect_dma semaphore(%arg19 : memref<!tpu.dma_semaphore, #tpu.memory_space<semaphore_mem>>) src(%arg11 : memref<128x128xf32, #tpu.memory_space<vmem>>) dst(%dma_wait3A_238 : memref<10000x128xf32, #tpu.memory_space<vmem_shared>>)
    %dma_start3A_239 = arith.constant 1536 : i32
    %dma_start3A_240 = tpu.memref_slice %arg7[%dma_start3A_239] : memref<3328xi32, #tpu.memory_space<vmem>> -> memref<128xi32, #tpu.memory_space<vmem>>
    %dma_start3A_241 = arith.constant 0 : i32
    %dma_start3A_242 = arith.constant 0 : i32
    %dma_start3A_243 = tpu.memref_slice %arg2[%dma_start3A_241, %dma_start3A_242] : memref<10000x128xf32, #tpu.memory_space<hbm>> -> memref<10000x128xf32, #tpu.memory_space<hbm>>
    tpu.enqueue_indirect_dma source(%dma_start3A_243 : memref<10000x128xf32, #tpu.memory_space<hbm>>) target(%arg11 : memref<128x128xf32, #tpu.memory_space<vmem>>) offsets(%dma_start3A_240 : memref<128xi32, #tpu.memory_space<vmem>>) semaphore(%arg18 : memref<!tpu.dma_semaphore, #tpu.memory_space<semaphore_mem>>)
    %dma_wait3A_244 = arith.constant 1408 : i32
    %dma_wait3A_245 = tpu.memref_slice %arg7[%dma_wait3A_244] : memref<3328xi32, #tpu.memory_space<vmem>> -> memref<128xi32, #tpu.memory_space<vmem>>
    %dma_wait3A_246 = arith.constant 0 : i32
    %dma_wait3A_247 = arith.constant 0 : i32
    %dma_wait3A_248 = tpu.memref_slice %arg2[%dma_wait3A_246, %dma_wait3A_247] : memref<10000x128xf32, #tpu.memory_space<hbm>> -> memref<10000x128xf32, #tpu.memory_space<hbm>>
    tpu.wait_indirect_dma semaphore(%arg18 : memref<!tpu.dma_semaphore, #tpu.memory_space<semaphore_mem>>) src(%dma_wait3A_248 : memref<10000x128xf32, #tpu.memory_space<hbm>>) dst(%arg12 : memref<128x128xf32, #tpu.memory_space<vmem>>)
    %dma_start3A_249 = arith.constant 1408 : i32
    %dma_start3A_250 = tpu.memref_slice %arg8[%dma_start3A_249] : memref<3328xi32, #tpu.memory_space<vmem>> -> memref<128xi32, #tpu.memory_space<vmem>>
    %dma_start3A_251 = arith.constant 0 : i32
    %dma_start3A_252 = arith.constant 0 : i32
    %dma_start3A_253 = tpu.memref_slice %arg16[%dma_start3A_251, %dma_start3A_252] : memref<10000x128xf32, #tpu.memory_space<vmem_shared>> -> memref<10000x128xf32, #tpu.memory_space<vmem_shared>>
    tpu.enqueue_indirect_dma source(%arg12 : memref<128x128xf32, #tpu.memory_space<vmem>>) target(%dma_start3A_253 : memref<10000x128xf32, #tpu.memory_space<vmem_shared>>) offsets(%dma_start3A_250 : memref<128xi32, #tpu.memory_space<vmem>>) semaphore(%arg19 : memref<!tpu.dma_semaphore, #tpu.memory_space<semaphore_mem>>) {add = true}
    %dma_wait3A_254 = arith.constant 1408 : i32
    %dma_wait3A_255 = tpu.memref_slice %arg8[%dma_wait3A_254] : memref<3328xi32, #tpu.memory_space<vmem>> -> memref<128xi32, #tpu.memory_space<vmem>>
    %dma_wait3A_256 = arith.constant 0 : i32
    %dma_wait3A_257 = arith.constant 0 : i32
    %dma_wait3A_258 = tpu.memref_slice %arg16[%dma_wait3A_256, %dma_wait3A_257] : memref<10000x128xf32, #tpu.memory_space<vmem_shared>> -> memref<10000x128xf32, #tpu.memory_space<vmem_shared>>
    tpu.wait_indirect_dma semaphore(%arg19 : memref<!tpu.dma_semaphore, #tpu.memory_space<semaphore_mem>>) src(%arg12 : memref<128x128xf32, #tpu.memory_space<vmem>>) dst(%dma_wait3A_258 : memref<10000x128xf32, #tpu.memory_space<vmem_shared>>)
    %dma_start3A_259 = arith.constant 1664 : i32
    %dma_start3A_260 = tpu.memref_slice %arg7[%dma_start3A_259] : memref<3328xi32, #tpu.memory_space<vmem>> -> memref<128xi32, #tpu.memory_space<vmem>>
    %dma_start3A_261 = arith.constant 0 : i32
    %dma_start3A_262 = arith.constant 0 : i32
    %dma_start3A_263 = tpu.memref_slice %arg2[%dma_start3A_261, %dma_start3A_262] : memref<10000x128xf32, #tpu.memory_space<hbm>> -> memref<10000x128xf32, #tpu.memory_space<hbm>>
    tpu.enqueue_indirect_dma source(%dma_start3A_263 : memref<10000x128xf32, #tpu.memory_space<hbm>>) target(%arg12 : memref<128x128xf32, #tpu.memory_space<vmem>>) offsets(%dma_start3A_260 : memref<128xi32, #tpu.memory_space<vmem>>) semaphore(%arg18 : memref<!tpu.dma_semaphore, #tpu.memory_space<semaphore_mem>>)
    %dma_wait3A_264 = arith.constant 1536 : i32
    %dma_wait3A_265 = tpu.memref_slice %arg7[%dma_wait3A_264] : memref<3328xi32, #tpu.memory_space<vmem>> -> memref<128xi32, #tpu.memory_space<vmem>>
    %dma_wait3A_266 = arith.constant 0 : i32
    %dma_wait3A_267 = arith.constant 0 : i32
    %dma_wait3A_268 = tpu.memref_slice %arg2[%dma_wait3A_266, %dma_wait3A_267] : memref<10000x128xf32, #tpu.memory_space<hbm>> -> memref<10000x128xf32, #tpu.memory_space<hbm>>
    tpu.wait_indirect_dma semaphore(%arg18 : memref<!tpu.dma_semaphore, #tpu.memory_space<semaphore_mem>>) src(%dma_wait3A_268 : memref<10000x128xf32, #tpu.memory_space<hbm>>) dst(%arg11 : memref<128x128xf32, #tpu.memory_space<vmem>>)
    %dma_start3A_269 = arith.constant 1536 : i32
    %dma_start3A_270 = tpu.memref_slice %arg8[%dma_start3A_269] : memref<3328xi32, #tpu.memory_space<vmem>> -> memref<128xi32, #tpu.memory_space<vmem>>
    %dma_start3A_271 = arith.constant 0 : i32
    %dma_start3A_272 = arith.constant 0 : i32
    %dma_start3A_273 = tpu.memref_slice %arg16[%dma_start3A_271, %dma_start3A_272] : memref<10000x128xf32, #tpu.memory_space<vmem_shared>> -> memref<10000x128xf32, #tpu.memory_space<vmem_shared>>
    tpu.enqueue_indirect_dma source(%arg11 : memref<128x128xf32, #tpu.memory_space<vmem>>) target(%dma_start3A_273 : memref<10000x128xf32, #tpu.memory_space<vmem_shared>>) offsets(%dma_start3A_270 : memref<128xi32, #tpu.memory_space<vmem>>) semaphore(%arg19 : memref<!tpu.dma_semaphore, #tpu.memory_space<semaphore_mem>>) {add = true}
    %dma_wait3A_274 = arith.constant 1536 : i32
    %dma_wait3A_275 = tpu.memref_slice %arg8[%dma_wait3A_274] : memref<3328xi32, #tpu.memory_space<vmem>> -> memref<128xi32, #tpu.memory_space<vmem>>
    %dma_wait3A_276 = arith.constant 0 : i32
    %dma_wait3A_277 = arith.constant 0 : i32
    %dma_wait3A_278 = tpu.memref_slice %arg16[%dma_wait3A_276, %dma_wait3A_277] : memref<10000x128xf32, #tpu.memory_space<vmem_shared>> -> memref<10000x128xf32, #tpu.memory_space<vmem_shared>>
    tpu.wait_indirect_dma semaphore(%arg19 : memref<!tpu.dma_semaphore, #tpu.memory_space<semaphore_mem>>) src(%arg11 : memref<128x128xf32, #tpu.memory_space<vmem>>) dst(%dma_wait3A_278 : memref<10000x128xf32, #tpu.memory_space<vmem_shared>>)
    %dma_start3A_279 = arith.constant 1792 : i32
    %dma_start3A_280 = tpu.memref_slice %arg7[%dma_start3A_279] : memref<3328xi32, #tpu.memory_space<vmem>> -> memref<128xi32, #tpu.memory_space<vmem>>
    %dma_start3A_281 = arith.constant 0 : i32
    %dma_start3A_282 = arith.constant 0 : i32
    %dma_start3A_283 = tpu.memref_slice %arg2[%dma_start3A_281, %dma_start3A_282] : memref<10000x128xf32, #tpu.memory_space<hbm>> -> memref<10000x128xf32, #tpu.memory_space<hbm>>
    tpu.enqueue_indirect_dma source(%dma_start3A_283 : memref<10000x128xf32, #tpu.memory_space<hbm>>) target(%arg11 : memref<128x128xf32, #tpu.memory_space<vmem>>) offsets(%dma_start3A_280 : memref<128xi32, #tpu.memory_space<vmem>>) semaphore(%arg18 : memref<!tpu.dma_semaphore, #tpu.memory_space<semaphore_mem>>)
    %dma_wait3A_284 = arith.constant 1664 : i32
    %dma_wait3A_285 = tpu.memref_slice %arg7[%dma_wait3A_284] : memref<3328xi32, #tpu.memory_space<vmem>> -> memref<128xi32, #tpu.memory_space<vmem>>
    %dma_wait3A_286 = arith.constant 0 : i32
    %dma_wait3A_287 = arith.constant 0 : i32
    %dma_wait3A_288 = tpu.memref_slice %arg2[%dma_wait3A_286, %dma_wait3A_287] : memref<10000x128xf32, #tpu.memory_space<hbm>> -> memref<10000x128xf32, #tpu.memory_space<hbm>>
    tpu.wait_indirect_dma semaphore(%arg18 : memref<!tpu.dma_semaphore, #tpu.memory_space<semaphore_mem>>) src(%dma_wait3A_288 : memref<10000x128xf32, #tpu.memory_space<hbm>>) dst(%arg12 : memref<128x128xf32, #tpu.memory_space<vmem>>)
    %dma_start3A_289 = arith.constant 1664 : i32
    %dma_start3A_290 = tpu.memref_slice %arg8[%dma_start3A_289] : memref<3328xi32, #tpu.memory_space<vmem>> -> memref<128xi32, #tpu.memory_space<vmem>>
    %dma_start3A_291 = arith.constant 0 : i32
    %dma_start3A_292 = arith.constant 0 : i32
    %dma_start3A_293 = tpu.memref_slice %arg16[%dma_start3A_291, %dma_start3A_292] : memref<10000x128xf32, #tpu.memory_space<vmem_shared>> -> memref<10000x128xf32, #tpu.memory_space<vmem_shared>>
    tpu.enqueue_indirect_dma source(%arg12 : memref<128x128xf32, #tpu.memory_space<vmem>>) target(%dma_start3A_293 : memref<10000x128xf32, #tpu.memory_space<vmem_shared>>) offsets(%dma_start3A_290 : memref<128xi32, #tpu.memory_space<vmem>>) semaphore(%arg19 : memref<!tpu.dma_semaphore, #tpu.memory_space<semaphore_mem>>) {add = true}
    %dma_wait3A_294 = arith.constant 1664 : i32
    %dma_wait3A_295 = tpu.memref_slice %arg8[%dma_wait3A_294] : memref<3328xi32, #tpu.memory_space<vmem>> -> memref<128xi32, #tpu.memory_space<vmem>>
    %dma_wait3A_296 = arith.constant 0 : i32
    %dma_wait3A_297 = arith.constant 0 : i32
    %dma_wait3A_298 = tpu.memref_slice %arg16[%dma_wait3A_296, %dma_wait3A_297] : memref<10000x128xf32, #tpu.memory_space<vmem_shared>> -> memref<10000x128xf32, #tpu.memory_space<vmem_shared>>
    tpu.wait_indirect_dma semaphore(%arg19 : memref<!tpu.dma_semaphore, #tpu.memory_space<semaphore_mem>>) src(%arg12 : memref<128x128xf32, #tpu.memory_space<vmem>>) dst(%dma_wait3A_298 : memref<10000x128xf32, #tpu.memory_space<vmem_shared>>)
    %dma_start3A_299 = arith.constant 1920 : i32
    %dma_start3A_300 = tpu.memref_slice %arg7[%dma_start3A_299] : memref<3328xi32, #tpu.memory_space<vmem>> -> memref<128xi32, #tpu.memory_space<vmem>>
    %dma_start3A_301 = arith.constant 0 : i32
    %dma_start3A_302 = arith.constant 0 : i32
    %dma_start3A_303 = tpu.memref_slice %arg2[%dma_start3A_301, %dma_start3A_302] : memref<10000x128xf32, #tpu.memory_space<hbm>> -> memref<10000x128xf32, #tpu.memory_space<hbm>>
    tpu.enqueue_indirect_dma source(%dma_start3A_303 : memref<10000x128xf32, #tpu.memory_space<hbm>>) target(%arg12 : memref<128x128xf32, #tpu.memory_space<vmem>>) offsets(%dma_start3A_300 : memref<128xi32, #tpu.memory_space<vmem>>) semaphore(%arg18 : memref<!tpu.dma_semaphore, #tpu.memory_space<semaphore_mem>>)
    %dma_wait3A_304 = arith.constant 1792 : i32
    %dma_wait3A_305 = tpu.memref_slice %arg7[%dma_wait3A_304] : memref<3328xi32, #tpu.memory_space<vmem>> -> memref<128xi32, #tpu.memory_space<vmem>>
    %dma_wait3A_306 = arith.constant 0 : i32
    %dma_wait3A_307 = arith.constant 0 : i32
    %dma_wait3A_308 = tpu.memref_slice %arg2[%dma_wait3A_306, %dma_wait3A_307] : memref<10000x128xf32, #tpu.memory_space<hbm>> -> memref<10000x128xf32, #tpu.memory_space<hbm>>
    tpu.wait_indirect_dma semaphore(%arg18 : memref<!tpu.dma_semaphore, #tpu.memory_space<semaphore_mem>>) src(%dma_wait3A_308 : memref<10000x128xf32, #tpu.memory_space<hbm>>) dst(%arg11 : memref<128x128xf32, #tpu.memory_space<vmem>>)
    %dma_start3A_309 = arith.constant 1792 : i32
    %dma_start3A_310 = tpu.memref_slice %arg8[%dma_start3A_309] : memref<3328xi32, #tpu.memory_space<vmem>> -> memref<128xi32, #tpu.memory_space<vmem>>
    %dma_start3A_311 = arith.constant 0 : i32
    %dma_start3A_312 = arith.constant 0 : i32
    %dma_start3A_313 = tpu.memref_slice %arg16[%dma_start3A_311, %dma_start3A_312] : memref<10000x128xf32, #tpu.memory_space<vmem_shared>> -> memref<10000x128xf32, #tpu.memory_space<vmem_shared>>
    tpu.enqueue_indirect_dma source(%arg11 : memref<128x128xf32, #tpu.memory_space<vmem>>) target(%dma_start3A_313 : memref<10000x128xf32, #tpu.memory_space<vmem_shared>>) offsets(%dma_start3A_310 : memref<128xi32, #tpu.memory_space<vmem>>) semaphore(%arg19 : memref<!tpu.dma_semaphore, #tpu.memory_space<semaphore_mem>>) {add = true}
    %dma_wait3A_314 = arith.constant 1792 : i32
    %dma_wait3A_315 = tpu.memref_slice %arg8[%dma_wait3A_314] : memref<3328xi32, #tpu.memory_space<vmem>> -> memref<128xi32, #tpu.memory_space<vmem>>
    %dma_wait3A_316 = arith.constant 0 : i32
    %dma_wait3A_317 = arith.constant 0 : i32
    %dma_wait3A_318 = tpu.memref_slice %arg16[%dma_wait3A_316, %dma_wait3A_317] : memref<10000x128xf32, #tpu.memory_space<vmem_shared>> -> memref<10000x128xf32, #tpu.memory_space<vmem_shared>>
    tpu.wait_indirect_dma semaphore(%arg19 : memref<!tpu.dma_semaphore, #tpu.memory_space<semaphore_mem>>) src(%arg11 : memref<128x128xf32, #tpu.memory_space<vmem>>) dst(%dma_wait3A_318 : memref<10000x128xf32, #tpu.memory_space<vmem_shared>>)
    %dma_start3A_319 = arith.constant 2048 : i32
    %dma_start3A_320 = tpu.memref_slice %arg7[%dma_start3A_319] : memref<3328xi32, #tpu.memory_space<vmem>> -> memref<128xi32, #tpu.memory_space<vmem>>
    %dma_start3A_321 = arith.constant 0 : i32
    %dma_start3A_322 = arith.constant 0 : i32
    %dma_start3A_323 = tpu.memref_slice %arg2[%dma_start3A_321, %dma_start3A_322] : memref<10000x128xf32, #tpu.memory_space<hbm>> -> memref<10000x128xf32, #tpu.memory_space<hbm>>
    tpu.enqueue_indirect_dma source(%dma_start3A_323 : memref<10000x128xf32, #tpu.memory_space<hbm>>) target(%arg11 : memref<128x128xf32, #tpu.memory_space<vmem>>) offsets(%dma_start3A_320 : memref<128xi32, #tpu.memory_space<vmem>>) semaphore(%arg18 : memref<!tpu.dma_semaphore, #tpu.memory_space<semaphore_mem>>)
    %dma_wait3A_324 = arith.constant 1920 : i32
    %dma_wait3A_325 = tpu.memref_slice %arg7[%dma_wait3A_324] : memref<3328xi32, #tpu.memory_space<vmem>> -> memref<128xi32, #tpu.memory_space<vmem>>
    %dma_wait3A_326 = arith.constant 0 : i32
    %dma_wait3A_327 = arith.constant 0 : i32
    %dma_wait3A_328 = tpu.memref_slice %arg2[%dma_wait3A_326, %dma_wait3A_327] : memref<10000x128xf32, #tpu.memory_space<hbm>> -> memref<10000x128xf32, #tpu.memory_space<hbm>>
    tpu.wait_indirect_dma semaphore(%arg18 : memref<!tpu.dma_semaphore, #tpu.memory_space<semaphore_mem>>) src(%dma_wait3A_328 : memref<10000x128xf32, #tpu.memory_space<hbm>>) dst(%arg12 : memref<128x128xf32, #tpu.memory_space<vmem>>)
    %dma_start3A_329 = arith.constant 1920 : i32
    %dma_start3A_330 = tpu.memref_slice %arg8[%dma_start3A_329] : memref<3328xi32, #tpu.memory_space<vmem>> -> memref<128xi32, #tpu.memory_space<vmem>>
    %dma_start3A_331 = arith.constant 0 : i32
    %dma_start3A_332 = arith.constant 0 : i32
    %dma_start3A_333 = tpu.memref_slice %arg16[%dma_start3A_331, %dma_start3A_332] : memref<10000x128xf32, #tpu.memory_space<vmem_shared>> -> memref<10000x128xf32, #tpu.memory_space<vmem_shared>>
    tpu.enqueue_indirect_dma source(%arg12 : memref<128x128xf32, #tpu.memory_space<vmem>>) target(%dma_start3A_333 : memref<10000x128xf32, #tpu.memory_space<vmem_shared>>) offsets(%dma_start3A_330 : memref<128xi32, #tpu.memory_space<vmem>>) semaphore(%arg19 : memref<!tpu.dma_semaphore, #tpu.memory_space<semaphore_mem>>) {add = true}
    %dma_wait3A_334 = arith.constant 1920 : i32
    %dma_wait3A_335 = tpu.memref_slice %arg8[%dma_wait3A_334] : memref<3328xi32, #tpu.memory_space<vmem>> -> memref<128xi32, #tpu.memory_space<vmem>>
    %dma_wait3A_336 = arith.constant 0 : i32
    %dma_wait3A_337 = arith.constant 0 : i32
    %dma_wait3A_338 = tpu.memref_slice %arg16[%dma_wait3A_336, %dma_wait3A_337] : memref<10000x128xf32, #tpu.memory_space<vmem_shared>> -> memref<10000x128xf32, #tpu.memory_space<vmem_shared>>
    tpu.wait_indirect_dma semaphore(%arg19 : memref<!tpu.dma_semaphore, #tpu.memory_space<semaphore_mem>>) src(%arg12 : memref<128x128xf32, #tpu.memory_space<vmem>>) dst(%dma_wait3A_338 : memref<10000x128xf32, #tpu.memory_space<vmem_shared>>)
    %dma_start3A_339 = arith.constant 2176 : i32
    %dma_start3A_340 = tpu.memref_slice %arg7[%dma_start3A_339] : memref<3328xi32, #tpu.memory_space<vmem>> -> memref<128xi32, #tpu.memory_space<vmem>>
    %dma_start3A_341 = arith.constant 0 : i32
    %dma_start3A_342 = arith.constant 0 : i32
    %dma_start3A_343 = tpu.memref_slice %arg2[%dma_start3A_341, %dma_start3A_342] : memref<10000x128xf32, #tpu.memory_space<hbm>> -> memref<10000x128xf32, #tpu.memory_space<hbm>>
    tpu.enqueue_indirect_dma source(%dma_start3A_343 : memref<10000x128xf32, #tpu.memory_space<hbm>>) target(%arg12 : memref<128x128xf32, #tpu.memory_space<vmem>>) offsets(%dma_start3A_340 : memref<128xi32, #tpu.memory_space<vmem>>) semaphore(%arg18 : memref<!tpu.dma_semaphore, #tpu.memory_space<semaphore_mem>>)
    %dma_wait3A_344 = arith.constant 2048 : i32
    %dma_wait3A_345 = tpu.memref_slice %arg7[%dma_wait3A_344] : memref<3328xi32, #tpu.memory_space<vmem>> -> memref<128xi32, #tpu.memory_space<vmem>>
    %dma_wait3A_346 = arith.constant 0 : i32
    %dma_wait3A_347 = arith.constant 0 : i32
    %dma_wait3A_348 = tpu.memref_slice %arg2[%dma_wait3A_346, %dma_wait3A_347] : memref<10000x128xf32, #tpu.memory_space<hbm>> -> memref<10000x128xf32, #tpu.memory_space<hbm>>
    tpu.wait_indirect_dma semaphore(%arg18 : memref<!tpu.dma_semaphore, #tpu.memory_space<semaphore_mem>>) src(%dma_wait3A_348 : memref<10000x128xf32, #tpu.memory_space<hbm>>) dst(%arg11 : memref<128x128xf32, #tpu.memory_space<vmem>>)
    %dma_start3A_349 = arith.constant 2048 : i32
    %dma_start3A_350 = tpu.memref_slice %arg8[%dma_start3A_349] : memref<3328xi32, #tpu.memory_space<vmem>> -> memref<128xi32, #tpu.memory_space<vmem>>
    %dma_start3A_351 = arith.constant 0 : i32
    %dma_start3A_352 = arith.constant 0 : i32
    %dma_start3A_353 = tpu.memref_slice %arg16[%dma_start3A_351, %dma_start3A_352] : memref<10000x128xf32, #tpu.memory_space<vmem_shared>> -> memref<10000x128xf32, #tpu.memory_space<vmem_shared>>
    tpu.enqueue_indirect_dma source(%arg11 : memref<128x128xf32, #tpu.memory_space<vmem>>) target(%dma_start3A_353 : memref<10000x128xf32, #tpu.memory_space<vmem_shared>>) offsets(%dma_start3A_350 : memref<128xi32, #tpu.memory_space<vmem>>) semaphore(%arg19 : memref<!tpu.dma_semaphore, #tpu.memory_space<semaphore_mem>>) {add = true}
    %dma_wait3A_354 = arith.constant 2048 : i32
    %dma_wait3A_355 = tpu.memref_slice %arg8[%dma_wait3A_354] : memref<3328xi32, #tpu.memory_space<vmem>> -> memref<128xi32, #tpu.memory_space<vmem>>
    %dma_wait3A_356 = arith.constant 0 : i32
    %dma_wait3A_357 = arith.constant 0 : i32
    %dma_wait3A_358 = tpu.memref_slice %arg16[%dma_wait3A_356, %dma_wait3A_357] : memref<10000x128xf32, #tpu.memory_space<vmem_shared>> -> memref<10000x128xf32, #tpu.memory_space<vmem_shared>>
    tpu.wait_indirect_dma semaphore(%arg19 : memref<!tpu.dma_semaphore, #tpu.memory_space<semaphore_mem>>) src(%arg11 : memref<128x128xf32, #tpu.memory_space<vmem>>) dst(%dma_wait3A_358 : memref<10000x128xf32, #tpu.memory_space<vmem_shared>>)
    %dma_start3A_359 = arith.constant 2304 : i32
    %dma_start3A_360 = tpu.memref_slice %arg7[%dma_start3A_359] : memref<3328xi32, #tpu.memory_space<vmem>> -> memref<128xi32, #tpu.memory_space<vmem>>
    %dma_start3A_361 = arith.constant 0 : i32
    %dma_start3A_362 = arith.constant 0 : i32
    %dma_start3A_363 = tpu.memref_slice %arg2[%dma_start3A_361, %dma_start3A_362] : memref<10000x128xf32, #tpu.memory_space<hbm>> -> memref<10000x128xf32, #tpu.memory_space<hbm>>
    tpu.enqueue_indirect_dma source(%dma_start3A_363 : memref<10000x128xf32, #tpu.memory_space<hbm>>) target(%arg11 : memref<128x128xf32, #tpu.memory_space<vmem>>) offsets(%dma_start3A_360 : memref<128xi32, #tpu.memory_space<vmem>>) semaphore(%arg18 : memref<!tpu.dma_semaphore, #tpu.memory_space<semaphore_mem>>)
    %dma_wait3A_364 = arith.constant 2176 : i32
    %dma_wait3A_365 = tpu.memref_slice %arg7[%dma_wait3A_364] : memref<3328xi32, #tpu.memory_space<vmem>> -> memref<128xi32, #tpu.memory_space<vmem>>
    %dma_wait3A_366 = arith.constant 0 : i32
    %dma_wait3A_367 = arith.constant 0 : i32
    %dma_wait3A_368 = tpu.memref_slice %arg2[%dma_wait3A_366, %dma_wait3A_367] : memref<10000x128xf32, #tpu.memory_space<hbm>> -> memref<10000x128xf32, #tpu.memory_space<hbm>>
    tpu.wait_indirect_dma semaphore(%arg18 : memref<!tpu.dma_semaphore, #tpu.memory_space<semaphore_mem>>) src(%dma_wait3A_368 : memref<10000x128xf32, #tpu.memory_space<hbm>>) dst(%arg12 : memref<128x128xf32, #tpu.memory_space<vmem>>)
    %dma_start3A_369 = arith.constant 2176 : i32
    %dma_start3A_370 = tpu.memref_slice %arg8[%dma_start3A_369] : memref<3328xi32, #tpu.memory_space<vmem>> -> memref<128xi32, #tpu.memory_space<vmem>>
    %dma_start3A_371 = arith.constant 0 : i32
    %dma_start3A_372 = arith.constant 0 : i32
    %dma_start3A_373 = tpu.memref_slice %arg16[%dma_start3A_371, %dma_start3A_372] : memref<10000x128xf32, #tpu.memory_space<vmem_shared>> -> memref<10000x128xf32, #tpu.memory_space<vmem_shared>>
    tpu.enqueue_indirect_dma source(%arg12 : memref<128x128xf32, #tpu.memory_space<vmem>>) target(%dma_start3A_373 : memref<10000x128xf32, #tpu.memory_space<vmem_shared>>) offsets(%dma_start3A_370 : memref<128xi32, #tpu.memory_space<vmem>>) semaphore(%arg19 : memref<!tpu.dma_semaphore, #tpu.memory_space<semaphore_mem>>) {add = true}
    %dma_wait3A_374 = arith.constant 2176 : i32
    %dma_wait3A_375 = tpu.memref_slice %arg8[%dma_wait3A_374] : memref<3328xi32, #tpu.memory_space<vmem>> -> memref<128xi32, #tpu.memory_space<vmem>>
    %dma_wait3A_376 = arith.constant 0 : i32
    %dma_wait3A_377 = arith.constant 0 : i32
    %dma_wait3A_378 = tpu.memref_slice %arg16[%dma_wait3A_376, %dma_wait3A_377] : memref<10000x128xf32, #tpu.memory_space<vmem_shared>> -> memref<10000x128xf32, #tpu.memory_space<vmem_shared>>
    tpu.wait_indirect_dma semaphore(%arg19 : memref<!tpu.dma_semaphore, #tpu.memory_space<semaphore_mem>>) src(%arg12 : memref<128x128xf32, #tpu.memory_space<vmem>>) dst(%dma_wait3A_378 : memref<10000x128xf32, #tpu.memory_space<vmem_shared>>)
    %dma_start3A_379 = arith.constant 2432 : i32
    %dma_start3A_380 = tpu.memref_slice %arg7[%dma_start3A_379] : memref<3328xi32, #tpu.memory_space<vmem>> -> memref<128xi32, #tpu.memory_space<vmem>>
    %dma_start3A_381 = arith.constant 0 : i32
    %dma_start3A_382 = arith.constant 0 : i32
    %dma_start3A_383 = tpu.memref_slice %arg2[%dma_start3A_381, %dma_start3A_382] : memref<10000x128xf32, #tpu.memory_space<hbm>> -> memref<10000x128xf32, #tpu.memory_space<hbm>>
    tpu.enqueue_indirect_dma source(%dma_start3A_383 : memref<10000x128xf32, #tpu.memory_space<hbm>>) target(%arg12 : memref<128x128xf32, #tpu.memory_space<vmem>>) offsets(%dma_start3A_380 : memref<128xi32, #tpu.memory_space<vmem>>) semaphore(%arg18 : memref<!tpu.dma_semaphore, #tpu.memory_space<semaphore_mem>>)
    %dma_wait3A_384 = arith.constant 2304 : i32
    %dma_wait3A_385 = tpu.memref_slice %arg7[%dma_wait3A_384] : memref<3328xi32, #tpu.memory_space<vmem>> -> memref<128xi32, #tpu.memory_space<vmem>>
    %dma_wait3A_386 = arith.constant 0 : i32
    %dma_wait3A_387 = arith.constant 0 : i32
    %dma_wait3A_388 = tpu.memref_slice %arg2[%dma_wait3A_386, %dma_wait3A_387] : memref<10000x128xf32, #tpu.memory_space<hbm>> -> memref<10000x128xf32, #tpu.memory_space<hbm>>
    tpu.wait_indirect_dma semaphore(%arg18 : memref<!tpu.dma_semaphore, #tpu.memory_space<semaphore_mem>>) src(%dma_wait3A_388 : memref<10000x128xf32, #tpu.memory_space<hbm>>) dst(%arg11 : memref<128x128xf32, #tpu.memory_space<vmem>>)
    %dma_start3A_389 = arith.constant 2304 : i32
    %dma_start3A_390 = tpu.memref_slice %arg8[%dma_start3A_389] : memref<3328xi32, #tpu.memory_space<vmem>> -> memref<128xi32, #tpu.memory_space<vmem>>
    %dma_start3A_391 = arith.constant 0 : i32
    %dma_start3A_392 = arith.constant 0 : i32
    %dma_start3A_393 = tpu.memref_slice %arg16[%dma_start3A_391, %dma_start3A_392] : memref<10000x128xf32, #tpu.memory_space<vmem_shared>> -> memref<10000x128xf32, #tpu.memory_space<vmem_shared>>
    tpu.enqueue_indirect_dma source(%arg11 : memref<128x128xf32, #tpu.memory_space<vmem>>) target(%dma_start3A_393 : memref<10000x128xf32, #tpu.memory_space<vmem_shared>>) offsets(%dma_start3A_390 : memref<128xi32, #tpu.memory_space<vmem>>) semaphore(%arg19 : memref<!tpu.dma_semaphore, #tpu.memory_space<semaphore_mem>>) {add = true}
    %dma_wait3A_394 = arith.constant 2304 : i32
    %dma_wait3A_395 = tpu.memref_slice %arg8[%dma_wait3A_394] : memref<3328xi32, #tpu.memory_space<vmem>> -> memref<128xi32, #tpu.memory_space<vmem>>
    %dma_wait3A_396 = arith.constant 0 : i32
    %dma_wait3A_397 = arith.constant 0 : i32
    %dma_wait3A_398 = tpu.memref_slice %arg16[%dma_wait3A_396, %dma_wait3A_397] : memref<10000x128xf32, #tpu.memory_space<vmem_shared>> -> memref<10000x128xf32, #tpu.memory_space<vmem_shared>>
    tpu.wait_indirect_dma semaphore(%arg19 : memref<!tpu.dma_semaphore, #tpu.memory_space<semaphore_mem>>) src(%arg11 : memref<128x128xf32, #tpu.memory_space<vmem>>) dst(%dma_wait3A_398 : memref<10000x128xf32, #tpu.memory_space<vmem_shared>>)
    %dma_start3A_399 = arith.constant 2560 : i32
    %dma_start3A_400 = tpu.memref_slice %arg7[%dma_start3A_399] : memref<3328xi32, #tpu.memory_space<vmem>> -> memref<128xi32, #tpu.memory_space<vmem>>
    %dma_start3A_401 = arith.constant 0 : i32
    %dma_start3A_402 = arith.constant 0 : i32
    %dma_start3A_403 = tpu.memref_slice %arg2[%dma_start3A_401, %dma_start3A_402] : memref<10000x128xf32, #tpu.memory_space<hbm>> -> memref<10000x128xf32, #tpu.memory_space<hbm>>
    tpu.enqueue_indirect_dma source(%dma_start3A_403 : memref<10000x128xf32, #tpu.memory_space<hbm>>) target(%arg11 : memref<128x128xf32, #tpu.memory_space<vmem>>) offsets(%dma_start3A_400 : memref<128xi32, #tpu.memory_space<vmem>>) semaphore(%arg18 : memref<!tpu.dma_semaphore, #tpu.memory_space<semaphore_mem>>)
    %dma_wait3A_404 = arith.constant 2432 : i32
    %dma_wait3A_405 = tpu.memref_slice %arg7[%dma_wait3A_404] : memref<3328xi32, #tpu.memory_space<vmem>> -> memref<128xi32, #tpu.memory_space<vmem>>
    %dma_wait3A_406 = arith.constant 0 : i32
    %dma_wait3A_407 = arith.constant 0 : i32
    %dma_wait3A_408 = tpu.memref_slice %arg2[%dma_wait3A_406, %dma_wait3A_407] : memref<10000x128xf32, #tpu.memory_space<hbm>> -> memref<10000x128xf32, #tpu.memory_space<hbm>>
    tpu.wait_indirect_dma semaphore(%arg18 : memref<!tpu.dma_semaphore, #tpu.memory_space<semaphore_mem>>) src(%dma_wait3A_408 : memref<10000x128xf32, #tpu.memory_space<hbm>>) dst(%arg12 : memref<128x128xf32, #tpu.memory_space<vmem>>)
    %dma_start3A_409 = arith.constant 2432 : i32
    %dma_start3A_410 = tpu.memref_slice %arg8[%dma_start3A_409] : memref<3328xi32, #tpu.memory_space<vmem>> -> memref<128xi32, #tpu.memory_space<vmem>>
    %dma_start3A_411 = arith.constant 0 : i32
    %dma_start3A_412 = arith.constant 0 : i32
    %dma_start3A_413 = tpu.memref_slice %arg16[%dma_start3A_411, %dma_start3A_412] : memref<10000x128xf32, #tpu.memory_space<vmem_shared>> -> memref<10000x128xf32, #tpu.memory_space<vmem_shared>>
    tpu.enqueue_indirect_dma source(%arg12 : memref<128x128xf32, #tpu.memory_space<vmem>>) target(%dma_start3A_413 : memref<10000x128xf32, #tpu.memory_space<vmem_shared>>) offsets(%dma_start3A_410 : memref<128xi32, #tpu.memory_space<vmem>>) semaphore(%arg19 : memref<!tpu.dma_semaphore, #tpu.memory_space<semaphore_mem>>) {add = true}
    %dma_wait3A_414 = arith.constant 2432 : i32
    %dma_wait3A_415 = tpu.memref_slice %arg8[%dma_wait3A_414] : memref<3328xi32, #tpu.memory_space<vmem>> -> memref<128xi32, #tpu.memory_space<vmem>>
    %dma_wait3A_416 = arith.constant 0 : i32
    %dma_wait3A_417 = arith.constant 0 : i32
    %dma_wait3A_418 = tpu.memref_slice %arg16[%dma_wait3A_416, %dma_wait3A_417] : memref<10000x128xf32, #tpu.memory_space<vmem_shared>> -> memref<10000x128xf32, #tpu.memory_space<vmem_shared>>
    tpu.wait_indirect_dma semaphore(%arg19 : memref<!tpu.dma_semaphore, #tpu.memory_space<semaphore_mem>>) src(%arg12 : memref<128x128xf32, #tpu.memory_space<vmem>>) dst(%dma_wait3A_418 : memref<10000x128xf32, #tpu.memory_space<vmem_shared>>)
    %dma_start3A_419 = arith.constant 2688 : i32
    %dma_start3A_420 = tpu.memref_slice %arg7[%dma_start3A_419] : memref<3328xi32, #tpu.memory_space<vmem>> -> memref<128xi32, #tpu.memory_space<vmem>>
    %dma_start3A_421 = arith.constant 0 : i32
    %dma_start3A_422 = arith.constant 0 : i32
    %dma_start3A_423 = tpu.memref_slice %arg2[%dma_start3A_421, %dma_start3A_422] : memref<10000x128xf32, #tpu.memory_space<hbm>> -> memref<10000x128xf32, #tpu.memory_space<hbm>>
    tpu.enqueue_indirect_dma source(%dma_start3A_423 : memref<10000x128xf32, #tpu.memory_space<hbm>>) target(%arg12 : memref<128x128xf32, #tpu.memory_space<vmem>>) offsets(%dma_start3A_420 : memref<128xi32, #tpu.memory_space<vmem>>) semaphore(%arg18 : memref<!tpu.dma_semaphore, #tpu.memory_space<semaphore_mem>>)
    %dma_wait3A_424 = arith.constant 2560 : i32
    %dma_wait3A_425 = tpu.memref_slice %arg7[%dma_wait3A_424] : memref<3328xi32, #tpu.memory_space<vmem>> -> memref<128xi32, #tpu.memory_space<vmem>>
    %dma_wait3A_426 = arith.constant 0 : i32
    %dma_wait3A_427 = arith.constant 0 : i32
    %dma_wait3A_428 = tpu.memref_slice %arg2[%dma_wait3A_426, %dma_wait3A_427] : memref<10000x128xf32, #tpu.memory_space<hbm>> -> memref<10000x128xf32, #tpu.memory_space<hbm>>
    tpu.wait_indirect_dma semaphore(%arg18 : memref<!tpu.dma_semaphore, #tpu.memory_space<semaphore_mem>>) src(%dma_wait3A_428 : memref<10000x128xf32, #tpu.memory_space<hbm>>) dst(%arg11 : memref<128x128xf32, #tpu.memory_space<vmem>>)
    %dma_start3A_429 = arith.constant 2560 : i32
    %dma_start3A_430 = tpu.memref_slice %arg8[%dma_start3A_429] : memref<3328xi32, #tpu.memory_space<vmem>> -> memref<128xi32, #tpu.memory_space<vmem>>
    %dma_start3A_431 = arith.constant 0 : i32
    %dma_start3A_432 = arith.constant 0 : i32
    %dma_start3A_433 = tpu.memref_slice %arg16[%dma_start3A_431, %dma_start3A_432] : memref<10000x128xf32, #tpu.memory_space<vmem_shared>> -> memref<10000x128xf32, #tpu.memory_space<vmem_shared>>
    tpu.enqueue_indirect_dma source(%arg11 : memref<128x128xf32, #tpu.memory_space<vmem>>) target(%dma_start3A_433 : memref<10000x128xf32, #tpu.memory_space<vmem_shared>>) offsets(%dma_start3A_430 : memref<128xi32, #tpu.memory_space<vmem>>) semaphore(%arg19 : memref<!tpu.dma_semaphore, #tpu.memory_space<semaphore_mem>>) {add = true}
    %dma_wait3A_434 = arith.constant 2560 : i32
    %dma_wait3A_435 = tpu.memref_slice %arg8[%dma_wait3A_434] : memref<3328xi32, #tpu.memory_space<vmem>> -> memref<128xi32, #tpu.memory_space<vmem>>
    %dma_wait3A_436 = arith.constant 0 : i32
    %dma_wait3A_437 = arith.constant 0 : i32
    %dma_wait3A_438 = tpu.memref_slice %arg16[%dma_wait3A_436, %dma_wait3A_437] : memref<10000x128xf32, #tpu.memory_space<vmem_shared>> -> memref<10000x128xf32, #tpu.memory_space<vmem_shared>>
    tpu.wait_indirect_dma semaphore(%arg19 : memref<!tpu.dma_semaphore, #tpu.memory_space<semaphore_mem>>) src(%arg11 : memref<128x128xf32, #tpu.memory_space<vmem>>) dst(%dma_wait3A_438 : memref<10000x128xf32, #tpu.memory_space<vmem_shared>>)
    %dma_start3A_439 = arith.constant 2816 : i32
    %dma_start3A_440 = tpu.memref_slice %arg7[%dma_start3A_439] : memref<3328xi32, #tpu.memory_space<vmem>> -> memref<128xi32, #tpu.memory_space<vmem>>
    %dma_start3A_441 = arith.constant 0 : i32
    %dma_start3A_442 = arith.constant 0 : i32
    %dma_start3A_443 = tpu.memref_slice %arg2[%dma_start3A_441, %dma_start3A_442] : memref<10000x128xf32, #tpu.memory_space<hbm>> -> memref<10000x128xf32, #tpu.memory_space<hbm>>
    tpu.enqueue_indirect_dma source(%dma_start3A_443 : memref<10000x128xf32, #tpu.memory_space<hbm>>) target(%arg11 : memref<128x128xf32, #tpu.memory_space<vmem>>) offsets(%dma_start3A_440 : memref<128xi32, #tpu.memory_space<vmem>>) semaphore(%arg18 : memref<!tpu.dma_semaphore, #tpu.memory_space<semaphore_mem>>)
    %dma_wait3A_444 = arith.constant 2688 : i32
    %dma_wait3A_445 = tpu.memref_slice %arg7[%dma_wait3A_444] : memref<3328xi32, #tpu.memory_space<vmem>> -> memref<128xi32, #tpu.memory_space<vmem>>
    %dma_wait3A_446 = arith.constant 0 : i32
    %dma_wait3A_447 = arith.constant 0 : i32
    %dma_wait3A_448 = tpu.memref_slice %arg2[%dma_wait3A_446, %dma_wait3A_447] : memref<10000x128xf32, #tpu.memory_space<hbm>> -> memref<10000x128xf32, #tpu.memory_space<hbm>>
    tpu.wait_indirect_dma semaphore(%arg18 : memref<!tpu.dma_semaphore, #tpu.memory_space<semaphore_mem>>) src(%dma_wait3A_448 : memref<10000x128xf32, #tpu.memory_space<hbm>>) dst(%arg12 : memref<128x128xf32, #tpu.memory_space<vmem>>)
    %dma_start3A_449 = arith.constant 2688 : i32
    %dma_start3A_450 = tpu.memref_slice %arg8[%dma_start3A_449] : memref<3328xi32, #tpu.memory_space<vmem>> -> memref<128xi32, #tpu.memory_space<vmem>>
    %dma_start3A_451 = arith.constant 0 : i32
    %dma_start3A_452 = arith.constant 0 : i32
    %dma_start3A_453 = tpu.memref_slice %arg16[%dma_start3A_451, %dma_start3A_452] : memref<10000x128xf32, #tpu.memory_space<vmem_shared>> -> memref<10000x128xf32, #tpu.memory_space<vmem_shared>>
    tpu.enqueue_indirect_dma source(%arg12 : memref<128x128xf32, #tpu.memory_space<vmem>>) target(%dma_start3A_453 : memref<10000x128xf32, #tpu.memory_space<vmem_shared>>) offsets(%dma_start3A_450 : memref<128xi32, #tpu.memory_space<vmem>>) semaphore(%arg19 : memref<!tpu.dma_semaphore, #tpu.memory_space<semaphore_mem>>) {add = true}
    %dma_wait3A_454 = arith.constant 2688 : i32
    %dma_wait3A_455 = tpu.memref_slice %arg8[%dma_wait3A_454] : memref<3328xi32, #tpu.memory_space<vmem>> -> memref<128xi32, #tpu.memory_space<vmem>>
    %dma_wait3A_456 = arith.constant 0 : i32
    %dma_wait3A_457 = arith.constant 0 : i32
    %dma_wait3A_458 = tpu.memref_slice %arg16[%dma_wait3A_456, %dma_wait3A_457] : memref<10000x128xf32, #tpu.memory_space<vmem_shared>> -> memref<10000x128xf32, #tpu.memory_space<vmem_shared>>
    tpu.wait_indirect_dma semaphore(%arg19 : memref<!tpu.dma_semaphore, #tpu.memory_space<semaphore_mem>>) src(%arg12 : memref<128x128xf32, #tpu.memory_space<vmem>>) dst(%dma_wait3A_458 : memref<10000x128xf32, #tpu.memory_space<vmem_shared>>)
    %dma_start3A_459 = arith.constant 2944 : i32
    %dma_start3A_460 = tpu.memref_slice %arg7[%dma_start3A_459] : memref<3328xi32, #tpu.memory_space<vmem>> -> memref<128xi32, #tpu.memory_space<vmem>>
    %dma_start3A_461 = arith.constant 0 : i32
    %dma_start3A_462 = arith.constant 0 : i32
    %dma_start3A_463 = tpu.memref_slice %arg2[%dma_start3A_461, %dma_start3A_462] : memref<10000x128xf32, #tpu.memory_space<hbm>> -> memref<10000x128xf32, #tpu.memory_space<hbm>>
    tpu.enqueue_indirect_dma source(%dma_start3A_463 : memref<10000x128xf32, #tpu.memory_space<hbm>>) target(%arg12 : memref<128x128xf32, #tpu.memory_space<vmem>>) offsets(%dma_start3A_460 : memref<128xi32, #tpu.memory_space<vmem>>) semaphore(%arg18 : memref<!tpu.dma_semaphore, #tpu.memory_space<semaphore_mem>>)
    %dma_wait3A_464 = arith.constant 2816 : i32
    %dma_wait3A_465 = tpu.memref_slice %arg7[%dma_wait3A_464] : memref<3328xi32, #tpu.memory_space<vmem>> -> memref<128xi32, #tpu.memory_space<vmem>>
    %dma_wait3A_466 = arith.constant 0 : i32
    %dma_wait3A_467 = arith.constant 0 : i32
    %dma_wait3A_468 = tpu.memref_slice %arg2[%dma_wait3A_466, %dma_wait3A_467] : memref<10000x128xf32, #tpu.memory_space<hbm>> -> memref<10000x128xf32, #tpu.memory_space<hbm>>
    tpu.wait_indirect_dma semaphore(%arg18 : memref<!tpu.dma_semaphore, #tpu.memory_space<semaphore_mem>>) src(%dma_wait3A_468 : memref<10000x128xf32, #tpu.memory_space<hbm>>) dst(%arg11 : memref<128x128xf32, #tpu.memory_space<vmem>>)
    %dma_start3A_469 = arith.constant 2816 : i32
    %dma_start3A_470 = tpu.memref_slice %arg8[%dma_start3A_469] : memref<3328xi32, #tpu.memory_space<vmem>> -> memref<128xi32, #tpu.memory_space<vmem>>
    %dma_start3A_471 = arith.constant 0 : i32
    %dma_start3A_472 = arith.constant 0 : i32
    %dma_start3A_473 = tpu.memref_slice %arg16[%dma_start3A_471, %dma_start3A_472] : memref<10000x128xf32, #tpu.memory_space<vmem_shared>> -> memref<10000x128xf32, #tpu.memory_space<vmem_shared>>
    tpu.enqueue_indirect_dma source(%arg11 : memref<128x128xf32, #tpu.memory_space<vmem>>) target(%dma_start3A_473 : memref<10000x128xf32, #tpu.memory_space<vmem_shared>>) offsets(%dma_start3A_470 : memref<128xi32, #tpu.memory_space<vmem>>) semaphore(%arg19 : memref<!tpu.dma_semaphore, #tpu.memory_space<semaphore_mem>>) {add = true}
    %dma_wait3A_474 = arith.constant 2816 : i32
    %dma_wait3A_475 = tpu.memref_slice %arg8[%dma_wait3A_474] : memref<3328xi32, #tpu.memory_space<vmem>> -> memref<128xi32, #tpu.memory_space<vmem>>
    %dma_wait3A_476 = arith.constant 0 : i32
    %dma_wait3A_477 = arith.constant 0 : i32
    %dma_wait3A_478 = tpu.memref_slice %arg16[%dma_wait3A_476, %dma_wait3A_477] : memref<10000x128xf32, #tpu.memory_space<vmem_shared>> -> memref<10000x128xf32, #tpu.memory_space<vmem_shared>>
    tpu.wait_indirect_dma semaphore(%arg19 : memref<!tpu.dma_semaphore, #tpu.memory_space<semaphore_mem>>) src(%arg11 : memref<128x128xf32, #tpu.memory_space<vmem>>) dst(%dma_wait3A_478 : memref<10000x128xf32, #tpu.memory_space<vmem_shared>>)
    %dma_start3A_479 = arith.constant 3072 : i32
    %dma_start3A_480 = tpu.memref_slice %arg7[%dma_start3A_479] : memref<3328xi32, #tpu.memory_space<vmem>> -> memref<128xi32, #tpu.memory_space<vmem>>
    %dma_start3A_481 = arith.constant 0 : i32
    %dma_start3A_482 = arith.constant 0 : i32
    %dma_start3A_483 = tpu.memref_slice %arg2[%dma_start3A_481, %dma_start3A_482] : memref<10000x128xf32, #tpu.memory_space<hbm>> -> memref<10000x128xf32, #tpu.memory_space<hbm>>
    tpu.enqueue_indirect_dma source(%dma_start3A_483 : memref<10000x128xf32, #tpu.memory_space<hbm>>) target(%arg11 : memref<128x128xf32, #tpu.memory_space<vmem>>) offsets(%dma_start3A_480 : memref<128xi32, #tpu.memory_space<vmem>>) semaphore(%arg18 : memref<!tpu.dma_semaphore, #tpu.memory_space<semaphore_mem>>)
    %dma_wait3A_484 = arith.constant 2944 : i32
    %dma_wait3A_485 = tpu.memref_slice %arg7[%dma_wait3A_484] : memref<3328xi32, #tpu.memory_space<vmem>> -> memref<128xi32, #tpu.memory_space<vmem>>
    %dma_wait3A_486 = arith.constant 0 : i32
    %dma_wait3A_487 = arith.constant 0 : i32
    %dma_wait3A_488 = tpu.memref_slice %arg2[%dma_wait3A_486, %dma_wait3A_487] : memref<10000x128xf32, #tpu.memory_space<hbm>> -> memref<10000x128xf32, #tpu.memory_space<hbm>>
    tpu.wait_indirect_dma semaphore(%arg18 : memref<!tpu.dma_semaphore, #tpu.memory_space<semaphore_mem>>) src(%dma_wait3A_488 : memref<10000x128xf32, #tpu.memory_space<hbm>>) dst(%arg12 : memref<128x128xf32, #tpu.memory_space<vmem>>)
    %dma_start3A_489 = arith.constant 2944 : i32
    %dma_start3A_490 = tpu.memref_slice %arg8[%dma_start3A_489] : memref<3328xi32, #tpu.memory_space<vmem>> -> memref<128xi32, #tpu.memory_space<vmem>>
    %dma_start3A_491 = arith.constant 0 : i32
    %dma_start3A_492 = arith.constant 0 : i32
    %dma_start3A_493 = tpu.memref_slice %arg16[%dma_start3A_491, %dma_start3A_492] : memref<10000x128xf32, #tpu.memory_space<vmem_shared>> -> memref<10000x128xf32, #tpu.memory_space<vmem_shared>>
    tpu.enqueue_indirect_dma source(%arg12 : memref<128x128xf32, #tpu.memory_space<vmem>>) target(%dma_start3A_493 : memref<10000x128xf32, #tpu.memory_space<vmem_shared>>) offsets(%dma_start3A_490 : memref<128xi32, #tpu.memory_space<vmem>>) semaphore(%arg19 : memref<!tpu.dma_semaphore, #tpu.memory_space<semaphore_mem>>) {add = true}
    %dma_wait3A_494 = arith.constant 2944 : i32
    %dma_wait3A_495 = tpu.memref_slice %arg8[%dma_wait3A_494] : memref<3328xi32, #tpu.memory_space<vmem>> -> memref<128xi32, #tpu.memory_space<vmem>>
    %dma_wait3A_496 = arith.constant 0 : i32
    %dma_wait3A_497 = arith.constant 0 : i32
    %dma_wait3A_498 = tpu.memref_slice %arg16[%dma_wait3A_496, %dma_wait3A_497] : memref<10000x128xf32, #tpu.memory_space<vmem_shared>> -> memref<10000x128xf32, #tpu.memory_space<vmem_shared>>
    tpu.wait_indirect_dma semaphore(%arg19 : memref<!tpu.dma_semaphore, #tpu.memory_space<semaphore_mem>>) src(%arg12 : memref<128x128xf32, #tpu.memory_space<vmem>>) dst(%dma_wait3A_498 : memref<10000x128xf32, #tpu.memory_space<vmem_shared>>)
    %dma_start3A_499 = arith.constant 3200 : i32
    %dma_start3A_500 = tpu.memref_slice %arg7[%dma_start3A_499] : memref<3328xi32, #tpu.memory_space<vmem>> -> memref<128xi32, #tpu.memory_space<vmem>>
    %dma_start3A_501 = arith.constant 0 : i32
    %dma_start3A_502 = arith.constant 0 : i32
    %dma_start3A_503 = tpu.memref_slice %arg2[%dma_start3A_501, %dma_start3A_502] : memref<10000x128xf32, #tpu.memory_space<hbm>> -> memref<10000x128xf32, #tpu.memory_space<hbm>>
    tpu.enqueue_indirect_dma source(%dma_start3A_503 : memref<10000x128xf32, #tpu.memory_space<hbm>>) target(%arg12 : memref<128x128xf32, #tpu.memory_space<vmem>>) offsets(%dma_start3A_500 : memref<128xi32, #tpu.memory_space<vmem>>) semaphore(%arg18 : memref<!tpu.dma_semaphore, #tpu.memory_space<semaphore_mem>>)
    %dma_wait3A_504 = arith.constant 3072 : i32
    %dma_wait3A_505 = tpu.memref_slice %arg7[%dma_wait3A_504] : memref<3328xi32, #tpu.memory_space<vmem>> -> memref<128xi32, #tpu.memory_space<vmem>>
    %dma_wait3A_506 = arith.constant 0 : i32
    %dma_wait3A_507 = arith.constant 0 : i32
    %dma_wait3A_508 = tpu.memref_slice %arg2[%dma_wait3A_506, %dma_wait3A_507] : memref<10000x128xf32, #tpu.memory_space<hbm>> -> memref<10000x128xf32, #tpu.memory_space<hbm>>
    tpu.wait_indirect_dma semaphore(%arg18 : memref<!tpu.dma_semaphore, #tpu.memory_space<semaphore_mem>>) src(%dma_wait3A_508 : memref<10000x128xf32, #tpu.memory_space<hbm>>) dst(%arg11 : memref<128x128xf32, #tpu.memory_space<vmem>>)
    %dma_start3A_509 = arith.constant 3072 : i32
    %dma_start3A_510 = tpu.memref_slice %arg8[%dma_start3A_509] : memref<3328xi32, #tpu.memory_space<vmem>> -> memref<128xi32, #tpu.memory_space<vmem>>
    %dma_start3A_511 = arith.constant 0 : i32
    %dma_start3A_512 = arith.constant 0 : i32
    %dma_start3A_513 = tpu.memref_slice %arg16[%dma_start3A_511, %dma_start3A_512] : memref<10000x128xf32, #tpu.memory_space<vmem_shared>> -> memref<10000x128xf32, #tpu.memory_space<vmem_shared>>
    tpu.enqueue_indirect_dma source(%arg11 : memref<128x128xf32, #tpu.memory_space<vmem>>) target(%dma_start3A_513 : memref<10000x128xf32, #tpu.memory_space<vmem_shared>>) offsets(%dma_start3A_510 : memref<128xi32, #tpu.memory_space<vmem>>) semaphore(%arg19 : memref<!tpu.dma_semaphore, #tpu.memory_space<semaphore_mem>>) {add = true}
    %dma_wait3A_514 = arith.constant 3200 : i32
    %dma_wait3A_515 = tpu.memref_slice %arg7[%dma_wait3A_514] : memref<3328xi32, #tpu.memory_space<vmem>> -> memref<128xi32, #tpu.memory_space<vmem>>
    %dma_wait3A_516 = arith.constant 0 : i32
    %dma_wait3A_517 = arith.constant 0 : i32
    %dma_wait3A_518 = tpu.memref_slice %arg2[%dma_wait3A_516, %dma_wait3A_517] : memref<10000x128xf32, #tpu.memory_space<hbm>> -> memref<10000x128xf32, #tpu.memory_space<hbm>>
    tpu.wait_indirect_dma semaphore(%arg18 : memref<!tpu.dma_semaphore, #tpu.memory_space<semaphore_mem>>) src(%dma_wait3A_518 : memref<10000x128xf32, #tpu.memory_space<hbm>>) dst(%arg12 : memref<128x128xf32, #tpu.memory_space<vmem>>)
    %dma_start3A_519 = arith.constant 3200 : i32
    %dma_start3A_520 = tpu.memref_slice %arg8[%dma_start3A_519] : memref<3328xi32, #tpu.memory_space<vmem>> -> memref<128xi32, #tpu.memory_space<vmem>>
    %dma_start3A_521 = arith.constant 0 : i32
    %dma_start3A_522 = arith.constant 0 : i32
    %dma_start3A_523 = tpu.memref_slice %arg16[%dma_start3A_521, %dma_start3A_522] : memref<10000x128xf32, #tpu.memory_space<vmem_shared>> -> memref<10000x128xf32, #tpu.memory_space<vmem_shared>>
    tpu.enqueue_indirect_dma source(%arg12 : memref<128x128xf32, #tpu.memory_space<vmem>>) target(%dma_start3A_523 : memref<10000x128xf32, #tpu.memory_space<vmem_shared>>) offsets(%dma_start3A_520 : memref<128xi32, #tpu.memory_space<vmem>>) semaphore(%arg19 : memref<!tpu.dma_semaphore, #tpu.memory_space<semaphore_mem>>) {add = true}
    %dma_wait3A_524 = arith.constant 3072 : i32
    %dma_wait3A_525 = tpu.memref_slice %arg8[%dma_wait3A_524] : memref<3328xi32, #tpu.memory_space<vmem>> -> memref<128xi32, #tpu.memory_space<vmem>>
    %dma_wait3A_526 = arith.constant 0 : i32
    %dma_wait3A_527 = arith.constant 0 : i32
    %dma_wait3A_528 = tpu.memref_slice %arg16[%dma_wait3A_526, %dma_wait3A_527] : memref<10000x128xf32, #tpu.memory_space<vmem_shared>> -> memref<10000x128xf32, #tpu.memory_space<vmem_shared>>
    tpu.wait_indirect_dma semaphore(%arg19 : memref<!tpu.dma_semaphore, #tpu.memory_space<semaphore_mem>>) src(%arg11 : memref<128x128xf32, #tpu.memory_space<vmem>>) dst(%dma_wait3A_528 : memref<10000x128xf32, #tpu.memory_space<vmem_shared>>)
    %dma_wait3A_529 = arith.constant 3200 : i32
    %dma_wait3A_530 = tpu.memref_slice %arg8[%dma_wait3A_529] : memref<3328xi32, #tpu.memory_space<vmem>> -> memref<128xi32, #tpu.memory_space<vmem>>
    %dma_wait3A_531 = arith.constant 0 : i32
    %dma_wait3A_532 = arith.constant 0 : i32
    %dma_wait3A_533 = tpu.memref_slice %arg16[%dma_wait3A_531, %dma_wait3A_532] : memref<10000x128xf32, #tpu.memory_space<vmem_shared>> -> memref<10000x128xf32, #tpu.memory_space<vmem_shared>>
    tpu.wait_indirect_dma semaphore(%arg19 : memref<!tpu.dma_semaphore, #tpu.memory_space<semaphore_mem>>) src(%arg12 : memref<128x128xf32, #tpu.memory_space<vmem>>) dst(%dma_wait3A_533 : memref<10000x128xf32, #tpu.memory_space<vmem_shared>>)
    %scan3A = arith.constant 0 : i32
    %scan3A_534 = arith.constant 0 : i32
    %dma_wait3A_535 = tpu.memref_slice %arg3[%mul3A_6] : memref<320000xi32, #tpu.memory_space<hbm>> -> memref<3328xi32, #tpu.memory_space<hbm>>
    %dma_wait3A_536 = tpu.memref_slice %arg3[%mul3A_6] : memref<320000xi32, #tpu.memory_space<hbm>> -> memref<3328xi32, #tpu.memory_space<hbm>>
    tpu.wait_dma2 semaphore(%arg20 : memref<!tpu.dma_semaphore, #tpu.memory_space<semaphore_mem>>) src(%dma_wait3A_536 : memref<3328xi32, #tpu.memory_space<hbm>>) dst(%arg9 : memref<3328xi32, #tpu.memory_space<vmem>>)
    %dma_wait3A_537 = tpu.memref_slice %arg4[%mul3A_6] : memref<320000xi32, #tpu.memory_space<hbm>> -> memref<3328xi32, #tpu.memory_space<hbm>>
    %dma_wait3A_538 = tpu.memref_slice %arg4[%mul3A_6] : memref<320000xi32, #tpu.memory_space<hbm>> -> memref<3328xi32, #tpu.memory_space<hbm>>
    tpu.wait_dma2 semaphore(%arg20 : memref<!tpu.dma_semaphore, #tpu.memory_space<semaphore_mem>>) src(%dma_wait3A_538 : memref<3328xi32, #tpu.memory_space<hbm>>) dst(%arg10 : memref<3328xi32, #tpu.memory_space<vmem>>)
    %mul3A_539 = arith.constant 2 : i32
    %mul3A_540 = arith.muli %mul3A_539, %scan3A_534 : i32
    %add3A_541 = arith.constant 2 : i32
    %add3A_542 = arith.addi %mul3A_540, %add3A_541 : i32
    %min3A_543 = arith.constant 2 : i32
    %min3A_544 = arith.minsi %add3A_542, %min3A_543 : i32
    %mul3A_545 = arith.constant 3328 : i32
    %mul3A_546 = arith.muli %min3A_544, %mul3A_545 : i32
    %add3A_547 = arith.addi %mul3A_6, %mul3A_546 : i32
    %dma_start3A_548 = tpu.memref_slice %arg3[%add3A_547] : memref<320000xi32, #tpu.memory_space<hbm>> -> memref<3328xi32, #tpu.memory_space<hbm>>
    %dma_start3A_549 = tpu.memref_slice %arg3[%add3A_547] : memref<320000xi32, #tpu.memory_space<hbm>> -> memref<3328xi32, #tpu.memory_space<hbm>>
    tpu.enqueue_dma source(%dma_start3A_549 : memref<3328xi32, #tpu.memory_space<hbm>>) target(%arg7 : memref<3328xi32, #tpu.memory_space<vmem>>) target_semaphore(%arg20 : memref<!tpu.dma_semaphore, #tpu.memory_space<semaphore_mem>>)
    %dma_start3A_550 = tpu.memref_slice %arg4[%add3A_547] : memref<320000xi32, #tpu.memory_space<hbm>> -> memref<3328xi32, #tpu.memory_space<hbm>>
    %dma_start3A_551 = tpu.memref_slice %arg4[%add3A_547] : memref<320000xi32, #tpu.memory_space<hbm>> -> memref<3328xi32, #tpu.memory_space<hbm>>
    tpu.enqueue_dma source(%dma_start3A_551 : memref<3328xi32, #tpu.memory_space<hbm>>) target(%arg8 : memref<3328xi32, #tpu.memory_space<vmem>>) target_semaphore(%arg20 : memref<!tpu.dma_semaphore, #tpu.memory_space<semaphore_mem>>)
    %dma_start3A_552 = arith.constant 0 : i32
    %dma_start3A_553 = tpu.memref_slice %arg9[%dma_start3A_552] : memref<3328xi32, #tpu.memory_space<vmem>> -> memref<128xi32, #tpu.memory_space<vmem>>
    %dma_start3A_554 = arith.constant 0 : i32
    %dma_start3A_555 = arith.constant 0 : i32
    %dma_start3A_556 = tpu.memref_slice %arg2[%dma_start3A_554, %dma_start3A_555] : memref<10000x128xf32, #tpu.memory_space<hbm>> -> memref<10000x128xf32, #tpu.memory_space<hbm>>
    tpu.enqueue_indirect_dma source(%dma_start3A_556 : memref<10000x128xf32, #tpu.memory_space<hbm>>) target(%arg11 : memref<128x128xf32, #tpu.memory_space<vmem>>) offsets(%dma_start3A_553 : memref<128xi32, #tpu.memory_space<vmem>>) semaphore(%arg18 : memref<!tpu.dma_semaphore, #tpu.memory_space<semaphore_mem>>)
    %dma_start3A_557 = arith.constant 128 : i32
    %dma_start3A_558 = tpu.memref_slice %arg9[%dma_start3A_557] : memref<3328xi32, #tpu.memory_space<vmem>> -> memref<128xi32, #tpu.memory_space<vmem>>
    %dma_start3A_559 = arith.constant 0 : i32
    %dma_start3A_560 = arith.constant 0 : i32
    %dma_start3A_561 = tpu.memref_slice %arg2[%dma_start3A_559, %dma_start3A_560] : memref<10000x128xf32, #tpu.memory_space<hbm>> -> memref<10000x128xf32, #tpu.memory_space<hbm>>
    tpu.enqueue_indirect_dma source(%dma_start3A_561 : memref<10000x128xf32, #tpu.memory_space<hbm>>) target(%arg12 : memref<128x128xf32, #tpu.memory_space<vmem>>) offsets(%dma_start3A_558 : memref<128xi32, #tpu.memory_space<vmem>>) semaphore(%arg18 : memref<!tpu.dma_semaphore, #tpu.memory_space<semaphore_mem>>)
    %dma_wait3A_562 = arith.constant 0 : i32
    %dma_wait3A_563 = tpu.memref_slice %arg9[%dma_wait3A_562] : memref<3328xi32, #tpu.memory_space<vmem>> -> memref<128xi32, #tpu.memory_space<vmem>>
    %dma_wait3A_564 = arith.constant 0 : i32
    %dma_wait3A_565 = arith.constant 0 : i32
    %dma_wait3A_566 = tpu.memref_slice %arg2[%dma_wait3A_564, %dma_wait3A_565] : memref<10000x128xf32, #tpu.memory_space<hbm>> -> memref<10000x128xf32, #tpu.memory_space<hbm>>
    tpu.wait_indirect_dma semaphore(%arg18 : memref<!tpu.dma_semaphore, #tpu.memory_space<semaphore_mem>>) src(%dma_wait3A_566 : memref<10000x128xf32, #tpu.memory_space<hbm>>) dst(%arg11 : memref<128x128xf32, #tpu.memory_space<vmem>>)
    %dma_start3A_567 = arith.constant 0 : i32
    %dma_start3A_568 = tpu.memref_slice %arg10[%dma_start3A_567] : memref<3328xi32, #tpu.memory_space<vmem>> -> memref<128xi32, #tpu.memory_space<vmem>>
    %dma_start3A_569 = arith.constant 0 : i32
    %dma_start3A_570 = arith.constant 0 : i32
    %dma_start3A_571 = tpu.memref_slice %arg16[%dma_start3A_569, %dma_start3A_570] : memref<10000x128xf32, #tpu.memory_space<vmem_shared>> -> memref<10000x128xf32, #tpu.memory_space<vmem_shared>>
    tpu.enqueue_indirect_dma source(%arg11 : memref<128x128xf32, #tpu.memory_space<vmem>>) target(%dma_start3A_571 : memref<10000x128xf32, #tpu.memory_space<vmem_shared>>) offsets(%dma_start3A_568 : memref<128xi32, #tpu.memory_space<vmem>>) semaphore(%arg19 : memref<!tpu.dma_semaphore, #tpu.memory_space<semaphore_mem>>) {add = true}
    %dma_wait3A_572 = arith.constant 0 : i32
    %dma_wait3A_573 = tpu.memref_slice %arg10[%dma_wait3A_572] : memref<3328xi32, #tpu.memory_space<vmem>> -> memref<128xi32, #tpu.memory_space<vmem>>
    %dma_wait3A_574 = arith.constant 0 : i32
    %dma_wait3A_575 = arith.constant 0 : i32
    %dma_wait3A_576 = tpu.memref_slice %arg16[%dma_wait3A_574, %dma_wait3A_575] : memref<10000x128xf32, #tpu.memory_space<vmem_shared>> -> memref<10000x128xf32, #tpu.memory_space<vmem_shared>>
    tpu.wait_indirect_dma semaphore(%arg19 : memref<!tpu.dma_semaphore, #tpu.memory_space<semaphore_mem>>) src(%arg11 : memref<128x128xf32, #tpu.memory_space<vmem>>) dst(%dma_wait3A_576 : memref<10000x128xf32, #tpu.memory_space<vmem_shared>>)
    %dma_start3A_577 = arith.constant 256 : i32
    %dma_start3A_578 = tpu.memref_slice %arg9[%dma_start3A_577] : memref<3328xi32, #tpu.memory_space<vmem>> -> memref<128xi32, #tpu.memory_space<vmem>>
    %dma_start3A_579 = arith.constant 0 : i32
    %dma_start3A_580 = arith.constant 0 : i32
    %dma_start3A_581 = tpu.memref_slice %arg2[%dma_start3A_579, %dma_start3A_580] : memref<10000x128xf32, #tpu.memory_space<hbm>> -> memref<10000x128xf32, #tpu.memory_space<hbm>>
    tpu.enqueue_indirect_dma source(%dma_start3A_581 : memref<10000x128xf32, #tpu.memory_space<hbm>>) target(%arg11 : memref<128x128xf32, #tpu.memory_space<vmem>>) offsets(%dma_start3A_578 : memref<128xi32, #tpu.memory_space<vmem>>) semaphore(%arg18 : memref<!tpu.dma_semaphore, #tpu.memory_space<semaphore_mem>>)
    %dma_wait3A_582 = arith.constant 128 : i32
    %dma_wait3A_583 = tpu.memref_slice %arg9[%dma_wait3A_582] : memref<3328xi32, #tpu.memory_space<vmem>> -> memref<128xi32, #tpu.memory_space<vmem>>
    %dma_wait3A_584 = arith.constant 0 : i32
    %dma_wait3A_585 = arith.constant 0 : i32
    %dma_wait3A_586 = tpu.memref_slice %arg2[%dma_wait3A_584, %dma_wait3A_585] : memref<10000x128xf32, #tpu.memory_space<hbm>> -> memref<10000x128xf32, #tpu.memory_space<hbm>>
    tpu.wait_indirect_dma semaphore(%arg18 : memref<!tpu.dma_semaphore, #tpu.memory_space<semaphore_mem>>) src(%dma_wait3A_586 : memref<10000x128xf32, #tpu.memory_space<hbm>>) dst(%arg12 : memref<128x128xf32, #tpu.memory_space<vmem>>)
    %dma_start3A_587 = arith.constant 128 : i32
    %dma_start3A_588 = tpu.memref_slice %arg10[%dma_start3A_587] : memref<3328xi32, #tpu.memory_space<vmem>> -> memref<128xi32, #tpu.memory_space<vmem>>
    %dma_start3A_589 = arith.constant 0 : i32
    %dma_start3A_590 = arith.constant 0 : i32
    %dma_start3A_591 = tpu.memref_slice %arg16[%dma_start3A_589, %dma_start3A_590] : memref<10000x128xf32, #tpu.memory_space<vmem_shared>> -> memref<10000x128xf32, #tpu.memory_space<vmem_shared>>
    tpu.enqueue_indirect_dma source(%arg12 : memref<128x128xf32, #tpu.memory_space<vmem>>) target(%dma_start3A_591 : memref<10000x128xf32, #tpu.memory_space<vmem_shared>>) offsets(%dma_start3A_588 : memref<128xi32, #tpu.memory_space<vmem>>) semaphore(%arg19 : memref<!tpu.dma_semaphore, #tpu.memory_space<semaphore_mem>>) {add = true}
    %dma_wait3A_592 = arith.constant 128 : i32
    %dma_wait3A_593 = tpu.memref_slice %arg10[%dma_wait3A_592] : memref<3328xi32, #tpu.memory_space<vmem>> -> memref<128xi32, #tpu.memory_space<vmem>>
    %dma_wait3A_594 = arith.constant 0 : i32
    %dma_wait3A_595 = arith.constant 0 : i32
    %dma_wait3A_596 = tpu.memref_slice %arg16[%dma_wait3A_594, %dma_wait3A_595] : memref<10000x128xf32, #tpu.memory_space<vmem_shared>> -> memref<10000x128xf32, #tpu.memory_space<vmem_shared>>
    tpu.wait_indirect_dma semaphore(%arg19 : memref<!tpu.dma_semaphore, #tpu.memory_space<semaphore_mem>>) src(%arg12 : memref<128x128xf32, #tpu.memory_space<vmem>>) dst(%dma_wait3A_596 : memref<10000x128xf32, #tpu.memory_space<vmem_shared>>)
    %dma_start3A_597 = arith.constant 384 : i32
    %dma_start3A_598 = tpu.memref_slice %arg9[%dma_start3A_597] : memref<3328xi32, #tpu.memory_space<vmem>> -> memref<128xi32, #tpu.memory_space<vmem>>
    %dma_start3A_599 = arith.constant 0 : i32
    %dma_start3A_600 = arith.constant 0 : i32
    %dma_start3A_601 = tpu.memref_slice %arg2[%dma_start3A_599, %dma_start3A_600] : memref<10000x128xf32, #tpu.memory_space<hbm>> -> memref<10000x128xf32, #tpu.memory_space<hbm>>
    tpu.enqueue_indirect_dma source(%dma_start3A_601 : memref<10000x128xf32, #tpu.memory_space<hbm>>) target(%arg12 : memref<128x128xf32, #tpu.memory_space<vmem>>) offsets(%dma_start3A_598 : memref<128xi32, #tpu.memory_space<vmem>>) semaphore(%arg18 : memref<!tpu.dma_semaphore, #tpu.memory_space<semaphore_mem>>)
    %dma_wait3A_602 = arith.constant 256 : i32
    %dma_wait3A_603 = tpu.memref_slice %arg9[%dma_wait3A_602] : memref<3328xi32, #tpu.memory_space<vmem>> -> memref<128xi32, #tpu.memory_space<vmem>>
    %dma_wait3A_604 = arith.constant 0 : i32
    %dma_wait3A_605 = arith.constant 0 : i32
    %dma_wait3A_606 = tpu.memref_slice %arg2[%dma_wait3A_604, %dma_wait3A_605] : memref<10000x128xf32, #tpu.memory_space<hbm>> -> memref<10000x128xf32, #tpu.memory_space<hbm>>
    tpu.wait_indirect_dma semaphore(%arg18 : memref<!tpu.dma_semaphore, #tpu.memory_space<semaphore_mem>>) src(%dma_wait3A_606 : memref<10000x128xf32, #tpu.memory_space<hbm>>) dst(%arg11 : memref<128x128xf32, #tpu.memory_space<vmem>>)
    %dma_start3A_607 = arith.constant 256 : i32
    %dma_start3A_608 = tpu.memref_slice %arg10[%dma_start3A_607] : memref<3328xi32, #tpu.memory_space<vmem>> -> memref<128xi32, #tpu.memory_space<vmem>>
    %dma_start3A_609 = arith.constant 0 : i32
    %dma_start3A_610 = arith.constant 0 : i32
    %dma_start3A_611 = tpu.memref_slice %arg16[%dma_start3A_609, %dma_start3A_610] : memref<10000x128xf32, #tpu.memory_space<vmem_shared>> -> memref<10000x128xf32, #tpu.memory_space<vmem_shared>>
    tpu.enqueue_indirect_dma source(%arg11 : memref<128x128xf32, #tpu.memory_space<vmem>>) target(%dma_start3A_611 : memref<10000x128xf32, #tpu.memory_space<vmem_shared>>) offsets(%dma_start3A_608 : memref<128xi32, #tpu.memory_space<vmem>>) semaphore(%arg19 : memref<!tpu.dma_semaphore, #tpu.memory_space<semaphore_mem>>) {add = true}
    %dma_wait3A_612 = arith.constant 256 : i32
    %dma_wait3A_613 = tpu.memref_slice %arg10[%dma_wait3A_612] : memref<3328xi32, #tpu.memory_space<vmem>> -> memref<128xi32, #tpu.memory_space<vmem>>
    %dma_wait3A_614 = arith.constant 0 : i32
    %dma_wait3A_615 = arith.constant 0 : i32
    %dma_wait3A_616 = tpu.memref_slice %arg16[%dma_wait3A_614, %dma_wait3A_615] : memref<10000x128xf32, #tpu.memory_space<vmem_shared>> -> memref<10000x128xf32, #tpu.memory_space<vmem_shared>>
    tpu.wait_indirect_dma semaphore(%arg19 : memref<!tpu.dma_semaphore, #tpu.memory_space<semaphore_mem>>) src(%arg11 : memref<128x128xf32, #tpu.memory_space<vmem>>) dst(%dma_wait3A_616 : memref<10000x128xf32, #tpu.memory_space<vmem_shared>>)
    %dma_start3A_617 = arith.constant 512 : i32
    %dma_start3A_618 = tpu.memref_slice %arg9[%dma_start3A_617] : memref<3328xi32, #tpu.memory_space<vmem>> -> memref<128xi32, #tpu.memory_space<vmem>>
    %dma_start3A_619 = arith.constant 0 : i32
    %dma_start3A_620 = arith.constant 0 : i32
    %dma_start3A_621 = tpu.memref_slice %arg2[%dma_start3A_619, %dma_start3A_620] : memref<10000x128xf32, #tpu.memory_space<hbm>> -> memref<10000x128xf32, #tpu.memory_space<hbm>>
    tpu.enqueue_indirect_dma source(%dma_start3A_621 : memref<10000x128xf32, #tpu.memory_space<hbm>>) target(%arg11 : memref<128x128xf32, #tpu.memory_space<vmem>>) offsets(%dma_start3A_618 : memref<128xi32, #tpu.memory_space<vmem>>) semaphore(%arg18 : memref<!tpu.dma_semaphore, #tpu.memory_space<semaphore_mem>>)
    %dma_wait3A_622 = arith.constant 384 : i32
    %dma_wait3A_623 = tpu.memref_slice %arg9[%dma_wait3A_622] : memref<3328xi32, #tpu.memory_space<vmem>> -> memref<128xi32, #tpu.memory_space<vmem>>
    %dma_wait3A_624 = arith.constant 0 : i32
    %dma_wait3A_625 = arith.constant 0 : i32
    %dma_wait3A_626 = tpu.memref_slice %arg2[%dma_wait3A_624, %dma_wait3A_625] : memref<10000x128xf32, #tpu.memory_space<hbm>> -> memref<10000x128xf32, #tpu.memory_space<hbm>>
    tpu.wait_indirect_dma semaphore(%arg18 : memref<!tpu.dma_semaphore, #tpu.memory_space<semaphore_mem>>) src(%dma_wait3A_626 : memref<10000x128xf32, #tpu.memory_space<hbm>>) dst(%arg12 : memref<128x128xf32, #tpu.memory_space<vmem>>)
    %dma_start3A_627 = arith.constant 384 : i32
    %dma_start3A_628 = tpu.memref_slice %arg10[%dma_start3A_627] : memref<3328xi32, #tpu.memory_space<vmem>> -> memref<128xi32, #tpu.memory_space<vmem>>
    %dma_start3A_629 = arith.constant 0 : i32
    %dma_start3A_630 = arith.constant 0 : i32
    %dma_start3A_631 = tpu.memref_slice %arg16[%dma_start3A_629, %dma_start3A_630] : memref<10000x128xf32, #tpu.memory_space<vmem_shared>> -> memref<10000x128xf32, #tpu.memory_space<vmem_shared>>
    tpu.enqueue_indirect_dma source(%arg12 : memref<128x128xf32, #tpu.memory_space<vmem>>) target(%dma_start3A_631 : memref<10000x128xf32, #tpu.memory_space<vmem_shared>>) offsets(%dma_start3A_628 : memref<128xi32, #tpu.memory_space<vmem>>) semaphore(%arg19 : memref<!tpu.dma_semaphore, #tpu.memory_space<semaphore_mem>>) {add = true}
    %dma_wait3A_632 = arith.constant 384 : i32
    %dma_wait3A_633 = tpu.memref_slice %arg10[%dma_wait3A_632] : memref<3328xi32, #tpu.memory_space<vmem>> -> memref<128xi32, #tpu.memory_space<vmem>>
    %dma_wait3A_634 = arith.constant 0 : i32
    %dma_wait3A_635 = arith.constant 0 : i32
    %dma_wait3A_636 = tpu.memref_slice %arg16[%dma_wait3A_634, %dma_wait3A_635] : memref<10000x128xf32, #tpu.memory_space<vmem_shared>> -> memref<10000x128xf32, #tpu.memory_space<vmem_shared>>
    tpu.wait_indirect_dma semaphore(%arg19 : memref<!tpu.dma_semaphore, #tpu.memory_space<semaphore_mem>>) src(%arg12 : memref<128x128xf32, #tpu.memory_space<vmem>>) dst(%dma_wait3A_636 : memref<10000x128xf32, #tpu.memory_space<vmem_shared>>)
    %dma_start3A_637 = arith.constant 640 : i32
    %dma_start3A_638 = tpu.memref_slice %arg9[%dma_start3A_637] : memref<3328xi32, #tpu.memory_space<vmem>> -> memref<128xi32, #tpu.memory_space<vmem>>
    %dma_start3A_639 = arith.constant 0 : i32
    %dma_start3A_640 = arith.constant 0 : i32
    %dma_start3A_641 = tpu.memref_slice %arg2[%dma_start3A_639, %dma_start3A_640] : memref<10000x128xf32, #tpu.memory_space<hbm>> -> memref<10000x128xf32, #tpu.memory_space<hbm>>
    tpu.enqueue_indirect_dma source(%dma_start3A_641 : memref<10000x128xf32, #tpu.memory_space<hbm>>) target(%arg12 : memref<128x128xf32, #tpu.memory_space<vmem>>) offsets(%dma_start3A_638 : memref<128xi32, #tpu.memory_space<vmem>>) semaphore(%arg18 : memref<!tpu.dma_semaphore, #tpu.memory_space<semaphore_mem>>)
    %dma_wait3A_642 = arith.constant 512 : i32
    %dma_wait3A_643 = tpu.memref_slice %arg9[%dma_wait3A_642] : memref<3328xi32, #tpu.memory_space<vmem>> -> memref<128xi32, #tpu.memory_space<vmem>>
    %dma_wait3A_644 = arith.constant 0 : i32
    %dma_wait3A_645 = arith.constant 0 : i32
    %dma_wait3A_646 = tpu.memref_slice %arg2[%dma_wait3A_644, %dma_wait3A_645] : memref<10000x128xf32, #tpu.memory_space<hbm>> -> memref<10000x128xf32, #tpu.memory_space<hbm>>
    tpu.wait_indirect_dma semaphore(%arg18 : memref<!tpu.dma_semaphore, #tpu.memory_space<semaphore_mem>>) src(%dma_wait3A_646 : memref<10000x128xf32, #tpu.memory_space<hbm>>) dst(%arg11 : memref<128x128xf32, #tpu.memory_space<vmem>>)
    %dma_start3A_647 = arith.constant 512 : i32
    %dma_start3A_648 = tpu.memref_slice %arg10[%dma_start3A_647] : memref<3328xi32, #tpu.memory_space<vmem>> -> memref<128xi32, #tpu.memory_space<vmem>>
    %dma_start3A_649 = arith.constant 0 : i32
    %dma_start3A_650 = arith.constant 0 : i32
    %dma_start3A_651 = tpu.memref_slice %arg16[%dma_start3A_649, %dma_start3A_650] : memref<10000x128xf32, #tpu.memory_space<vmem_shared>> -> memref<10000x128xf32, #tpu.memory_space<vmem_shared>>
    tpu.enqueue_indirect_dma source(%arg11 : memref<128x128xf32, #tpu.memory_space<vmem>>) target(%dma_start3A_651 : memref<10000x128xf32, #tpu.memory_space<vmem_shared>>) offsets(%dma_start3A_648 : memref<128xi32, #tpu.memory_space<vmem>>) semaphore(%arg19 : memref<!tpu.dma_semaphore, #tpu.memory_space<semaphore_mem>>) {add = true}
    %dma_wait3A_652 = arith.constant 512 : i32
    %dma_wait3A_653 = tpu.memref_slice %arg10[%dma_wait3A_652] : memref<3328xi32, #tpu.memory_space<vmem>> -> memref<128xi32, #tpu.memory_space<vmem>>
    %dma_wait3A_654 = arith.constant 0 : i32
    %dma_wait3A_655 = arith.constant 0 : i32
    %dma_wait3A_656 = tpu.memref_slice %arg16[%dma_wait3A_654, %dma_wait3A_655] : memref<10000x128xf32, #tpu.memory_space<vmem_shared>> -> memref<10000x128xf32, #tpu.memory_space<vmem_shared>>
    tpu.wait_indirect_dma semaphore(%arg19 : memref<!tpu.dma_semaphore, #tpu.memory_space<semaphore_mem>>) src(%arg11 : memref<128x128xf32, #tpu.memory_space<vmem>>) dst(%dma_wait3A_656 : memref<10000x128xf32, #tpu.memory_space<vmem_shared>>)
    %dma_start3A_657 = arith.constant 768 : i32
    %dma_start3A_658 = tpu.memref_slice %arg9[%dma_start3A_657] : memref<3328xi32, #tpu.memory_space<vmem>> -> memref<128xi32, #tpu.memory_space<vmem>>
    %dma_start3A_659 = arith.constant 0 : i32
    %dma_start3A_660 = arith.constant 0 : i32
    %dma_start3A_661 = tpu.memref_slice %arg2[%dma_start3A_659, %dma_start3A_660] : memref<10000x128xf32, #tpu.memory_space<hbm>> -> memref<10000x128xf32, #tpu.memory_space<hbm>>
    tpu.enqueue_indirect_dma source(%dma_start3A_661 : memref<10000x128xf32, #tpu.memory_space<hbm>>) target(%arg11 : memref<128x128xf32, #tpu.memory_space<vmem>>) offsets(%dma_start3A_658 : memref<128xi32, #tpu.memory_space<vmem>>) semaphore(%arg18 : memref<!tpu.dma_semaphore, #tpu.memory_space<semaphore_mem>>)
    %dma_wait3A_662 = arith.constant 640 : i32
    %dma_wait3A_663 = tpu.memref_slice %arg9[%dma_wait3A_662] : memref<3328xi32, #tpu.memory_space<vmem>> -> memref<128xi32, #tpu.memory_space<vmem>>
    %dma_wait3A_664 = arith.constant 0 : i32
    %dma_wait3A_665 = arith.constant 0 : i32
    %dma_wait3A_666 = tpu.memref_slice %arg2[%dma_wait3A_664, %dma_wait3A_665] : memref<10000x128xf32, #tpu.memory_space<hbm>> -> memref<10000x128xf32, #tpu.memory_space<hbm>>
    tpu.wait_indirect_dma semaphore(%arg18 : memref<!tpu.dma_semaphore, #tpu.memory_space<semaphore_mem>>) src(%dma_wait3A_666 : memref<10000x128xf32, #tpu.memory_space<hbm>>) dst(%arg12 : memref<128x128xf32, #tpu.memory_space<vmem>>)
    %dma_start3A_667 = arith.constant 640 : i32
    %dma_start3A_668 = tpu.memref_slice %arg10[%dma_start3A_667] : memref<3328xi32, #tpu.memory_space<vmem>> -> memref<128xi32, #tpu.memory_space<vmem>>
    %dma_start3A_669 = arith.constant 0 : i32
    %dma_start3A_670 = arith.constant 0 : i32
    %dma_start3A_671 = tpu.memref_slice %arg16[%dma_start3A_669, %dma_start3A_670] : memref<10000x128xf32, #tpu.memory_space<vmem_shared>> -> memref<10000x128xf32, #tpu.memory_space<vmem_shared>>
    tpu.enqueue_indirect_dma source(%arg12 : memref<128x128xf32, #tpu.memory_space<vmem>>) target(%dma_start3A_671 : memref<10000x128xf32, #tpu.memory_space<vmem_shared>>) offsets(%dma_start3A_668 : memref<128xi32, #tpu.memory_space<vmem>>) semaphore(%arg19 : memref<!tpu.dma_semaphore, #tpu.memory_space<semaphore_mem>>) {add = true}
    %dma_wait3A_672 = arith.constant 640 : i32
    %dma_wait3A_673 = tpu.memref_slice %arg10[%dma_wait3A_672] : memref<3328xi32, #tpu.memory_space<vmem>> -> memref<128xi32, #tpu.memory_space<vmem>>
    %dma_wait3A_674 = arith.constant 0 : i32
    %dma_wait3A_675 = arith.constant 0 : i32
    %dma_wait3A_676 = tpu.memref_slice %arg16[%dma_wait3A_674, %dma_wait3A_675] : memref<10000x128xf32, #tpu.memory_space<vmem_shared>> -> memref<10000x128xf32, #tpu.memory_space<vmem_shared>>
    tpu.wait_indirect_dma semaphore(%arg19 : memref<!tpu.dma_semaphore, #tpu.memory_space<semaphore_mem>>) src(%arg12 : memref<128x128xf32, #tpu.memory_space<vmem>>) dst(%dma_wait3A_676 : memref<10000x128xf32, #tpu.memory_space<vmem_shared>>)
    %dma_start3A_677 = arith.constant 896 : i32
    %dma_start3A_678 = tpu.memref_slice %arg9[%dma_start3A_677] : memref<3328xi32, #tpu.memory_space<vmem>> -> memref<128xi32, #tpu.memory_space<vmem>>
    %dma_start3A_679 = arith.constant 0 : i32
    %dma_start3A_680 = arith.constant 0 : i32
    %dma_start3A_681 = tpu.memref_slice %arg2[%dma_start3A_679, %dma_start3A_680] : memref<10000x128xf32, #tpu.memory_space<hbm>> -> memref<10000x128xf32, #tpu.memory_space<hbm>>
    tpu.enqueue_indirect_dma source(%dma_start3A_681 : memref<10000x128xf32, #tpu.memory_space<hbm>>) target(%arg12 : memref<128x128xf32, #tpu.memory_space<vmem>>) offsets(%dma_start3A_678 : memref<128xi32, #tpu.memory_space<vmem>>) semaphore(%arg18 : memref<!tpu.dma_semaphore, #tpu.memory_space<semaphore_mem>>)
    %dma_wait3A_682 = arith.constant 768 : i32
    %dma_wait3A_683 = tpu.memref_slice %arg9[%dma_wait3A_682] : memref<3328xi32, #tpu.memory_space<vmem>> -> memref<128xi32, #tpu.memory_space<vmem>>
    %dma_wait3A_684 = arith.constant 0 : i32
    %dma_wait3A_685 = arith.constant 0 : i32
    %dma_wait3A_686 = tpu.memref_slice %arg2[%dma_wait3A_684, %dma_wait3A_685] : memref<10000x128xf32, #tpu.memory_space<hbm>> -> memref<10000x128xf32, #tpu.memory_space<hbm>>
    tpu.wait_indirect_dma semaphore(%arg18 : memref<!tpu.dma_semaphore, #tpu.memory_space<semaphore_mem>>) src(%dma_wait3A_686 : memref<10000x128xf32, #tpu.memory_space<hbm>>) dst(%arg11 : memref<128x128xf32, #tpu.memory_space<vmem>>)
    %dma_start3A_687 = arith.constant 768 : i32
    %dma_start3A_688 = tpu.memref_slice %arg10[%dma_start3A_687] : memref<3328xi32, #tpu.memory_space<vmem>> -> memref<128xi32, #tpu.memory_space<vmem>>
    %dma_start3A_689 = arith.constant 0 : i32
    %dma_start3A_690 = arith.constant 0 : i32
    %dma_start3A_691 = tpu.memref_slice %arg16[%dma_start3A_689, %dma_start3A_690] : memref<10000x128xf32, #tpu.memory_space<vmem_shared>> -> memref<10000x128xf32, #tpu.memory_space<vmem_shared>>
    tpu.enqueue_indirect_dma source(%arg11 : memref<128x128xf32, #tpu.memory_space<vmem>>) target(%dma_start3A_691 : memref<10000x128xf32, #tpu.memory_space<vmem_shared>>) offsets(%dma_start3A_688 : memref<128xi32, #tpu.memory_space<vmem>>) semaphore(%arg19 : memref<!tpu.dma_semaphore, #tpu.memory_space<semaphore_mem>>) {add = true}
    %dma_wait3A_692 = arith.constant 768 : i32
    %dma_wait3A_693 = tpu.memref_slice %arg10[%dma_wait3A_692] : memref<3328xi32, #tpu.memory_space<vmem>> -> memref<128xi32, #tpu.memory_space<vmem>>
    %dma_wait3A_694 = arith.constant 0 : i32
    %dma_wait3A_695 = arith.constant 0 : i32
    %dma_wait3A_696 = tpu.memref_slice %arg16[%dma_wait3A_694, %dma_wait3A_695] : memref<10000x128xf32, #tpu.memory_space<vmem_shared>> -> memref<10000x128xf32, #tpu.memory_space<vmem_shared>>
    tpu.wait_indirect_dma semaphore(%arg19 : memref<!tpu.dma_semaphore, #tpu.memory_space<semaphore_mem>>) src(%arg11 : memref<128x128xf32, #tpu.memory_space<vmem>>) dst(%dma_wait3A_696 : memref<10000x128xf32, #tpu.memory_space<vmem_shared>>)
    %dma_start3A_697 = arith.constant 1024 : i32
    %dma_start3A_698 = tpu.memref_slice %arg9[%dma_start3A_697] : memref<3328xi32, #tpu.memory_space<vmem>> -> memref<128xi32, #tpu.memory_space<vmem>>
    %dma_start3A_699 = arith.constant 0 : i32
    %dma_start3A_700 = arith.constant 0 : i32
    %dma_start3A_701 = tpu.memref_slice %arg2[%dma_start3A_699, %dma_start3A_700] : memref<10000x128xf32, #tpu.memory_space<hbm>> -> memref<10000x128xf32, #tpu.memory_space<hbm>>
    tpu.enqueue_indirect_dma source(%dma_start3A_701 : memref<10000x128xf32, #tpu.memory_space<hbm>>) target(%arg11 : memref<128x128xf32, #tpu.memory_space<vmem>>) offsets(%dma_start3A_698 : memref<128xi32, #tpu.memory_space<vmem>>) semaphore(%arg18 : memref<!tpu.dma_semaphore, #tpu.memory_space<semaphore_mem>>)
    %dma_wait3A_702 = arith.constant 896 : i32
    %dma_wait3A_703 = tpu.memref_slice %arg9[%dma_wait3A_702] : memref<3328xi32, #tpu.memory_space<vmem>> -> memref<128xi32, #tpu.memory_space<vmem>>
    %dma_wait3A_704 = arith.constant 0 : i32
    %dma_wait3A_705 = arith.constant 0 : i32
    %dma_wait3A_706 = tpu.memref_slice %arg2[%dma_wait3A_704, %dma_wait3A_705] : memref<10000x128xf32, #tpu.memory_space<hbm>> -> memref<10000x128xf32, #tpu.memory_space<hbm>>
    tpu.wait_indirect_dma semaphore(%arg18 : memref<!tpu.dma_semaphore, #tpu.memory_space<semaphore_mem>>) src(%dma_wait3A_706 : memref<10000x128xf32, #tpu.memory_space<hbm>>) dst(%arg12 : memref<128x128xf32, #tpu.memory_space<vmem>>)
    %dma_start3A_707 = arith.constant 896 : i32
    %dma_start3A_708 = tpu.memref_slice %arg10[%dma_start3A_707] : memref<3328xi32, #tpu.memory_space<vmem>> -> memref<128xi32, #tpu.memory_space<vmem>>
    %dma_start3A_709 = arith.constant 0 : i32
    %dma_start3A_710 = arith.constant 0 : i32
    %dma_start3A_711 = tpu.memref_slice %arg16[%dma_start3A_709, %dma_start3A_710] : memref<10000x128xf32, #tpu.memory_space<vmem_shared>> -> memref<10000x128xf32, #tpu.memory_space<vmem_shared>>
    tpu.enqueue_indirect_dma source(%arg12 : memref<128x128xf32, #tpu.memory_space<vmem>>) target(%dma_start3A_711 : memref<10000x128xf32, #tpu.memory_space<vmem_shared>>) offsets(%dma_start3A_708 : memref<128xi32, #tpu.memory_space<vmem>>) semaphore(%arg19 : memref<!tpu.dma_semaphore, #tpu.memory_space<semaphore_mem>>) {add = true}
    %dma_wait3A_712 = arith.constant 896 : i32
    %dma_wait3A_713 = tpu.memref_slice %arg10[%dma_wait3A_712] : memref<3328xi32, #tpu.memory_space<vmem>> -> memref<128xi32, #tpu.memory_space<vmem>>
    %dma_wait3A_714 = arith.constant 0 : i32
    %dma_wait3A_715 = arith.constant 0 : i32
    %dma_wait3A_716 = tpu.memref_slice %arg16[%dma_wait3A_714, %dma_wait3A_715] : memref<10000x128xf32, #tpu.memory_space<vmem_shared>> -> memref<10000x128xf32, #tpu.memory_space<vmem_shared>>
    tpu.wait_indirect_dma semaphore(%arg19 : memref<!tpu.dma_semaphore, #tpu.memory_space<semaphore_mem>>) src(%arg12 : memref<128x128xf32, #tpu.memory_space<vmem>>) dst(%dma_wait3A_716 : memref<10000x128xf32, #tpu.memory_space<vmem_shared>>)
    %dma_start3A_717 = arith.constant 1152 : i32
    %dma_start3A_718 = tpu.memref_slice %arg9[%dma_start3A_717] : memref<3328xi32, #tpu.memory_space<vmem>> -> memref<128xi32, #tpu.memory_space<vmem>>
    %dma_start3A_719 = arith.constant 0 : i32
    %dma_start3A_720 = arith.constant 0 : i32
    %dma_start3A_721 = tpu.memref_slice %arg2[%dma_start3A_719, %dma_start3A_720] : memref<10000x128xf32, #tpu.memory_space<hbm>> -> memref<10000x128xf32, #tpu.memory_space<hbm>>
    tpu.enqueue_indirect_dma source(%dma_start3A_721 : memref<10000x128xf32, #tpu.memory_space<hbm>>) target(%arg12 : memref<128x128xf32, #tpu.memory_space<vmem>>) offsets(%dma_start3A_718 : memref<128xi32, #tpu.memory_space<vmem>>) semaphore(%arg18 : memref<!tpu.dma_semaphore, #tpu.memory_space<semaphore_mem>>)
    %dma_wait3A_722 = arith.constant 1024 : i32
    %dma_wait3A_723 = tpu.memref_slice %arg9[%dma_wait3A_722] : memref<3328xi32, #tpu.memory_space<vmem>> -> memref<128xi32, #tpu.memory_space<vmem>>
    %dma_wait3A_724 = arith.constant 0 : i32
    %dma_wait3A_725 = arith.constant 0 : i32
    %dma_wait3A_726 = tpu.memref_slice %arg2[%dma_wait3A_724, %dma_wait3A_725] : memref<10000x128xf32, #tpu.memory_space<hbm>> -> memref<10000x128xf32, #tpu.memory_space<hbm>>
    tpu.wait_indirect_dma semaphore(%arg18 : memref<!tpu.dma_semaphore, #tpu.memory_space<semaphore_mem>>) src(%dma_wait3A_726 : memref<10000x128xf32, #tpu.memory_space<hbm>>) dst(%arg11 : memref<128x128xf32, #tpu.memory_space<vmem>>)
    %dma_start3A_727 = arith.constant 1024 : i32
    %dma_start3A_728 = tpu.memref_slice %arg10[%dma_start3A_727] : memref<3328xi32, #tpu.memory_space<vmem>> -> memref<128xi32, #tpu.memory_space<vmem>>
    %dma_start3A_729 = arith.constant 0 : i32
    %dma_start3A_730 = arith.constant 0 : i32
    %dma_start3A_731 = tpu.memref_slice %arg16[%dma_start3A_729, %dma_start3A_730] : memref<10000x128xf32, #tpu.memory_space<vmem_shared>> -> memref<10000x128xf32, #tpu.memory_space<vmem_shared>>
    tpu.enqueue_indirect_dma source(%arg11 : memref<128x128xf32, #tpu.memory_space<vmem>>) target(%dma_start3A_731 : memref<10000x128xf32, #tpu.memory_space<vmem_shared>>) offsets(%dma_start3A_728 : memref<128xi32, #tpu.memory_space<vmem>>) semaphore(%arg19 : memref<!tpu.dma_semaphore, #tpu.memory_space<semaphore_mem>>) {add = true}
    %dma_wait3A_732 = arith.constant 1024 : i32
    %dma_wait3A_733 = tpu.memref_slice %arg10[%dma_wait3A_732] : memref<3328xi32, #tpu.memory_space<vmem>> -> memref<128xi32, #tpu.memory_space<vmem>>
    %dma_wait3A_734 = arith.constant 0 : i32
    %dma_wait3A_735 = arith.constant 0 : i32
    %dma_wait3A_736 = tpu.memref_slice %arg16[%dma_wait3A_734, %dma_wait3A_735] : memref<10000x128xf32, #tpu.memory_space<vmem_shared>> -> memref<10000x128xf32, #tpu.memory_space<vmem_shared>>
    tpu.wait_indirect_dma semaphore(%arg19 : memref<!tpu.dma_semaphore, #tpu.memory_space<semaphore_mem>>) src(%arg11 : memref<128x128xf32, #tpu.memory_space<vmem>>) dst(%dma_wait3A_736 : memref<10000x128xf32, #tpu.memory_space<vmem_shared>>)
    %dma_start3A_737 = arith.constant 1280 : i32
    %dma_start3A_738 = tpu.memref_slice %arg9[%dma_start3A_737] : memref<3328xi32, #tpu.memory_space<vmem>> -> memref<128xi32, #tpu.memory_space<vmem>>
    %dma_start3A_739 = arith.constant 0 : i32
    %dma_start3A_740 = arith.constant 0 : i32
    %dma_start3A_741 = tpu.memref_slice %arg2[%dma_start3A_739, %dma_start3A_740] : memref<10000x128xf32, #tpu.memory_space<hbm>> -> memref<10000x128xf32, #tpu.memory_space<hbm>>
    tpu.enqueue_indirect_dma source(%dma_start3A_741 : memref<10000x128xf32, #tpu.memory_space<hbm>>) target(%arg11 : memref<128x128xf32, #tpu.memory_space<vmem>>) offsets(%dma_start3A_738 : memref<128xi32, #tpu.memory_space<vmem>>) semaphore(%arg18 : memref<!tpu.dma_semaphore, #tpu.memory_space<semaphore_mem>>)
    %dma_wait3A_742 = arith.constant 1152 : i32
    %dma_wait3A_743 = tpu.memref_slice %arg9[%dma_wait3A_742] : memref<3328xi32, #tpu.memory_space<vmem>> -> memref<128xi32, #tpu.memory_space<vmem>>
    %dma_wait3A_744 = arith.constant 0 : i32
    %dma_wait3A_745 = arith.constant 0 : i32
    %dma_wait3A_746 = tpu.memref_slice %arg2[%dma_wait3A_744, %dma_wait3A_745] : memref<10000x128xf32, #tpu.memory_space<hbm>> -> memref<10000x128xf32, #tpu.memory_space<hbm>>
    tpu.wait_indirect_dma semaphore(%arg18 : memref<!tpu.dma_semaphore, #tpu.memory_space<semaphore_mem>>) src(%dma_wait3A_746 : memref<10000x128xf32, #tpu.memory_space<hbm>>) dst(%arg12 : memref<128x128xf32, #tpu.memory_space<vmem>>)
    %dma_start3A_747 = arith.constant 1152 : i32
    %dma_start3A_748 = tpu.memref_slice %arg10[%dma_start3A_747] : memref<3328xi32, #tpu.memory_space<vmem>> -> memref<128xi32, #tpu.memory_space<vmem>>
    %dma_start3A_749 = arith.constant 0 : i32
    %dma_start3A_750 = arith.constant 0 : i32
    %dma_start3A_751 = tpu.memref_slice %arg16[%dma_start3A_749, %dma_start3A_750] : memref<10000x128xf32, #tpu.memory_space<vmem_shared>> -> memref<10000x128xf32, #tpu.memory_space<vmem_shared>>
    tpu.enqueue_indirect_dma source(%arg12 : memref<128x128xf32, #tpu.memory_space<vmem>>) target(%dma_start3A_751 : memref<10000x128xf32, #tpu.memory_space<vmem_shared>>) offsets(%dma_start3A_748 : memref<128xi32, #tpu.memory_space<vmem>>) semaphore(%arg19 : memref<!tpu.dma_semaphore, #tpu.memory_space<semaphore_mem>>) {add = true}
    %dma_wait3A_752 = arith.constant 1152 : i32
    %dma_wait3A_753 = tpu.memref_slice %arg10[%dma_wait3A_752] : memref<3328xi32, #tpu.memory_space<vmem>> -> memref<128xi32, #tpu.memory_space<vmem>>
    %dma_wait3A_754 = arith.constant 0 : i32
    %dma_wait3A_755 = arith.constant 0 : i32
    %dma_wait3A_756 = tpu.memref_slice %arg16[%dma_wait3A_754, %dma_wait3A_755] : memref<10000x128xf32, #tpu.memory_space<vmem_shared>> -> memref<10000x128xf32, #tpu.memory_space<vmem_shared>>
    tpu.wait_indirect_dma semaphore(%arg19 : memref<!tpu.dma_semaphore, #tpu.memory_space<semaphore_mem>>) src(%arg12 : memref<128x128xf32, #tpu.memory_space<vmem>>) dst(%dma_wait3A_756 : memref<10000x128xf32, #tpu.memory_space<vmem_shared>>)
    %dma_start3A_757 = arith.constant 1408 : i32
    %dma_start3A_758 = tpu.memref_slice %arg9[%dma_start3A_757] : memref<3328xi32, #tpu.memory_space<vmem>> -> memref<128xi32, #tpu.memory_space<vmem>>
    %dma_start3A_759 = arith.constant 0 : i32
    %dma_start3A_760 = arith.constant 0 : i32
    %dma_start3A_761 = tpu.memref_slice %arg2[%dma_start3A_759, %dma_start3A_760] : memref<10000x128xf32, #tpu.memory_space<hbm>> -> memref<10000x128xf32, #tpu.memory_space<hbm>>
    tpu.enqueue_indirect_dma source(%dma_start3A_761 : memref<10000x128xf32, #tpu.memory_space<hbm>>) target(%arg12 : memref<128x128xf32, #tpu.memory_space<vmem>>) offsets(%dma_start3A_758 : memref<128xi32, #tpu.memory_space<vmem>>) semaphore(%arg18 : memref<!tpu.dma_semaphore, #tpu.memory_space<semaphore_mem>>)
    %dma_wait3A_762 = arith.constant 1280 : i32
    %dma_wait3A_763 = tpu.memref_slice %arg9[%dma_wait3A_762] : memref<3328xi32, #tpu.memory_space<vmem>> -> memref<128xi32, #tpu.memory_space<vmem>>
    %dma_wait3A_764 = arith.constant 0 : i32
    %dma_wait3A_765 = arith.constant 0 : i32
    %dma_wait3A_766 = tpu.memref_slice %arg2[%dma_wait3A_764, %dma_wait3A_765] : memref<10000x128xf32, #tpu.memory_space<hbm>> -> memref<10000x128xf32, #tpu.memory_space<hbm>>
    tpu.wait_indirect_dma semaphore(%arg18 : memref<!tpu.dma_semaphore, #tpu.memory_space<semaphore_mem>>) src(%dma_wait3A_766 : memref<10000x128xf32, #tpu.memory_space<hbm>>) dst(%arg11 : memref<128x128xf32, #tpu.memory_space<vmem>>)
    %dma_start3A_767 = arith.constant 1280 : i32
    %dma_start3A_768 = tpu.memref_slice %arg10[%dma_start3A_767] : memref<3328xi32, #tpu.memory_space<vmem>> -> memref<128xi32, #tpu.memory_space<vmem>>
    %dma_start3A_769 = arith.constant 0 : i32
    %dma_start3A_770 = arith.constant 0 : i32
    %dma_start3A_771 = tpu.memref_slice %arg16[%dma_start3A_769, %dma_start3A_770] : memref<10000x128xf32, #tpu.memory_space<vmem_shared>> -> memref<10000x128xf32, #tpu.memory_space<vmem_shared>>
    tpu.enqueue_indirect_dma source(%arg11 : memref<128x128xf32, #tpu.memory_space<vmem>>) target(%dma_start3A_771 : memref<10000x128xf32, #tpu.memory_space<vmem_shared>>) offsets(%dma_start3A_768 : memref<128xi32, #tpu.memory_space<vmem>>) semaphore(%arg19 : memref<!tpu.dma_semaphore, #tpu.memory_space<semaphore_mem>>) {add = true}
    %dma_wait3A_772 = arith.constant 1280 : i32
    %dma_wait3A_773 = tpu.memref_slice %arg10[%dma_wait3A_772] : memref<3328xi32, #tpu.memory_space<vmem>> -> memref<128xi32, #tpu.memory_space<vmem>>
    %dma_wait3A_774 = arith.constant 0 : i32
    %dma_wait3A_775 = arith.constant 0 : i32
    %dma_wait3A_776 = tpu.memref_slice %arg16[%dma_wait3A_774, %dma_wait3A_775] : memref<10000x128xf32, #tpu.memory_space<vmem_shared>> -> memref<10000x128xf32, #tpu.memory_space<vmem_shared>>
    tpu.wait_indirect_dma semaphore(%arg19 : memref<!tpu.dma_semaphore, #tpu.memory_space<semaphore_mem>>) src(%arg11 : memref<128x128xf32, #tpu.memory_space<vmem>>) dst(%dma_wait3A_776 : memref<10000x128xf32, #tpu.memory_space<vmem_shared>>)
    %dma_start3A_777 = arith.constant 1536 : i32
    %dma_start3A_778 = tpu.memref_slice %arg9[%dma_start3A_777] : memref<3328xi32, #tpu.memory_space<vmem>> -> memref<128xi32, #tpu.memory_space<vmem>>
    %dma_start3A_779 = arith.constant 0 : i32
    %dma_start3A_780 = arith.constant 0 : i32
    %dma_start3A_781 = tpu.memref_slice %arg2[%dma_start3A_779, %dma_start3A_780] : memref<10000x128xf32, #tpu.memory_space<hbm>> -> memref<10000x128xf32, #tpu.memory_space<hbm>>
    tpu.enqueue_indirect_dma source(%dma_start3A_781 : memref<10000x128xf32, #tpu.memory_space<hbm>>) target(%arg11 : memref<128x128xf32, #tpu.memory_space<vmem>>) offsets(%dma_start3A_778 : memref<128xi32, #tpu.memory_space<vmem>>) semaphore(%arg18 : memref<!tpu.dma_semaphore, #tpu.memory_space<semaphore_mem>>)
    %dma_wait3A_782 = arith.constant 1408 : i32
    %dma_wait3A_783 = tpu.memref_slice %arg9[%dma_wait3A_782] : memref<3328xi32, #tpu.memory_space<vmem>> -> memref<128xi32, #tpu.memory_space<vmem>>
    %dma_wait3A_784 = arith.constant 0 : i32
    %dma_wait3A_785 = arith.constant 0 : i32
    %dma_wait3A_786 = tpu.memref_slice %arg2[%dma_wait3A_784, %dma_wait3A_785] : memref<10000x128xf32, #tpu.memory_space<hbm>> -> memref<10000x128xf32, #tpu.memory_space<hbm>>
    tpu.wait_indirect_dma semaphore(%arg18 : memref<!tpu.dma_semaphore, #tpu.memory_space<semaphore_mem>>) src(%dma_wait3A_786 : memref<10000x128xf32, #tpu.memory_space<hbm>>) dst(%arg12 : memref<128x128xf32, #tpu.memory_space<vmem>>)
    %dma_start3A_787 = arith.constant 1408 : i32
    %dma_start3A_788 = tpu.memref_slice %arg10[%dma_start3A_787] : memref<3328xi32, #tpu.memory_space<vmem>> -> memref<128xi32, #tpu.memory_space<vmem>>
    %dma_start3A_789 = arith.constant 0 : i32
    %dma_start3A_790 = arith.constant 0 : i32
    %dma_start3A_791 = tpu.memref_slice %arg16[%dma_start3A_789, %dma_start3A_790] : memref<10000x128xf32, #tpu.memory_space<vmem_shared>> -> memref<10000x128xf32, #tpu.memory_space<vmem_shared>>
    tpu.enqueue_indirect_dma source(%arg12 : memref<128x128xf32, #tpu.memory_space<vmem>>) target(%dma_start3A_791 : memref<10000x128xf32, #tpu.memory_space<vmem_shared>>) offsets(%dma_start3A_788 : memref<128xi32, #tpu.memory_space<vmem>>) semaphore(%arg19 : memref<!tpu.dma_semaphore, #tpu.memory_space<semaphore_mem>>) {add = true}
    %dma_wait3A_792 = arith.constant 1408 : i32
    %dma_wait3A_793 = tpu.memref_slice %arg10[%dma_wait3A_792] : memref<3328xi32, #tpu.memory_space<vmem>> -> memref<128xi32, #tpu.memory_space<vmem>>
    %dma_wait3A_794 = arith.constant 0 : i32
    %dma_wait3A_795 = arith.constant 0 : i32
    %dma_wait3A_796 = tpu.memref_slice %arg16[%dma_wait3A_794, %dma_wait3A_795] : memref<10000x128xf32, #tpu.memory_space<vmem_shared>> -> memref<10000x128xf32, #tpu.memory_space<vmem_shared>>
    tpu.wait_indirect_dma semaphore(%arg19 : memref<!tpu.dma_semaphore, #tpu.memory_space<semaphore_mem>>) src(%arg12 : memref<128x128xf32, #tpu.memory_space<vmem>>) dst(%dma_wait3A_796 : memref<10000x128xf32, #tpu.memory_space<vmem_shared>>)
    %dma_start3A_797 = arith.constant 1664 : i32
    %dma_start3A_798 = tpu.memref_slice %arg9[%dma_start3A_797] : memref<3328xi32, #tpu.memory_space<vmem>> -> memref<128xi32, #tpu.memory_space<vmem>>
    %dma_start3A_799 = arith.constant 0 : i32
    %dma_start3A_800 = arith.constant 0 : i32
    %dma_start3A_801 = tpu.memref_slice %arg2[%dma_start3A_799, %dma_start3A_800] : memref<10000x128xf32, #tpu.memory_space<hbm>> -> memref<10000x128xf32, #tpu.memory_space<hbm>>
    tpu.enqueue_indirect_dma source(%dma_start3A_801 : memref<10000x128xf32, #tpu.memory_space<hbm>>) target(%arg12 : memref<128x128xf32, #tpu.memory_space<vmem>>) offsets(%dma_start3A_798 : memref<128xi32, #tpu.memory_space<vmem>>) semaphore(%arg18 : memref<!tpu.dma_semaphore, #tpu.memory_space<semaphore_mem>>)
    %dma_wait3A_802 = arith.constant 1536 : i32
    %dma_wait3A_803 = tpu.memref_slice %arg9[%dma_wait3A_802] : memref<3328xi32, #tpu.memory_space<vmem>> -> memref<128xi32, #tpu.memory_space<vmem>>
    %dma_wait3A_804 = arith.constant 0 : i32
    %dma_wait3A_805 = arith.constant 0 : i32
    %dma_wait3A_806 = tpu.memref_slice %arg2[%dma_wait3A_804, %dma_wait3A_805] : memref<10000x128xf32, #tpu.memory_space<hbm>> -> memref<10000x128xf32, #tpu.memory_space<hbm>>
    tpu.wait_indirect_dma semaphore(%arg18 : memref<!tpu.dma_semaphore, #tpu.memory_space<semaphore_mem>>) src(%dma_wait3A_806 : memref<10000x128xf32, #tpu.memory_space<hbm>>) dst(%arg11 : memref<128x128xf32, #tpu.memory_space<vmem>>)
    %dma_start3A_807 = arith.constant 1536 : i32
    %dma_start3A_808 = tpu.memref_slice %arg10[%dma_start3A_807] : memref<3328xi32, #tpu.memory_space<vmem>> -> memref<128xi32, #tpu.memory_space<vmem>>
    %dma_start3A_809 = arith.constant 0 : i32
    %dma_start3A_810 = arith.constant 0 : i32
    %dma_start3A_811 = tpu.memref_slice %arg16[%dma_start3A_809, %dma_start3A_810] : memref<10000x128xf32, #tpu.memory_space<vmem_shared>> -> memref<10000x128xf32, #tpu.memory_space<vmem_shared>>
    tpu.enqueue_indirect_dma source(%arg11 : memref<128x128xf32, #tpu.memory_space<vmem>>) target(%dma_start3A_811 : memref<10000x128xf32, #tpu.memory_space<vmem_shared>>) offsets(%dma_start3A_808 : memref<128xi32, #tpu.memory_space<vmem>>) semaphore(%arg19 : memref<!tpu.dma_semaphore, #tpu.memory_space<semaphore_mem>>) {add = true}
    %dma_wait3A_812 = arith.constant 1536 : i32
    %dma_wait3A_813 = tpu.memref_slice %arg10[%dma_wait3A_812] : memref<3328xi32, #tpu.memory_space<vmem>> -> memref<128xi32, #tpu.memory_space<vmem>>
    %dma_wait3A_814 = arith.constant 0 : i32
    %dma_wait3A_815 = arith.constant 0 : i32
    %dma_wait3A_816 = tpu.memref_slice %arg16[%dma_wait3A_814, %dma_wait3A_815] : memref<10000x128xf32, #tpu.memory_space<vmem_shared>> -> memref<10000x128xf32, #tpu.memory_space<vmem_shared>>
    tpu.wait_indirect_dma semaphore(%arg19 : memref<!tpu.dma_semaphore, #tpu.memory_space<semaphore_mem>>) src(%arg11 : memref<128x128xf32, #tpu.memory_space<vmem>>) dst(%dma_wait3A_816 : memref<10000x128xf32, #tpu.memory_space<vmem_shared>>)
    %dma_start3A_817 = arith.constant 1792 : i32
    %dma_start3A_818 = tpu.memref_slice %arg9[%dma_start3A_817] : memref<3328xi32, #tpu.memory_space<vmem>> -> memref<128xi32, #tpu.memory_space<vmem>>
    %dma_start3A_819 = arith.constant 0 : i32
    %dma_start3A_820 = arith.constant 0 : i32
    %dma_start3A_821 = tpu.memref_slice %arg2[%dma_start3A_819, %dma_start3A_820] : memref<10000x128xf32, #tpu.memory_space<hbm>> -> memref<10000x128xf32, #tpu.memory_space<hbm>>
    tpu.enqueue_indirect_dma source(%dma_start3A_821 : memref<10000x128xf32, #tpu.memory_space<hbm>>) target(%arg11 : memref<128x128xf32, #tpu.memory_space<vmem>>) offsets(%dma_start3A_818 : memref<128xi32, #tpu.memory_space<vmem>>) semaphore(%arg18 : memref<!tpu.dma_semaphore, #tpu.memory_space<semaphore_mem>>)
    %dma_wait3A_822 = arith.constant 1664 : i32
    %dma_wait3A_823 = tpu.memref_slice %arg9[%dma_wait3A_822] : memref<3328xi32, #tpu.memory_space<vmem>> -> memref<128xi32, #tpu.memory_space<vmem>>
    %dma_wait3A_824 = arith.constant 0 : i32
    %dma_wait3A_825 = arith.constant 0 : i32
    %dma_wait3A_826 = tpu.memref_slice %arg2[%dma_wait3A_824, %dma_wait3A_825] : memref<10000x128xf32, #tpu.memory_space<hbm>> -> memref<10000x128xf32, #tpu.memory_space<hbm>>
    tpu.wait_indirect_dma semaphore(%arg18 : memref<!tpu.dma_semaphore, #tpu.memory_space<semaphore_mem>>) src(%dma_wait3A_826 : memref<10000x128xf32, #tpu.memory_space<hbm>>) dst(%arg12 : memref<128x128xf32, #tpu.memory_space<vmem>>)
    %dma_start3A_827 = arith.constant 1664 : i32
    %dma_start3A_828 = tpu.memref_slice %arg10[%dma_start3A_827] : memref<3328xi32, #tpu.memory_space<vmem>> -> memref<128xi32, #tpu.memory_space<vmem>>
    %dma_start3A_829 = arith.constant 0 : i32
    %dma_start3A_830 = arith.constant 0 : i32
    %dma_start3A_831 = tpu.memref_slice %arg16[%dma_start3A_829, %dma_start3A_830] : memref<10000x128xf32, #tpu.memory_space<vmem_shared>> -> memref<10000x128xf32, #tpu.memory_space<vmem_shared>>
    tpu.enqueue_indirect_dma source(%arg12 : memref<128x128xf32, #tpu.memory_space<vmem>>) target(%dma_start3A_831 : memref<10000x128xf32, #tpu.memory_space<vmem_shared>>) offsets(%dma_start3A_828 : memref<128xi32, #tpu.memory_space<vmem>>) semaphore(%arg19 : memref<!tpu.dma_semaphore, #tpu.memory_space<semaphore_mem>>) {add = true}
    %dma_wait3A_832 = arith.constant 1664 : i32
    %dma_wait3A_833 = tpu.memref_slice %arg10[%dma_wait3A_832] : memref<3328xi32, #tpu.memory_space<vmem>> -> memref<128xi32, #tpu.memory_space<vmem>>
    %dma_wait3A_834 = arith.constant 0 : i32
    %dma_wait3A_835 = arith.constant 0 : i32
    %dma_wait3A_836 = tpu.memref_slice %arg16[%dma_wait3A_834, %dma_wait3A_835] : memref<10000x128xf32, #tpu.memory_space<vmem_shared>> -> memref<10000x128xf32, #tpu.memory_space<vmem_shared>>
    tpu.wait_indirect_dma semaphore(%arg19 : memref<!tpu.dma_semaphore, #tpu.memory_space<semaphore_mem>>) src(%arg12 : memref<128x128xf32, #tpu.memory_space<vmem>>) dst(%dma_wait3A_836 : memref<10000x128xf32, #tpu.memory_space<vmem_shared>>)
    %dma_start3A_837 = arith.constant 1920 : i32
    %dma_start3A_838 = tpu.memref_slice %arg9[%dma_start3A_837] : memref<3328xi32, #tpu.memory_space<vmem>> -> memref<128xi32, #tpu.memory_space<vmem>>
    %dma_start3A_839 = arith.constant 0 : i32
    %dma_start3A_840 = arith.constant 0 : i32
    %dma_start3A_841 = tpu.memref_slice %arg2[%dma_start3A_839, %dma_start3A_840] : memref<10000x128xf32, #tpu.memory_space<hbm>> -> memref<10000x128xf32, #tpu.memory_space<hbm>>
    tpu.enqueue_indirect_dma source(%dma_start3A_841 : memref<10000x128xf32, #tpu.memory_space<hbm>>) target(%arg12 : memref<128x128xf32, #tpu.memory_space<vmem>>) offsets(%dma_start3A_838 : memref<128xi32, #tpu.memory_space<vmem>>) semaphore(%arg18 : memref<!tpu.dma_semaphore, #tpu.memory_space<semaphore_mem>>)
    %dma_wait3A_842 = arith.constant 1792 : i32
    %dma_wait3A_843 = tpu.memref_slice %arg9[%dma_wait3A_842] : memref<3328xi32, #tpu.memory_space<vmem>> -> memref<128xi32, #tpu.memory_space<vmem>>
    %dma_wait3A_844 = arith.constant 0 : i32
    %dma_wait3A_845 = arith.constant 0 : i32
    %dma_wait3A_846 = tpu.memref_slice %arg2[%dma_wait3A_844, %dma_wait3A_845] : memref<10000x128xf32, #tpu.memory_space<hbm>> -> memref<10000x128xf32, #tpu.memory_space<hbm>>
    tpu.wait_indirect_dma semaphore(%arg18 : memref<!tpu.dma_semaphore, #tpu.memory_space<semaphore_mem>>) src(%dma_wait3A_846 : memref<10000x128xf32, #tpu.memory_space<hbm>>) dst(%arg11 : memref<128x128xf32, #tpu.memory_space<vmem>>)
    %dma_start3A_847 = arith.constant 1792 : i32
    %dma_start3A_848 = tpu.memref_slice %arg10[%dma_start3A_847] : memref<3328xi32, #tpu.memory_space<vmem>> -> memref<128xi32, #tpu.memory_space<vmem>>
    %dma_start3A_849 = arith.constant 0 : i32
    %dma_start3A_850 = arith.constant 0 : i32
    %dma_start3A_851 = tpu.memref_slice %arg16[%dma_start3A_849, %dma_start3A_850] : memref<10000x128xf32, #tpu.memory_space<vmem_shared>> -> memref<10000x128xf32, #tpu.memory_space<vmem_shared>>
    tpu.enqueue_indirect_dma source(%arg11 : memref<128x128xf32, #tpu.memory_space<vmem>>) target(%dma_start3A_851 : memref<10000x128xf32, #tpu.memory_space<vmem_shared>>) offsets(%dma_start3A_848 : memref<128xi32, #tpu.memory_space<vmem>>) semaphore(%arg19 : memref<!tpu.dma_semaphore, #tpu.memory_space<semaphore_mem>>) {add = true}
    %dma_wait3A_852 = arith.constant 1792 : i32
    %dma_wait3A_853 = tpu.memref_slice %arg10[%dma_wait3A_852] : memref<3328xi32, #tpu.memory_space<vmem>> -> memref<128xi32, #tpu.memory_space<vmem>>
    %dma_wait3A_854 = arith.constant 0 : i32
    %dma_wait3A_855 = arith.constant 0 : i32
    %dma_wait3A_856 = tpu.memref_slice %arg16[%dma_wait3A_854, %dma_wait3A_855] : memref<10000x128xf32, #tpu.memory_space<vmem_shared>> -> memref<10000x128xf32, #tpu.memory_space<vmem_shared>>
    tpu.wait_indirect_dma semaphore(%arg19 : memref<!tpu.dma_semaphore, #tpu.memory_space<semaphore_mem>>) src(%arg11 : memref<128x128xf32, #tpu.memory_space<vmem>>) dst(%dma_wait3A_856 : memref<10000x128xf32, #tpu.memory_space<vmem_shared>>)
    %dma_start3A_857 = arith.constant 2048 : i32
    %dma_start3A_858 = tpu.memref_slice %arg9[%dma_start3A_857] : memref<3328xi32, #tpu.memory_space<vmem>> -> memref<128xi32, #tpu.memory_space<vmem>>
    %dma_start3A_859 = arith.constant 0 : i32
    %dma_start3A_860 = arith.constant 0 : i32
    %dma_start3A_861 = tpu.memref_slice %arg2[%dma_start3A_859, %dma_start3A_860] : memref<10000x128xf32, #tpu.memory_space<hbm>> -> memref<10000x128xf32, #tpu.memory_space<hbm>>
    tpu.enqueue_indirect_dma source(%dma_start3A_861 : memref<10000x128xf32, #tpu.memory_space<hbm>>) target(%arg11 : memref<128x128xf32, #tpu.memory_space<vmem>>) offsets(%dma_start3A_858 : memref<128xi32, #tpu.memory_space<vmem>>) semaphore(%arg18 : memref<!tpu.dma_semaphore, #tpu.memory_space<semaphore_mem>>)
    %dma_wait3A_862 = arith.constant 1920 : i32
    %dma_wait3A_863 = tpu.memref_slice %arg9[%dma_wait3A_862] : memref<3328xi32, #tpu.memory_space<vmem>> -> memref<128xi32, #tpu.memory_space<vmem>>
    %dma_wait3A_864 = arith.constant 0 : i32
    %dma_wait3A_865 = arith.constant 0 : i32
    %dma_wait3A_866 = tpu.memref_slice %arg2[%dma_wait3A_864, %dma_wait3A_865] : memref<10000x128xf32, #tpu.memory_space<hbm>> -> memref<10000x128xf32, #tpu.memory_space<hbm>>
    tpu.wait_indirect_dma semaphore(%arg18 : memref<!tpu.dma_semaphore, #tpu.memory_space<semaphore_mem>>) src(%dma_wait3A_866 : memref<10000x128xf32, #tpu.memory_space<hbm>>) dst(%arg12 : memref<128x128xf32, #tpu.memory_space<vmem>>)
    %dma_start3A_867 = arith.constant 1920 : i32
    %dma_start3A_868 = tpu.memref_slice %arg10[%dma_start3A_867] : memref<3328xi32, #tpu.memory_space<vmem>> -> memref<128xi32, #tpu.memory_space<vmem>>
    %dma_start3A_869 = arith.constant 0 : i32
    %dma_start3A_870 = arith.constant 0 : i32
    %dma_start3A_871 = tpu.memref_slice %arg16[%dma_start3A_869, %dma_start3A_870] : memref<10000x128xf32, #tpu.memory_space<vmem_shared>> -> memref<10000x128xf32, #tpu.memory_space<vmem_shared>>
    tpu.enqueue_indirect_dma source(%arg12 : memref<128x128xf32, #tpu.memory_space<vmem>>) target(%dma_start3A_871 : memref<10000x128xf32, #tpu.memory_space<vmem_shared>>) offsets(%dma_start3A_868 : memref<128xi32, #tpu.memory_space<vmem>>) semaphore(%arg19 : memref<!tpu.dma_semaphore, #tpu.memory_space<semaphore_mem>>) {add = true}
    %dma_wait3A_872 = arith.constant 1920 : i32
    %dma_wait3A_873 = tpu.memref_slice %arg10[%dma_wait3A_872] : memref<3328xi32, #tpu.memory_space<vmem>> -> memref<128xi32, #tpu.memory_space<vmem>>
    %dma_wait3A_874 = arith.constant 0 : i32
    %dma_wait3A_875 = arith.constant 0 : i32
    %dma_wait3A_876 = tpu.memref_slice %arg16[%dma_wait3A_874, %dma_wait3A_875] : memref<10000x128xf32, #tpu.memory_space<vmem_shared>> -> memref<10000x128xf32, #tpu.memory_space<vmem_shared>>
    tpu.wait_indirect_dma semaphore(%arg19 : memref<!tpu.dma_semaphore, #tpu.memory_space<semaphore_mem>>) src(%arg12 : memref<128x128xf32, #tpu.memory_space<vmem>>) dst(%dma_wait3A_876 : memref<10000x128xf32, #tpu.memory_space<vmem_shared>>)
    %dma_start3A_877 = arith.constant 2176 : i32
    %dma_start3A_878 = tpu.memref_slice %arg9[%dma_start3A_877] : memref<3328xi32, #tpu.memory_space<vmem>> -> memref<128xi32, #tpu.memory_space<vmem>>
    %dma_start3A_879 = arith.constant 0 : i32
    %dma_start3A_880 = arith.constant 0 : i32
    %dma_start3A_881 = tpu.memref_slice %arg2[%dma_start3A_879, %dma_start3A_880] : memref<10000x128xf32, #tpu.memory_space<hbm>> -> memref<10000x128xf32, #tpu.memory_space<hbm>>
    tpu.enqueue_indirect_dma source(%dma_start3A_881 : memref<10000x128xf32, #tpu.memory_space<hbm>>) target(%arg12 : memref<128x128xf32, #tpu.memory_space<vmem>>) offsets(%dma_start3A_878 : memref<128xi32, #tpu.memory_space<vmem>>) semaphore(%arg18 : memref<!tpu.dma_semaphore, #tpu.memory_space<semaphore_mem>>)
    %dma_wait3A_882 = arith.constant 2048 : i32
    %dma_wait3A_883 = tpu.memref_slice %arg9[%dma_wait3A_882] : memref<3328xi32, #tpu.memory_space<vmem>> -> memref<128xi32, #tpu.memory_space<vmem>>
    %dma_wait3A_884 = arith.constant 0 : i32
    %dma_wait3A_885 = arith.constant 0 : i32
    %dma_wait3A_886 = tpu.memref_slice %arg2[%dma_wait3A_884, %dma_wait3A_885] : memref<10000x128xf32, #tpu.memory_space<hbm>> -> memref<10000x128xf32, #tpu.memory_space<hbm>>
    tpu.wait_indirect_dma semaphore(%arg18 : memref<!tpu.dma_semaphore, #tpu.memory_space<semaphore_mem>>) src(%dma_wait3A_886 : memref<10000x128xf32, #tpu.memory_space<hbm>>) dst(%arg11 : memref<128x128xf32, #tpu.memory_space<vmem>>)
    %dma_start3A_887 = arith.constant 2048 : i32
    %dma_start3A_888 = tpu.memref_slice %arg10[%dma_start3A_887] : memref<3328xi32, #tpu.memory_space<vmem>> -> memref<128xi32, #tpu.memory_space<vmem>>
    %dma_start3A_889 = arith.constant 0 : i32
    %dma_start3A_890 = arith.constant 0 : i32
    %dma_start3A_891 = tpu.memref_slice %arg16[%dma_start3A_889, %dma_start3A_890] : memref<10000x128xf32, #tpu.memory_space<vmem_shared>> -> memref<10000x128xf32, #tpu.memory_space<vmem_shared>>
    tpu.enqueue_indirect_dma source(%arg11 : memref<128x128xf32, #tpu.memory_space<vmem>>) target(%dma_start3A_891 : memref<10000x128xf32, #tpu.memory_space<vmem_shared>>) offsets(%dma_start3A_888 : memref<128xi32, #tpu.memory_space<vmem>>) semaphore(%arg19 : memref<!tpu.dma_semaphore, #tpu.memory_space<semaphore_mem>>) {add = true}
    %dma_wait3A_892 = arith.constant 2048 : i32
    %dma_wait3A_893 = tpu.memref_slice %arg10[%dma_wait3A_892] : memref<3328xi32, #tpu.memory_space<vmem>> -> memref<128xi32, #tpu.memory_space<vmem>>
    %dma_wait3A_894 = arith.constant 0 : i32
    %dma_wait3A_895 = arith.constant 0 : i32
    %dma_wait3A_896 = tpu.memref_slice %arg16[%dma_wait3A_894, %dma_wait3A_895] : memref<10000x128xf32, #tpu.memory_space<vmem_shared>> -> memref<10000x128xf32, #tpu.memory_space<vmem_shared>>
    tpu.wait_indirect_dma semaphore(%arg19 : memref<!tpu.dma_semaphore, #tpu.memory_space<semaphore_mem>>) src(%arg11 : memref<128x128xf32, #tpu.memory_space<vmem>>) dst(%dma_wait3A_896 : memref<10000x128xf32, #tpu.memory_space<vmem_shared>>)
    %dma_start3A_897 = arith.constant 2304 : i32
    %dma_start3A_898 = tpu.memref_slice %arg9[%dma_start3A_897] : memref<3328xi32, #tpu.memory_space<vmem>> -> memref<128xi32, #tpu.memory_space<vmem>>
    %dma_start3A_899 = arith.constant 0 : i32
    %dma_start3A_900 = arith.constant 0 : i32
    %dma_start3A_901 = tpu.memref_slice %arg2[%dma_start3A_899, %dma_start3A_900] : memref<10000x128xf32, #tpu.memory_space<hbm>> -> memref<10000x128xf32, #tpu.memory_space<hbm>>
    tpu.enqueue_indirect_dma source(%dma_start3A_901 : memref<10000x128xf32, #tpu.memory_space<hbm>>) target(%arg11 : memref<128x128xf32, #tpu.memory_space<vmem>>) offsets(%dma_start3A_898 : memref<128xi32, #tpu.memory_space<vmem>>) semaphore(%arg18 : memref<!tpu.dma_semaphore, #tpu.memory_space<semaphore_mem>>)
    %dma_wait3A_902 = arith.constant 2176 : i32
    %dma_wait3A_903 = tpu.memref_slice %arg9[%dma_wait3A_902] : memref<3328xi32, #tpu.memory_space<vmem>> -> memref<128xi32, #tpu.memory_space<vmem>>
    %dma_wait3A_904 = arith.constant 0 : i32
    %dma_wait3A_905 = arith.constant 0 : i32
    %dma_wait3A_906 = tpu.memref_slice %arg2[%dma_wait3A_904, %dma_wait3A_905] : memref<10000x128xf32, #tpu.memory_space<hbm>> -> memref<10000x128xf32, #tpu.memory_space<hbm>>
    tpu.wait_indirect_dma semaphore(%arg18 : memref<!tpu.dma_semaphore, #tpu.memory_space<semaphore_mem>>) src(%dma_wait3A_906 : memref<10000x128xf32, #tpu.memory_space<hbm>>) dst(%arg12 : memref<128x128xf32, #tpu.memory_space<vmem>>)
    %dma_start3A_907 = arith.constant 2176 : i32
    %dma_start3A_908 = tpu.memref_slice %arg10[%dma_start3A_907] : memref<3328xi32, #tpu.memory_space<vmem>> -> memref<128xi32, #tpu.memory_space<vmem>>
    %dma_start3A_909 = arith.constant 0 : i32
    %dma_start3A_910 = arith.constant 0 : i32
    %dma_start3A_911 = tpu.memref_slice %arg16[%dma_start3A_909, %dma_start3A_910] : memref<10000x128xf32, #tpu.memory_space<vmem_shared>> -> memref<10000x128xf32, #tpu.memory_space<vmem_shared>>
    tpu.enqueue_indirect_dma source(%arg12 : memref<128x128xf32, #tpu.memory_space<vmem>>) target(%dma_start3A_911 : memref<10000x128xf32, #tpu.memory_space<vmem_shared>>) offsets(%dma_start3A_908 : memref<128xi32, #tpu.memory_space<vmem>>) semaphore(%arg19 : memref<!tpu.dma_semaphore, #tpu.memory_space<semaphore_mem>>) {add = true}
    %dma_wait3A_912 = arith.constant 2176 : i32
    %dma_wait3A_913 = tpu.memref_slice %arg10[%dma_wait3A_912] : memref<3328xi32, #tpu.memory_space<vmem>> -> memref<128xi32, #tpu.memory_space<vmem>>
    %dma_wait3A_914 = arith.constant 0 : i32
    %dma_wait3A_915 = arith.constant 0 : i32
    %dma_wait3A_916 = tpu.memref_slice %arg16[%dma_wait3A_914, %dma_wait3A_915] : memref<10000x128xf32, #tpu.memory_space<vmem_shared>> -> memref<10000x128xf32, #tpu.memory_space<vmem_shared>>
    tpu.wait_indirect_dma semaphore(%arg19 : memref<!tpu.dma_semaphore, #tpu.memory_space<semaphore_mem>>) src(%arg12 : memref<128x128xf32, #tpu.memory_space<vmem>>) dst(%dma_wait3A_916 : memref<10000x128xf32, #tpu.memory_space<vmem_shared>>)
    %dma_start3A_917 = arith.constant 2432 : i32
    %dma_start3A_918 = tpu.memref_slice %arg9[%dma_start3A_917] : memref<3328xi32, #tpu.memory_space<vmem>> -> memref<128xi32, #tpu.memory_space<vmem>>
    %dma_start3A_919 = arith.constant 0 : i32
    %dma_start3A_920 = arith.constant 0 : i32
    %dma_start3A_921 = tpu.memref_slice %arg2[%dma_start3A_919, %dma_start3A_920] : memref<10000x128xf32, #tpu.memory_space<hbm>> -> memref<10000x128xf32, #tpu.memory_space<hbm>>
    tpu.enqueue_indirect_dma source(%dma_start3A_921 : memref<10000x128xf32, #tpu.memory_space<hbm>>) target(%arg12 : memref<128x128xf32, #tpu.memory_space<vmem>>) offsets(%dma_start3A_918 : memref<128xi32, #tpu.memory_space<vmem>>) semaphore(%arg18 : memref<!tpu.dma_semaphore, #tpu.memory_space<semaphore_mem>>)
    %dma_wait3A_922 = arith.constant 2304 : i32
    %dma_wait3A_923 = tpu.memref_slice %arg9[%dma_wait3A_922] : memref<3328xi32, #tpu.memory_space<vmem>> -> memref<128xi32, #tpu.memory_space<vmem>>
    %dma_wait3A_924 = arith.constant 0 : i32
    %dma_wait3A_925 = arith.constant 0 : i32
    %dma_wait3A_926 = tpu.memref_slice %arg2[%dma_wait3A_924, %dma_wait3A_925] : memref<10000x128xf32, #tpu.memory_space<hbm>> -> memref<10000x128xf32, #tpu.memory_space<hbm>>
    tpu.wait_indirect_dma semaphore(%arg18 : memref<!tpu.dma_semaphore, #tpu.memory_space<semaphore_mem>>) src(%dma_wait3A_926 : memref<10000x128xf32, #tpu.memory_space<hbm>>) dst(%arg11 : memref<128x128xf32, #tpu.memory_space<vmem>>)
    %dma_start3A_927 = arith.constant 2304 : i32
    %dma_start3A_928 = tpu.memref_slice %arg10[%dma_start3A_927] : memref<3328xi32, #tpu.memory_space<vmem>> -> memref<128xi32, #tpu.memory_space<vmem>>
    %dma_start3A_929 = arith.constant 0 : i32
    %dma_start3A_930 = arith.constant 0 : i32
    %dma_start3A_931 = tpu.memref_slice %arg16[%dma_start3A_929, %dma_start3A_930] : memref<10000x128xf32, #tpu.memory_space<vmem_shared>> -> memref<10000x128xf32, #tpu.memory_space<vmem_shared>>
    tpu.enqueue_indirect_dma source(%arg11 : memref<128x128xf32, #tpu.memory_space<vmem>>) target(%dma_start3A_931 : memref<10000x128xf32, #tpu.memory_space<vmem_shared>>) offsets(%dma_start3A_928 : memref<128xi32, #tpu.memory_space<vmem>>) semaphore(%arg19 : memref<!tpu.dma_semaphore, #tpu.memory_space<semaphore_mem>>) {add = true}
    %dma_wait3A_932 = arith.constant 2304 : i32
    %dma_wait3A_933 = tpu.memref_slice %arg10[%dma_wait3A_932] : memref<3328xi32, #tpu.memory_space<vmem>> -> memref<128xi32, #tpu.memory_space<vmem>>
    %dma_wait3A_934 = arith.constant 0 : i32
    %dma_wait3A_935 = arith.constant 0 : i32
    %dma_wait3A_936 = tpu.memref_slice %arg16[%dma_wait3A_934, %dma_wait3A_935] : memref<10000x128xf32, #tpu.memory_space<vmem_shared>> -> memref<10000x128xf32, #tpu.memory_space<vmem_shared>>
    tpu.wait_indirect_dma semaphore(%arg19 : memref<!tpu.dma_semaphore, #tpu.memory_space<semaphore_mem>>) src(%arg11 : memref<128x128xf32, #tpu.memory_space<vmem>>) dst(%dma_wait3A_936 : memref<10000x128xf32, #tpu.memory_space<vmem_shared>>)
    %dma_start3A_937 = arith.constant 2560 : i32
    %dma_start3A_938 = tpu.memref_slice %arg9[%dma_start3A_937] : memref<3328xi32, #tpu.memory_space<vmem>> -> memref<128xi32, #tpu.memory_space<vmem>>
    %dma_start3A_939 = arith.constant 0 : i32
    %dma_start3A_940 = arith.constant 0 : i32
    %dma_start3A_941 = tpu.memref_slice %arg2[%dma_start3A_939, %dma_start3A_940] : memref<10000x128xf32, #tpu.memory_space<hbm>> -> memref<10000x128xf32, #tpu.memory_space<hbm>>
    tpu.enqueue_indirect_dma source(%dma_start3A_941 : memref<10000x128xf32, #tpu.memory_space<hbm>>) target(%arg11 : memref<128x128xf32, #tpu.memory_space<vmem>>) offsets(%dma_start3A_938 : memref<128xi32, #tpu.memory_space<vmem>>) semaphore(%arg18 : memref<!tpu.dma_semaphore, #tpu.memory_space<semaphore_mem>>)
    %dma_wait3A_942 = arith.constant 2432 : i32
    %dma_wait3A_943 = tpu.memref_slice %arg9[%dma_wait3A_942] : memref<3328xi32, #tpu.memory_space<vmem>> -> memref<128xi32, #tpu.memory_space<vmem>>
    %dma_wait3A_944 = arith.constant 0 : i32
    %dma_wait3A_945 = arith.constant 0 : i32
    %dma_wait3A_946 = tpu.memref_slice %arg2[%dma_wait3A_944, %dma_wait3A_945] : memref<10000x128xf32, #tpu.memory_space<hbm>> -> memref<10000x128xf32, #tpu.memory_space<hbm>>
    tpu.wait_indirect_dma semaphore(%arg18 : memref<!tpu.dma_semaphore, #tpu.memory_space<semaphore_mem>>) src(%dma_wait3A_946 : memref<10000x128xf32, #tpu.memory_space<hbm>>) dst(%arg12 : memref<128x128xf32, #tpu.memory_space<vmem>>)
    %dma_start3A_947 = arith.constant 2432 : i32
    %dma_start3A_948 = tpu.memref_slice %arg10[%dma_start3A_947] : memref<3328xi32, #tpu.memory_space<vmem>> -> memref<128xi32, #tpu.memory_space<vmem>>
    %dma_start3A_949 = arith.constant 0 : i32
    %dma_start3A_950 = arith.constant 0 : i32
    %dma_start3A_951 = tpu.memref_slice %arg16[%dma_start3A_949, %dma_start3A_950] : memref<10000x128xf32, #tpu.memory_space<vmem_shared>> -> memref<10000x128xf32, #tpu.memory_space<vmem_shared>>
    tpu.enqueue_indirect_dma source(%arg12 : memref<128x128xf32, #tpu.memory_space<vmem>>) target(%dma_start3A_951 : memref<10000x128xf32, #tpu.memory_space<vmem_shared>>) offsets(%dma_start3A_948 : memref<128xi32, #tpu.memory_space<vmem>>) semaphore(%arg19 : memref<!tpu.dma_semaphore, #tpu.memory_space<semaphore_mem>>) {add = true}
    %dma_wait3A_952 = arith.constant 2432 : i32
    %dma_wait3A_953 = tpu.memref_slice %arg10[%dma_wait3A_952] : memref<3328xi32, #tpu.memory_space<vmem>> -> memref<128xi32, #tpu.memory_space<vmem>>
    %dma_wait3A_954 = arith.constant 0 : i32
    %dma_wait3A_955 = arith.constant 0 : i32
    %dma_wait3A_956 = tpu.memref_slice %arg16[%dma_wait3A_954, %dma_wait3A_955] : memref<10000x128xf32, #tpu.memory_space<vmem_shared>> -> memref<10000x128xf32, #tpu.memory_space<vmem_shared>>
    tpu.wait_indirect_dma semaphore(%arg19 : memref<!tpu.dma_semaphore, #tpu.memory_space<semaphore_mem>>) src(%arg12 : memref<128x128xf32, #tpu.memory_space<vmem>>) dst(%dma_wait3A_956 : memref<10000x128xf32, #tpu.memory_space<vmem_shared>>)
    %dma_start3A_957 = arith.constant 2688 : i32
    %dma_start3A_958 = tpu.memref_slice %arg9[%dma_start3A_957] : memref<3328xi32, #tpu.memory_space<vmem>> -> memref<128xi32, #tpu.memory_space<vmem>>
    %dma_start3A_959 = arith.constant 0 : i32
    %dma_start3A_960 = arith.constant 0 : i32
    %dma_start3A_961 = tpu.memref_slice %arg2[%dma_start3A_959, %dma_start3A_960] : memref<10000x128xf32, #tpu.memory_space<hbm>> -> memref<10000x128xf32, #tpu.memory_space<hbm>>
    tpu.enqueue_indirect_dma source(%dma_start3A_961 : memref<10000x128xf32, #tpu.memory_space<hbm>>) target(%arg12 : memref<128x128xf32, #tpu.memory_space<vmem>>) offsets(%dma_start3A_958 : memref<128xi32, #tpu.memory_space<vmem>>) semaphore(%arg18 : memref<!tpu.dma_semaphore, #tpu.memory_space<semaphore_mem>>)
    %dma_wait3A_962 = arith.constant 2560 : i32
    %dma_wait3A_963 = tpu.memref_slice %arg9[%dma_wait3A_962] : memref<3328xi32, #tpu.memory_space<vmem>> -> memref<128xi32, #tpu.memory_space<vmem>>
    %dma_wait3A_964 = arith.constant 0 : i32
    %dma_wait3A_965 = arith.constant 0 : i32
    %dma_wait3A_966 = tpu.memref_slice %arg2[%dma_wait3A_964, %dma_wait3A_965] : memref<10000x128xf32, #tpu.memory_space<hbm>> -> memref<10000x128xf32, #tpu.memory_space<hbm>>
    tpu.wait_indirect_dma semaphore(%arg18 : memref<!tpu.dma_semaphore, #tpu.memory_space<semaphore_mem>>) src(%dma_wait3A_966 : memref<10000x128xf32, #tpu.memory_space<hbm>>) dst(%arg11 : memref<128x128xf32, #tpu.memory_space<vmem>>)
    %dma_start3A_967 = arith.constant 2560 : i32
    %dma_start3A_968 = tpu.memref_slice %arg10[%dma_start3A_967] : memref<3328xi32, #tpu.memory_space<vmem>> -> memref<128xi32, #tpu.memory_space<vmem>>
    %dma_start3A_969 = arith.constant 0 : i32
    %dma_start3A_970 = arith.constant 0 : i32
    %dma_start3A_971 = tpu.memref_slice %arg16[%dma_start3A_969, %dma_start3A_970] : memref<10000x128xf32, #tpu.memory_space<vmem_shared>> -> memref<10000x128xf32, #tpu.memory_space<vmem_shared>>
    tpu.enqueue_indirect_dma source(%arg11 : memref<128x128xf32, #tpu.memory_space<vmem>>) target(%dma_start3A_971 : memref<10000x128xf32, #tpu.memory_space<vmem_shared>>) offsets(%dma_start3A_968 : memref<128xi32, #tpu.memory_space<vmem>>) semaphore(%arg19 : memref<!tpu.dma_semaphore, #tpu.memory_space<semaphore_mem>>) {add = true}
    %dma_wait3A_972 = arith.constant 2560 : i32
    %dma_wait3A_973 = tpu.memref_slice %arg10[%dma_wait3A_972] : memref<3328xi32, #tpu.memory_space<vmem>> -> memref<128xi32, #tpu.memory_space<vmem>>
    %dma_wait3A_974 = arith.constant 0 : i32
    %dma_wait3A_975 = arith.constant 0 : i32
    %dma_wait3A_976 = tpu.memref_slice %arg16[%dma_wait3A_974, %dma_wait3A_975] : memref<10000x128xf32, #tpu.memory_space<vmem_shared>> -> memref<10000x128xf32, #tpu.memory_space<vmem_shared>>
    tpu.wait_indirect_dma semaphore(%arg19 : memref<!tpu.dma_semaphore, #tpu.memory_space<semaphore_mem>>) src(%arg11 : memref<128x128xf32, #tpu.memory_space<vmem>>) dst(%dma_wait3A_976 : memref<10000x128xf32, #tpu.memory_space<vmem_shared>>)
    %dma_start3A_977 = arith.constant 2816 : i32
    %dma_start3A_978 = tpu.memref_slice %arg9[%dma_start3A_977] : memref<3328xi32, #tpu.memory_space<vmem>> -> memref<128xi32, #tpu.memory_space<vmem>>
    %dma_start3A_979 = arith.constant 0 : i32
    %dma_start3A_980 = arith.constant 0 : i32
    %dma_start3A_981 = tpu.memref_slice %arg2[%dma_start3A_979, %dma_start3A_980] : memref<10000x128xf32, #tpu.memory_space<hbm>> -> memref<10000x128xf32, #tpu.memory_space<hbm>>
    tpu.enqueue_indirect_dma source(%dma_start3A_981 : memref<10000x128xf32, #tpu.memory_space<hbm>>) target(%arg11 : memref<128x128xf32, #tpu.memory_space<vmem>>) offsets(%dma_start3A_978 : memref<128xi32, #tpu.memory_space<vmem>>) semaphore(%arg18 : memref<!tpu.dma_semaphore, #tpu.memory_space<semaphore_mem>>)
    %dma_wait3A_982 = arith.constant 2688 : i32
    %dma_wait3A_983 = tpu.memref_slice %arg9[%dma_wait3A_982] : memref<3328xi32, #tpu.memory_space<vmem>> -> memref<128xi32, #tpu.memory_space<vmem>>
    %dma_wait3A_984 = arith.constant 0 : i32
    %dma_wait3A_985 = arith.constant 0 : i32
    %dma_wait3A_986 = tpu.memref_slice %arg2[%dma_wait3A_984, %dma_wait3A_985] : memref<10000x128xf32, #tpu.memory_space<hbm>> -> memref<10000x128xf32, #tpu.memory_space<hbm>>
    tpu.wait_indirect_dma semaphore(%arg18 : memref<!tpu.dma_semaphore, #tpu.memory_space<semaphore_mem>>) src(%dma_wait3A_986 : memref<10000x128xf32, #tpu.memory_space<hbm>>) dst(%arg12 : memref<128x128xf32, #tpu.memory_space<vmem>>)
    %dma_start3A_987 = arith.constant 2688 : i32
    %dma_start3A_988 = tpu.memref_slice %arg10[%dma_start3A_987] : memref<3328xi32, #tpu.memory_space<vmem>> -> memref<128xi32, #tpu.memory_space<vmem>>
    %dma_start3A_989 = arith.constant 0 : i32
    %dma_start3A_990 = arith.constant 0 : i32
    %dma_start3A_991 = tpu.memref_slice %arg16[%dma_start3A_989, %dma_start3A_990] : memref<10000x128xf32, #tpu.memory_space<vmem_shared>> -> memref<10000x128xf32, #tpu.memory_space<vmem_shared>>
    tpu.enqueue_indirect_dma source(%arg12 : memref<128x128xf32, #tpu.memory_space<vmem>>) target(%dma_start3A_991 : memref<10000x128xf32, #tpu.memory_space<vmem_shared>>) offsets(%dma_start3A_988 : memref<128xi32, #tpu.memory_space<vmem>>) semaphore(%arg19 : memref<!tpu.dma_semaphore, #tpu.memory_space<semaphore_mem>>) {add = true}
    %dma_wait3A_992 = arith.constant 2688 : i32
    %dma_wait3A_993 = tpu.memref_slice %arg10[%dma_wait3A_992] : memref<3328xi32, #tpu.memory_space<vmem>> -> memref<128xi32, #tpu.memory_space<vmem>>
    %dma_wait3A_994 = arith.constant 0 : i32
    %dma_wait3A_995 = arith.constant 0 : i32
    %dma_wait3A_996 = tpu.memref_slice %arg16[%dma_wait3A_994, %dma_wait3A_995] : memref<10000x128xf32, #tpu.memory_space<vmem_shared>> -> memref<10000x128xf32, #tpu.memory_space<vmem_shared>>
    tpu.wait_indirect_dma semaphore(%arg19 : memref<!tpu.dma_semaphore, #tpu.memory_space<semaphore_mem>>) src(%arg12 : memref<128x128xf32, #tpu.memory_space<vmem>>) dst(%dma_wait3A_996 : memref<10000x128xf32, #tpu.memory_space<vmem_shared>>)
    %dma_start3A_997 = arith.constant 2944 : i32
    %dma_start3A_998 = tpu.memref_slice %arg9[%dma_start3A_997] : memref<3328xi32, #tpu.memory_space<vmem>> -> memref<128xi32, #tpu.memory_space<vmem>>
    %dma_start3A_999 = arith.constant 0 : i32
    %dma_start3A_1000 = arith.constant 0 : i32
    %dma_start3A_1001 = tpu.memref_slice %arg2[%dma_start3A_999, %dma_start3A_1000] : memref<10000x128xf32, #tpu.memory_space<hbm>> -> memref<10000x128xf32, #tpu.memory_space<hbm>>
    tpu.enqueue_indirect_dma source(%dma_start3A_1001 : memref<10000x128xf32, #tpu.memory_space<hbm>>) target(%arg12 : memref<128x128xf32, #tpu.memory_space<vmem>>) offsets(%dma_start3A_998 : memref<128xi32, #tpu.memory_space<vmem>>) semaphore(%arg18 : memref<!tpu.dma_semaphore, #tpu.memory_space<semaphore_mem>>)
    %dma_wait3A_1002 = arith.constant 2816 : i32
    %dma_wait3A_1003 = tpu.memref_slice %arg9[%dma_wait3A_1002] : memref<3328xi32, #tpu.memory_space<vmem>> -> memref<128xi32, #tpu.memory_space<vmem>>
    %dma_wait3A_1004 = arith.constant 0 : i32
    %dma_wait3A_1005 = arith.constant 0 : i32
    %dma_wait3A_1006 = tpu.memref_slice %arg2[%dma_wait3A_1004, %dma_wait3A_1005] : memref<10000x128xf32, #tpu.memory_space<hbm>> -> memref<10000x128xf32, #tpu.memory_space<hbm>>
    tpu.wait_indirect_dma semaphore(%arg18 : memref<!tpu.dma_semaphore, #tpu.memory_space<semaphore_mem>>) src(%dma_wait3A_1006 : memref<10000x128xf32, #tpu.memory_space<hbm>>) dst(%arg11 : memref<128x128xf32, #tpu.memory_space<vmem>>)
    %dma_start3A_1007 = arith.constant 2816 : i32
    %dma_start3A_1008 = tpu.memref_slice %arg10[%dma_start3A_1007] : memref<3328xi32, #tpu.memory_space<vmem>> -> memref<128xi32, #tpu.memory_space<vmem>>
    %dma_start3A_1009 = arith.constant 0 : i32
    %dma_start3A_1010 = arith.constant 0 : i32
    %dma_start3A_1011 = tpu.memref_slice %arg16[%dma_start3A_1009, %dma_start3A_1010] : memref<10000x128xf32, #tpu.memory_space<vmem_shared>> -> memref<10000x128xf32, #tpu.memory_space<vmem_shared>>
    tpu.enqueue_indirect_dma source(%arg11 : memref<128x128xf32, #tpu.memory_space<vmem>>) target(%dma_start3A_1011 : memref<10000x128xf32, #tpu.memory_space<vmem_shared>>) offsets(%dma_start3A_1008 : memref<128xi32, #tpu.memory_space<vmem>>) semaphore(%arg19 : memref<!tpu.dma_semaphore, #tpu.memory_space<semaphore_mem>>) {add = true}
    %dma_wait3A_1012 = arith.constant 2816 : i32
    %dma_wait3A_1013 = tpu.memref_slice %arg10[%dma_wait3A_1012] : memref<3328xi32, #tpu.memory_space<vmem>> -> memref<128xi32, #tpu.memory_space<vmem>>
    %dma_wait3A_1014 = arith.constant 0 : i32
    %dma_wait3A_1015 = arith.constant 0 : i32
    %dma_wait3A_1016 = tpu.memref_slice %arg16[%dma_wait3A_1014, %dma_wait3A_1015] : memref<10000x128xf32, #tpu.memory_space<vmem_shared>> -> memref<10000x128xf32, #tpu.memory_space<vmem_shared>>
    tpu.wait_indirect_dma semaphore(%arg19 : memref<!tpu.dma_semaphore, #tpu.memory_space<semaphore_mem>>) src(%arg11 : memref<128x128xf32, #tpu.memory_space<vmem>>) dst(%dma_wait3A_1016 : memref<10000x128xf32, #tpu.memory_space<vmem_shared>>)
    %dma_start3A_1017 = arith.constant 3072 : i32
    %dma_start3A_1018 = tpu.memref_slice %arg9[%dma_start3A_1017] : memref<3328xi32, #tpu.memory_space<vmem>> -> memref<128xi32, #tpu.memory_space<vmem>>
    %dma_start3A_1019 = arith.constant 0 : i32
    %dma_start3A_1020 = arith.constant 0 : i32
    %dma_start3A_1021 = tpu.memref_slice %arg2[%dma_start3A_1019, %dma_start3A_1020] : memref<10000x128xf32, #tpu.memory_space<hbm>> -> memref<10000x128xf32, #tpu.memory_space<hbm>>
    tpu.enqueue_indirect_dma source(%dma_start3A_1021 : memref<10000x128xf32, #tpu.memory_space<hbm>>) target(%arg11 : memref<128x128xf32, #tpu.memory_space<vmem>>) offsets(%dma_start3A_1018 : memref<128xi32, #tpu.memory_space<vmem>>) semaphore(%arg18 : memref<!tpu.dma_semaphore, #tpu.memory_space<semaphore_mem>>)
    %dma_wait3A_1022 = arith.constant 2944 : i32
    %dma_wait3A_1023 = tpu.memref_slice %arg9[%dma_wait3A_1022] : memref<3328xi32, #tpu.memory_space<vmem>> -> memref<128xi32, #tpu.memory_space<vmem>>
    %dma_wait3A_1024 = arith.constant 0 : i32
    %dma_wait3A_1025 = arith.constant 0 : i32
    %dma_wait3A_1026 = tpu.memref_slice %arg2[%dma_wait3A_1024, %dma_wait3A_1025] : memref<10000x128xf32, #tpu.memory_space<hbm>> -> memref<10000x128xf32, #tpu.memory_space<hbm>>
    tpu.wait_indirect_dma semaphore(%arg18 : memref<!tpu.dma_semaphore, #tpu.memory_space<semaphore_mem>>) src(%dma_wait3A_1026 : memref<10000x128xf32, #tpu.memory_space<hbm>>) dst(%arg12 : memref<128x128xf32, #tpu.memory_space<vmem>>)
    %dma_start3A_1027 = arith.constant 2944 : i32
    %dma_start3A_1028 = tpu.memref_slice %arg10[%dma_start3A_1027] : memref<3328xi32, #tpu.memory_space<vmem>> -> memref<128xi32, #tpu.memory_space<vmem>>
    %dma_start3A_1029 = arith.constant 0 : i32
    %dma_start3A_1030 = arith.constant 0 : i32
    %dma_start3A_1031 = tpu.memref_slice %arg16[%dma_start3A_1029, %dma_start3A_1030] : memref<10000x128xf32, #tpu.memory_space<vmem_shared>> -> memref<10000x128xf32, #tpu.memory_space<vmem_shared>>
    tpu.enqueue_indirect_dma source(%arg12 : memref<128x128xf32, #tpu.memory_space<vmem>>) target(%dma_start3A_1031 : memref<10000x128xf32, #tpu.memory_space<vmem_shared>>) offsets(%dma_start3A_1028 : memref<128xi32, #tpu.memory_space<vmem>>) semaphore(%arg19 : memref<!tpu.dma_semaphore, #tpu.memory_space<semaphore_mem>>) {add = true}
    %dma_wait3A_1032 = arith.constant 2944 : i32
    %dma_wait3A_1033 = tpu.memref_slice %arg10[%dma_wait3A_1032] : memref<3328xi32, #tpu.memory_space<vmem>> -> memref<128xi32, #tpu.memory_space<vmem>>
    %dma_wait3A_1034 = arith.constant 0 : i32
    %dma_wait3A_1035 = arith.constant 0 : i32
    %dma_wait3A_1036 = tpu.memref_slice %arg16[%dma_wait3A_1034, %dma_wait3A_1035] : memref<10000x128xf32, #tpu.memory_space<vmem_shared>> -> memref<10000x128xf32, #tpu.memory_space<vmem_shared>>
    tpu.wait_indirect_dma semaphore(%arg19 : memref<!tpu.dma_semaphore, #tpu.memory_space<semaphore_mem>>) src(%arg12 : memref<128x128xf32, #tpu.memory_space<vmem>>) dst(%dma_wait3A_1036 : memref<10000x128xf32, #tpu.memory_space<vmem_shared>>)
    %dma_start3A_1037 = arith.constant 3200 : i32
    %dma_start3A_1038 = tpu.memref_slice %arg9[%dma_start3A_1037] : memref<3328xi32, #tpu.memory_space<vmem>> -> memref<128xi32, #tpu.memory_space<vmem>>
    %dma_start3A_1039 = arith.constant 0 : i32
    %dma_start3A_1040 = arith.constant 0 : i32
    %dma_start3A_1041 = tpu.memref_slice %arg2[%dma_start3A_1039, %dma_start3A_1040] : memref<10000x128xf32, #tpu.memory_space<hbm>> -> memref<10000x128xf32, #tpu.memory_space<hbm>>
    tpu.enqueue_indirect_dma source(%dma_start3A_1041 : memref<10000x128xf32, #tpu.memory_space<hbm>>) target(%arg12 : memref<128x128xf32, #tpu.memory_space<vmem>>) offsets(%dma_start3A_1038 : memref<128xi32, #tpu.memory_space<vmem>>) semaphore(%arg18 : memref<!tpu.dma_semaphore, #tpu.memory_space<semaphore_mem>>)
    %dma_wait3A_1042 = arith.constant 3072 : i32
    %dma_wait3A_1043 = tpu.memref_slice %arg9[%dma_wait3A_1042] : memref<3328xi32, #tpu.memory_space<vmem>> -> memref<128xi32, #tpu.memory_space<vmem>>
    %dma_wait3A_1044 = arith.constant 0 : i32
    %dma_wait3A_1045 = arith.constant 0 : i32
    %dma_wait3A_1046 = tpu.memref_slice %arg2[%dma_wait3A_1044, %dma_wait3A_1045] : memref<10000x128xf32, #tpu.memory_space<hbm>> -> memref<10000x128xf32, #tpu.memory_space<hbm>>
    tpu.wait_indirect_dma semaphore(%arg18 : memref<!tpu.dma_semaphore, #tpu.memory_space<semaphore_mem>>) src(%dma_wait3A_1046 : memref<10000x128xf32, #tpu.memory_space<hbm>>) dst(%arg11 : memref<128x128xf32, #tpu.memory_space<vmem>>)
    %dma_start3A_1047 = arith.constant 3072 : i32
    %dma_start3A_1048 = tpu.memref_slice %arg10[%dma_start3A_1047] : memref<3328xi32, #tpu.memory_space<vmem>> -> memref<128xi32, #tpu.memory_space<vmem>>
    %dma_start3A_1049 = arith.constant 0 : i32
    %dma_start3A_1050 = arith.constant 0 : i32
    %dma_start3A_1051 = tpu.memref_slice %arg16[%dma_start3A_1049, %dma_start3A_1050] : memref<10000x128xf32, #tpu.memory_space<vmem_shared>> -> memref<10000x128xf32, #tpu.memory_space<vmem_shared>>
    tpu.enqueue_indirect_dma source(%arg11 : memref<128x128xf32, #tpu.memory_space<vmem>>) target(%dma_start3A_1051 : memref<10000x128xf32, #tpu.memory_space<vmem_shared>>) offsets(%dma_start3A_1048 : memref<128xi32, #tpu.memory_space<vmem>>) semaphore(%arg19 : memref<!tpu.dma_semaphore, #tpu.memory_space<semaphore_mem>>) {add = true}
    %dma_wait3A_1052 = arith.constant 3200 : i32
    %dma_wait3A_1053 = tpu.memref_slice %arg9[%dma_wait3A_1052] : memref<3328xi32, #tpu.memory_space<vmem>> -> memref<128xi32, #tpu.memory_space<vmem>>
    %dma_wait3A_1054 = arith.constant 0 : i32
    %dma_wait3A_1055 = arith.constant 0 : i32
    %dma_wait3A_1056 = tpu.memref_slice %arg2[%dma_wait3A_1054, %dma_wait3A_1055] : memref<10000x128xf32, #tpu.memory_space<hbm>> -> memref<10000x128xf32, #tpu.memory_space<hbm>>
    tpu.wait_indirect_dma semaphore(%arg18 : memref<!tpu.dma_semaphore, #tpu.memory_space<semaphore_mem>>) src(%dma_wait3A_1056 : memref<10000x128xf32, #tpu.memory_space<hbm>>) dst(%arg12 : memref<128x128xf32, #tpu.memory_space<vmem>>)
    %dma_start3A_1057 = arith.constant 3200 : i32
    %dma_start3A_1058 = tpu.memref_slice %arg10[%dma_start3A_1057] : memref<3328xi32, #tpu.memory_space<vmem>> -> memref<128xi32, #tpu.memory_space<vmem>>
    %dma_start3A_1059 = arith.constant 0 : i32
    %dma_start3A_1060 = arith.constant 0 : i32
    %dma_start3A_1061 = tpu.memref_slice %arg16[%dma_start3A_1059, %dma_start3A_1060] : memref<10000x128xf32, #tpu.memory_space<vmem_shared>> -> memref<10000x128xf32, #tpu.memory_space<vmem_shared>>
    tpu.enqueue_indirect_dma source(%arg12 : memref<128x128xf32, #tpu.memory_space<vmem>>) target(%dma_start3A_1061 : memref<10000x128xf32, #tpu.memory_space<vmem_shared>>) offsets(%dma_start3A_1058 : memref<128xi32, #tpu.memory_space<vmem>>) semaphore(%arg19 : memref<!tpu.dma_semaphore, #tpu.memory_space<semaphore_mem>>) {add = true}
    %dma_wait3A_1062 = arith.constant 3072 : i32
    %dma_wait3A_1063 = tpu.memref_slice %arg10[%dma_wait3A_1062] : memref<3328xi32, #tpu.memory_space<vmem>> -> memref<128xi32, #tpu.memory_space<vmem>>
    %dma_wait3A_1064 = arith.constant 0 : i32
    %dma_wait3A_1065 = arith.constant 0 : i32
    %dma_wait3A_1066 = tpu.memref_slice %arg16[%dma_wait3A_1064, %dma_wait3A_1065] : memref<10000x128xf32, #tpu.memory_space<vmem_shared>> -> memref<10000x128xf32, #tpu.memory_space<vmem_shared>>
    tpu.wait_indirect_dma semaphore(%arg19 : memref<!tpu.dma_semaphore, #tpu.memory_space<semaphore_mem>>) src(%arg11 : memref<128x128xf32, #tpu.memory_space<vmem>>) dst(%dma_wait3A_1066 : memref<10000x128xf32, #tpu.memory_space<vmem_shared>>)
    %dma_wait3A_1067 = arith.constant 3200 : i32
    %dma_wait3A_1068 = tpu.memref_slice %arg10[%dma_wait3A_1067] : memref<3328xi32, #tpu.memory_space<vmem>> -> memref<128xi32, #tpu.memory_space<vmem>>
    %dma_wait3A_1069 = arith.constant 0 : i32
    %dma_wait3A_1070 = arith.constant 0 : i32
    %dma_wait3A_1071 = tpu.memref_slice %arg16[%dma_wait3A_1069, %dma_wait3A_1070] : memref<10000x128xf32, #tpu.memory_space<vmem_shared>> -> memref<10000x128xf32, #tpu.memory_space<vmem_shared>>
    tpu.wait_indirect_dma semaphore(%arg19 : memref<!tpu.dma_semaphore, #tpu.memory_space<semaphore_mem>>) src(%arg12 : memref<128x128xf32, #tpu.memory_space<vmem>>) dst(%dma_wait3A_1071 : memref<10000x128xf32, #tpu.memory_space<vmem_shared>>)
    %dma_wait3A_1072 = tpu.memref_slice %arg3[%mul3A_6] : memref<320000xi32, #tpu.memory_space<hbm>> -> memref<3328xi32, #tpu.memory_space<hbm>>
    %dma_wait3A_1073 = tpu.memref_slice %arg3[%mul3A_6] : memref<320000xi32, #tpu.memory_space<hbm>> -> memref<3328xi32, #tpu.memory_space<hbm>>
    tpu.wait_dma2 semaphore(%arg20 : memref<!tpu.dma_semaphore, #tpu.memory_space<semaphore_mem>>) src(%dma_wait3A_1073 : memref<3328xi32, #tpu.memory_space<hbm>>) dst(%arg7 : memref<3328xi32, #tpu.memory_space<vmem>>)
    %dma_wait3A_1074 = tpu.memref_slice %arg4[%mul3A_6] : memref<320000xi32, #tpu.memory_space<hbm>> -> memref<3328xi32, #tpu.memory_space<hbm>>
    %dma_wait3A_1075 = tpu.memref_slice %arg4[%mul3A_6] : memref<320000xi32, #tpu.memory_space<hbm>> -> memref<3328xi32, #tpu.memory_space<hbm>>
    tpu.wait_dma2 semaphore(%arg20 : memref<!tpu.dma_semaphore, #tpu.memory_space<semaphore_mem>>) src(%dma_wait3A_1075 : memref<3328xi32, #tpu.memory_space<hbm>>) dst(%arg8 : memref<3328xi32, #tpu.memory_space<vmem>>)
    %mul3A_1076 = arith.constant 2 : i32
    %mul3A_1077 = arith.muli %mul3A_1076, %scan3A_534 : i32
    %add3A_1078 = arith.constant 3 : i32
    %add3A_1079 = arith.addi %mul3A_1077, %add3A_1078 : i32
    %min3A_1080 = arith.constant 2 : i32
    %min3A_1081 = arith.minsi %add3A_1079, %min3A_1080 : i32
    %mul3A_1082 = arith.constant 3328 : i32
    %mul3A_1083 = arith.muli %min3A_1081, %mul3A_1082 : i32
    %add3A_1084 = arith.addi %mul3A_6, %mul3A_1083 : i32
    %dma_start3A_1085 = tpu.memref_slice %arg3[%add3A_1084] : memref<320000xi32, #tpu.memory_space<hbm>> -> memref<3328xi32, #tpu.memory_space<hbm>>
    %dma_start3A_1086 = tpu.memref_slice %arg3[%add3A_1084] : memref<320000xi32, #tpu.memory_space<hbm>> -> memref<3328xi32, #tpu.memory_space<hbm>>
    tpu.enqueue_dma source(%dma_start3A_1086 : memref<3328xi32, #tpu.memory_space<hbm>>) target(%arg9 : memref<3328xi32, #tpu.memory_space<vmem>>) target_semaphore(%arg20 : memref<!tpu.dma_semaphore, #tpu.memory_space<semaphore_mem>>)
    %dma_start3A_1087 = tpu.memref_slice %arg4[%add3A_1084] : memref<320000xi32, #tpu.memory_space<hbm>> -> memref<3328xi32, #tpu.memory_space<hbm>>
    %dma_start3A_1088 = tpu.memref_slice %arg4[%add3A_1084] : memref<320000xi32, #tpu.memory_space<hbm>> -> memref<3328xi32, #tpu.memory_space<hbm>>
    tpu.enqueue_dma source(%dma_start3A_1088 : memref<3328xi32, #tpu.memory_space<hbm>>) target(%arg10 : memref<3328xi32, #tpu.memory_space<vmem>>) target_semaphore(%arg20 : memref<!tpu.dma_semaphore, #tpu.memory_space<semaphore_mem>>)
    %dma_start3A_1089 = arith.constant 0 : i32
    %dma_start3A_1090 = tpu.memref_slice %arg7[%dma_start3A_1089] : memref<3328xi32, #tpu.memory_space<vmem>> -> memref<128xi32, #tpu.memory_space<vmem>>
    %dma_start3A_1091 = arith.constant 0 : i32
    %dma_start3A_1092 = arith.constant 0 : i32
    %dma_start3A_1093 = tpu.memref_slice %arg2[%dma_start3A_1091, %dma_start3A_1092] : memref<10000x128xf32, #tpu.memory_space<hbm>> -> memref<10000x128xf32, #tpu.memory_space<hbm>>
    tpu.enqueue_indirect_dma source(%dma_start3A_1093 : memref<10000x128xf32, #tpu.memory_space<hbm>>) target(%arg11 : memref<128x128xf32, #tpu.memory_space<vmem>>) offsets(%dma_start3A_1090 : memref<128xi32, #tpu.memory_space<vmem>>) semaphore(%arg18 : memref<!tpu.dma_semaphore, #tpu.memory_space<semaphore_mem>>)
    %dma_start3A_1094 = arith.constant 128 : i32
    %dma_start3A_1095 = tpu.memref_slice %arg7[%dma_start3A_1094] : memref<3328xi32, #tpu.memory_space<vmem>> -> memref<128xi32, #tpu.memory_space<vmem>>
    %dma_start3A_1096 = arith.constant 0 : i32
    %dma_start3A_1097 = arith.constant 0 : i32
    %dma_start3A_1098 = tpu.memref_slice %arg2[%dma_start3A_1096, %dma_start3A_1097] : memref<10000x128xf32, #tpu.memory_space<hbm>> -> memref<10000x128xf32, #tpu.memory_space<hbm>>
    tpu.enqueue_indirect_dma source(%dma_start3A_1098 : memref<10000x128xf32, #tpu.memory_space<hbm>>) target(%arg12 : memref<128x128xf32, #tpu.memory_space<vmem>>) offsets(%dma_start3A_1095 : memref<128xi32, #tpu.memory_space<vmem>>) semaphore(%arg18 : memref<!tpu.dma_semaphore, #tpu.memory_space<semaphore_mem>>)
    %dma_wait3A_1099 = arith.constant 0 : i32
    %dma_wait3A_1100 = tpu.memref_slice %arg7[%dma_wait3A_1099] : memref<3328xi32, #tpu.memory_space<vmem>> -> memref<128xi32, #tpu.memory_space<vmem>>
    %dma_wait3A_1101 = arith.constant 0 : i32
    %dma_wait3A_1102 = arith.constant 0 : i32
    %dma_wait3A_1103 = tpu.memref_slice %arg2[%dma_wait3A_1101, %dma_wait3A_1102] : memref<10000x128xf32, #tpu.memory_space<hbm>> -> memref<10000x128xf32, #tpu.memory_space<hbm>>
    tpu.wait_indirect_dma semaphore(%arg18 : memref<!tpu.dma_semaphore, #tpu.memory_space<semaphore_mem>>) src(%dma_wait3A_1103 : memref<10000x128xf32, #tpu.memory_space<hbm>>) dst(%arg11 : memref<128x128xf32, #tpu.memory_space<vmem>>)
    %dma_start3A_1104 = arith.constant 0 : i32
    %dma_start3A_1105 = tpu.memref_slice %arg8[%dma_start3A_1104] : memref<3328xi32, #tpu.memory_space<vmem>> -> memref<128xi32, #tpu.memory_space<vmem>>
    %dma_start3A_1106 = arith.constant 0 : i32
    %dma_start3A_1107 = arith.constant 0 : i32
    %dma_start3A_1108 = tpu.memref_slice %arg16[%dma_start3A_1106, %dma_start3A_1107] : memref<10000x128xf32, #tpu.memory_space<vmem_shared>> -> memref<10000x128xf32, #tpu.memory_space<vmem_shared>>
    tpu.enqueue_indirect_dma source(%arg11 : memref<128x128xf32, #tpu.memory_space<vmem>>) target(%dma_start3A_1108 : memref<10000x128xf32, #tpu.memory_space<vmem_shared>>) offsets(%dma_start3A_1105 : memref<128xi32, #tpu.memory_space<vmem>>) semaphore(%arg19 : memref<!tpu.dma_semaphore, #tpu.memory_space<semaphore_mem>>) {add = true}
    %dma_wait3A_1109 = arith.constant 0 : i32
    %dma_wait3A_1110 = tpu.memref_slice %arg8[%dma_wait3A_1109] : memref<3328xi32, #tpu.memory_space<vmem>> -> memref<128xi32, #tpu.memory_space<vmem>>
    %dma_wait3A_1111 = arith.constant 0 : i32
    %dma_wait3A_1112 = arith.constant 0 : i32
    %dma_wait3A_1113 = tpu.memref_slice %arg16[%dma_wait3A_1111, %dma_wait3A_1112] : memref<10000x128xf32, #tpu.memory_space<vmem_shared>> -> memref<10000x128xf32, #tpu.memory_space<vmem_shared>>
    tpu.wait_indirect_dma semaphore(%arg19 : memref<!tpu.dma_semaphore, #tpu.memory_space<semaphore_mem>>) src(%arg11 : memref<128x128xf32, #tpu.memory_space<vmem>>) dst(%dma_wait3A_1113 : memref<10000x128xf32, #tpu.memory_space<vmem_shared>>)
    %dma_start3A_1114 = arith.constant 256 : i32
    %dma_start3A_1115 = tpu.memref_slice %arg7[%dma_start3A_1114] : memref<3328xi32, #tpu.memory_space<vmem>> -> memref<128xi32, #tpu.memory_space<vmem>>
    %dma_start3A_1116 = arith.constant 0 : i32
    %dma_start3A_1117 = arith.constant 0 : i32
    %dma_start3A_1118 = tpu.memref_slice %arg2[%dma_start3A_1116, %dma_start3A_1117] : memref<10000x128xf32, #tpu.memory_space<hbm>> -> memref<10000x128xf32, #tpu.memory_space<hbm>>
    tpu.enqueue_indirect_dma source(%dma_start3A_1118 : memref<10000x128xf32, #tpu.memory_space<hbm>>) target(%arg11 : memref<128x128xf32, #tpu.memory_space<vmem>>) offsets(%dma_start3A_1115 : memref<128xi32, #tpu.memory_space<vmem>>) semaphore(%arg18 : memref<!tpu.dma_semaphore, #tpu.memory_space<semaphore_mem>>)
    %dma_wait3A_1119 = arith.constant 128 : i32
    %dma_wait3A_1120 = tpu.memref_slice %arg7[%dma_wait3A_1119] : memref<3328xi32, #tpu.memory_space<vmem>> -> memref<128xi32, #tpu.memory_space<vmem>>
    %dma_wait3A_1121 = arith.constant 0 : i32
    %dma_wait3A_1122 = arith.constant 0 : i32
    %dma_wait3A_1123 = tpu.memref_slice %arg2[%dma_wait3A_1121, %dma_wait3A_1122] : memref<10000x128xf32, #tpu.memory_space<hbm>> -> memref<10000x128xf32, #tpu.memory_space<hbm>>
    tpu.wait_indirect_dma semaphore(%arg18 : memref<!tpu.dma_semaphore, #tpu.memory_space<semaphore_mem>>) src(%dma_wait3A_1123 : memref<10000x128xf32, #tpu.memory_space<hbm>>) dst(%arg12 : memref<128x128xf32, #tpu.memory_space<vmem>>)
    %dma_start3A_1124 = arith.constant 128 : i32
    %dma_start3A_1125 = tpu.memref_slice %arg8[%dma_start3A_1124] : memref<3328xi32, #tpu.memory_space<vmem>> -> memref<128xi32, #tpu.memory_space<vmem>>
    %dma_start3A_1126 = arith.constant 0 : i32
    %dma_start3A_1127 = arith.constant 0 : i32
    %dma_start3A_1128 = tpu.memref_slice %arg16[%dma_start3A_1126, %dma_start3A_1127] : memref<10000x128xf32, #tpu.memory_space<vmem_shared>> -> memref<10000x128xf32, #tpu.memory_space<vmem_shared>>
    tpu.enqueue_indirect_dma source(%arg12 : memref<128x128xf32, #tpu.memory_space<vmem>>) target(%dma_start3A_1128 : memref<10000x128xf32, #tpu.memory_space<vmem_shared>>) offsets(%dma_start3A_1125 : memref<128xi32, #tpu.memory_space<vmem>>) semaphore(%arg19 : memref<!tpu.dma_semaphore, #tpu.memory_space<semaphore_mem>>) {add = true}
    %dma_wait3A_1129 = arith.constant 128 : i32
    %dma_wait3A_1130 = tpu.memref_slice %arg8[%dma_wait3A_1129] : memref<3328xi32, #tpu.memory_space<vmem>> -> memref<128xi32, #tpu.memory_space<vmem>>
    %dma_wait3A_1131 = arith.constant 0 : i32
    %dma_wait3A_1132 = arith.constant 0 : i32
    %dma_wait3A_1133 = tpu.memref_slice %arg16[%dma_wait3A_1131, %dma_wait3A_1132] : memref<10000x128xf32, #tpu.memory_space<vmem_shared>> -> memref<10000x128xf32, #tpu.memory_space<vmem_shared>>
    tpu.wait_indirect_dma semaphore(%arg19 : memref<!tpu.dma_semaphore, #tpu.memory_space<semaphore_mem>>) src(%arg12 : memref<128x128xf32, #tpu.memory_space<vmem>>) dst(%dma_wait3A_1133 : memref<10000x128xf32, #tpu.memory_space<vmem_shared>>)
    %dma_start3A_1134 = arith.constant 384 : i32
    %dma_start3A_1135 = tpu.memref_slice %arg7[%dma_start3A_1134] : memref<3328xi32, #tpu.memory_space<vmem>> -> memref<128xi32, #tpu.memory_space<vmem>>
    %dma_start3A_1136 = arith.constant 0 : i32
    %dma_start3A_1137 = arith.constant 0 : i32
    %dma_start3A_1138 = tpu.memref_slice %arg2[%dma_start3A_1136, %dma_start3A_1137] : memref<10000x128xf32, #tpu.memory_space<hbm>> -> memref<10000x128xf32, #tpu.memory_space<hbm>>
    tpu.enqueue_indirect_dma source(%dma_start3A_1138 : memref<10000x128xf32, #tpu.memory_space<hbm>>) target(%arg12 : memref<128x128xf32, #tpu.memory_space<vmem>>) offsets(%dma_start3A_1135 : memref<128xi32, #tpu.memory_space<vmem>>) semaphore(%arg18 : memref<!tpu.dma_semaphore, #tpu.memory_space<semaphore_mem>>)
    %dma_wait3A_1139 = arith.constant 256 : i32
    %dma_wait3A_1140 = tpu.memref_slice %arg7[%dma_wait3A_1139] : memref<3328xi32, #tpu.memory_space<vmem>> -> memref<128xi32, #tpu.memory_space<vmem>>
    %dma_wait3A_1141 = arith.constant 0 : i32
    %dma_wait3A_1142 = arith.constant 0 : i32
    %dma_wait3A_1143 = tpu.memref_slice %arg2[%dma_wait3A_1141, %dma_wait3A_1142] : memref<10000x128xf32, #tpu.memory_space<hbm>> -> memref<10000x128xf32, #tpu.memory_space<hbm>>
    tpu.wait_indirect_dma semaphore(%arg18 : memref<!tpu.dma_semaphore, #tpu.memory_space<semaphore_mem>>) src(%dma_wait3A_1143 : memref<10000x128xf32, #tpu.memory_space<hbm>>) dst(%arg11 : memref<128x128xf32, #tpu.memory_space<vmem>>)
    %dma_start3A_1144 = arith.constant 256 : i32
    %dma_start3A_1145 = tpu.memref_slice %arg8[%dma_start3A_1144] : memref<3328xi32, #tpu.memory_space<vmem>> -> memref<128xi32, #tpu.memory_space<vmem>>
    %dma_start3A_1146 = arith.constant 0 : i32
    %dma_start3A_1147 = arith.constant 0 : i32
    %dma_start3A_1148 = tpu.memref_slice %arg16[%dma_start3A_1146, %dma_start3A_1147] : memref<10000x128xf32, #tpu.memory_space<vmem_shared>> -> memref<10000x128xf32, #tpu.memory_space<vmem_shared>>
    tpu.enqueue_indirect_dma source(%arg11 : memref<128x128xf32, #tpu.memory_space<vmem>>) target(%dma_start3A_1148 : memref<10000x128xf32, #tpu.memory_space<vmem_shared>>) offsets(%dma_start3A_1145 : memref<128xi32, #tpu.memory_space<vmem>>) semaphore(%arg19 : memref<!tpu.dma_semaphore, #tpu.memory_space<semaphore_mem>>) {add = true}
    %dma_wait3A_1149 = arith.constant 256 : i32
    %dma_wait3A_1150 = tpu.memref_slice %arg8[%dma_wait3A_1149] : memref<3328xi32, #tpu.memory_space<vmem>> -> memref<128xi32, #tpu.memory_space<vmem>>
    %dma_wait3A_1151 = arith.constant 0 : i32
    %dma_wait3A_1152 = arith.constant 0 : i32
    %dma_wait3A_1153 = tpu.memref_slice %arg16[%dma_wait3A_1151, %dma_wait3A_1152] : memref<10000x128xf32, #tpu.memory_space<vmem_shared>> -> memref<10000x128xf32, #tpu.memory_space<vmem_shared>>
    tpu.wait_indirect_dma semaphore(%arg19 : memref<!tpu.dma_semaphore, #tpu.memory_space<semaphore_mem>>) src(%arg11 : memref<128x128xf32, #tpu.memory_space<vmem>>) dst(%dma_wait3A_1153 : memref<10000x128xf32, #tpu.memory_space<vmem_shared>>)
    %dma_start3A_1154 = arith.constant 512 : i32
    %dma_start3A_1155 = tpu.memref_slice %arg7[%dma_start3A_1154] : memref<3328xi32, #tpu.memory_space<vmem>> -> memref<128xi32, #tpu.memory_space<vmem>>
    %dma_start3A_1156 = arith.constant 0 : i32
    %dma_start3A_1157 = arith.constant 0 : i32
    %dma_start3A_1158 = tpu.memref_slice %arg2[%dma_start3A_1156, %dma_start3A_1157] : memref<10000x128xf32, #tpu.memory_space<hbm>> -> memref<10000x128xf32, #tpu.memory_space<hbm>>
    tpu.enqueue_indirect_dma source(%dma_start3A_1158 : memref<10000x128xf32, #tpu.memory_space<hbm>>) target(%arg11 : memref<128x128xf32, #tpu.memory_space<vmem>>) offsets(%dma_start3A_1155 : memref<128xi32, #tpu.memory_space<vmem>>) semaphore(%arg18 : memref<!tpu.dma_semaphore, #tpu.memory_space<semaphore_mem>>)
    %dma_wait3A_1159 = arith.constant 384 : i32
    %dma_wait3A_1160 = tpu.memref_slice %arg7[%dma_wait3A_1159] : memref<3328xi32, #tpu.memory_space<vmem>> -> memref<128xi32, #tpu.memory_space<vmem>>
    %dma_wait3A_1161 = arith.constant 0 : i32
    %dma_wait3A_1162 = arith.constant 0 : i32
    %dma_wait3A_1163 = tpu.memref_slice %arg2[%dma_wait3A_1161, %dma_wait3A_1162] : memref<10000x128xf32, #tpu.memory_space<hbm>> -> memref<10000x128xf32, #tpu.memory_space<hbm>>
    tpu.wait_indirect_dma semaphore(%arg18 : memref<!tpu.dma_semaphore, #tpu.memory_space<semaphore_mem>>) src(%dma_wait3A_1163 : memref<10000x128xf32, #tpu.memory_space<hbm>>) dst(%arg12 : memref<128x128xf32, #tpu.memory_space<vmem>>)
    %dma_start3A_1164 = arith.constant 384 : i32
    %dma_start3A_1165 = tpu.memref_slice %arg8[%dma_start3A_1164] : memref<3328xi32, #tpu.memory_space<vmem>> -> memref<128xi32, #tpu.memory_space<vmem>>
    %dma_start3A_1166 = arith.constant 0 : i32
    %dma_start3A_1167 = arith.constant 0 : i32
    %dma_start3A_1168 = tpu.memref_slice %arg16[%dma_start3A_1166, %dma_start3A_1167] : memref<10000x128xf32, #tpu.memory_space<vmem_shared>> -> memref<10000x128xf32, #tpu.memory_space<vmem_shared>>
    tpu.enqueue_indirect_dma source(%arg12 : memref<128x128xf32, #tpu.memory_space<vmem>>) target(%dma_start3A_1168 : memref<10000x128xf32, #tpu.memory_space<vmem_shared>>) offsets(%dma_start3A_1165 : memref<128xi32, #tpu.memory_space<vmem>>) semaphore(%arg19 : memref<!tpu.dma_semaphore, #tpu.memory_space<semaphore_mem>>) {add = true}
    %dma_wait3A_1169 = arith.constant 384 : i32
    %dma_wait3A_1170 = tpu.memref_slice %arg8[%dma_wait3A_1169] : memref<3328xi32, #tpu.memory_space<vmem>> -> memref<128xi32, #tpu.memory_space<vmem>>
    %dma_wait3A_1171 = arith.constant 0 : i32
    %dma_wait3A_1172 = arith.constant 0 : i32
    %dma_wait3A_1173 = tpu.memref_slice %arg16[%dma_wait3A_1171, %dma_wait3A_1172] : memref<10000x128xf32, #tpu.memory_space<vmem_shared>> -> memref<10000x128xf32, #tpu.memory_space<vmem_shared>>
    tpu.wait_indirect_dma semaphore(%arg19 : memref<!tpu.dma_semaphore, #tpu.memory_space<semaphore_mem>>) src(%arg12 : memref<128x128xf32, #tpu.memory_space<vmem>>) dst(%dma_wait3A_1173 : memref<10000x128xf32, #tpu.memory_space<vmem_shared>>)
    %dma_start3A_1174 = arith.constant 640 : i32
    %dma_start3A_1175 = tpu.memref_slice %arg7[%dma_start3A_1174] : memref<3328xi32, #tpu.memory_space<vmem>> -> memref<128xi32, #tpu.memory_space<vmem>>
    %dma_start3A_1176 = arith.constant 0 : i32
    %dma_start3A_1177 = arith.constant 0 : i32
    %dma_start3A_1178 = tpu.memref_slice %arg2[%dma_start3A_1176, %dma_start3A_1177] : memref<10000x128xf32, #tpu.memory_space<hbm>> -> memref<10000x128xf32, #tpu.memory_space<hbm>>
    tpu.enqueue_indirect_dma source(%dma_start3A_1178 : memref<10000x128xf32, #tpu.memory_space<hbm>>) target(%arg12 : memref<128x128xf32, #tpu.memory_space<vmem>>) offsets(%dma_start3A_1175 : memref<128xi32, #tpu.memory_space<vmem>>) semaphore(%arg18 : memref<!tpu.dma_semaphore, #tpu.memory_space<semaphore_mem>>)
    %dma_wait3A_1179 = arith.constant 512 : i32
    %dma_wait3A_1180 = tpu.memref_slice %arg7[%dma_wait3A_1179] : memref<3328xi32, #tpu.memory_space<vmem>> -> memref<128xi32, #tpu.memory_space<vmem>>
    %dma_wait3A_1181 = arith.constant 0 : i32
    %dma_wait3A_1182 = arith.constant 0 : i32
    %dma_wait3A_1183 = tpu.memref_slice %arg2[%dma_wait3A_1181, %dma_wait3A_1182] : memref<10000x128xf32, #tpu.memory_space<hbm>> -> memref<10000x128xf32, #tpu.memory_space<hbm>>
    tpu.wait_indirect_dma semaphore(%arg18 : memref<!tpu.dma_semaphore, #tpu.memory_space<semaphore_mem>>) src(%dma_wait3A_1183 : memref<10000x128xf32, #tpu.memory_space<hbm>>) dst(%arg11 : memref<128x128xf32, #tpu.memory_space<vmem>>)
    %dma_start3A_1184 = arith.constant 512 : i32
    %dma_start3A_1185 = tpu.memref_slice %arg8[%dma_start3A_1184] : memref<3328xi32, #tpu.memory_space<vmem>> -> memref<128xi32, #tpu.memory_space<vmem>>
    %dma_start3A_1186 = arith.constant 0 : i32
    %dma_start3A_1187 = arith.constant 0 : i32
    %dma_start3A_1188 = tpu.memref_slice %arg16[%dma_start3A_1186, %dma_start3A_1187] : memref<10000x128xf32, #tpu.memory_space<vmem_shared>> -> memref<10000x128xf32, #tpu.memory_space<vmem_shared>>
    tpu.enqueue_indirect_dma source(%arg11 : memref<128x128xf32, #tpu.memory_space<vmem>>) target(%dma_start3A_1188 : memref<10000x128xf32, #tpu.memory_space<vmem_shared>>) offsets(%dma_start3A_1185 : memref<128xi32, #tpu.memory_space<vmem>>) semaphore(%arg19 : memref<!tpu.dma_semaphore, #tpu.memory_space<semaphore_mem>>) {add = true}
    %dma_wait3A_1189 = arith.constant 512 : i32
    %dma_wait3A_1190 = tpu.memref_slice %arg8[%dma_wait3A_1189] : memref<3328xi32, #tpu.memory_space<vmem>> -> memref<128xi32, #tpu.memory_space<vmem>>
    %dma_wait3A_1191 = arith.constant 0 : i32
    %dma_wait3A_1192 = arith.constant 0 : i32
    %dma_wait3A_1193 = tpu.memref_slice %arg16[%dma_wait3A_1191, %dma_wait3A_1192] : memref<10000x128xf32, #tpu.memory_space<vmem_shared>> -> memref<10000x128xf32, #tpu.memory_space<vmem_shared>>
    tpu.wait_indirect_dma semaphore(%arg19 : memref<!tpu.dma_semaphore, #tpu.memory_space<semaphore_mem>>) src(%arg11 : memref<128x128xf32, #tpu.memory_space<vmem>>) dst(%dma_wait3A_1193 : memref<10000x128xf32, #tpu.memory_space<vmem_shared>>)
    %dma_start3A_1194 = arith.constant 768 : i32
    %dma_start3A_1195 = tpu.memref_slice %arg7[%dma_start3A_1194] : memref<3328xi32, #tpu.memory_space<vmem>> -> memref<128xi32, #tpu.memory_space<vmem>>
    %dma_start3A_1196 = arith.constant 0 : i32
    %dma_start3A_1197 = arith.constant 0 : i32
    %dma_start3A_1198 = tpu.memref_slice %arg2[%dma_start3A_1196, %dma_start3A_1197] : memref<10000x128xf32, #tpu.memory_space<hbm>> -> memref<10000x128xf32, #tpu.memory_space<hbm>>
    tpu.enqueue_indirect_dma source(%dma_start3A_1198 : memref<10000x128xf32, #tpu.memory_space<hbm>>) target(%arg11 : memref<128x128xf32, #tpu.memory_space<vmem>>) offsets(%dma_start3A_1195 : memref<128xi32, #tpu.memory_space<vmem>>) semaphore(%arg18 : memref<!tpu.dma_semaphore, #tpu.memory_space<semaphore_mem>>)
    %dma_wait3A_1199 = arith.constant 640 : i32
    %dma_wait3A_1200 = tpu.memref_slice %arg7[%dma_wait3A_1199] : memref<3328xi32, #tpu.memory_space<vmem>> -> memref<128xi32, #tpu.memory_space<vmem>>
    %dma_wait3A_1201 = arith.constant 0 : i32
    %dma_wait3A_1202 = arith.constant 0 : i32
    %dma_wait3A_1203 = tpu.memref_slice %arg2[%dma_wait3A_1201, %dma_wait3A_1202] : memref<10000x128xf32, #tpu.memory_space<hbm>> -> memref<10000x128xf32, #tpu.memory_space<hbm>>
    tpu.wait_indirect_dma semaphore(%arg18 : memref<!tpu.dma_semaphore, #tpu.memory_space<semaphore_mem>>) src(%dma_wait3A_1203 : memref<10000x128xf32, #tpu.memory_space<hbm>>) dst(%arg12 : memref<128x128xf32, #tpu.memory_space<vmem>>)
    %dma_start3A_1204 = arith.constant 640 : i32
    %dma_start3A_1205 = tpu.memref_slice %arg8[%dma_start3A_1204] : memref<3328xi32, #tpu.memory_space<vmem>> -> memref<128xi32, #tpu.memory_space<vmem>>
    %dma_start3A_1206 = arith.constant 0 : i32
    %dma_start3A_1207 = arith.constant 0 : i32
    %dma_start3A_1208 = tpu.memref_slice %arg16[%dma_start3A_1206, %dma_start3A_1207] : memref<10000x128xf32, #tpu.memory_space<vmem_shared>> -> memref<10000x128xf32, #tpu.memory_space<vmem_shared>>
    tpu.enqueue_indirect_dma source(%arg12 : memref<128x128xf32, #tpu.memory_space<vmem>>) target(%dma_start3A_1208 : memref<10000x128xf32, #tpu.memory_space<vmem_shared>>) offsets(%dma_start3A_1205 : memref<128xi32, #tpu.memory_space<vmem>>) semaphore(%arg19 : memref<!tpu.dma_semaphore, #tpu.memory_space<semaphore_mem>>) {add = true}
    %dma_wait3A_1209 = arith.constant 640 : i32
    %dma_wait3A_1210 = tpu.memref_slice %arg8[%dma_wait3A_1209] : memref<3328xi32, #tpu.memory_space<vmem>> -> memref<128xi32, #tpu.memory_space<vmem>>
    %dma_wait3A_1211 = arith.constant 0 : i32
    %dma_wait3A_1212 = arith.constant 0 : i32
    %dma_wait3A_1213 = tpu.memref_slice %arg16[%dma_wait3A_1211, %dma_wait3A_1212] : memref<10000x128xf32, #tpu.memory_space<vmem_shared>> -> memref<10000x128xf32, #tpu.memory_space<vmem_shared>>
    tpu.wait_indirect_dma semaphore(%arg19 : memref<!tpu.dma_semaphore, #tpu.memory_space<semaphore_mem>>) src(%arg12 : memref<128x128xf32, #tpu.memory_space<vmem>>) dst(%dma_wait3A_1213 : memref<10000x128xf32, #tpu.memory_space<vmem_shared>>)
    %dma_start3A_1214 = arith.constant 896 : i32
    %dma_start3A_1215 = tpu.memref_slice %arg7[%dma_start3A_1214] : memref<3328xi32, #tpu.memory_space<vmem>> -> memref<128xi32, #tpu.memory_space<vmem>>
    %dma_start3A_1216 = arith.constant 0 : i32
    %dma_start3A_1217 = arith.constant 0 : i32
    %dma_start3A_1218 = tpu.memref_slice %arg2[%dma_start3A_1216, %dma_start3A_1217] : memref<10000x128xf32, #tpu.memory_space<hbm>> -> memref<10000x128xf32, #tpu.memory_space<hbm>>
    tpu.enqueue_indirect_dma source(%dma_start3A_1218 : memref<10000x128xf32, #tpu.memory_space<hbm>>) target(%arg12 : memref<128x128xf32, #tpu.memory_space<vmem>>) offsets(%dma_start3A_1215 : memref<128xi32, #tpu.memory_space<vmem>>) semaphore(%arg18 : memref<!tpu.dma_semaphore, #tpu.memory_space<semaphore_mem>>)
    %dma_wait3A_1219 = arith.constant 768 : i32
    %dma_wait3A_1220 = tpu.memref_slice %arg7[%dma_wait3A_1219] : memref<3328xi32, #tpu.memory_space<vmem>> -> memref<128xi32, #tpu.memory_space<vmem>>
    %dma_wait3A_1221 = arith.constant 0 : i32
    %dma_wait3A_1222 = arith.constant 0 : i32
    %dma_wait3A_1223 = tpu.memref_slice %arg2[%dma_wait3A_1221, %dma_wait3A_1222] : memref<10000x128xf32, #tpu.memory_space<hbm>> -> memref<10000x128xf32, #tpu.memory_space<hbm>>
    tpu.wait_indirect_dma semaphore(%arg18 : memref<!tpu.dma_semaphore, #tpu.memory_space<semaphore_mem>>) src(%dma_wait3A_1223 : memref<10000x128xf32, #tpu.memory_space<hbm>>) dst(%arg11 : memref<128x128xf32, #tpu.memory_space<vmem>>)
    %dma_start3A_1224 = arith.constant 768 : i32
    %dma_start3A_1225 = tpu.memref_slice %arg8[%dma_start3A_1224] : memref<3328xi32, #tpu.memory_space<vmem>> -> memref<128xi32, #tpu.memory_space<vmem>>
    %dma_start3A_1226 = arith.constant 0 : i32
    %dma_start3A_1227 = arith.constant 0 : i32
    %dma_start3A_1228 = tpu.memref_slice %arg16[%dma_start3A_1226, %dma_start3A_1227] : memref<10000x128xf32, #tpu.memory_space<vmem_shared>> -> memref<10000x128xf32, #tpu.memory_space<vmem_shared>>
    tpu.enqueue_indirect_dma source(%arg11 : memref<128x128xf32, #tpu.memory_space<vmem>>) target(%dma_start3A_1228 : memref<10000x128xf32, #tpu.memory_space<vmem_shared>>) offsets(%dma_start3A_1225 : memref<128xi32, #tpu.memory_space<vmem>>) semaphore(%arg19 : memref<!tpu.dma_semaphore, #tpu.memory_space<semaphore_mem>>) {add = true}
    %dma_wait3A_1229 = arith.constant 768 : i32
    %dma_wait3A_1230 = tpu.memref_slice %arg8[%dma_wait3A_1229] : memref<3328xi32, #tpu.memory_space<vmem>> -> memref<128xi32, #tpu.memory_space<vmem>>
    %dma_wait3A_1231 = arith.constant 0 : i32
    %dma_wait3A_1232 = arith.constant 0 : i32
    %dma_wait3A_1233 = tpu.memref_slice %arg16[%dma_wait3A_1231, %dma_wait3A_1232] : memref<10000x128xf32, #tpu.memory_space<vmem_shared>> -> memref<10000x128xf32, #tpu.memory_space<vmem_shared>>
    tpu.wait_indirect_dma semaphore(%arg19 : memref<!tpu.dma_semaphore, #tpu.memory_space<semaphore_mem>>) src(%arg11 : memref<128x128xf32, #tpu.memory_space<vmem>>) dst(%dma_wait3A_1233 : memref<10000x128xf32, #tpu.memory_space<vmem_shared>>)
    %dma_start3A_1234 = arith.constant 1024 : i32
    %dma_start3A_1235 = tpu.memref_slice %arg7[%dma_start3A_1234] : memref<3328xi32, #tpu.memory_space<vmem>> -> memref<128xi32, #tpu.memory_space<vmem>>
    %dma_start3A_1236 = arith.constant 0 : i32
    %dma_start3A_1237 = arith.constant 0 : i32
    %dma_start3A_1238 = tpu.memref_slice %arg2[%dma_start3A_1236, %dma_start3A_1237] : memref<10000x128xf32, #tpu.memory_space<hbm>> -> memref<10000x128xf32, #tpu.memory_space<hbm>>
    tpu.enqueue_indirect_dma source(%dma_start3A_1238 : memref<10000x128xf32, #tpu.memory_space<hbm>>) target(%arg11 : memref<128x128xf32, #tpu.memory_space<vmem>>) offsets(%dma_start3A_1235 : memref<128xi32, #tpu.memory_space<vmem>>) semaphore(%arg18 : memref<!tpu.dma_semaphore, #tpu.memory_space<semaphore_mem>>)
    %dma_wait3A_1239 = arith.constant 896 : i32
    %dma_wait3A_1240 = tpu.memref_slice %arg7[%dma_wait3A_1239] : memref<3328xi32, #tpu.memory_space<vmem>> -> memref<128xi32, #tpu.memory_space<vmem>>
    %dma_wait3A_1241 = arith.constant 0 : i32
    %dma_wait3A_1242 = arith.constant 0 : i32
    %dma_wait3A_1243 = tpu.memref_slice %arg2[%dma_wait3A_1241, %dma_wait3A_1242] : memref<10000x128xf32, #tpu.memory_space<hbm>> -> memref<10000x128xf32, #tpu.memory_space<hbm>>
    tpu.wait_indirect_dma semaphore(%arg18 : memref<!tpu.dma_semaphore, #tpu.memory_space<semaphore_mem>>) src(%dma_wait3A_1243 : memref<10000x128xf32, #tpu.memory_space<hbm>>) dst(%arg12 : memref<128x128xf32, #tpu.memory_space<vmem>>)
    %dma_start3A_1244 = arith.constant 896 : i32
    %dma_start3A_1245 = tpu.memref_slice %arg8[%dma_start3A_1244] : memref<3328xi32, #tpu.memory_space<vmem>> -> memref<128xi32, #tpu.memory_space<vmem>>
    %dma_start3A_1246 = arith.constant 0 : i32
    %dma_start3A_1247 = arith.constant 0 : i32
    %dma_start3A_1248 = tpu.memref_slice %arg16[%dma_start3A_1246, %dma_start3A_1247] : memref<10000x128xf32, #tpu.memory_space<vmem_shared>> -> memref<10000x128xf32, #tpu.memory_space<vmem_shared>>
    tpu.enqueue_indirect_dma source(%arg12 : memref<128x128xf32, #tpu.memory_space<vmem>>) target(%dma_start3A_1248 : memref<10000x128xf32, #tpu.memory_space<vmem_shared>>) offsets(%dma_start3A_1245 : memref<128xi32, #tpu.memory_space<vmem>>) semaphore(%arg19 : memref<!tpu.dma_semaphore, #tpu.memory_space<semaphore_mem>>) {add = true}
    %dma_wait3A_1249 = arith.constant 896 : i32
    %dma_wait3A_1250 = tpu.memref_slice %arg8[%dma_wait3A_1249] : memref<3328xi32, #tpu.memory_space<vmem>> -> memref<128xi32, #tpu.memory_space<vmem>>
    %dma_wait3A_1251 = arith.constant 0 : i32
    %dma_wait3A_1252 = arith.constant 0 : i32
    %dma_wait3A_1253 = tpu.memref_slice %arg16[%dma_wait3A_1251, %dma_wait3A_1252] : memref<10000x128xf32, #tpu.memory_space<vmem_shared>> -> memref<10000x128xf32, #tpu.memory_space<vmem_shared>>
    tpu.wait_indirect_dma semaphore(%arg19 : memref<!tpu.dma_semaphore, #tpu.memory_space<semaphore_mem>>) src(%arg12 : memref<128x128xf32, #tpu.memory_space<vmem>>) dst(%dma_wait3A_1253 : memref<10000x128xf32, #tpu.memory_space<vmem_shared>>)
    %dma_start3A_1254 = arith.constant 1152 : i32
    %dma_start3A_1255 = tpu.memref_slice %arg7[%dma_start3A_1254] : memref<3328xi32, #tpu.memory_space<vmem>> -> memref<128xi32, #tpu.memory_space<vmem>>
    %dma_start3A_1256 = arith.constant 0 : i32
    %dma_start3A_1257 = arith.constant 0 : i32
    %dma_start3A_1258 = tpu.memref_slice %arg2[%dma_start3A_1256, %dma_start3A_1257] : memref<10000x128xf32, #tpu.memory_space<hbm>> -> memref<10000x128xf32, #tpu.memory_space<hbm>>
    tpu.enqueue_indirect_dma source(%dma_start3A_1258 : memref<10000x128xf32, #tpu.memory_space<hbm>>) target(%arg12 : memref<128x128xf32, #tpu.memory_space<vmem>>) offsets(%dma_start3A_1255 : memref<128xi32, #tpu.memory_space<vmem>>) semaphore(%arg18 : memref<!tpu.dma_semaphore, #tpu.memory_space<semaphore_mem>>)
    %dma_wait3A_1259 = arith.constant 1024 : i32
    %dma_wait3A_1260 = tpu.memref_slice %arg7[%dma_wait3A_1259] : memref<3328xi32, #tpu.memory_space<vmem>> -> memref<128xi32, #tpu.memory_space<vmem>>
    %dma_wait3A_1261 = arith.constant 0 : i32
    %dma_wait3A_1262 = arith.constant 0 : i32
    %dma_wait3A_1263 = tpu.memref_slice %arg2[%dma_wait3A_1261, %dma_wait3A_1262] : memref<10000x128xf32, #tpu.memory_space<hbm>> -> memref<10000x128xf32, #tpu.memory_space<hbm>>
    tpu.wait_indirect_dma semaphore(%arg18 : memref<!tpu.dma_semaphore, #tpu.memory_space<semaphore_mem>>) src(%dma_wait3A_1263 : memref<10000x128xf32, #tpu.memory_space<hbm>>) dst(%arg11 : memref<128x128xf32, #tpu.memory_space<vmem>>)
    %dma_start3A_1264 = arith.constant 1024 : i32
    %dma_start3A_1265 = tpu.memref_slice %arg8[%dma_start3A_1264] : memref<3328xi32, #tpu.memory_space<vmem>> -> memref<128xi32, #tpu.memory_space<vmem>>
    %dma_start3A_1266 = arith.constant 0 : i32
    %dma_start3A_1267 = arith.constant 0 : i32
    %dma_start3A_1268 = tpu.memref_slice %arg16[%dma_start3A_1266, %dma_start3A_1267] : memref<10000x128xf32, #tpu.memory_space<vmem_shared>> -> memref<10000x128xf32, #tpu.memory_space<vmem_shared>>
    tpu.enqueue_indirect_dma source(%arg11 : memref<128x128xf32, #tpu.memory_space<vmem>>) target(%dma_start3A_1268 : memref<10000x128xf32, #tpu.memory_space<vmem_shared>>) offsets(%dma_start3A_1265 : memref<128xi32, #tpu.memory_space<vmem>>) semaphore(%arg19 : memref<!tpu.dma_semaphore, #tpu.memory_space<semaphore_mem>>) {add = true}
    %dma_wait3A_1269 = arith.constant 1024 : i32
    %dma_wait3A_1270 = tpu.memref_slice %arg8[%dma_wait3A_1269] : memref<3328xi32, #tpu.memory_space<vmem>> -> memref<128xi32, #tpu.memory_space<vmem>>
    %dma_wait3A_1271 = arith.constant 0 : i32
    %dma_wait3A_1272 = arith.constant 0 : i32
    %dma_wait3A_1273 = tpu.memref_slice %arg16[%dma_wait3A_1271, %dma_wait3A_1272] : memref<10000x128xf32, #tpu.memory_space<vmem_shared>> -> memref<10000x128xf32, #tpu.memory_space<vmem_shared>>
    tpu.wait_indirect_dma semaphore(%arg19 : memref<!tpu.dma_semaphore, #tpu.memory_space<semaphore_mem>>) src(%arg11 : memref<128x128xf32, #tpu.memory_space<vmem>>) dst(%dma_wait3A_1273 : memref<10000x128xf32, #tpu.memory_space<vmem_shared>>)
    %dma_start3A_1274 = arith.constant 1280 : i32
    %dma_start3A_1275 = tpu.memref_slice %arg7[%dma_start3A_1274] : memref<3328xi32, #tpu.memory_space<vmem>> -> memref<128xi32, #tpu.memory_space<vmem>>
    %dma_start3A_1276 = arith.constant 0 : i32
    %dma_start3A_1277 = arith.constant 0 : i32
    %dma_start3A_1278 = tpu.memref_slice %arg2[%dma_start3A_1276, %dma_start3A_1277] : memref<10000x128xf32, #tpu.memory_space<hbm>> -> memref<10000x128xf32, #tpu.memory_space<hbm>>
    tpu.enqueue_indirect_dma source(%dma_start3A_1278 : memref<10000x128xf32, #tpu.memory_space<hbm>>) target(%arg11 : memref<128x128xf32, #tpu.memory_space<vmem>>) offsets(%dma_start3A_1275 : memref<128xi32, #tpu.memory_space<vmem>>) semaphore(%arg18 : memref<!tpu.dma_semaphore, #tpu.memory_space<semaphore_mem>>)
    %dma_wait3A_1279 = arith.constant 1152 : i32
    %dma_wait3A_1280 = tpu.memref_slice %arg7[%dma_wait3A_1279] : memref<3328xi32, #tpu.memory_space<vmem>> -> memref<128xi32, #tpu.memory_space<vmem>>
    %dma_wait3A_1281 = arith.constant 0 : i32
    %dma_wait3A_1282 = arith.constant 0 : i32
    %dma_wait3A_1283 = tpu.memref_slice %arg2[%dma_wait3A_1281, %dma_wait3A_1282] : memref<10000x128xf32, #tpu.memory_space<hbm>> -> memref<10000x128xf32, #tpu.memory_space<hbm>>
    tpu.wait_indirect_dma semaphore(%arg18 : memref<!tpu.dma_semaphore, #tpu.memory_space<semaphore_mem>>) src(%dma_wait3A_1283 : memref<10000x128xf32, #tpu.memory_space<hbm>>) dst(%arg12 : memref<128x128xf32, #tpu.memory_space<vmem>>)
    %dma_start3A_1284 = arith.constant 1152 : i32
    %dma_start3A_1285 = tpu.memref_slice %arg8[%dma_start3A_1284] : memref<3328xi32, #tpu.memory_space<vmem>> -> memref<128xi32, #tpu.memory_space<vmem>>
    %dma_start3A_1286 = arith.constant 0 : i32
    %dma_start3A_1287 = arith.constant 0 : i32
    %dma_start3A_1288 = tpu.memref_slice %arg16[%dma_start3A_1286, %dma_start3A_1287] : memref<10000x128xf32, #tpu.memory_space<vmem_shared>> -> memref<10000x128xf32, #tpu.memory_space<vmem_shared>>
    tpu.enqueue_indirect_dma source(%arg12 : memref<128x128xf32, #tpu.memory_space<vmem>>) target(%dma_start3A_1288 : memref<10000x128xf32, #tpu.memory_space<vmem_shared>>) offsets(%dma_start3A_1285 : memref<128xi32, #tpu.memory_space<vmem>>) semaphore(%arg19 : memref<!tpu.dma_semaphore, #tpu.memory_space<semaphore_mem>>) {add = true}
    %dma_wait3A_1289 = arith.constant 1152 : i32
    %dma_wait3A_1290 = tpu.memref_slice %arg8[%dma_wait3A_1289] : memref<3328xi32, #tpu.memory_space<vmem>> -> memref<128xi32, #tpu.memory_space<vmem>>
    %dma_wait3A_1291 = arith.constant 0 : i32
    %dma_wait3A_1292 = arith.constant 0 : i32
    %dma_wait3A_1293 = tpu.memref_slice %arg16[%dma_wait3A_1291, %dma_wait3A_1292] : memref<10000x128xf32, #tpu.memory_space<vmem_shared>> -> memref<10000x128xf32, #tpu.memory_space<vmem_shared>>
    tpu.wait_indirect_dma semaphore(%arg19 : memref<!tpu.dma_semaphore, #tpu.memory_space<semaphore_mem>>) src(%arg12 : memref<128x128xf32, #tpu.memory_space<vmem>>) dst(%dma_wait3A_1293 : memref<10000x128xf32, #tpu.memory_space<vmem_shared>>)
    %dma_start3A_1294 = arith.constant 1408 : i32
    %dma_start3A_1295 = tpu.memref_slice %arg7[%dma_start3A_1294] : memref<3328xi32, #tpu.memory_space<vmem>> -> memref<128xi32, #tpu.memory_space<vmem>>
    %dma_start3A_1296 = arith.constant 0 : i32
    %dma_start3A_1297 = arith.constant 0 : i32
    %dma_start3A_1298 = tpu.memref_slice %arg2[%dma_start3A_1296, %dma_start3A_1297] : memref<10000x128xf32, #tpu.memory_space<hbm>> -> memref<10000x128xf32, #tpu.memory_space<hbm>>
    tpu.enqueue_indirect_dma source(%dma_start3A_1298 : memref<10000x128xf32, #tpu.memory_space<hbm>>) target(%arg12 : memref<128x128xf32, #tpu.memory_space<vmem>>) offsets(%dma_start3A_1295 : memref<128xi32, #tpu.memory_space<vmem>>) semaphore(%arg18 : memref<!tpu.dma_semaphore, #tpu.memory_space<semaphore_mem>>)
    %dma_wait3A_1299 = arith.constant 1280 : i32
    %dma_wait3A_1300 = tpu.memref_slice %arg7[%dma_wait3A_1299] : memref<3328xi32, #tpu.memory_space<vmem>> -> memref<128xi32, #tpu.memory_space<vmem>>
    %dma_wait3A_1301 = arith.constant 0 : i32
    %dma_wait3A_1302 = arith.constant 0 : i32
    %dma_wait3A_1303 = tpu.memref_slice %arg2[%dma_wait3A_1301, %dma_wait3A_1302] : memref<10000x128xf32, #tpu.memory_space<hbm>> -> memref<10000x128xf32, #tpu.memory_space<hbm>>
    tpu.wait_indirect_dma semaphore(%arg18 : memref<!tpu.dma_semaphore, #tpu.memory_space<semaphore_mem>>) src(%dma_wait3A_1303 : memref<10000x128xf32, #tpu.memory_space<hbm>>) dst(%arg11 : memref<128x128xf32, #tpu.memory_space<vmem>>)
    %dma_start3A_1304 = arith.constant 1280 : i32
    %dma_start3A_1305 = tpu.memref_slice %arg8[%dma_start3A_1304] : memref<3328xi32, #tpu.memory_space<vmem>> -> memref<128xi32, #tpu.memory_space<vmem>>
    %dma_start3A_1306 = arith.constant 0 : i32
    %dma_start3A_1307 = arith.constant 0 : i32
    %dma_start3A_1308 = tpu.memref_slice %arg16[%dma_start3A_1306, %dma_start3A_1307] : memref<10000x128xf32, #tpu.memory_space<vmem_shared>> -> memref<10000x128xf32, #tpu.memory_space<vmem_shared>>
    tpu.enqueue_indirect_dma source(%arg11 : memref<128x128xf32, #tpu.memory_space<vmem>>) target(%dma_start3A_1308 : memref<10000x128xf32, #tpu.memory_space<vmem_shared>>) offsets(%dma_start3A_1305 : memref<128xi32, #tpu.memory_space<vmem>>) semaphore(%arg19 : memref<!tpu.dma_semaphore, #tpu.memory_space<semaphore_mem>>) {add = true}
    %dma_wait3A_1309 = arith.constant 1280 : i32
    %dma_wait3A_1310 = tpu.memref_slice %arg8[%dma_wait3A_1309] : memref<3328xi32, #tpu.memory_space<vmem>> -> memref<128xi32, #tpu.memory_space<vmem>>
    %dma_wait3A_1311 = arith.constant 0 : i32
    %dma_wait3A_1312 = arith.constant 0 : i32
    %dma_wait3A_1313 = tpu.memref_slice %arg16[%dma_wait3A_1311, %dma_wait3A_1312] : memref<10000x128xf32, #tpu.memory_space<vmem_shared>> -> memref<10000x128xf32, #tpu.memory_space<vmem_shared>>
    tpu.wait_indirect_dma semaphore(%arg19 : memref<!tpu.dma_semaphore, #tpu.memory_space<semaphore_mem>>) src(%arg11 : memref<128x128xf32, #tpu.memory_space<vmem>>) dst(%dma_wait3A_1313 : memref<10000x128xf32, #tpu.memory_space<vmem_shared>>)
    %dma_start3A_1314 = arith.constant 1536 : i32
    %dma_start3A_1315 = tpu.memref_slice %arg7[%dma_start3A_1314] : memref<3328xi32, #tpu.memory_space<vmem>> -> memref<128xi32, #tpu.memory_space<vmem>>
    %dma_start3A_1316 = arith.constant 0 : i32
    %dma_start3A_1317 = arith.constant 0 : i32
    %dma_start3A_1318 = tpu.memref_slice %arg2[%dma_start3A_1316, %dma_start3A_1317] : memref<10000x128xf32, #tpu.memory_space<hbm>> -> memref<10000x128xf32, #tpu.memory_space<hbm>>
    tpu.enqueue_indirect_dma source(%dma_start3A_1318 : memref<10000x128xf32, #tpu.memory_space<hbm>>) target(%arg11 : memref<128x128xf32, #tpu.memory_space<vmem>>) offsets(%dma_start3A_1315 : memref<128xi32, #tpu.memory_space<vmem>>) semaphore(%arg18 : memref<!tpu.dma_semaphore, #tpu.memory_space<semaphore_mem>>)
    %dma_wait3A_1319 = arith.constant 1408 : i32
    %dma_wait3A_1320 = tpu.memref_slice %arg7[%dma_wait3A_1319] : memref<3328xi32, #tpu.memory_space<vmem>> -> memref<128xi32, #tpu.memory_space<vmem>>
    %dma_wait3A_1321 = arith.constant 0 : i32
    %dma_wait3A_1322 = arith.constant 0 : i32
    %dma_wait3A_1323 = tpu.memref_slice %arg2[%dma_wait3A_1321, %dma_wait3A_1322] : memref<10000x128xf32, #tpu.memory_space<hbm>> -> memref<10000x128xf32, #tpu.memory_space<hbm>>
    tpu.wait_indirect_dma semaphore(%arg18 : memref<!tpu.dma_semaphore, #tpu.memory_space<semaphore_mem>>) src(%dma_wait3A_1323 : memref<10000x128xf32, #tpu.memory_space<hbm>>) dst(%arg12 : memref<128x128xf32, #tpu.memory_space<vmem>>)
    %dma_start3A_1324 = arith.constant 1408 : i32
    %dma_start3A_1325 = tpu.memref_slice %arg8[%dma_start3A_1324] : memref<3328xi32, #tpu.memory_space<vmem>> -> memref<128xi32, #tpu.memory_space<vmem>>
    %dma_start3A_1326 = arith.constant 0 : i32
    %dma_start3A_1327 = arith.constant 0 : i32
    %dma_start3A_1328 = tpu.memref_slice %arg16[%dma_start3A_1326, %dma_start3A_1327] : memref<10000x128xf32, #tpu.memory_space<vmem_shared>> -> memref<10000x128xf32, #tpu.memory_space<vmem_shared>>
    tpu.enqueue_indirect_dma source(%arg12 : memref<128x128xf32, #tpu.memory_space<vmem>>) target(%dma_start3A_1328 : memref<10000x128xf32, #tpu.memory_space<vmem_shared>>) offsets(%dma_start3A_1325 : memref<128xi32, #tpu.memory_space<vmem>>) semaphore(%arg19 : memref<!tpu.dma_semaphore, #tpu.memory_space<semaphore_mem>>) {add = true}
    %dma_wait3A_1329 = arith.constant 1408 : i32
    %dma_wait3A_1330 = tpu.memref_slice %arg8[%dma_wait3A_1329] : memref<3328xi32, #tpu.memory_space<vmem>> -> memref<128xi32, #tpu.memory_space<vmem>>
    %dma_wait3A_1331 = arith.constant 0 : i32
    %dma_wait3A_1332 = arith.constant 0 : i32
    %dma_wait3A_1333 = tpu.memref_slice %arg16[%dma_wait3A_1331, %dma_wait3A_1332] : memref<10000x128xf32, #tpu.memory_space<vmem_shared>> -> memref<10000x128xf32, #tpu.memory_space<vmem_shared>>
    tpu.wait_indirect_dma semaphore(%arg19 : memref<!tpu.dma_semaphore, #tpu.memory_space<semaphore_mem>>) src(%arg12 : memref<128x128xf32, #tpu.memory_space<vmem>>) dst(%dma_wait3A_1333 : memref<10000x128xf32, #tpu.memory_space<vmem_shared>>)
    %dma_start3A_1334 = arith.constant 1664 : i32
    %dma_start3A_1335 = tpu.memref_slice %arg7[%dma_start3A_1334] : memref<3328xi32, #tpu.memory_space<vmem>> -> memref<128xi32, #tpu.memory_space<vmem>>
    %dma_start3A_1336 = arith.constant 0 : i32
    %dma_start3A_1337 = arith.constant 0 : i32
    %dma_start3A_1338 = tpu.memref_slice %arg2[%dma_start3A_1336, %dma_start3A_1337] : memref<10000x128xf32, #tpu.memory_space<hbm>> -> memref<10000x128xf32, #tpu.memory_space<hbm>>
    tpu.enqueue_indirect_dma source(%dma_start3A_1338 : memref<10000x128xf32, #tpu.memory_space<hbm>>) target(%arg12 : memref<128x128xf32, #tpu.memory_space<vmem>>) offsets(%dma_start3A_1335 : memref<128xi32, #tpu.memory_space<vmem>>) semaphore(%arg18 : memref<!tpu.dma_semaphore, #tpu.memory_space<semaphore_mem>>)
    %dma_wait3A_1339 = arith.constant 1536 : i32
    %dma_wait3A_1340 = tpu.memref_slice %arg7[%dma_wait3A_1339] : memref<3328xi32, #tpu.memory_space<vmem>> -> memref<128xi32, #tpu.memory_space<vmem>>
    %dma_wait3A_1341 = arith.constant 0 : i32
    %dma_wait3A_1342 = arith.constant 0 : i32
    %dma_wait3A_1343 = tpu.memref_slice %arg2[%dma_wait3A_1341, %dma_wait3A_1342] : memref<10000x128xf32, #tpu.memory_space<hbm>> -> memref<10000x128xf32, #tpu.memory_space<hbm>>
    tpu.wait_indirect_dma semaphore(%arg18 : memref<!tpu.dma_semaphore, #tpu.memory_space<semaphore_mem>>) src(%dma_wait3A_1343 : memref<10000x128xf32, #tpu.memory_space<hbm>>) dst(%arg11 : memref<128x128xf32, #tpu.memory_space<vmem>>)
    %dma_start3A_1344 = arith.constant 1536 : i32
    %dma_start3A_1345 = tpu.memref_slice %arg8[%dma_start3A_1344] : memref<3328xi32, #tpu.memory_space<vmem>> -> memref<128xi32, #tpu.memory_space<vmem>>
    %dma_start3A_1346 = arith.constant 0 : i32
    %dma_start3A_1347 = arith.constant 0 : i32
    %dma_start3A_1348 = tpu.memref_slice %arg16[%dma_start3A_1346, %dma_start3A_1347] : memref<10000x128xf32, #tpu.memory_space<vmem_shared>> -> memref<10000x128xf32, #tpu.memory_space<vmem_shared>>
    tpu.enqueue_indirect_dma source(%arg11 : memref<128x128xf32, #tpu.memory_space<vmem>>) target(%dma_start3A_1348 : memref<10000x128xf32, #tpu.memory_space<vmem_shared>>) offsets(%dma_start3A_1345 : memref<128xi32, #tpu.memory_space<vmem>>) semaphore(%arg19 : memref<!tpu.dma_semaphore, #tpu.memory_space<semaphore_mem>>) {add = true}
    %dma_wait3A_1349 = arith.constant 1536 : i32
    %dma_wait3A_1350 = tpu.memref_slice %arg8[%dma_wait3A_1349] : memref<3328xi32, #tpu.memory_space<vmem>> -> memref<128xi32, #tpu.memory_space<vmem>>
    %dma_wait3A_1351 = arith.constant 0 : i32
    %dma_wait3A_1352 = arith.constant 0 : i32
    %dma_wait3A_1353 = tpu.memref_slice %arg16[%dma_wait3A_1351, %dma_wait3A_1352] : memref<10000x128xf32, #tpu.memory_space<vmem_shared>> -> memref<10000x128xf32, #tpu.memory_space<vmem_shared>>
    tpu.wait_indirect_dma semaphore(%arg19 : memref<!tpu.dma_semaphore, #tpu.memory_space<semaphore_mem>>) src(%arg11 : memref<128x128xf32, #tpu.memory_space<vmem>>) dst(%dma_wait3A_1353 : memref<10000x128xf32, #tpu.memory_space<vmem_shared>>)
    %dma_start3A_1354 = arith.constant 1792 : i32
    %dma_start3A_1355 = tpu.memref_slice %arg7[%dma_start3A_1354] : memref<3328xi32, #tpu.memory_space<vmem>> -> memref<128xi32, #tpu.memory_space<vmem>>
    %dma_start3A_1356 = arith.constant 0 : i32
    %dma_start3A_1357 = arith.constant 0 : i32
    %dma_start3A_1358 = tpu.memref_slice %arg2[%dma_start3A_1356, %dma_start3A_1357] : memref<10000x128xf32, #tpu.memory_space<hbm>> -> memref<10000x128xf32, #tpu.memory_space<hbm>>
    tpu.enqueue_indirect_dma source(%dma_start3A_1358 : memref<10000x128xf32, #tpu.memory_space<hbm>>) target(%arg11 : memref<128x128xf32, #tpu.memory_space<vmem>>) offsets(%dma_start3A_1355 : memref<128xi32, #tpu.memory_space<vmem>>) semaphore(%arg18 : memref<!tpu.dma_semaphore, #tpu.memory_space<semaphore_mem>>)
    %dma_wait3A_1359 = arith.constant 1664 : i32
    %dma_wait3A_1360 = tpu.memref_slice %arg7[%dma_wait3A_1359] : memref<3328xi32, #tpu.memory_space<vmem>> -> memref<128xi32, #tpu.memory_space<vmem>>
    %dma_wait3A_1361 = arith.constant 0 : i32
    %dma_wait3A_1362 = arith.constant 0 : i32
    %dma_wait3A_1363 = tpu.memref_slice %arg2[%dma_wait3A_1361, %dma_wait3A_1362] : memref<10000x128xf32, #tpu.memory_space<hbm>> -> memref<10000x128xf32, #tpu.memory_space<hbm>>
    tpu.wait_indirect_dma semaphore(%arg18 : memref<!tpu.dma_semaphore, #tpu.memory_space<semaphore_mem>>) src(%dma_wait3A_1363 : memref<10000x128xf32, #tpu.memory_space<hbm>>) dst(%arg12 : memref<128x128xf32, #tpu.memory_space<vmem>>)
    %dma_start3A_1364 = arith.constant 1664 : i32
    %dma_start3A_1365 = tpu.memref_slice %arg8[%dma_start3A_1364] : memref<3328xi32, #tpu.memory_space<vmem>> -> memref<128xi32, #tpu.memory_space<vmem>>
    %dma_start3A_1366 = arith.constant 0 : i32
    %dma_start3A_1367 = arith.constant 0 : i32
    %dma_start3A_1368 = tpu.memref_slice %arg16[%dma_start3A_1366, %dma_start3A_1367] : memref<10000x128xf32, #tpu.memory_space<vmem_shared>> -> memref<10000x128xf32, #tpu.memory_space<vmem_shared>>
    tpu.enqueue_indirect_dma source(%arg12 : memref<128x128xf32, #tpu.memory_space<vmem>>) target(%dma_start3A_1368 : memref<10000x128xf32, #tpu.memory_space<vmem_shared>>) offsets(%dma_start3A_1365 : memref<128xi32, #tpu.memory_space<vmem>>) semaphore(%arg19 : memref<!tpu.dma_semaphore, #tpu.memory_space<semaphore_mem>>) {add = true}
    %dma_wait3A_1369 = arith.constant 1664 : i32
    %dma_wait3A_1370 = tpu.memref_slice %arg8[%dma_wait3A_1369] : memref<3328xi32, #tpu.memory_space<vmem>> -> memref<128xi32, #tpu.memory_space<vmem>>
    %dma_wait3A_1371 = arith.constant 0 : i32
    %dma_wait3A_1372 = arith.constant 0 : i32
    %dma_wait3A_1373 = tpu.memref_slice %arg16[%dma_wait3A_1371, %dma_wait3A_1372] : memref<10000x128xf32, #tpu.memory_space<vmem_shared>> -> memref<10000x128xf32, #tpu.memory_space<vmem_shared>>
    tpu.wait_indirect_dma semaphore(%arg19 : memref<!tpu.dma_semaphore, #tpu.memory_space<semaphore_mem>>) src(%arg12 : memref<128x128xf32, #tpu.memory_space<vmem>>) dst(%dma_wait3A_1373 : memref<10000x128xf32, #tpu.memory_space<vmem_shared>>)
    %dma_start3A_1374 = arith.constant 1920 : i32
    %dma_start3A_1375 = tpu.memref_slice %arg7[%dma_start3A_1374] : memref<3328xi32, #tpu.memory_space<vmem>> -> memref<128xi32, #tpu.memory_space<vmem>>
    %dma_start3A_1376 = arith.constant 0 : i32
    %dma_start3A_1377 = arith.constant 0 : i32
    %dma_start3A_1378 = tpu.memref_slice %arg2[%dma_start3A_1376, %dma_start3A_1377] : memref<10000x128xf32, #tpu.memory_space<hbm>> -> memref<10000x128xf32, #tpu.memory_space<hbm>>
    tpu.enqueue_indirect_dma source(%dma_start3A_1378 : memref<10000x128xf32, #tpu.memory_space<hbm>>) target(%arg12 : memref<128x128xf32, #tpu.memory_space<vmem>>) offsets(%dma_start3A_1375 : memref<128xi32, #tpu.memory_space<vmem>>) semaphore(%arg18 : memref<!tpu.dma_semaphore, #tpu.memory_space<semaphore_mem>>)
    %dma_wait3A_1379 = arith.constant 1792 : i32
    %dma_wait3A_1380 = tpu.memref_slice %arg7[%dma_wait3A_1379] : memref<3328xi32, #tpu.memory_space<vmem>> -> memref<128xi32, #tpu.memory_space<vmem>>
    %dma_wait3A_1381 = arith.constant 0 : i32
    %dma_wait3A_1382 = arith.constant 0 : i32
    %dma_wait3A_1383 = tpu.memref_slice %arg2[%dma_wait3A_1381, %dma_wait3A_1382] : memref<10000x128xf32, #tpu.memory_space<hbm>> -> memref<10000x128xf32, #tpu.memory_space<hbm>>
    tpu.wait_indirect_dma semaphore(%arg18 : memref<!tpu.dma_semaphore, #tpu.memory_space<semaphore_mem>>) src(%dma_wait3A_1383 : memref<10000x128xf32, #tpu.memory_space<hbm>>) dst(%arg11 : memref<128x128xf32, #tpu.memory_space<vmem>>)
    %dma_start3A_1384 = arith.constant 1792 : i32
    %dma_start3A_1385 = tpu.memref_slice %arg8[%dma_start3A_1384] : memref<3328xi32, #tpu.memory_space<vmem>> -> memref<128xi32, #tpu.memory_space<vmem>>
    %dma_start3A_1386 = arith.constant 0 : i32
    %dma_start3A_1387 = arith.constant 0 : i32
    %dma_start3A_1388 = tpu.memref_slice %arg16[%dma_start3A_1386, %dma_start3A_1387] : memref<10000x128xf32, #tpu.memory_space<vmem_shared>> -> memref<10000x128xf32, #tpu.memory_space<vmem_shared>>
    tpu.enqueue_indirect_dma source(%arg11 : memref<128x128xf32, #tpu.memory_space<vmem>>) target(%dma_start3A_1388 : memref<10000x128xf32, #tpu.memory_space<vmem_shared>>) offsets(%dma_start3A_1385 : memref<128xi32, #tpu.memory_space<vmem>>) semaphore(%arg19 : memref<!tpu.dma_semaphore, #tpu.memory_space<semaphore_mem>>) {add = true}
    %dma_wait3A_1389 = arith.constant 1792 : i32
    %dma_wait3A_1390 = tpu.memref_slice %arg8[%dma_wait3A_1389] : memref<3328xi32, #tpu.memory_space<vmem>> -> memref<128xi32, #tpu.memory_space<vmem>>
    %dma_wait3A_1391 = arith.constant 0 : i32
    %dma_wait3A_1392 = arith.constant 0 : i32
    %dma_wait3A_1393 = tpu.memref_slice %arg16[%dma_wait3A_1391, %dma_wait3A_1392] : memref<10000x128xf32, #tpu.memory_space<vmem_shared>> -> memref<10000x128xf32, #tpu.memory_space<vmem_shared>>
    tpu.wait_indirect_dma semaphore(%arg19 : memref<!tpu.dma_semaphore, #tpu.memory_space<semaphore_mem>>) src(%arg11 : memref<128x128xf32, #tpu.memory_space<vmem>>) dst(%dma_wait3A_1393 : memref<10000x128xf32, #tpu.memory_space<vmem_shared>>)
    %dma_start3A_1394 = arith.constant 2048 : i32
    %dma_start3A_1395 = tpu.memref_slice %arg7[%dma_start3A_1394] : memref<3328xi32, #tpu.memory_space<vmem>> -> memref<128xi32, #tpu.memory_space<vmem>>
    %dma_start3A_1396 = arith.constant 0 : i32
    %dma_start3A_1397 = arith.constant 0 : i32
    %dma_start3A_1398 = tpu.memref_slice %arg2[%dma_start3A_1396, %dma_start3A_1397] : memref<10000x128xf32, #tpu.memory_space<hbm>> -> memref<10000x128xf32, #tpu.memory_space<hbm>>
    tpu.enqueue_indirect_dma source(%dma_start3A_1398 : memref<10000x128xf32, #tpu.memory_space<hbm>>) target(%arg11 : memref<128x128xf32, #tpu.memory_space<vmem>>) offsets(%dma_start3A_1395 : memref<128xi32, #tpu.memory_space<vmem>>) semaphore(%arg18 : memref<!tpu.dma_semaphore, #tpu.memory_space<semaphore_mem>>)
    %dma_wait3A_1399 = arith.constant 1920 : i32
    %dma_wait3A_1400 = tpu.memref_slice %arg7[%dma_wait3A_1399] : memref<3328xi32, #tpu.memory_space<vmem>> -> memref<128xi32, #tpu.memory_space<vmem>>
    %dma_wait3A_1401 = arith.constant 0 : i32
    %dma_wait3A_1402 = arith.constant 0 : i32
    %dma_wait3A_1403 = tpu.memref_slice %arg2[%dma_wait3A_1401, %dma_wait3A_1402] : memref<10000x128xf32, #tpu.memory_space<hbm>> -> memref<10000x128xf32, #tpu.memory_space<hbm>>
    tpu.wait_indirect_dma semaphore(%arg18 : memref<!tpu.dma_semaphore, #tpu.memory_space<semaphore_mem>>) src(%dma_wait3A_1403 : memref<10000x128xf32, #tpu.memory_space<hbm>>) dst(%arg12 : memref<128x128xf32, #tpu.memory_space<vmem>>)
    %dma_start3A_1404 = arith.constant 1920 : i32
    %dma_start3A_1405 = tpu.memref_slice %arg8[%dma_start3A_1404] : memref<3328xi32, #tpu.memory_space<vmem>> -> memref<128xi32, #tpu.memory_space<vmem>>
    %dma_start3A_1406 = arith.constant 0 : i32
    %dma_start3A_1407 = arith.constant 0 : i32
    %dma_start3A_1408 = tpu.memref_slice %arg16[%dma_start3A_1406, %dma_start3A_1407] : memref<10000x128xf32, #tpu.memory_space<vmem_shared>> -> memref<10000x128xf32, #tpu.memory_space<vmem_shared>>
    tpu.enqueue_indirect_dma source(%arg12 : memref<128x128xf32, #tpu.memory_space<vmem>>) target(%dma_start3A_1408 : memref<10000x128xf32, #tpu.memory_space<vmem_shared>>) offsets(%dma_start3A_1405 : memref<128xi32, #tpu.memory_space<vmem>>) semaphore(%arg19 : memref<!tpu.dma_semaphore, #tpu.memory_space<semaphore_mem>>) {add = true}
    %dma_wait3A_1409 = arith.constant 1920 : i32
    %dma_wait3A_1410 = tpu.memref_slice %arg8[%dma_wait3A_1409] : memref<3328xi32, #tpu.memory_space<vmem>> -> memref<128xi32, #tpu.memory_space<vmem>>
    %dma_wait3A_1411 = arith.constant 0 : i32
    %dma_wait3A_1412 = arith.constant 0 : i32
    %dma_wait3A_1413 = tpu.memref_slice %arg16[%dma_wait3A_1411, %dma_wait3A_1412] : memref<10000x128xf32, #tpu.memory_space<vmem_shared>> -> memref<10000x128xf32, #tpu.memory_space<vmem_shared>>
    tpu.wait_indirect_dma semaphore(%arg19 : memref<!tpu.dma_semaphore, #tpu.memory_space<semaphore_mem>>) src(%arg12 : memref<128x128xf32, #tpu.memory_space<vmem>>) dst(%dma_wait3A_1413 : memref<10000x128xf32, #tpu.memory_space<vmem_shared>>)
    %dma_start3A_1414 = arith.constant 2176 : i32
    %dma_start3A_1415 = tpu.memref_slice %arg7[%dma_start3A_1414] : memref<3328xi32, #tpu.memory_space<vmem>> -> memref<128xi32, #tpu.memory_space<vmem>>
    %dma_start3A_1416 = arith.constant 0 : i32
    %dma_start3A_1417 = arith.constant 0 : i32
    %dma_start3A_1418 = tpu.memref_slice %arg2[%dma_start3A_1416, %dma_start3A_1417] : memref<10000x128xf32, #tpu.memory_space<hbm>> -> memref<10000x128xf32, #tpu.memory_space<hbm>>
    tpu.enqueue_indirect_dma source(%dma_start3A_1418 : memref<10000x128xf32, #tpu.memory_space<hbm>>) target(%arg12 : memref<128x128xf32, #tpu.memory_space<vmem>>) offsets(%dma_start3A_1415 : memref<128xi32, #tpu.memory_space<vmem>>) semaphore(%arg18 : memref<!tpu.dma_semaphore, #tpu.memory_space<semaphore_mem>>)
    %dma_wait3A_1419 = arith.constant 2048 : i32
    %dma_wait3A_1420 = tpu.memref_slice %arg7[%dma_wait3A_1419] : memref<3328xi32, #tpu.memory_space<vmem>> -> memref<128xi32, #tpu.memory_space<vmem>>
    %dma_wait3A_1421 = arith.constant 0 : i32
    %dma_wait3A_1422 = arith.constant 0 : i32
    %dma_wait3A_1423 = tpu.memref_slice %arg2[%dma_wait3A_1421, %dma_wait3A_1422] : memref<10000x128xf32, #tpu.memory_space<hbm>> -> memref<10000x128xf32, #tpu.memory_space<hbm>>
    tpu.wait_indirect_dma semaphore(%arg18 : memref<!tpu.dma_semaphore, #tpu.memory_space<semaphore_mem>>) src(%dma_wait3A_1423 : memref<10000x128xf32, #tpu.memory_space<hbm>>) dst(%arg11 : memref<128x128xf32, #tpu.memory_space<vmem>>)
    %dma_start3A_1424 = arith.constant 2048 : i32
    %dma_start3A_1425 = tpu.memref_slice %arg8[%dma_start3A_1424] : memref<3328xi32, #tpu.memory_space<vmem>> -> memref<128xi32, #tpu.memory_space<vmem>>
    %dma_start3A_1426 = arith.constant 0 : i32
    %dma_start3A_1427 = arith.constant 0 : i32
    %dma_start3A_1428 = tpu.memref_slice %arg16[%dma_start3A_1426, %dma_start3A_1427] : memref<10000x128xf32, #tpu.memory_space<vmem_shared>> -> memref<10000x128xf32, #tpu.memory_space<vmem_shared>>
    tpu.enqueue_indirect_dma source(%arg11 : memref<128x128xf32, #tpu.memory_space<vmem>>) target(%dma_start3A_1428 : memref<10000x128xf32, #tpu.memory_space<vmem_shared>>) offsets(%dma_start3A_1425 : memref<128xi32, #tpu.memory_space<vmem>>) semaphore(%arg19 : memref<!tpu.dma_semaphore, #tpu.memory_space<semaphore_mem>>) {add = true}
    %dma_wait3A_1429 = arith.constant 2048 : i32
    %dma_wait3A_1430 = tpu.memref_slice %arg8[%dma_wait3A_1429] : memref<3328xi32, #tpu.memory_space<vmem>> -> memref<128xi32, #tpu.memory_space<vmem>>
    %dma_wait3A_1431 = arith.constant 0 : i32
    %dma_wait3A_1432 = arith.constant 0 : i32
    %dma_wait3A_1433 = tpu.memref_slice %arg16[%dma_wait3A_1431, %dma_wait3A_1432] : memref<10000x128xf32, #tpu.memory_space<vmem_shared>> -> memref<10000x128xf32, #tpu.memory_space<vmem_shared>>
    tpu.wait_indirect_dma semaphore(%arg19 : memref<!tpu.dma_semaphore, #tpu.memory_space<semaphore_mem>>) src(%arg11 : memref<128x128xf32, #tpu.memory_space<vmem>>) dst(%dma_wait3A_1433 : memref<10000x128xf32, #tpu.memory_space<vmem_shared>>)
    %dma_start3A_1434 = arith.constant 2304 : i32
    %dma_start3A_1435 = tpu.memref_slice %arg7[%dma_start3A_1434] : memref<3328xi32, #tpu.memory_space<vmem>> -> memref<128xi32, #tpu.memory_space<vmem>>
    %dma_start3A_1436 = arith.constant 0 : i32
    %dma_start3A_1437 = arith.constant 0 : i32
    %dma_start3A_1438 = tpu.memref_slice %arg2[%dma_start3A_1436, %dma_start3A_1437] : memref<10000x128xf32, #tpu.memory_space<hbm>> -> memref<10000x128xf32, #tpu.memory_space<hbm>>
    tpu.enqueue_indirect_dma source(%dma_start3A_1438 : memref<10000x128xf32, #tpu.memory_space<hbm>>) target(%arg11 : memref<128x128xf32, #tpu.memory_space<vmem>>) offsets(%dma_start3A_1435 : memref<128xi32, #tpu.memory_space<vmem>>) semaphore(%arg18 : memref<!tpu.dma_semaphore, #tpu.memory_space<semaphore_mem>>)
    %dma_wait3A_1439 = arith.constant 2176 : i32
    %dma_wait3A_1440 = tpu.memref_slice %arg7[%dma_wait3A_1439] : memref<3328xi32, #tpu.memory_space<vmem>> -> memref<128xi32, #tpu.memory_space<vmem>>
    %dma_wait3A_1441 = arith.constant 0 : i32
    %dma_wait3A_1442 = arith.constant 0 : i32
    %dma_wait3A_1443 = tpu.memref_slice %arg2[%dma_wait3A_1441, %dma_wait3A_1442] : memref<10000x128xf32, #tpu.memory_space<hbm>> -> memref<10000x128xf32, #tpu.memory_space<hbm>>
    tpu.wait_indirect_dma semaphore(%arg18 : memref<!tpu.dma_semaphore, #tpu.memory_space<semaphore_mem>>) src(%dma_wait3A_1443 : memref<10000x128xf32, #tpu.memory_space<hbm>>) dst(%arg12 : memref<128x128xf32, #tpu.memory_space<vmem>>)
    %dma_start3A_1444 = arith.constant 2176 : i32
    %dma_start3A_1445 = tpu.memref_slice %arg8[%dma_start3A_1444] : memref<3328xi32, #tpu.memory_space<vmem>> -> memref<128xi32, #tpu.memory_space<vmem>>
    %dma_start3A_1446 = arith.constant 0 : i32
    %dma_start3A_1447 = arith.constant 0 : i32
    %dma_start3A_1448 = tpu.memref_slice %arg16[%dma_start3A_1446, %dma_start3A_1447] : memref<10000x128xf32, #tpu.memory_space<vmem_shared>> -> memref<10000x128xf32, #tpu.memory_space<vmem_shared>>
    tpu.enqueue_indirect_dma source(%arg12 : memref<128x128xf32, #tpu.memory_space<vmem>>) target(%dma_start3A_1448 : memref<10000x128xf32, #tpu.memory_space<vmem_shared>>) offsets(%dma_start3A_1445 : memref<128xi32, #tpu.memory_space<vmem>>) semaphore(%arg19 : memref<!tpu.dma_semaphore, #tpu.memory_space<semaphore_mem>>) {add = true}
    %dma_wait3A_1449 = arith.constant 2176 : i32
    %dma_wait3A_1450 = tpu.memref_slice %arg8[%dma_wait3A_1449] : memref<3328xi32, #tpu.memory_space<vmem>> -> memref<128xi32, #tpu.memory_space<vmem>>
    %dma_wait3A_1451 = arith.constant 0 : i32
    %dma_wait3A_1452 = arith.constant 0 : i32
    %dma_wait3A_1453 = tpu.memref_slice %arg16[%dma_wait3A_1451, %dma_wait3A_1452] : memref<10000x128xf32, #tpu.memory_space<vmem_shared>> -> memref<10000x128xf32, #tpu.memory_space<vmem_shared>>
    tpu.wait_indirect_dma semaphore(%arg19 : memref<!tpu.dma_semaphore, #tpu.memory_space<semaphore_mem>>) src(%arg12 : memref<128x128xf32, #tpu.memory_space<vmem>>) dst(%dma_wait3A_1453 : memref<10000x128xf32, #tpu.memory_space<vmem_shared>>)
    %dma_start3A_1454 = arith.constant 2432 : i32
    %dma_start3A_1455 = tpu.memref_slice %arg7[%dma_start3A_1454] : memref<3328xi32, #tpu.memory_space<vmem>> -> memref<128xi32, #tpu.memory_space<vmem>>
    %dma_start3A_1456 = arith.constant 0 : i32
    %dma_start3A_1457 = arith.constant 0 : i32
    %dma_start3A_1458 = tpu.memref_slice %arg2[%dma_start3A_1456, %dma_start3A_1457] : memref<10000x128xf32, #tpu.memory_space<hbm>> -> memref<10000x128xf32, #tpu.memory_space<hbm>>
    tpu.enqueue_indirect_dma source(%dma_start3A_1458 : memref<10000x128xf32, #tpu.memory_space<hbm>>) target(%arg12 : memref<128x128xf32, #tpu.memory_space<vmem>>) offsets(%dma_start3A_1455 : memref<128xi32, #tpu.memory_space<vmem>>) semaphore(%arg18 : memref<!tpu.dma_semaphore, #tpu.memory_space<semaphore_mem>>)
    %dma_wait3A_1459 = arith.constant 2304 : i32
    %dma_wait3A_1460 = tpu.memref_slice %arg7[%dma_wait3A_1459] : memref<3328xi32, #tpu.memory_space<vmem>> -> memref<128xi32, #tpu.memory_space<vmem>>
    %dma_wait3A_1461 = arith.constant 0 : i32
    %dma_wait3A_1462 = arith.constant 0 : i32
    %dma_wait3A_1463 = tpu.memref_slice %arg2[%dma_wait3A_1461, %dma_wait3A_1462] : memref<10000x128xf32, #tpu.memory_space<hbm>> -> memref<10000x128xf32, #tpu.memory_space<hbm>>
    tpu.wait_indirect_dma semaphore(%arg18 : memref<!tpu.dma_semaphore, #tpu.memory_space<semaphore_mem>>) src(%dma_wait3A_1463 : memref<10000x128xf32, #tpu.memory_space<hbm>>) dst(%arg11 : memref<128x128xf32, #tpu.memory_space<vmem>>)
    %dma_start3A_1464 = arith.constant 2304 : i32
    %dma_start3A_1465 = tpu.memref_slice %arg8[%dma_start3A_1464] : memref<3328xi32, #tpu.memory_space<vmem>> -> memref<128xi32, #tpu.memory_space<vmem>>
    %dma_start3A_1466 = arith.constant 0 : i32
    %dma_start3A_1467 = arith.constant 0 : i32
    %dma_start3A_1468 = tpu.memref_slice %arg16[%dma_start3A_1466, %dma_start3A_1467] : memref<10000x128xf32, #tpu.memory_space<vmem_shared>> -> memref<10000x128xf32, #tpu.memory_space<vmem_shared>>
    tpu.enqueue_indirect_dma source(%arg11 : memref<128x128xf32, #tpu.memory_space<vmem>>) target(%dma_start3A_1468 : memref<10000x128xf32, #tpu.memory_space<vmem_shared>>) offsets(%dma_start3A_1465 : memref<128xi32, #tpu.memory_space<vmem>>) semaphore(%arg19 : memref<!tpu.dma_semaphore, #tpu.memory_space<semaphore_mem>>) {add = true}
    %dma_wait3A_1469 = arith.constant 2304 : i32
    %dma_wait3A_1470 = tpu.memref_slice %arg8[%dma_wait3A_1469] : memref<3328xi32, #tpu.memory_space<vmem>> -> memref<128xi32, #tpu.memory_space<vmem>>
    %dma_wait3A_1471 = arith.constant 0 : i32
    %dma_wait3A_1472 = arith.constant 0 : i32
    %dma_wait3A_1473 = tpu.memref_slice %arg16[%dma_wait3A_1471, %dma_wait3A_1472] : memref<10000x128xf32, #tpu.memory_space<vmem_shared>> -> memref<10000x128xf32, #tpu.memory_space<vmem_shared>>
    tpu.wait_indirect_dma semaphore(%arg19 : memref<!tpu.dma_semaphore, #tpu.memory_space<semaphore_mem>>) src(%arg11 : memref<128x128xf32, #tpu.memory_space<vmem>>) dst(%dma_wait3A_1473 : memref<10000x128xf32, #tpu.memory_space<vmem_shared>>)
    %dma_start3A_1474 = arith.constant 2560 : i32
    %dma_start3A_1475 = tpu.memref_slice %arg7[%dma_start3A_1474] : memref<3328xi32, #tpu.memory_space<vmem>> -> memref<128xi32, #tpu.memory_space<vmem>>
    %dma_start3A_1476 = arith.constant 0 : i32
    %dma_start3A_1477 = arith.constant 0 : i32
    %dma_start3A_1478 = tpu.memref_slice %arg2[%dma_start3A_1476, %dma_start3A_1477] : memref<10000x128xf32, #tpu.memory_space<hbm>> -> memref<10000x128xf32, #tpu.memory_space<hbm>>
    tpu.enqueue_indirect_dma source(%dma_start3A_1478 : memref<10000x128xf32, #tpu.memory_space<hbm>>) target(%arg11 : memref<128x128xf32, #tpu.memory_space<vmem>>) offsets(%dma_start3A_1475 : memref<128xi32, #tpu.memory_space<vmem>>) semaphore(%arg18 : memref<!tpu.dma_semaphore, #tpu.memory_space<semaphore_mem>>)
    %dma_wait3A_1479 = arith.constant 2432 : i32
    %dma_wait3A_1480 = tpu.memref_slice %arg7[%dma_wait3A_1479] : memref<3328xi32, #tpu.memory_space<vmem>> -> memref<128xi32, #tpu.memory_space<vmem>>
    %dma_wait3A_1481 = arith.constant 0 : i32
    %dma_wait3A_1482 = arith.constant 0 : i32
    %dma_wait3A_1483 = tpu.memref_slice %arg2[%dma_wait3A_1481, %dma_wait3A_1482] : memref<10000x128xf32, #tpu.memory_space<hbm>> -> memref<10000x128xf32, #tpu.memory_space<hbm>>
    tpu.wait_indirect_dma semaphore(%arg18 : memref<!tpu.dma_semaphore, #tpu.memory_space<semaphore_mem>>) src(%dma_wait3A_1483 : memref<10000x128xf32, #tpu.memory_space<hbm>>) dst(%arg12 : memref<128x128xf32, #tpu.memory_space<vmem>>)
    %dma_start3A_1484 = arith.constant 2432 : i32
    %dma_start3A_1485 = tpu.memref_slice %arg8[%dma_start3A_1484] : memref<3328xi32, #tpu.memory_space<vmem>> -> memref<128xi32, #tpu.memory_space<vmem>>
    %dma_start3A_1486 = arith.constant 0 : i32
    %dma_start3A_1487 = arith.constant 0 : i32
    %dma_start3A_1488 = tpu.memref_slice %arg16[%dma_start3A_1486, %dma_start3A_1487] : memref<10000x128xf32, #tpu.memory_space<vmem_shared>> -> memref<10000x128xf32, #tpu.memory_space<vmem_shared>>
    tpu.enqueue_indirect_dma source(%arg12 : memref<128x128xf32, #tpu.memory_space<vmem>>) target(%dma_start3A_1488 : memref<10000x128xf32, #tpu.memory_space<vmem_shared>>) offsets(%dma_start3A_1485 : memref<128xi32, #tpu.memory_space<vmem>>) semaphore(%arg19 : memref<!tpu.dma_semaphore, #tpu.memory_space<semaphore_mem>>) {add = true}
    %dma_wait3A_1489 = arith.constant 2432 : i32
    %dma_wait3A_1490 = tpu.memref_slice %arg8[%dma_wait3A_1489] : memref<3328xi32, #tpu.memory_space<vmem>> -> memref<128xi32, #tpu.memory_space<vmem>>
    %dma_wait3A_1491 = arith.constant 0 : i32
    %dma_wait3A_1492 = arith.constant 0 : i32
    %dma_wait3A_1493 = tpu.memref_slice %arg16[%dma_wait3A_1491, %dma_wait3A_1492] : memref<10000x128xf32, #tpu.memory_space<vmem_shared>> -> memref<10000x128xf32, #tpu.memory_space<vmem_shared>>
    tpu.wait_indirect_dma semaphore(%arg19 : memref<!tpu.dma_semaphore, #tpu.memory_space<semaphore_mem>>) src(%arg12 : memref<128x128xf32, #tpu.memory_space<vmem>>) dst(%dma_wait3A_1493 : memref<10000x128xf32, #tpu.memory_space<vmem_shared>>)
    %dma_start3A_1494 = arith.constant 2688 : i32
    %dma_start3A_1495 = tpu.memref_slice %arg7[%dma_start3A_1494] : memref<3328xi32, #tpu.memory_space<vmem>> -> memref<128xi32, #tpu.memory_space<vmem>>
    %dma_start3A_1496 = arith.constant 0 : i32
    %dma_start3A_1497 = arith.constant 0 : i32
    %dma_start3A_1498 = tpu.memref_slice %arg2[%dma_start3A_1496, %dma_start3A_1497] : memref<10000x128xf32, #tpu.memory_space<hbm>> -> memref<10000x128xf32, #tpu.memory_space<hbm>>
    tpu.enqueue_indirect_dma source(%dma_start3A_1498 : memref<10000x128xf32, #tpu.memory_space<hbm>>) target(%arg12 : memref<128x128xf32, #tpu.memory_space<vmem>>) offsets(%dma_start3A_1495 : memref<128xi32, #tpu.memory_space<vmem>>) semaphore(%arg18 : memref<!tpu.dma_semaphore, #tpu.memory_space<semaphore_mem>>)
    %dma_wait3A_1499 = arith.constant 2560 : i32
    %dma_wait3A_1500 = tpu.memref_slice %arg7[%dma_wait3A_1499] : memref<3328xi32, #tpu.memory_space<vmem>> -> memref<128xi32, #tpu.memory_space<vmem>>
    %dma_wait3A_1501 = arith.constant 0 : i32
    %dma_wait3A_1502 = arith.constant 0 : i32
    %dma_wait3A_1503 = tpu.memref_slice %arg2[%dma_wait3A_1501, %dma_wait3A_1502] : memref<10000x128xf32, #tpu.memory_space<hbm>> -> memref<10000x128xf32, #tpu.memory_space<hbm>>
    tpu.wait_indirect_dma semaphore(%arg18 : memref<!tpu.dma_semaphore, #tpu.memory_space<semaphore_mem>>) src(%dma_wait3A_1503 : memref<10000x128xf32, #tpu.memory_space<hbm>>) dst(%arg11 : memref<128x128xf32, #tpu.memory_space<vmem>>)
    %dma_start3A_1504 = arith.constant 2560 : i32
    %dma_start3A_1505 = tpu.memref_slice %arg8[%dma_start3A_1504] : memref<3328xi32, #tpu.memory_space<vmem>> -> memref<128xi32, #tpu.memory_space<vmem>>
    %dma_start3A_1506 = arith.constant 0 : i32
    %dma_start3A_1507 = arith.constant 0 : i32
    %dma_start3A_1508 = tpu.memref_slice %arg16[%dma_start3A_1506, %dma_start3A_1507] : memref<10000x128xf32, #tpu.memory_space<vmem_shared>> -> memref<10000x128xf32, #tpu.memory_space<vmem_shared>>
    tpu.enqueue_indirect_dma source(%arg11 : memref<128x128xf32, #tpu.memory_space<vmem>>) target(%dma_start3A_1508 : memref<10000x128xf32, #tpu.memory_space<vmem_shared>>) offsets(%dma_start3A_1505 : memref<128xi32, #tpu.memory_space<vmem>>) semaphore(%arg19 : memref<!tpu.dma_semaphore, #tpu.memory_space<semaphore_mem>>) {add = true}
    %dma_wait3A_1509 = arith.constant 2560 : i32
    %dma_wait3A_1510 = tpu.memref_slice %arg8[%dma_wait3A_1509] : memref<3328xi32, #tpu.memory_space<vmem>> -> memref<128xi32, #tpu.memory_space<vmem>>
    %dma_wait3A_1511 = arith.constant 0 : i32
    %dma_wait3A_1512 = arith.constant 0 : i32
    %dma_wait3A_1513 = tpu.memref_slice %arg16[%dma_wait3A_1511, %dma_wait3A_1512] : memref<10000x128xf32, #tpu.memory_space<vmem_shared>> -> memref<10000x128xf32, #tpu.memory_space<vmem_shared>>
    tpu.wait_indirect_dma semaphore(%arg19 : memref<!tpu.dma_semaphore, #tpu.memory_space<semaphore_mem>>) src(%arg11 : memref<128x128xf32, #tpu.memory_space<vmem>>) dst(%dma_wait3A_1513 : memref<10000x128xf32, #tpu.memory_space<vmem_shared>>)
    %dma_start3A_1514 = arith.constant 2816 : i32
    %dma_start3A_1515 = tpu.memref_slice %arg7[%dma_start3A_1514] : memref<3328xi32, #tpu.memory_space<vmem>> -> memref<128xi32, #tpu.memory_space<vmem>>
    %dma_start3A_1516 = arith.constant 0 : i32
    %dma_start3A_1517 = arith.constant 0 : i32
    %dma_start3A_1518 = tpu.memref_slice %arg2[%dma_start3A_1516, %dma_start3A_1517] : memref<10000x128xf32, #tpu.memory_space<hbm>> -> memref<10000x128xf32, #tpu.memory_space<hbm>>
    tpu.enqueue_indirect_dma source(%dma_start3A_1518 : memref<10000x128xf32, #tpu.memory_space<hbm>>) target(%arg11 : memref<128x128xf32, #tpu.memory_space<vmem>>) offsets(%dma_start3A_1515 : memref<128xi32, #tpu.memory_space<vmem>>) semaphore(%arg18 : memref<!tpu.dma_semaphore, #tpu.memory_space<semaphore_mem>>)
    %dma_wait3A_1519 = arith.constant 2688 : i32
    %dma_wait3A_1520 = tpu.memref_slice %arg7[%dma_wait3A_1519] : memref<3328xi32, #tpu.memory_space<vmem>> -> memref<128xi32, #tpu.memory_space<vmem>>
    %dma_wait3A_1521 = arith.constant 0 : i32
    %dma_wait3A_1522 = arith.constant 0 : i32
    %dma_wait3A_1523 = tpu.memref_slice %arg2[%dma_wait3A_1521, %dma_wait3A_1522] : memref<10000x128xf32, #tpu.memory_space<hbm>> -> memref<10000x128xf32, #tpu.memory_space<hbm>>
    tpu.wait_indirect_dma semaphore(%arg18 : memref<!tpu.dma_semaphore, #tpu.memory_space<semaphore_mem>>) src(%dma_wait3A_1523 : memref<10000x128xf32, #tpu.memory_space<hbm>>) dst(%arg12 : memref<128x128xf32, #tpu.memory_space<vmem>>)
    %dma_start3A_1524 = arith.constant 2688 : i32
    %dma_start3A_1525 = tpu.memref_slice %arg8[%dma_start3A_1524] : memref<3328xi32, #tpu.memory_space<vmem>> -> memref<128xi32, #tpu.memory_space<vmem>>
    %dma_start3A_1526 = arith.constant 0 : i32
    %dma_start3A_1527 = arith.constant 0 : i32
    %dma_start3A_1528 = tpu.memref_slice %arg16[%dma_start3A_1526, %dma_start3A_1527] : memref<10000x128xf32, #tpu.memory_space<vmem_shared>> -> memref<10000x128xf32, #tpu.memory_space<vmem_shared>>
    tpu.enqueue_indirect_dma source(%arg12 : memref<128x128xf32, #tpu.memory_space<vmem>>) target(%dma_start3A_1528 : memref<10000x128xf32, #tpu.memory_space<vmem_shared>>) offsets(%dma_start3A_1525 : memref<128xi32, #tpu.memory_space<vmem>>) semaphore(%arg19 : memref<!tpu.dma_semaphore, #tpu.memory_space<semaphore_mem>>) {add = true}
    %dma_wait3A_1529 = arith.constant 2688 : i32
    %dma_wait3A_1530 = tpu.memref_slice %arg8[%dma_wait3A_1529] : memref<3328xi32, #tpu.memory_space<vmem>> -> memref<128xi32, #tpu.memory_space<vmem>>
    %dma_wait3A_1531 = arith.constant 0 : i32
    %dma_wait3A_1532 = arith.constant 0 : i32
    %dma_wait3A_1533 = tpu.memref_slice %arg16[%dma_wait3A_1531, %dma_wait3A_1532] : memref<10000x128xf32, #tpu.memory_space<vmem_shared>> -> memref<10000x128xf32, #tpu.memory_space<vmem_shared>>
    tpu.wait_indirect_dma semaphore(%arg19 : memref<!tpu.dma_semaphore, #tpu.memory_space<semaphore_mem>>) src(%arg12 : memref<128x128xf32, #tpu.memory_space<vmem>>) dst(%dma_wait3A_1533 : memref<10000x128xf32, #tpu.memory_space<vmem_shared>>)
    %dma_start3A_1534 = arith.constant 2944 : i32
    %dma_start3A_1535 = tpu.memref_slice %arg7[%dma_start3A_1534] : memref<3328xi32, #tpu.memory_space<vmem>> -> memref<128xi32, #tpu.memory_space<vmem>>
    %dma_start3A_1536 = arith.constant 0 : i32
    %dma_start3A_1537 = arith.constant 0 : i32
    %dma_start3A_1538 = tpu.memref_slice %arg2[%dma_start3A_1536, %dma_start3A_1537] : memref<10000x128xf32, #tpu.memory_space<hbm>> -> memref<10000x128xf32, #tpu.memory_space<hbm>>
    tpu.enqueue_indirect_dma source(%dma_start3A_1538 : memref<10000x128xf32, #tpu.memory_space<hbm>>) target(%arg12 : memref<128x128xf32, #tpu.memory_space<vmem>>) offsets(%dma_start3A_1535 : memref<128xi32, #tpu.memory_space<vmem>>) semaphore(%arg18 : memref<!tpu.dma_semaphore, #tpu.memory_space<semaphore_mem>>)
    %dma_wait3A_1539 = arith.constant 2816 : i32
    %dma_wait3A_1540 = tpu.memref_slice %arg7[%dma_wait3A_1539] : memref<3328xi32, #tpu.memory_space<vmem>> -> memref<128xi32, #tpu.memory_space<vmem>>
    %dma_wait3A_1541 = arith.constant 0 : i32
    %dma_wait3A_1542 = arith.constant 0 : i32
    %dma_wait3A_1543 = tpu.memref_slice %arg2[%dma_wait3A_1541, %dma_wait3A_1542] : memref<10000x128xf32, #tpu.memory_space<hbm>> -> memref<10000x128xf32, #tpu.memory_space<hbm>>
    tpu.wait_indirect_dma semaphore(%arg18 : memref<!tpu.dma_semaphore, #tpu.memory_space<semaphore_mem>>) src(%dma_wait3A_1543 : memref<10000x128xf32, #tpu.memory_space<hbm>>) dst(%arg11 : memref<128x128xf32, #tpu.memory_space<vmem>>)
    %dma_start3A_1544 = arith.constant 2816 : i32
    %dma_start3A_1545 = tpu.memref_slice %arg8[%dma_start3A_1544] : memref<3328xi32, #tpu.memory_space<vmem>> -> memref<128xi32, #tpu.memory_space<vmem>>
    %dma_start3A_1546 = arith.constant 0 : i32
    %dma_start3A_1547 = arith.constant 0 : i32
    %dma_start3A_1548 = tpu.memref_slice %arg16[%dma_start3A_1546, %dma_start3A_1547] : memref<10000x128xf32, #tpu.memory_space<vmem_shared>> -> memref<10000x128xf32, #tpu.memory_space<vmem_shared>>
    tpu.enqueue_indirect_dma source(%arg11 : memref<128x128xf32, #tpu.memory_space<vmem>>) target(%dma_start3A_1548 : memref<10000x128xf32, #tpu.memory_space<vmem_shared>>) offsets(%dma_start3A_1545 : memref<128xi32, #tpu.memory_space<vmem>>) semaphore(%arg19 : memref<!tpu.dma_semaphore, #tpu.memory_space<semaphore_mem>>) {add = true}
    %dma_wait3A_1549 = arith.constant 2816 : i32
    %dma_wait3A_1550 = tpu.memref_slice %arg8[%dma_wait3A_1549] : memref<3328xi32, #tpu.memory_space<vmem>> -> memref<128xi32, #tpu.memory_space<vmem>>
    %dma_wait3A_1551 = arith.constant 0 : i32
    %dma_wait3A_1552 = arith.constant 0 : i32
    %dma_wait3A_1553 = tpu.memref_slice %arg16[%dma_wait3A_1551, %dma_wait3A_1552] : memref<10000x128xf32, #tpu.memory_space<vmem_shared>> -> memref<10000x128xf32, #tpu.memory_space<vmem_shared>>
    tpu.wait_indirect_dma semaphore(%arg19 : memref<!tpu.dma_semaphore, #tpu.memory_space<semaphore_mem>>) src(%arg11 : memref<128x128xf32, #tpu.memory_space<vmem>>) dst(%dma_wait3A_1553 : memref<10000x128xf32, #tpu.memory_space<vmem_shared>>)
    %dma_start3A_1554 = arith.constant 3072 : i32
    %dma_start3A_1555 = tpu.memref_slice %arg7[%dma_start3A_1554] : memref<3328xi32, #tpu.memory_space<vmem>> -> memref<128xi32, #tpu.memory_space<vmem>>
    %dma_start3A_1556 = arith.constant 0 : i32
    %dma_start3A_1557 = arith.constant 0 : i32
    %dma_start3A_1558 = tpu.memref_slice %arg2[%dma_start3A_1556, %dma_start3A_1557] : memref<10000x128xf32, #tpu.memory_space<hbm>> -> memref<10000x128xf32, #tpu.memory_space<hbm>>
    tpu.enqueue_indirect_dma source(%dma_start3A_1558 : memref<10000x128xf32, #tpu.memory_space<hbm>>) target(%arg11 : memref<128x128xf32, #tpu.memory_space<vmem>>) offsets(%dma_start3A_1555 : memref<128xi32, #tpu.memory_space<vmem>>) semaphore(%arg18 : memref<!tpu.dma_semaphore, #tpu.memory_space<semaphore_mem>>)
    %dma_wait3A_1559 = arith.constant 2944 : i32
    %dma_wait3A_1560 = tpu.memref_slice %arg7[%dma_wait3A_1559] : memref<3328xi32, #tpu.memory_space<vmem>> -> memref<128xi32, #tpu.memory_space<vmem>>
    %dma_wait3A_1561 = arith.constant 0 : i32
    %dma_wait3A_1562 = arith.constant 0 : i32
    %dma_wait3A_1563 = tpu.memref_slice %arg2[%dma_wait3A_1561, %dma_wait3A_1562] : memref<10000x128xf32, #tpu.memory_space<hbm>> -> memref<10000x128xf32, #tpu.memory_space<hbm>>
    tpu.wait_indirect_dma semaphore(%arg18 : memref<!tpu.dma_semaphore, #tpu.memory_space<semaphore_mem>>) src(%dma_wait3A_1563 : memref<10000x128xf32, #tpu.memory_space<hbm>>) dst(%arg12 : memref<128x128xf32, #tpu.memory_space<vmem>>)
    %dma_start3A_1564 = arith.constant 2944 : i32
    %dma_start3A_1565 = tpu.memref_slice %arg8[%dma_start3A_1564] : memref<3328xi32, #tpu.memory_space<vmem>> -> memref<128xi32, #tpu.memory_space<vmem>>
    %dma_start3A_1566 = arith.constant 0 : i32
    %dma_start3A_1567 = arith.constant 0 : i32
    %dma_start3A_1568 = tpu.memref_slice %arg16[%dma_start3A_1566, %dma_start3A_1567] : memref<10000x128xf32, #tpu.memory_space<vmem_shared>> -> memref<10000x128xf32, #tpu.memory_space<vmem_shared>>
    tpu.enqueue_indirect_dma source(%arg12 : memref<128x128xf32, #tpu.memory_space<vmem>>) target(%dma_start3A_1568 : memref<10000x128xf32, #tpu.memory_space<vmem_shared>>) offsets(%dma_start3A_1565 : memref<128xi32, #tpu.memory_space<vmem>>) semaphore(%arg19 : memref<!tpu.dma_semaphore, #tpu.memory_space<semaphore_mem>>) {add = true}
    %dma_wait3A_1569 = arith.constant 2944 : i32
    %dma_wait3A_1570 = tpu.memref_slice %arg8[%dma_wait3A_1569] : memref<3328xi32, #tpu.memory_space<vmem>> -> memref<128xi32, #tpu.memory_space<vmem>>
    %dma_wait3A_1571 = arith.constant 0 : i32
    %dma_wait3A_1572 = arith.constant 0 : i32
    %dma_wait3A_1573 = tpu.memref_slice %arg16[%dma_wait3A_1571, %dma_wait3A_1572] : memref<10000x128xf32, #tpu.memory_space<vmem_shared>> -> memref<10000x128xf32, #tpu.memory_space<vmem_shared>>
    tpu.wait_indirect_dma semaphore(%arg19 : memref<!tpu.dma_semaphore, #tpu.memory_space<semaphore_mem>>) src(%arg12 : memref<128x128xf32, #tpu.memory_space<vmem>>) dst(%dma_wait3A_1573 : memref<10000x128xf32, #tpu.memory_space<vmem_shared>>)
    %dma_start3A_1574 = arith.constant 3200 : i32
    %dma_start3A_1575 = tpu.memref_slice %arg7[%dma_start3A_1574] : memref<3328xi32, #tpu.memory_space<vmem>> -> memref<128xi32, #tpu.memory_space<vmem>>
    %dma_start3A_1576 = arith.constant 0 : i32
    %dma_start3A_1577 = arith.constant 0 : i32
    %dma_start3A_1578 = tpu.memref_slice %arg2[%dma_start3A_1576, %dma_start3A_1577] : memref<10000x128xf32, #tpu.memory_space<hbm>> -> memref<10000x128xf32, #tpu.memory_space<hbm>>
    tpu.enqueue_indirect_dma source(%dma_start3A_1578 : memref<10000x128xf32, #tpu.memory_space<hbm>>) target(%arg12 : memref<128x128xf32, #tpu.memory_space<vmem>>) offsets(%dma_start3A_1575 : memref<128xi32, #tpu.memory_space<vmem>>) semaphore(%arg18 : memref<!tpu.dma_semaphore, #tpu.memory_space<semaphore_mem>>)
    %dma_wait3A_1579 = arith.constant 3072 : i32
    %dma_wait3A_1580 = tpu.memref_slice %arg7[%dma_wait3A_1579] : memref<3328xi32, #tpu.memory_space<vmem>> -> memref<128xi32, #tpu.memory_space<vmem>>
    %dma_wait3A_1581 = arith.constant 0 : i32
    %dma_wait3A_1582 = arith.constant 0 : i32
    %dma_wait3A_1583 = tpu.memref_slice %arg2[%dma_wait3A_1581, %dma_wait3A_1582] : memref<10000x128xf32, #tpu.memory_space<hbm>> -> memref<10000x128xf32, #tpu.memory_space<hbm>>
    tpu.wait_indirect_dma semaphore(%arg18 : memref<!tpu.dma_semaphore, #tpu.memory_space<semaphore_mem>>) src(%dma_wait3A_1583 : memref<10000x128xf32, #tpu.memory_space<hbm>>) dst(%arg11 : memref<128x128xf32, #tpu.memory_space<vmem>>)
    %dma_start3A_1584 = arith.constant 3072 : i32
    %dma_start3A_1585 = tpu.memref_slice %arg8[%dma_start3A_1584] : memref<3328xi32, #tpu.memory_space<vmem>> -> memref<128xi32, #tpu.memory_space<vmem>>
    %dma_start3A_1586 = arith.constant 0 : i32
    %dma_start3A_1587 = arith.constant 0 : i32
    %dma_start3A_1588 = tpu.memref_slice %arg16[%dma_start3A_1586, %dma_start3A_1587] : memref<10000x128xf32, #tpu.memory_space<vmem_shared>> -> memref<10000x128xf32, #tpu.memory_space<vmem_shared>>
    tpu.enqueue_indirect_dma source(%arg11 : memref<128x128xf32, #tpu.memory_space<vmem>>) target(%dma_start3A_1588 : memref<10000x128xf32, #tpu.memory_space<vmem_shared>>) offsets(%dma_start3A_1585 : memref<128xi32, #tpu.memory_space<vmem>>) semaphore(%arg19 : memref<!tpu.dma_semaphore, #tpu.memory_space<semaphore_mem>>) {add = true}
    %dma_wait3A_1589 = arith.constant 3200 : i32
    %dma_wait3A_1590 = tpu.memref_slice %arg7[%dma_wait3A_1589] : memref<3328xi32, #tpu.memory_space<vmem>> -> memref<128xi32, #tpu.memory_space<vmem>>
    %dma_wait3A_1591 = arith.constant 0 : i32
    %dma_wait3A_1592 = arith.constant 0 : i32
    %dma_wait3A_1593 = tpu.memref_slice %arg2[%dma_wait3A_1591, %dma_wait3A_1592] : memref<10000x128xf32, #tpu.memory_space<hbm>> -> memref<10000x128xf32, #tpu.memory_space<hbm>>
    tpu.wait_indirect_dma semaphore(%arg18 : memref<!tpu.dma_semaphore, #tpu.memory_space<semaphore_mem>>) src(%dma_wait3A_1593 : memref<10000x128xf32, #tpu.memory_space<hbm>>) dst(%arg12 : memref<128x128xf32, #tpu.memory_space<vmem>>)
    %dma_start3A_1594 = arith.constant 3200 : i32
    %dma_start3A_1595 = tpu.memref_slice %arg8[%dma_start3A_1594] : memref<3328xi32, #tpu.memory_space<vmem>> -> memref<128xi32, #tpu.memory_space<vmem>>
    %dma_start3A_1596 = arith.constant 0 : i32
    %dma_start3A_1597 = arith.constant 0 : i32
    %dma_start3A_1598 = tpu.memref_slice %arg16[%dma_start3A_1596, %dma_start3A_1597] : memref<10000x128xf32, #tpu.memory_space<vmem_shared>> -> memref<10000x128xf32, #tpu.memory_space<vmem_shared>>
    tpu.enqueue_indirect_dma source(%arg12 : memref<128x128xf32, #tpu.memory_space<vmem>>) target(%dma_start3A_1598 : memref<10000x128xf32, #tpu.memory_space<vmem_shared>>) offsets(%dma_start3A_1595 : memref<128xi32, #tpu.memory_space<vmem>>) semaphore(%arg19 : memref<!tpu.dma_semaphore, #tpu.memory_space<semaphore_mem>>) {add = true}
    %dma_wait3A_1599 = arith.constant 3072 : i32
    %dma_wait3A_1600 = tpu.memref_slice %arg8[%dma_wait3A_1599] : memref<3328xi32, #tpu.memory_space<vmem>> -> memref<128xi32, #tpu.memory_space<vmem>>
    %dma_wait3A_1601 = arith.constant 0 : i32
    %dma_wait3A_1602 = arith.constant 0 : i32
    %dma_wait3A_1603 = tpu.memref_slice %arg16[%dma_wait3A_1601, %dma_wait3A_1602] : memref<10000x128xf32, #tpu.memory_space<vmem_shared>> -> memref<10000x128xf32, #tpu.memory_space<vmem_shared>>
    tpu.wait_indirect_dma semaphore(%arg19 : memref<!tpu.dma_semaphore, #tpu.memory_space<semaphore_mem>>) src(%arg11 : memref<128x128xf32, #tpu.memory_space<vmem>>) dst(%dma_wait3A_1603 : memref<10000x128xf32, #tpu.memory_space<vmem_shared>>)
    %dma_wait3A_1604 = arith.constant 3200 : i32
    %dma_wait3A_1605 = tpu.memref_slice %arg8[%dma_wait3A_1604] : memref<3328xi32, #tpu.memory_space<vmem>> -> memref<128xi32, #tpu.memory_space<vmem>>
    %dma_wait3A_1606 = arith.constant 0 : i32
    %dma_wait3A_1607 = arith.constant 0 : i32
    %dma_wait3A_1608 = tpu.memref_slice %arg16[%dma_wait3A_1606, %dma_wait3A_1607] : memref<10000x128xf32, #tpu.memory_space<vmem_shared>> -> memref<10000x128xf32, #tpu.memory_space<vmem_shared>>
    tpu.wait_indirect_dma semaphore(%arg19 : memref<!tpu.dma_semaphore, #tpu.memory_space<semaphore_mem>>) src(%arg12 : memref<128x128xf32, #tpu.memory_space<vmem>>) dst(%dma_wait3A_1608 : memref<10000x128xf32, #tpu.memory_space<vmem_shared>>)
    %scan3A_1609 = arith.constant 1 : i32
    %dma_wait3A_1610 = tpu.memref_slice %arg3[%mul3A_6] : memref<320000xi32, #tpu.memory_space<hbm>> -> memref<3328xi32, #tpu.memory_space<hbm>>
    %dma_wait3A_1611 = tpu.memref_slice %arg3[%mul3A_6] : memref<320000xi32, #tpu.memory_space<hbm>> -> memref<3328xi32, #tpu.memory_space<hbm>>
    tpu.wait_dma2 semaphore(%arg20 : memref<!tpu.dma_semaphore, #tpu.memory_space<semaphore_mem>>) src(%dma_wait3A_1611 : memref<3328xi32, #tpu.memory_space<hbm>>) dst(%arg9 : memref<3328xi32, #tpu.memory_space<vmem>>)
    %dma_wait3A_1612 = tpu.memref_slice %arg4[%mul3A_6] : memref<320000xi32, #tpu.memory_space<hbm>> -> memref<3328xi32, #tpu.memory_space<hbm>>
    %dma_wait3A_1613 = tpu.memref_slice %arg4[%mul3A_6] : memref<320000xi32, #tpu.memory_space<hbm>> -> memref<3328xi32, #tpu.memory_space<hbm>>
    tpu.wait_dma2 semaphore(%arg20 : memref<!tpu.dma_semaphore, #tpu.memory_space<semaphore_mem>>) src(%dma_wait3A_1613 : memref<3328xi32, #tpu.memory_space<hbm>>) dst(%arg10 : memref<3328xi32, #tpu.memory_space<vmem>>)
    %add3A_1614 = arith.constant 9984 : i32
    %add3A_1615 = arith.addi %mul3A_6, %add3A_1614 : i32
    "tpu.region"() ({
      %run_scoped3A = tpu.sem_alloc : memref<!tpu.dma_semaphore, #tpu.memory_space<semaphore_mem>>
      %dma_start3A_1631 = tpu.memref_slice %arg3[%add3A_1615] : memref<320000xi32, #tpu.memory_space<hbm>> -> memref<16xi32, #tpu.memory_space<hbm>>
      %dma_start3A_1632 = tpu.memref_slice %arg3[%add3A_1615] : memref<320000xi32, #tpu.memory_space<hbm>> -> memref<16xi32, #tpu.memory_space<hbm>>
      tpu.enqueue_dma source(%dma_start3A_1632 : memref<16xi32, #tpu.memory_space<hbm>>) target(%arg13 : memref<16xi32, #tpu.memory_space<vmem>>) target_semaphore(%run_scoped3A : memref<!tpu.dma_semaphore, #tpu.memory_space<semaphore_mem>>)
      %dma_wait3A_1633 = tpu.memref_slice %arg3[%add3A_1615] : memref<320000xi32, #tpu.memory_space<hbm>> -> memref<16xi32, #tpu.memory_space<hbm>>
      %dma_wait3A_1634 = tpu.memref_slice %arg3[%add3A_1615] : memref<320000xi32, #tpu.memory_space<hbm>> -> memref<16xi32, #tpu.memory_space<hbm>>
      tpu.wait_dma2 semaphore(%run_scoped3A : memref<!tpu.dma_semaphore, #tpu.memory_space<semaphore_mem>>) src(%dma_wait3A_1634 : memref<16xi32, #tpu.memory_space<hbm>>) dst(%arg13 : memref<16xi32, #tpu.memory_space<vmem>>)
      tpu.yield
    }) : () -> ()
    "tpu.region"() ({
      %run_scoped3A = tpu.sem_alloc : memref<!tpu.dma_semaphore, #tpu.memory_space<semaphore_mem>>
      %dma_start3A_1631 = tpu.memref_slice %arg4[%add3A_1615] : memref<320000xi32, #tpu.memory_space<hbm>> -> memref<16xi32, #tpu.memory_space<hbm>>
      %dma_start3A_1632 = tpu.memref_slice %arg4[%add3A_1615] : memref<320000xi32, #tpu.memory_space<hbm>> -> memref<16xi32, #tpu.memory_space<hbm>>
      tpu.enqueue_dma source(%dma_start3A_1632 : memref<16xi32, #tpu.memory_space<hbm>>) target(%arg14 : memref<16xi32, #tpu.memory_space<vmem>>) target_semaphore(%run_scoped3A : memref<!tpu.dma_semaphore, #tpu.memory_space<semaphore_mem>>)
      %dma_wait3A_1633 = tpu.memref_slice %arg4[%add3A_1615] : memref<320000xi32, #tpu.memory_space<hbm>> -> memref<16xi32, #tpu.memory_space<hbm>>
      %dma_wait3A_1634 = tpu.memref_slice %arg4[%add3A_1615] : memref<320000xi32, #tpu.memory_space<hbm>> -> memref<16xi32, #tpu.memory_space<hbm>>
      tpu.wait_dma2 semaphore(%run_scoped3A : memref<!tpu.dma_semaphore, #tpu.memory_space<semaphore_mem>>) src(%dma_wait3A_1634 : memref<16xi32, #tpu.memory_space<hbm>>) dst(%arg14 : memref<16xi32, #tpu.memory_space<vmem>>)
      tpu.yield
    }) : () -> ()
    %dma_start3A_1616 = arith.constant 0 : i32
    %dma_start3A_1617 = arith.constant 0 : i32
    %dma_start3A_1618 = tpu.memref_slice %arg2[%dma_start3A_1616, %dma_start3A_1617] : memref<10000x128xf32, #tpu.memory_space<hbm>> -> memref<10000x128xf32, #tpu.memory_space<hbm>>
    tpu.enqueue_indirect_dma source(%dma_start3A_1618 : memref<10000x128xf32, #tpu.memory_space<hbm>>) target(%arg15 : memref<16x128xf32, #tpu.memory_space<vmem>>) offsets(%arg13 : memref<16xi32, #tpu.memory_space<vmem>>) semaphore(%arg17 : memref<!tpu.dma_semaphore, #tpu.memory_space<semaphore_mem>>)
    %dma_wait3A_1619 = arith.constant 0 : i32
    %dma_wait3A_1620 = arith.constant 0 : i32
    %dma_wait3A_1621 = tpu.memref_slice %arg2[%dma_wait3A_1619, %dma_wait3A_1620] : memref<10000x128xf32, #tpu.memory_space<hbm>> -> memref<10000x128xf32, #tpu.memory_space<hbm>>
    tpu.wait_indirect_dma semaphore(%arg17 : memref<!tpu.dma_semaphore, #tpu.memory_space<semaphore_mem>>) src(%dma_wait3A_1621 : memref<10000x128xf32, #tpu.memory_space<hbm>>) dst(%arg15 : memref<16x128xf32, #tpu.memory_space<vmem>>)
    "tpu.region"() ({
      %run_scoped3A = tpu.sem_alloc : memref<!tpu.dma_semaphore, #tpu.memory_space<semaphore_mem>>
      %dma_start3A_1631 = arith.constant 0 : i32
      %dma_start3A_1632 = arith.constant 0 : i32
      %dma_start3A_1633 = tpu.memref_slice %arg16[%dma_start3A_1631, %dma_start3A_1632] : memref<10000x128xf32, #tpu.memory_space<vmem_shared>> -> memref<10000x128xf32, #tpu.memory_space<vmem_shared>>
      tpu.enqueue_indirect_dma source(%arg15 : memref<16x128xf32, #tpu.memory_space<vmem>>) target(%dma_start3A_1633 : memref<10000x128xf32, #tpu.memory_space<vmem_shared>>) offsets(%arg14 : memref<16xi32, #tpu.memory_space<vmem>>) semaphore(%run_scoped3A : memref<!tpu.dma_semaphore, #tpu.memory_space<semaphore_mem>>) {add = true}
      %dma_wait3A_1634 = arith.constant 0 : i32
      %dma_wait3A_1635 = arith.constant 0 : i32
      %dma_wait3A_1636 = tpu.memref_slice %arg16[%dma_wait3A_1634, %dma_wait3A_1635] : memref<10000x128xf32, #tpu.memory_space<vmem_shared>> -> memref<10000x128xf32, #tpu.memory_space<vmem_shared>>
      tpu.wait_indirect_dma semaphore(%run_scoped3A : memref<!tpu.dma_semaphore, #tpu.memory_space<semaphore_mem>>) src(%arg15 : memref<16x128xf32, #tpu.memory_space<vmem>>) dst(%dma_wait3A_1636 : memref<10000x128xf32, #tpu.memory_space<vmem_shared>>)
      tpu.yield
    }) : () -> ()
    %barrier3A_1622 = arith.constant 0 : index
    tpu.barrier barrier_id(%barrier3A_1622)
    %mul3A_1623 = arith.constant 10000 : i32
    %mul3A_1624 = arith.muli %arg0, %mul3A_1623 : i32
    %add3A_1625 = arith.addi %mul3A_1624, %mul3A_2 : i32
    "tpu.region"() ({
      %run_scoped3A = tpu.sem_alloc : memref<!tpu.dma_semaphore, #tpu.memory_space<semaphore_mem>>
      %dma_start3A_1631 = arith.constant 0 : i32
      %dma_start3A_1632 = tpu.memref_slice %arg6[%add3A_1625, %dma_start3A_1631] : memref<20000x128xf32, #tpu.memory_space<hbm>> -> memref<624x128xf32, #tpu.memory_space<hbm>>
      %dma_start3A_1633 = arith.constant 0 : i32
      %dma_start3A_1634 = tpu.memref_slice %arg16[%mul3A_2, %dma_start3A_1633] : memref<10000x128xf32, #tpu.memory_space<vmem_shared>> -> memref<624x128xf32, #tpu.memory_space<vmem_shared>>
      tpu.enqueue_dma source(%dma_start3A_1634 : memref<624x128xf32, #tpu.memory_space<vmem_shared>>) target(%dma_start3A_1632 : memref<624x128xf32, #tpu.memory_space<hbm>>) target_semaphore(%run_scoped3A : memref<!tpu.dma_semaphore, #tpu.memory_space<semaphore_mem>>)
      %dma_wait3A_1635 = arith.constant 0 : i32
      %dma_wait3A_1636 = tpu.memref_slice %arg6[%add3A_1625, %dma_wait3A_1635] : memref<20000x128xf32, #tpu.memory_space<hbm>> -> memref<624x128xf32, #tpu.memory_space<hbm>>
      %dma_wait3A_1637 = arith.constant 0 : i32
      %dma_wait3A_1638 = tpu.memref_slice %arg16[%mul3A_2, %dma_wait3A_1637] : memref<10000x128xf32, #tpu.memory_space<vmem_shared>> -> memref<624x128xf32, #tpu.memory_space<vmem_shared>>
      tpu.wait_dma2 semaphore(%run_scoped3A : memref<!tpu.dma_semaphore, #tpu.memory_space<semaphore_mem>>) src(%dma_wait3A_1638 : memref<624x128xf32, #tpu.memory_space<vmem_shared>>) dst(%dma_wait3A_1636 : memref<624x128xf32, #tpu.memory_space<hbm>>)
      tpu.yield
    }) : () -> ()
    %eq3A_1626 = arith.constant 15 : i32
    %eq3A_1627 = arith.cmpi eq, %arg1, %eq3A_1626 : i32
    %convert_element_type3A_1628 = arith.extui %eq3A_1627 : i1 to i32
    %cond3A_1629 = arith.constant 0 : i32
    %cond3A_1630 = arith.cmpi ne, %convert_element_type3A_1628, %cond3A_1629 : i32
    scf.if %cond3A_1630 {
      %mul3A_1631 = arith.constant 10000 : i32
      %mul3A_1632 = arith.muli %arg0, %mul3A_1631 : i32
      %add3A_1633 = arith.constant 9984 : i32
      %add3A_1634 = arith.addi %mul3A_1632, %add3A_1633 : i32
      "tpu.region"() ({
        %run_scoped3A = tpu.sem_alloc : memref<!tpu.dma_semaphore, #tpu.memory_space<semaphore_mem>>
        %dma_start3A_1635 = arith.constant 0 : i32
        %dma_start3A_1636 = tpu.memref_slice %arg6[%add3A_1634, %dma_start3A_1635] : memref<20000x128xf32, #tpu.memory_space<hbm>> -> memref<16x128xf32, #tpu.memory_space<hbm>>
        %dma_start3A_1637 = arith.constant 9984 : i32
        %dma_start3A_1638 = arith.constant 0 : i32
        %dma_start3A_1639 = tpu.memref_slice %arg16[%dma_start3A_1637, %dma_start3A_1638] : memref<10000x128xf32, #tpu.memory_space<vmem_shared>> -> memref<16x128xf32, #tpu.memory_space<vmem_shared>>
        tpu.enqueue_dma source(%dma_start3A_1639 : memref<16x128xf32, #tpu.memory_space<vmem_shared>>) target(%dma_start3A_1636 : memref<16x128xf32, #tpu.memory_space<hbm>>) target_semaphore(%run_scoped3A : memref<!tpu.dma_semaphore, #tpu.memory_space<semaphore_mem>>)
        %dma_wait3A_1640 = arith.constant 0 : i32
        %dma_wait3A_1641 = tpu.memref_slice %arg6[%add3A_1634, %dma_wait3A_1640] : memref<20000x128xf32, #tpu.memory_space<hbm>> -> memref<16x128xf32, #tpu.memory_space<hbm>>
        %dma_wait3A_1642 = arith.constant 9984 : i32
        %dma_wait3A_1643 = arith.constant 0 : i32
        %dma_wait3A_1644 = tpu.memref_slice %arg16[%dma_wait3A_1642, %dma_wait3A_1643] : memref<10000x128xf32, #tpu.memory_space<vmem_shared>> -> memref<16x128xf32, #tpu.memory_space<vmem_shared>>
        tpu.wait_dma2 semaphore(%run_scoped3A : memref<!tpu.dma_semaphore, #tpu.memory_space<semaphore_mem>>) src(%dma_wait3A_1644 : memref<16x128xf32, #tpu.memory_space<vmem_shared>>) dst(%dma_wait3A_1641 : memref<16x128xf32, #tpu.memory_space<hbm>>)
        tpu.yield
      }) : () -> ()
    } else {
    }
    return
  }
}

module attributes {stable_mosaic.version = 14 : i64} {
  func.func @_xtan_body(%arg0: i32, %arg1: memref<2000x128xf32, #tpu.memory_space<vmem>>, %arg2: memref<2000x128xf32, #tpu.memory_space<vmem>>) attributes {dimension_semantics = [#tpu.dimension_semantics<arbitrary>], iteration_bounds = array<i64: 5>, scalar_prefetch = 0 : i64, scratch_operands = 0 : i64, tpu.core_type = #tpu.core_type<tc>, window_params = [{transform_indices = @transform_0, window_bounds = array<i64: 2000, 128>}, {transform_indices = @transform_1, window_bounds = array<i64: 2000, 128>}]} {
    %get3A = arith.constant 0 : index
    %get3A_0 = arith.constant 0 : index
    %get3A_1 = vector.load %arg1[%get3A, %get3A_0] : memref<2000x128xf32, #tpu.memory_space<vmem>>, vector<2000x128xf32>
    %mul3A = arith.mulf %get3A_1, %get3A_1 : vector<2000x128xf32>
    %reduce_sum3A = arith.constant dense<0.000000e+00> : vector<2000xf32>
    %reduce_sum3A_2 = vector.multi_reduction <add>, %mul3A, %reduce_sum3A [1] : vector<2000x128xf32> to vector<2000xf32>
    %broadcast_in_dim3A = vector.shape_cast %reduce_sum3A_2 : vector<2000xf32> to vector<2000x1xf32>
    %jit3A = arith.constant 9.99999996E-13 : f32
    %max3A = vector.broadcast %jit3A : f32 to vector<2000x1xf32>
    %max3A_3 = arith.maximumf %max3A, %broadcast_in_dim3A : vector<2000x1xf32>
    %sqrt3A = math.sqrt %max3A_3 : vector<2000x1xf32>
    %div3A = arith.constant 1.000000e+03 : f32
    %div3A_4 = vector.broadcast %div3A : f32 to vector<2000x1xf32>
    %div3A_5 = arith.divf %div3A_4, %sqrt3A : vector<2000x1xf32>
    %min3A = arith.constant 1.000000e+00 : f32
    %min3A_6 = vector.broadcast %min3A : f32 to vector<2000x1xf32>
    %min3A_7 = arith.minimumf %min3A_6, %div3A_5 : vector<2000x1xf32>
    %mul3A_8 = arith.mulf %broadcast_in_dim3A, %min3A_7 : vector<2000x1xf32>
    %mul3A_9 = arith.mulf %mul3A_8, %min3A_7 : vector<2000x1xf32>
    %add3A = arith.constant 1.000000e+00 : f32
    %add3A_10 = vector.broadcast %add3A : f32 to vector<2000x1xf32>
    %add3A_11 = arith.addf %add3A_10, %mul3A_9 : vector<2000x1xf32>
    %sqrt3A_12 = math.sqrt %add3A_11 : vector<2000x1xf32>
    %div3A_13 = arith.constant 1.000000e+00 : f32
    %div3A_14 = vector.broadcast %div3A_13 : f32 to vector<2000x1xf32>
    %div3A_15 = arith.divf %sqrt3A_12, %div3A_14 : vector<2000x1xf32>
    %add3A_16 = arith.constant 9.99999997E-7 : f32
    %add3A_17 = vector.broadcast %add3A_16 : f32 to vector<2000x1xf32>
    %add3A_18 = arith.addf %div3A_15, %add3A_17 : vector<2000x1xf32>
    %jit3A_19 = arith.constant 1.000000e+00 : f32
    %max3A_20 = vector.broadcast %jit3A_19 : f32 to vector<2000x1xf32>
    %max3A_21 = arith.maximumf %max3A_20, %add3A_18 : vector<2000x1xf32>
    %mul3A_22 = arith.mulf %max3A_21, %max3A_21 : vector<2000x1xf32>
    %sub3A = arith.constant 1.000000e+00 : f32
    %sub3A_23 = vector.broadcast %sub3A : f32 to vector<2000x1xf32>
    %sub3A_24 = arith.subf %mul3A_22, %sub3A_23 : vector<2000x1xf32>
    %jit3A_25 = arith.constant 9.99999996E-13 : f32
    %max3A_26 = vector.broadcast %jit3A_25 : f32 to vector<2000x1xf32>
    %max3A_27 = arith.maximumf %max3A_26, %sub3A_24 : vector<2000x1xf32>
    %sqrt3A_28 = math.sqrt %max3A_27 : vector<2000x1xf32>
    %add3A_29 = arith.addf %max3A_21, %sqrt3A_28 : vector<2000x1xf32>
    %log3A = math.log %add3A_29 : vector<2000x1xf32>
    %mul3A_30 = arith.constant 1.000000e+00 : f32
    %mul3A_31 = vector.broadcast %mul3A_30 : f32 to vector<2000x1xf32>
    %mul3A_32 = arith.mulf %mul3A_31, %log3A : vector<2000x1xf32>
    %jit3A_33 = arith.constant 9.99999996E-13 : f32
    %max3A_34 = vector.broadcast %jit3A_33 : f32 to vector<2000x1xf32>
    %max3A_35 = arith.maximumf %max3A_34, %mul3A_9 : vector<2000x1xf32>
    %add3A_36 = arith.constant 9.99999997E-7 : f32
    %add3A_37 = vector.broadcast %add3A_36 : f32 to vector<2000x1xf32>
    %add3A_38 = arith.addf %max3A_35, %add3A_37 : vector<2000x1xf32>
    %sqrt3A_39 = math.sqrt %add3A_38 : vector<2000x1xf32>
    %div3A_40 = arith.divf %mul3A_32, %sqrt3A_39 : vector<2000x1xf32>
    %mul3A_41 = arith.mulf %min3A_7, %div3A_40 : vector<2000x1xf32>
    %mul3A_42 = vector.broadcast %mul3A_41 : vector<2000x1xf32> to vector<2000x128xf32>
    %mul3A_43 = arith.mulf %mul3A_42, %get3A_1 : vector<2000x128xf32>
    %swap3A = arith.constant 0 : index
    %swap3A_44 = arith.constant 0 : index
    %swap3A_45 = vector.load %arg2[%swap3A, %swap3A_44] : memref<2000x128xf32, #tpu.memory_space<vmem>>, vector<2000x128xf32>
    tpu.vector_store %arg2[%swap3A, %swap3A_44], %mul3A_43 {strides = array<i32>} : memref<2000x128xf32, #tpu.memory_space<vmem>>, vector<2000x128xf32>,
    return
  }
  func.func @transform_0(%arg0: i32) -> (i32, i32) {
    %c0_i32 = arith.constant 0 : i32
    %c0_i32_0 = arith.constant 0 : i32
    return %arg0, %c0_i32 : i32, i32
  }
  func.func @transform_1(%arg0: i32) -> (i32, i32) {
    %c0_i32 = arith.constant 0 : i32
    %c0_i32_0 = arith.constant 0 : i32
    return %arg0, %c0_i32 : i32, i32
  }
}

module attributes {stable_mosaic.version = 14 : i64} {
  func.func @_tail_body(%arg0: i32, %arg1: memref<2000x128xf32, #tpu.memory_space<vmem>>, %arg2: memref<2000x128xf32, #tpu.memory_space<vmem>>, %arg3: memref<2000x128xf32, #tpu.memory_space<vmem>>, %arg4: memref<1x1x2000xi32, #tpu.memory_space<vmem>>, %arg5: memref<127x128xf32, #tpu.memory_space<vmem>>, %arg6: memref<1x127xf32, #tpu.memory_space<vmem>>, %arg7: memref<127x127xf32, #tpu.memory_space<vmem>>, %arg8: memref<1x127xf32, #tpu.memory_space<vmem>>, %arg9: memref<39x127xf32, #tpu.memory_space<vmem>>, %arg10: memref<1x39xf32, #tpu.memory_space<vmem>>, %arg11: memref<64x39xf32, #tpu.memory_space<vmem>>, %arg12: memref<64x39xf32, #tpu.memory_space<vmem>>, %arg13: memref<64x127xf32, #tpu.memory_space<vmem>>) attributes {dimension_semantics = [#tpu.dimension_semantics<arbitrary>], iteration_bounds = array<i64: 5>, scalar_prefetch = 0 : i64, scratch_operands = 1 : i64, tpu.core_type = #tpu.core_type<tc>, window_params = [{transform_indices = @transform_0, window_bounds = array<i64: 2000, 128>}, {transform_indices = @transform_1, window_bounds = array<i64: 2000, 128>}, {transform_indices = @transform_2, window_bounds = array<i64: 2000, 128>}, {transform_indices = @transform_3, window_bounds = array<i64: 1, 1, 2000>}, {pipeline_mode = #tpu.pipeline_mode<synchronous>, transform_indices = @transform_4, window_bounds = array<i64: 127, 128>}, {pipeline_mode = #tpu.pipeline_mode<synchronous>, transform_indices = @transform_5, window_bounds = array<i64: 1, 127>}, {pipeline_mode = #tpu.pipeline_mode<synchronous>, transform_indices = @transform_6, window_bounds = array<i64: 127, 127>}, {pipeline_mode = #tpu.pipeline_mode<synchronous>, transform_indices = @transform_7, window_bounds = array<i64: 1, 127>}, {pipeline_mode = #tpu.pipeline_mode<synchronous>, transform_indices = @transform_8, window_bounds = array<i64: 39, 127>}, {pipeline_mode = #tpu.pipeline_mode<synchronous>, transform_indices = @transform_9, window_bounds = array<i64: 1, 39>}, {pipeline_mode = #tpu.pipeline_mode<synchronous>, transform_indices = @transform_10, window_bounds = array<i64: 64, 39>}, {pipeline_mode = #tpu.pipeline_mode<synchronous>, transform_indices = @transform_11, window_bounds = array<i64: 64, 39>}]} {
    %get3A = arith.constant 0 : index
    %get3A_0 = arith.constant 0 : index
    %get3A_1 = vector.load %arg1[%get3A, %get3A_0] : memref<2000x128xf32, #tpu.memory_space<vmem>>, vector<2000x128xf32>
    %get3A_2 = arith.constant 0 : index
    %get3A_3 = arith.constant 0 : index
    %get3A_4 = vector.load %arg2[%get3A_2, %get3A_3] : memref<2000x128xf32, #tpu.memory_space<vmem>>, vector<2000x128xf32>
    %add3A = arith.addf %get3A_1, %get3A_4 : vector<2000x128xf32>
    %get3A_5 = arith.constant 0 : index
    %get3A_6 = arith.constant 0 : index
    %get3A_7 = vector.load %arg3[%get3A_5, %get3A_6] : memref<2000x128xf32, #tpu.memory_space<vmem>>, vector<2000x128xf32>
    %add3A_8 = arith.addf %add3A, %get3A_7 : vector<2000x128xf32>
    %mul3A = arith.mulf %add3A_8, %add3A_8 : vector<2000x128xf32>
    %reduce_sum3A = arith.constant dense<0.000000e+00> : vector<2000xf32>
    %reduce_sum3A_9 = vector.multi_reduction <add>, %mul3A, %reduce_sum3A [1] : vector<2000x128xf32> to vector<2000xf32>
    %broadcast_in_dim3A = vector.shape_cast %reduce_sum3A_9 : vector<2000xf32> to vector<2000x1xf32>
    %add3A_10 = arith.constant 9.99999997E-7 : f32
    %add3A_11 = vector.broadcast %add3A_10 : f32 to vector<2000x1xf32>
    %add3A_12 = arith.addf %broadcast_in_dim3A, %add3A_11 : vector<2000x1xf32>
    %jit3A = arith.constant 9.99999997E-7 : f32
    %max3A = vector.broadcast %jit3A : f32 to vector<2000x1xf32>
    %max3A_13 = arith.maximumf %max3A, %add3A_12 : vector<2000x1xf32>
    %sqrt3A = math.sqrt %max3A_13 : vector<2000x1xf32>
    %min3A = arith.constant 5.000000e+01 : f32
    %min3A_14 = vector.broadcast %min3A : f32 to vector<2000x1xf32>
    %min3A_15 = arith.minimumf %sqrt3A, %min3A_14 : vector<2000x1xf32>
    %div3A = arith.constant 1.000000e+00 : f32
    %div3A_16 = vector.broadcast %div3A : f32 to vector<2000x1xf32>
    %div3A_17 = arith.divf %min3A_15, %div3A_16 : vector<2000x1xf32>
    %exp3A = math.exp %div3A_17 : vector<2000x1xf32>
    %neg3A = arith.constant 0.000000e+00 : f32
    %neg3A_18 = vector.broadcast %neg3A : f32 to vector<2000x1xf32>
    %neg3A_19 = arith.subf %neg3A_18, %div3A_17 : vector<2000x1xf32>
    %exp3A_20 = math.exp %neg3A_19 : vector<2000x1xf32>
    %sub3A = arith.subf %exp3A, %exp3A_20 : vector<2000x1xf32>
    %mul3A_21 = arith.constant 5.000000e-01 : f32
    %mul3A_22 = vector.broadcast %mul3A_21 : f32 to vector<2000x1xf32>
    %mul3A_23 = arith.mulf %mul3A_22, %sub3A : vector<2000x1xf32>
    %mul3A_24 = arith.constant 1.000000e+00 : f32
    %mul3A_25 = vector.broadcast %mul3A_24 : f32 to vector<2000x1xf32>
    %mul3A_26 = arith.mulf %mul3A_25, %mul3A_23 : vector<2000x1xf32>
    %div3A_27 = arith.divf %mul3A_26, %sqrt3A : vector<2000x1xf32>
    %mul3A_28 = arith.mulf %div3A_27, %div3A_27 : vector<2000x1xf32>
    %mul3A_29 = arith.mulf %mul3A_28, %broadcast_in_dim3A : vector<2000x1xf32>
    %jit3A_30 = arith.constant 9.99999996E-13 : f32
    %max3A_31 = vector.broadcast %jit3A_30 : f32 to vector<2000x1xf32>
    %max3A_32 = arith.maximumf %max3A_31, %mul3A_29 : vector<2000x1xf32>
    %sqrt3A_33 = math.sqrt %max3A_32 : vector<2000x1xf32>
    %div3A_34 = arith.constant 1.000000e+03 : f32
    %div3A_35 = vector.broadcast %div3A_34 : f32 to vector<2000x1xf32>
    %div3A_36 = arith.divf %div3A_35, %sqrt3A_33 : vector<2000x1xf32>
    %min3A_37 = arith.constant 1.000000e+00 : f32
    %min3A_38 = vector.broadcast %min3A_37 : f32 to vector<2000x1xf32>
    %min3A_39 = arith.minimumf %min3A_38, %div3A_36 : vector<2000x1xf32>
    %mul3A_40 = arith.mulf %div3A_27, %min3A_39 : vector<2000x1xf32>
    %eq3A = arith.constant 0x7F800000 : f32
    %eq3A_41 = vector.broadcast %eq3A : f32 to vector<2000x1xf32>
    %eq3A_42 = arith.cmpf oeq, %mul3A_29, %eq3A_41 : vector<2000x1xf32>
    %mul3A_43 = arith.mulf %mul3A_29, %min3A_39 : vector<2000x1xf32>
    %mul3A_44 = arith.mulf %mul3A_43, %min3A_39 : vector<2000x1xf32>
    %jit3A_45 = arith.constant 0.000000e+00 : f32
    %broadcast_in_dim3A_46 = vector.broadcast %jit3A_45 : f32 to vector<2000x1xf32>
    %select_n3A = arith.select %eq3A_42, %broadcast_in_dim3A_46, %mul3A_44 : vector<2000x1xi1>, vector<2000x1xf32>
    %add3A_47 = arith.constant 1.000000e+00 : f32
    %add3A_48 = vector.broadcast %add3A_47 : f32 to vector<2000x1xf32>
    %add3A_49 = arith.addf %add3A_48, %select_n3A : vector<2000x1xf32>
    %sqrt3A_50 = math.sqrt %add3A_49 : vector<2000x1xf32>
    %div3A_51 = arith.constant 2.000000e+00 : f32
    %div3A_52 = vector.broadcast %div3A_51 : f32 to vector<2000x1xf32>
    %div3A_53 = arith.divf %sqrt3A_50, %div3A_52 : vector<2000x1xf32>
    %add3A_54 = arith.constant 9.99999997E-7 : f32
    %add3A_55 = vector.broadcast %add3A_54 : f32 to vector<2000x1xf32>
    %add3A_56 = arith.addf %div3A_53, %add3A_55 : vector<2000x1xf32>
    %jit3A_57 = arith.constant 1.000000e+00 : f32
    %max3A_58 = vector.broadcast %jit3A_57 : f32 to vector<2000x1xf32>
    %max3A_59 = arith.maximumf %max3A_58, %add3A_56 : vector<2000x1xf32>
    %mul3A_60 = arith.mulf %max3A_59, %max3A_59 : vector<2000x1xf32>
    %sub3A_61 = arith.constant 1.000000e+00 : f32
    %sub3A_62 = vector.broadcast %sub3A_61 : f32 to vector<2000x1xf32>
    %sub3A_63 = arith.subf %mul3A_60, %sub3A_62 : vector<2000x1xf32>
    %jit3A_64 = arith.constant 9.99999996E-13 : f32
    %max3A_65 = vector.broadcast %jit3A_64 : f32 to vector<2000x1xf32>
    %max3A_66 = arith.maximumf %max3A_65, %sub3A_63 : vector<2000x1xf32>
    %sqrt3A_67 = math.sqrt %max3A_66 : vector<2000x1xf32>
    %add3A_68 = arith.addf %max3A_59, %sqrt3A_67 : vector<2000x1xf32>
    %log3A = math.log %add3A_68 : vector<2000x1xf32>
    %mul3A_69 = arith.constant 2.000000e+00 : f32
    %mul3A_70 = vector.broadcast %mul3A_69 : f32 to vector<2000x1xf32>
    %mul3A_71 = arith.mulf %mul3A_70, %log3A : vector<2000x1xf32>
    %jit3A_72 = arith.constant 9.99999996E-13 : f32
    %max3A_73 = vector.broadcast %jit3A_72 : f32 to vector<2000x1xf32>
    %max3A_74 = arith.maximumf %max3A_73, %select_n3A : vector<2000x1xf32>
    %add3A_75 = arith.constant 9.99999997E-7 : f32
    %add3A_76 = vector.broadcast %add3A_75 : f32 to vector<2000x1xf32>
    %add3A_77 = arith.addf %max3A_74, %add3A_76 : vector<2000x1xf32>
    %sqrt3A_78 = math.sqrt %add3A_77 : vector<2000x1xf32>
    %div3A_79 = arith.divf %mul3A_71, %sqrt3A_78 : vector<2000x1xf32>
    %mul3A_80 = arith.mulf %mul3A_40, %div3A_79 : vector<2000x1xf32>
    %get3A_81 = arith.constant 0 : index
    %get3A_82 = arith.constant 0 : index
    %get3A_83 = vector.load %arg5[%get3A_81, %get3A_82] : memref<127x128xf32, #tpu.memory_space<vmem>>, vector<127x128xf32>
    %dot_general3A = arith.constant dense<0.000000e+00> : vector<2000x127xf32>
    %dot_general3A_84 = tpu.matmul %add3A_8, %get3A_83, %dot_general3A {dimension_numbers = #tpu.dot_dimension_numbers<[1], [1], [0], [0], [0, 0, 1, 0], [], []>, transpose_lhs_hint = false} : vector<2000x128xf32>, vector<127x128xf32>, vector<2000x127xf32> -> vector<2000x127xf32>
    %mul3A_85 = vector.broadcast %mul3A_80 : vector<2000x1xf32> to vector<2000x127xf32>
    %mul3A_86 = arith.mulf %mul3A_85, %dot_general3A_84 : vector<2000x127xf32>
    %get3A_87 = arith.constant 0 : index
    %get3A_88 = arith.constant 0 : index
    %get3A_89 = vector.load %arg6[%get3A_87, %get3A_88] : memref<1x127xf32, #tpu.memory_space<vmem>>, vector<1x127xf32>
    %add3A_90 = vector.broadcast %get3A_89 : vector<1x127xf32> to vector<2000x127xf32>
    %add3A_91 = arith.addf %mul3A_86, %add3A_90 : vector<2000x127xf32>
    %mul3A_92 = arith.mulf %add3A_91, %add3A_91 : vector<2000x127xf32>
    %reduce_sum3A_93 = arith.constant dense<0.000000e+00> : vector<2000xf32>
    %reduce_sum3A_94 = vector.multi_reduction <add>, %mul3A_92, %reduce_sum3A_93 [1] : vector<2000x127xf32> to vector<2000xf32>
    %broadcast_in_dim3A_95 = vector.shape_cast %reduce_sum3A_94 : vector<2000xf32> to vector<2000x1xf32>
    %add3A_96 = arith.constant 9.99999997E-7 : f32
    %add3A_97 = vector.broadcast %add3A_96 : f32 to vector<2000x1xf32>
    %add3A_98 = arith.addf %broadcast_in_dim3A_95, %add3A_97 : vector<2000x1xf32>
    %jit3A_99 = arith.constant 9.99999997E-7 : f32
    %max3A_100 = vector.broadcast %jit3A_99 : f32 to vector<2000x1xf32>
    %max3A_101 = arith.maximumf %max3A_100, %add3A_98 : vector<2000x1xf32>
    %sqrt3A_102 = math.sqrt %max3A_101 : vector<2000x1xf32>
    %min3A_103 = arith.constant 5.000000e+01 : f32
    %min3A_104 = vector.broadcast %min3A_103 : f32 to vector<2000x1xf32>
    %min3A_105 = arith.minimumf %sqrt3A_102, %min3A_104 : vector<2000x1xf32>
    %div3A_106 = arith.constant 2.000000e+00 : f32
    %div3A_107 = vector.broadcast %div3A_106 : f32 to vector<2000x1xf32>
    %div3A_108 = arith.divf %min3A_105, %div3A_107 : vector<2000x1xf32>
    %exp3A_109 = math.exp %div3A_108 : vector<2000x1xf32>
    %neg3A_110 = arith.constant 0.000000e+00 : f32
    %neg3A_111 = vector.broadcast %neg3A_110 : f32 to vector<2000x1xf32>
    %neg3A_112 = arith.subf %neg3A_111, %div3A_108 : vector<2000x1xf32>
    %exp3A_113 = math.exp %neg3A_112 : vector<2000x1xf32>
    %sub3A_114 = arith.subf %exp3A_109, %exp3A_113 : vector<2000x1xf32>
    %mul3A_115 = arith.constant 5.000000e-01 : f32
    %mul3A_116 = vector.broadcast %mul3A_115 : f32 to vector<2000x1xf32>
    %mul3A_117 = arith.mulf %mul3A_116, %sub3A_114 : vector<2000x1xf32>
    %mul3A_118 = arith.constant 2.000000e+00 : f32
    %mul3A_119 = vector.broadcast %mul3A_118 : f32 to vector<2000x1xf32>
    %mul3A_120 = arith.mulf %mul3A_119, %mul3A_117 : vector<2000x1xf32>
    %div3A_121 = arith.divf %mul3A_120, %sqrt3A_102 : vector<2000x1xf32>
    %mul3A_122 = arith.mulf %div3A_121, %div3A_121 : vector<2000x1xf32>
    %mul3A_123 = arith.mulf %mul3A_122, %broadcast_in_dim3A_95 : vector<2000x1xf32>
    %jit3A_124 = arith.constant 9.99999996E-13 : f32
    %max3A_125 = vector.broadcast %jit3A_124 : f32 to vector<2000x1xf32>
    %max3A_126 = arith.maximumf %max3A_125, %mul3A_123 : vector<2000x1xf32>
    %sqrt3A_127 = math.sqrt %max3A_126 : vector<2000x1xf32>
    %div3A_128 = arith.constant 1.000000e+03 : f32
    %div3A_129 = vector.broadcast %div3A_128 : f32 to vector<2000x1xf32>
    %div3A_130 = arith.divf %div3A_129, %sqrt3A_127 : vector<2000x1xf32>
    %min3A_131 = arith.constant 1.000000e+00 : f32
    %min3A_132 = vector.broadcast %min3A_131 : f32 to vector<2000x1xf32>
    %min3A_133 = arith.minimumf %min3A_132, %div3A_130 : vector<2000x1xf32>
    %mul3A_134 = arith.mulf %div3A_121, %min3A_133 : vector<2000x1xf32>
    %eq3A_135 = arith.constant 0x7F800000 : f32
    %eq3A_136 = vector.broadcast %eq3A_135 : f32 to vector<2000x1xf32>
    %eq3A_137 = arith.cmpf oeq, %mul3A_123, %eq3A_136 : vector<2000x1xf32>
    %mul3A_138 = arith.mulf %mul3A_123, %min3A_133 : vector<2000x1xf32>
    %mul3A_139 = arith.mulf %mul3A_138, %min3A_133 : vector<2000x1xf32>
    %jit3A_140 = arith.constant 0.000000e+00 : f32
    %broadcast_in_dim3A_141 = vector.broadcast %jit3A_140 : f32 to vector<2000x1xf32>
    %select_n3A_142 = arith.select %eq3A_137, %broadcast_in_dim3A_141, %mul3A_139 : vector<2000x1xi1>, vector<2000x1xf32>
    %add3A_143 = arith.constant 4.000000e+00 : f32
    %add3A_144 = vector.broadcast %add3A_143 : f32 to vector<2000x1xf32>
    %add3A_145 = arith.addf %add3A_144, %select_n3A_142 : vector<2000x1xf32>
    %sqrt3A_146 = math.sqrt %add3A_145 : vector<2000x1xf32>
    %div3A_147 = arith.constant 2.000000e+00 : f32
    %div3A_148 = vector.broadcast %div3A_147 : f32 to vector<2000x1xf32>
    %div3A_149 = arith.divf %sqrt3A_146, %div3A_148 : vector<2000x1xf32>
    %add3A_150 = arith.constant 9.99999997E-7 : f32
    %add3A_151 = vector.broadcast %add3A_150 : f32 to vector<2000x1xf32>
    %add3A_152 = arith.addf %div3A_149, %add3A_151 : vector<2000x1xf32>
    %jit3A_153 = arith.constant 1.000000e+00 : f32
    %max3A_154 = vector.broadcast %jit3A_153 : f32 to vector<2000x1xf32>
    %max3A_155 = arith.maximumf %max3A_154, %add3A_152 : vector<2000x1xf32>
    %mul3A_156 = arith.mulf %max3A_155, %max3A_155 : vector<2000x1xf32>
    %sub3A_157 = arith.constant 1.000000e+00 : f32
    %sub3A_158 = vector.broadcast %sub3A_157 : f32 to vector<2000x1xf32>
    %sub3A_159 = arith.subf %mul3A_156, %sub3A_158 : vector<2000x1xf32>
    %jit3A_160 = arith.constant 9.99999996E-13 : f32
    %max3A_161 = vector.broadcast %jit3A_160 : f32 to vector<2000x1xf32>
    %max3A_162 = arith.maximumf %max3A_161, %sub3A_159 : vector<2000x1xf32>
    %sqrt3A_163 = math.sqrt %max3A_162 : vector<2000x1xf32>
    %add3A_164 = arith.addf %max3A_155, %sqrt3A_163 : vector<2000x1xf32>
    %log3A_165 = math.log %add3A_164 : vector<2000x1xf32>
    %mul3A_166 = arith.constant 2.000000e+00 : f32
    %mul3A_167 = vector.broadcast %mul3A_166 : f32 to vector<2000x1xf32>
    %mul3A_168 = arith.mulf %mul3A_167, %log3A_165 : vector<2000x1xf32>
    %jit3A_169 = arith.constant 9.99999996E-13 : f32
    %max3A_170 = vector.broadcast %jit3A_169 : f32 to vector<2000x1xf32>
    %max3A_171 = arith.maximumf %max3A_170, %select_n3A_142 : vector<2000x1xf32>
    %add3A_172 = arith.constant 9.99999997E-7 : f32
    %add3A_173 = vector.broadcast %add3A_172 : f32 to vector<2000x1xf32>
    %add3A_174 = arith.addf %max3A_171, %add3A_173 : vector<2000x1xf32>
    %sqrt3A_175 = math.sqrt %add3A_174 : vector<2000x1xf32>
    %div3A_176 = arith.divf %mul3A_168, %sqrt3A_175 : vector<2000x1xf32>
    %mul3A_177 = arith.mulf %mul3A_134, %div3A_176 : vector<2000x1xf32>
    %max3A_178 = arith.constant 0.000000e+00 : f32
    %max3A_179 = vector.broadcast %max3A_178 : f32 to vector<2000x127xf32>
    %max3A_180 = arith.maximumf %add3A_91, %max3A_179 : vector<2000x127xf32>
    %mul3A_181 = arith.mulf %max3A_180, %max3A_180 : vector<2000x127xf32>
    %reduce_sum3A_182 = arith.constant dense<0.000000e+00> : vector<2000xf32>
    %reduce_sum3A_183 = vector.multi_reduction <add>, %mul3A_181, %reduce_sum3A_182 [1] : vector<2000x127xf32> to vector<2000xf32>
    %broadcast_in_dim3A_184 = vector.shape_cast %reduce_sum3A_183 : vector<2000xf32> to vector<2000x1xf32>
    %mul3A_185 = arith.mulf %mul3A_177, %mul3A_177 : vector<2000x1xf32>
    %mul3A_186 = arith.mulf %mul3A_185, %broadcast_in_dim3A_184 : vector<2000x1xf32>
    %add3A_187 = arith.constant 9.99999997E-7 : f32
    %add3A_188 = vector.broadcast %add3A_187 : f32 to vector<2000x1xf32>
    %add3A_189 = arith.addf %mul3A_186, %add3A_188 : vector<2000x1xf32>
    %jit3A_190 = arith.constant 9.99999997E-7 : f32
    %max3A_191 = vector.broadcast %jit3A_190 : f32 to vector<2000x1xf32>
    %max3A_192 = arith.maximumf %max3A_191, %add3A_189 : vector<2000x1xf32>
    %sqrt3A_193 = math.sqrt %max3A_192 : vector<2000x1xf32>
    %min3A_194 = arith.constant 5.000000e+01 : f32
    %min3A_195 = vector.broadcast %min3A_194 : f32 to vector<2000x1xf32>
    %min3A_196 = arith.minimumf %sqrt3A_193, %min3A_195 : vector<2000x1xf32>
    %div3A_197 = arith.constant 2.000000e+00 : f32
    %div3A_198 = vector.broadcast %div3A_197 : f32 to vector<2000x1xf32>
    %div3A_199 = arith.divf %min3A_196, %div3A_198 : vector<2000x1xf32>
    %exp3A_200 = math.exp %div3A_199 : vector<2000x1xf32>
    %neg3A_201 = arith.constant 0.000000e+00 : f32
    %neg3A_202 = vector.broadcast %neg3A_201 : f32 to vector<2000x1xf32>
    %neg3A_203 = arith.subf %neg3A_202, %div3A_199 : vector<2000x1xf32>
    %exp3A_204 = math.exp %neg3A_203 : vector<2000x1xf32>
    %sub3A_205 = arith.subf %exp3A_200, %exp3A_204 : vector<2000x1xf32>
    %mul3A_206 = arith.constant 5.000000e-01 : f32
    %mul3A_207 = vector.broadcast %mul3A_206 : f32 to vector<2000x1xf32>
    %mul3A_208 = arith.mulf %mul3A_207, %sub3A_205 : vector<2000x1xf32>
    %mul3A_209 = arith.constant 2.000000e+00 : f32
    %mul3A_210 = vector.broadcast %mul3A_209 : f32 to vector<2000x1xf32>
    %mul3A_211 = arith.mulf %mul3A_210, %mul3A_208 : vector<2000x1xf32>
    %div3A_212 = arith.divf %mul3A_211, %sqrt3A_193 : vector<2000x1xf32>
    %mul3A_213 = arith.mulf %div3A_212, %div3A_212 : vector<2000x1xf32>
    %mul3A_214 = arith.mulf %mul3A_213, %mul3A_186 : vector<2000x1xf32>
    %jit3A_215 = arith.constant 9.99999996E-13 : f32
    %max3A_216 = vector.broadcast %jit3A_215 : f32 to vector<2000x1xf32>
    %max3A_217 = arith.maximumf %max3A_216, %mul3A_214 : vector<2000x1xf32>
    %sqrt3A_218 = math.sqrt %max3A_217 : vector<2000x1xf32>
    %div3A_219 = arith.constant 1.000000e+03 : f32
    %div3A_220 = vector.broadcast %div3A_219 : f32 to vector<2000x1xf32>
    %div3A_221 = arith.divf %div3A_220, %sqrt3A_218 : vector<2000x1xf32>
    %min3A_222 = arith.constant 1.000000e+00 : f32
    %min3A_223 = vector.broadcast %min3A_222 : f32 to vector<2000x1xf32>
    %min3A_224 = arith.minimumf %min3A_223, %div3A_221 : vector<2000x1xf32>
    %mul3A_225 = arith.mulf %div3A_212, %min3A_224 : vector<2000x1xf32>
    %eq3A_226 = arith.constant 0x7F800000 : f32
    %eq3A_227 = vector.broadcast %eq3A_226 : f32 to vector<2000x1xf32>
    %eq3A_228 = arith.cmpf oeq, %mul3A_214, %eq3A_227 : vector<2000x1xf32>
    %mul3A_229 = arith.mulf %mul3A_214, %min3A_224 : vector<2000x1xf32>
    %mul3A_230 = arith.mulf %mul3A_229, %min3A_224 : vector<2000x1xf32>
    %jit3A_231 = arith.constant 0.000000e+00 : f32
    %broadcast_in_dim3A_232 = vector.broadcast %jit3A_231 : f32 to vector<2000x1xf32>
    %select_n3A_233 = arith.select %eq3A_228, %broadcast_in_dim3A_232, %mul3A_230 : vector<2000x1xi1>, vector<2000x1xf32>
    %add3A_234 = arith.constant 4.000000e+00 : f32
    %add3A_235 = vector.broadcast %add3A_234 : f32 to vector<2000x1xf32>
    %add3A_236 = arith.addf %add3A_235, %select_n3A_233 : vector<2000x1xf32>
    %sqrt3A_237 = math.sqrt %add3A_236 : vector<2000x1xf32>
    %div3A_238 = arith.constant 2.000000e+00 : f32
    %div3A_239 = vector.broadcast %div3A_238 : f32 to vector<2000x1xf32>
    %div3A_240 = arith.divf %sqrt3A_237, %div3A_239 : vector<2000x1xf32>
    %add3A_241 = arith.constant 9.99999997E-7 : f32
    %add3A_242 = vector.broadcast %add3A_241 : f32 to vector<2000x1xf32>
    %add3A_243 = arith.addf %div3A_240, %add3A_242 : vector<2000x1xf32>
    %jit3A_244 = arith.constant 1.000000e+00 : f32
    %max3A_245 = vector.broadcast %jit3A_244 : f32 to vector<2000x1xf32>
    %max3A_246 = arith.maximumf %max3A_245, %add3A_243 : vector<2000x1xf32>
    %mul3A_247 = arith.mulf %max3A_246, %max3A_246 : vector<2000x1xf32>
    %sub3A_248 = arith.constant 1.000000e+00 : f32
    %sub3A_249 = vector.broadcast %sub3A_248 : f32 to vector<2000x1xf32>
    %sub3A_250 = arith.subf %mul3A_247, %sub3A_249 : vector<2000x1xf32>
    %jit3A_251 = arith.constant 9.99999996E-13 : f32
    %max3A_252 = vector.broadcast %jit3A_251 : f32 to vector<2000x1xf32>
    %max3A_253 = arith.maximumf %max3A_252, %sub3A_250 : vector<2000x1xf32>
    %sqrt3A_254 = math.sqrt %max3A_253 : vector<2000x1xf32>
    %add3A_255 = arith.addf %max3A_246, %sqrt3A_254 : vector<2000x1xf32>
    %log3A_256 = math.log %add3A_255 : vector<2000x1xf32>
    %mul3A_257 = arith.constant 2.000000e+00 : f32
    %mul3A_258 = vector.broadcast %mul3A_257 : f32 to vector<2000x1xf32>
    %mul3A_259 = arith.mulf %mul3A_258, %log3A_256 : vector<2000x1xf32>
    %jit3A_260 = arith.constant 9.99999996E-13 : f32
    %max3A_261 = vector.broadcast %jit3A_260 : f32 to vector<2000x1xf32>
    %max3A_262 = arith.maximumf %max3A_261, %select_n3A_233 : vector<2000x1xf32>
    %add3A_263 = arith.constant 9.99999997E-7 : f32
    %add3A_264 = vector.broadcast %add3A_263 : f32 to vector<2000x1xf32>
    %add3A_265 = arith.addf %max3A_262, %add3A_264 : vector<2000x1xf32>
    %sqrt3A_266 = math.sqrt %add3A_265 : vector<2000x1xf32>
    %div3A_267 = arith.divf %mul3A_259, %sqrt3A_266 : vector<2000x1xf32>
    %mul3A_268 = arith.mulf %mul3A_225, %div3A_267 : vector<2000x1xf32>
    %mul3A_269 = arith.mulf %mul3A_177, %mul3A_268 : vector<2000x1xf32>
    %get3A_270 = arith.constant 0 : index
    %get3A_271 = arith.constant 0 : index
    %get3A_272 = vector.load %arg7[%get3A_270, %get3A_271] : memref<127x127xf32, #tpu.memory_space<vmem>>, vector<127x127xf32>
    %dot_general3A_273 = arith.constant dense<0.000000e+00> : vector<2000x127xf32>
    %dot_general3A_274 = tpu.matmul %max3A_180, %get3A_272, %dot_general3A_273 {dimension_numbers = #tpu.dot_dimension_numbers<[1], [1], [0], [0], [0, 0, 1, 0], [], []>, transpose_lhs_hint = false} : vector<2000x127xf32>, vector<127x127xf32>, vector<2000x127xf32> -> vector<2000x127xf32>
    %mul3A_275 = vector.broadcast %mul3A_269 : vector<2000x1xf32> to vector<2000x127xf32>
    %mul3A_276 = arith.mulf %mul3A_275, %dot_general3A_274 : vector<2000x127xf32>
    %get3A_277 = arith.constant 0 : index
    %get3A_278 = arith.constant 0 : index
    %get3A_279 = vector.load %arg8[%get3A_277, %get3A_278] : memref<1x127xf32, #tpu.memory_space<vmem>>, vector<1x127xf32>
    %add3A_280 = vector.broadcast %get3A_279 : vector<1x127xf32> to vector<2000x127xf32>
    %add3A_281 = arith.addf %mul3A_276, %add3A_280 : vector<2000x127xf32>
    %mul3A_282 = arith.mulf %add3A_281, %add3A_281 : vector<2000x127xf32>
    %reduce_sum3A_283 = arith.constant dense<0.000000e+00> : vector<2000xf32>
    %reduce_sum3A_284 = vector.multi_reduction <add>, %mul3A_282, %reduce_sum3A_283 [1] : vector<2000x127xf32> to vector<2000xf32>
    %broadcast_in_dim3A_285 = vector.shape_cast %reduce_sum3A_284 : vector<2000xf32> to vector<2000x1xf32>
    %add3A_286 = arith.constant 9.99999997E-7 : f32
    %add3A_287 = vector.broadcast %add3A_286 : f32 to vector<2000x1xf32>
    %add3A_288 = arith.addf %broadcast_in_dim3A_285, %add3A_287 : vector<2000x1xf32>
    %jit3A_289 = arith.constant 9.99999997E-7 : f32
    %max3A_290 = vector.broadcast %jit3A_289 : f32 to vector<2000x1xf32>
    %max3A_291 = arith.maximumf %max3A_290, %add3A_288 : vector<2000x1xf32>
    %sqrt3A_292 = math.sqrt %max3A_291 : vector<2000x1xf32>
    %min3A_293 = arith.constant 5.000000e+01 : f32
    %min3A_294 = vector.broadcast %min3A_293 : f32 to vector<2000x1xf32>
    %min3A_295 = arith.minimumf %sqrt3A_292, %min3A_294 : vector<2000x1xf32>
    %div3A_296 = arith.constant 2.000000e+00 : f32
    %div3A_297 = vector.broadcast %div3A_296 : f32 to vector<2000x1xf32>
    %div3A_298 = arith.divf %min3A_295, %div3A_297 : vector<2000x1xf32>
    %exp3A_299 = math.exp %div3A_298 : vector<2000x1xf32>
    %neg3A_300 = arith.constant 0.000000e+00 : f32
    %neg3A_301 = vector.broadcast %neg3A_300 : f32 to vector<2000x1xf32>
    %neg3A_302 = arith.subf %neg3A_301, %div3A_298 : vector<2000x1xf32>
    %exp3A_303 = math.exp %neg3A_302 : vector<2000x1xf32>
    %sub3A_304 = arith.subf %exp3A_299, %exp3A_303 : vector<2000x1xf32>
    %mul3A_305 = arith.constant 5.000000e-01 : f32
    %mul3A_306 = vector.broadcast %mul3A_305 : f32 to vector<2000x1xf32>
    %mul3A_307 = arith.mulf %mul3A_306, %sub3A_304 : vector<2000x1xf32>
    %mul3A_308 = arith.constant 2.000000e+00 : f32
    %mul3A_309 = vector.broadcast %mul3A_308 : f32 to vector<2000x1xf32>
    %mul3A_310 = arith.mulf %mul3A_309, %mul3A_307 : vector<2000x1xf32>
    %div3A_311 = arith.divf %mul3A_310, %sqrt3A_292 : vector<2000x1xf32>
    %mul3A_312 = arith.mulf %div3A_311, %div3A_311 : vector<2000x1xf32>
    %mul3A_313 = arith.mulf %mul3A_312, %broadcast_in_dim3A_285 : vector<2000x1xf32>
    %jit3A_314 = arith.constant 9.99999996E-13 : f32
    %max3A_315 = vector.broadcast %jit3A_314 : f32 to vector<2000x1xf32>
    %max3A_316 = arith.maximumf %max3A_315, %mul3A_313 : vector<2000x1xf32>
    %sqrt3A_317 = math.sqrt %max3A_316 : vector<2000x1xf32>
    %div3A_318 = arith.constant 1.000000e+03 : f32
    %div3A_319 = vector.broadcast %div3A_318 : f32 to vector<2000x1xf32>
    %div3A_320 = arith.divf %div3A_319, %sqrt3A_317 : vector<2000x1xf32>
    %min3A_321 = arith.constant 1.000000e+00 : f32
    %min3A_322 = vector.broadcast %min3A_321 : f32 to vector<2000x1xf32>
    %min3A_323 = arith.minimumf %min3A_322, %div3A_320 : vector<2000x1xf32>
    %mul3A_324 = arith.mulf %div3A_311, %min3A_323 : vector<2000x1xf32>
    %eq3A_325 = arith.constant 0x7F800000 : f32
    %eq3A_326 = vector.broadcast %eq3A_325 : f32 to vector<2000x1xf32>
    %eq3A_327 = arith.cmpf oeq, %mul3A_313, %eq3A_326 : vector<2000x1xf32>
    %mul3A_328 = arith.mulf %mul3A_313, %min3A_323 : vector<2000x1xf32>
    %mul3A_329 = arith.mulf %mul3A_328, %min3A_323 : vector<2000x1xf32>
    %jit3A_330 = arith.constant 0.000000e+00 : f32
    %broadcast_in_dim3A_331 = vector.broadcast %jit3A_330 : f32 to vector<2000x1xf32>
    %select_n3A_332 = arith.select %eq3A_327, %broadcast_in_dim3A_331, %mul3A_329 : vector<2000x1xi1>, vector<2000x1xf32>
    %add3A_333 = arith.constant 4.000000e+00 : f32
    %add3A_334 = vector.broadcast %add3A_333 : f32 to vector<2000x1xf32>
    %add3A_335 = arith.addf %add3A_334, %select_n3A_332 : vector<2000x1xf32>
    %sqrt3A_336 = math.sqrt %add3A_335 : vector<2000x1xf32>
    %div3A_337 = arith.constant 2.000000e+00 : f32
    %div3A_338 = vector.broadcast %div3A_337 : f32 to vector<2000x1xf32>
    %div3A_339 = arith.divf %sqrt3A_336, %div3A_338 : vector<2000x1xf32>
    %add3A_340 = arith.constant 9.99999997E-7 : f32
    %add3A_341 = vector.broadcast %add3A_340 : f32 to vector<2000x1xf32>
    %add3A_342 = arith.addf %div3A_339, %add3A_341 : vector<2000x1xf32>
    %jit3A_343 = arith.constant 1.000000e+00 : f32
    %max3A_344 = vector.broadcast %jit3A_343 : f32 to vector<2000x1xf32>
    %max3A_345 = arith.maximumf %max3A_344, %add3A_342 : vector<2000x1xf32>
    %mul3A_346 = arith.mulf %max3A_345, %max3A_345 : vector<2000x1xf32>
    %sub3A_347 = arith.constant 1.000000e+00 : f32
    %sub3A_348 = vector.broadcast %sub3A_347 : f32 to vector<2000x1xf32>
    %sub3A_349 = arith.subf %mul3A_346, %sub3A_348 : vector<2000x1xf32>
    %jit3A_350 = arith.constant 9.99999996E-13 : f32
    %max3A_351 = vector.broadcast %jit3A_350 : f32 to vector<2000x1xf32>
    %max3A_352 = arith.maximumf %max3A_351, %sub3A_349 : vector<2000x1xf32>
    %sqrt3A_353 = math.sqrt %max3A_352 : vector<2000x1xf32>
    %add3A_354 = arith.addf %max3A_345, %sqrt3A_353 : vector<2000x1xf32>
    %log3A_355 = math.log %add3A_354 : vector<2000x1xf32>
    %mul3A_356 = arith.constant 2.000000e+00 : f32
    %mul3A_357 = vector.broadcast %mul3A_356 : f32 to vector<2000x1xf32>
    %mul3A_358 = arith.mulf %mul3A_357, %log3A_355 : vector<2000x1xf32>
    %jit3A_359 = arith.constant 9.99999996E-13 : f32
    %max3A_360 = vector.broadcast %jit3A_359 : f32 to vector<2000x1xf32>
    %max3A_361 = arith.maximumf %max3A_360, %select_n3A_332 : vector<2000x1xf32>
    %add3A_362 = arith.constant 9.99999997E-7 : f32
    %add3A_363 = vector.broadcast %add3A_362 : f32 to vector<2000x1xf32>
    %add3A_364 = arith.addf %max3A_361, %add3A_363 : vector<2000x1xf32>
    %sqrt3A_365 = math.sqrt %add3A_364 : vector<2000x1xf32>
    %div3A_366 = arith.divf %mul3A_358, %sqrt3A_365 : vector<2000x1xf32>
    %mul3A_367 = arith.mulf %mul3A_324, %div3A_366 : vector<2000x1xf32>
    %max3A_368 = arith.constant 0.000000e+00 : f32
    %max3A_369 = vector.broadcast %max3A_368 : f32 to vector<2000x127xf32>
    %max3A_370 = arith.maximumf %add3A_281, %max3A_369 : vector<2000x127xf32>
    %mul3A_371 = arith.mulf %max3A_370, %max3A_370 : vector<2000x127xf32>
    %reduce_sum3A_372 = arith.constant dense<0.000000e+00> : vector<2000xf32>
    %reduce_sum3A_373 = vector.multi_reduction <add>, %mul3A_371, %reduce_sum3A_372 [1] : vector<2000x127xf32> to vector<2000xf32>
    %broadcast_in_dim3A_374 = vector.shape_cast %reduce_sum3A_373 : vector<2000xf32> to vector<2000x1xf32>
    %mul3A_375 = arith.mulf %mul3A_367, %mul3A_367 : vector<2000x1xf32>
    %mul3A_376 = arith.mulf %mul3A_375, %broadcast_in_dim3A_374 : vector<2000x1xf32>
    %add3A_377 = arith.constant 9.99999997E-7 : f32
    %add3A_378 = vector.broadcast %add3A_377 : f32 to vector<2000x1xf32>
    %add3A_379 = arith.addf %mul3A_376, %add3A_378 : vector<2000x1xf32>
    %jit3A_380 = arith.constant 9.99999997E-7 : f32
    %max3A_381 = vector.broadcast %jit3A_380 : f32 to vector<2000x1xf32>
    %max3A_382 = arith.maximumf %max3A_381, %add3A_379 : vector<2000x1xf32>
    %sqrt3A_383 = math.sqrt %max3A_382 : vector<2000x1xf32>
    %min3A_384 = arith.constant 5.000000e+01 : f32
    %min3A_385 = vector.broadcast %min3A_384 : f32 to vector<2000x1xf32>
    %min3A_386 = arith.minimumf %sqrt3A_383, %min3A_385 : vector<2000x1xf32>
    %div3A_387 = arith.constant 1.000000e+00 : f32
    %div3A_388 = vector.broadcast %div3A_387 : f32 to vector<2000x1xf32>
    %div3A_389 = arith.divf %min3A_386, %div3A_388 : vector<2000x1xf32>
    %exp3A_390 = math.exp %div3A_389 : vector<2000x1xf32>
    %neg3A_391 = arith.constant 0.000000e+00 : f32
    %neg3A_392 = vector.broadcast %neg3A_391 : f32 to vector<2000x1xf32>
    %neg3A_393 = arith.subf %neg3A_392, %div3A_389 : vector<2000x1xf32>
    %exp3A_394 = math.exp %neg3A_393 : vector<2000x1xf32>
    %sub3A_395 = arith.subf %exp3A_390, %exp3A_394 : vector<2000x1xf32>
    %mul3A_396 = arith.constant 5.000000e-01 : f32
    %mul3A_397 = vector.broadcast %mul3A_396 : f32 to vector<2000x1xf32>
    %mul3A_398 = arith.mulf %mul3A_397, %sub3A_395 : vector<2000x1xf32>
    %mul3A_399 = arith.constant 1.000000e+00 : f32
    %mul3A_400 = vector.broadcast %mul3A_399 : f32 to vector<2000x1xf32>
    %mul3A_401 = arith.mulf %mul3A_400, %mul3A_398 : vector<2000x1xf32>
    %div3A_402 = arith.divf %mul3A_401, %sqrt3A_383 : vector<2000x1xf32>
    %mul3A_403 = arith.mulf %div3A_402, %div3A_402 : vector<2000x1xf32>
    %mul3A_404 = arith.mulf %mul3A_403, %mul3A_376 : vector<2000x1xf32>
    %jit3A_405 = arith.constant 9.99999996E-13 : f32
    %max3A_406 = vector.broadcast %jit3A_405 : f32 to vector<2000x1xf32>
    %max3A_407 = arith.maximumf %max3A_406, %mul3A_404 : vector<2000x1xf32>
    %sqrt3A_408 = math.sqrt %max3A_407 : vector<2000x1xf32>
    %div3A_409 = arith.constant 1.000000e+03 : f32
    %div3A_410 = vector.broadcast %div3A_409 : f32 to vector<2000x1xf32>
    %div3A_411 = arith.divf %div3A_410, %sqrt3A_408 : vector<2000x1xf32>
    %min3A_412 = arith.constant 1.000000e+00 : f32
    %min3A_413 = vector.broadcast %min3A_412 : f32 to vector<2000x1xf32>
    %min3A_414 = arith.minimumf %min3A_413, %div3A_411 : vector<2000x1xf32>
    %mul3A_415 = arith.mulf %div3A_402, %min3A_414 : vector<2000x1xf32>
    %eq3A_416 = arith.constant 0x7F800000 : f32
    %eq3A_417 = vector.broadcast %eq3A_416 : f32 to vector<2000x1xf32>
    %eq3A_418 = arith.cmpf oeq, %mul3A_404, %eq3A_417 : vector<2000x1xf32>
    %mul3A_419 = arith.mulf %mul3A_404, %min3A_414 : vector<2000x1xf32>
    %mul3A_420 = arith.mulf %mul3A_419, %min3A_414 : vector<2000x1xf32>
    %jit3A_421 = arith.constant 0.000000e+00 : f32
    %broadcast_in_dim3A_422 = vector.broadcast %jit3A_421 : f32 to vector<2000x1xf32>
    %select_n3A_423 = arith.select %eq3A_418, %broadcast_in_dim3A_422, %mul3A_420 : vector<2000x1xi1>, vector<2000x1xf32>
    %add3A_424 = arith.constant 1.000000e+00 : f32
    %add3A_425 = vector.broadcast %add3A_424 : f32 to vector<2000x1xf32>
    %add3A_426 = arith.addf %add3A_425, %select_n3A_423 : vector<2000x1xf32>
    %sqrt3A_427 = math.sqrt %add3A_426 : vector<2000x1xf32>
    %div3A_428 = arith.constant 1.000000e+00 : f32
    %div3A_429 = vector.broadcast %div3A_428 : f32 to vector<2000x1xf32>
    %div3A_430 = arith.divf %sqrt3A_427, %div3A_429 : vector<2000x1xf32>
    %add3A_431 = arith.constant 9.99999997E-7 : f32
    %add3A_432 = vector.broadcast %add3A_431 : f32 to vector<2000x1xf32>
    %add3A_433 = arith.addf %div3A_430, %add3A_432 : vector<2000x1xf32>
    %jit3A_434 = arith.constant 1.000000e+00 : f32
    %max3A_435 = vector.broadcast %jit3A_434 : f32 to vector<2000x1xf32>
    %max3A_436 = arith.maximumf %max3A_435, %add3A_433 : vector<2000x1xf32>
    %mul3A_437 = arith.mulf %max3A_436, %max3A_436 : vector<2000x1xf32>
    %sub3A_438 = arith.constant 1.000000e+00 : f32
    %sub3A_439 = vector.broadcast %sub3A_438 : f32 to vector<2000x1xf32>
    %sub3A_440 = arith.subf %mul3A_437, %sub3A_439 : vector<2000x1xf32>
    %jit3A_441 = arith.constant 9.99999996E-13 : f32
    %max3A_442 = vector.broadcast %jit3A_441 : f32 to vector<2000x1xf32>
    %max3A_443 = arith.maximumf %max3A_442, %sub3A_440 : vector<2000x1xf32>
    %sqrt3A_444 = math.sqrt %max3A_443 : vector<2000x1xf32>
    %add3A_445 = arith.addf %max3A_436, %sqrt3A_444 : vector<2000x1xf32>
    %log3A_446 = math.log %add3A_445 : vector<2000x1xf32>
    %mul3A_447 = arith.constant 1.000000e+00 : f32
    %mul3A_448 = vector.broadcast %mul3A_447 : f32 to vector<2000x1xf32>
    %mul3A_449 = arith.mulf %mul3A_448, %log3A_446 : vector<2000x1xf32>
    %jit3A_450 = arith.constant 9.99999996E-13 : f32
    %max3A_451 = vector.broadcast %jit3A_450 : f32 to vector<2000x1xf32>
    %max3A_452 = arith.maximumf %max3A_451, %select_n3A_423 : vector<2000x1xf32>
    %add3A_453 = arith.constant 9.99999997E-7 : f32
    %add3A_454 = vector.broadcast %add3A_453 : f32 to vector<2000x1xf32>
    %add3A_455 = arith.addf %max3A_452, %add3A_454 : vector<2000x1xf32>
    %sqrt3A_456 = math.sqrt %add3A_455 : vector<2000x1xf32>
    %div3A_457 = arith.divf %mul3A_449, %sqrt3A_456 : vector<2000x1xf32>
    %mul3A_458 = arith.mulf %mul3A_415, %div3A_457 : vector<2000x1xf32>
    %mul3A_459 = arith.mulf %mul3A_367, %mul3A_458 : vector<2000x1xf32>
    %mul3A_460 = vector.broadcast %mul3A_459 : vector<2000x1xf32> to vector<2000x127xf32>
    %mul3A_461 = arith.mulf %mul3A_460, %max3A_370 : vector<2000x127xf32>
    %get3A_462 = arith.constant 0 : index
    %get3A_463 = arith.constant 0 : index
    %get3A_464 = arith.constant 0 : index
    %get3A_465 = vector.load %arg4[%get3A_462, %get3A_463, %get3A_464] : memref<1x1x2000xi32, #tpu.memory_space<vmem>>, vector<1x1x2000xi32>
    %reshape3A = vector.shape_cast %get3A_465 : vector<1x1x2000xi32> to vector<1x2000xi32>
    %iota3A = tpu.iota {dimensions = array<i32: 0>} : vector<64x2000xi32>
    %eq3A_466 = vector.broadcast %reshape3A : vector<1x2000xi32> to vector<64x2000xi32>
    %eq3A_467 = arith.cmpi eq, %iota3A, %eq3A_466 : vector<64x2000xi32>
    %jit3A_468 = arith.constant 1.000000e+00 : f32
    %jit3A_469 = arith.constant 0.000000e+00 : f32
    %broadcast_in_dim3A_470 = vector.broadcast %jit3A_468 : f32 to vector<64x2000xf32>
    %broadcast_in_dim3A_471 = vector.broadcast %jit3A_469 : f32 to vector<64x2000xf32>
    %select_n3A_472 = arith.select %eq3A_467, %broadcast_in_dim3A_470, %broadcast_in_dim3A_471 : vector<64x2000xi1>, vector<64x2000xf32>
    %dot_general3A_473 = arith.constant dense<0.000000e+00> : vector<64x127xf32>
    %dot_general3A_474 = tpu.matmul %select_n3A_472, %mul3A_461, %dot_general3A_473 {dimension_numbers = #tpu.dot_dimension_numbers<[1], [0], [0], [1], [0, 0, 1, 1], [], []>, transpose_lhs_hint = false} : vector<64x2000xf32>, vector<2000x127xf32>, vector<64x127xf32> -> vector<64x127xf32>
    %eq3A_475 = arith.constant 0 : i32
    %eq3A_476 = arith.cmpi eq, %arg0, %eq3A_475 : i32
    %convert_element_type3A = arith.extui %eq3A_476 : i1 to i32
    %cond3A = arith.constant 0 : i32
    %cond3A_477 = arith.cmpi ne, %convert_element_type3A, %cond3A : i32
    scf.if %cond3A_477 {
      %swap3A = arith.constant 0 : index
      %swap3A_487 = arith.constant 0 : index
      %swap3A_488 = vector.load %arg13[%swap3A, %swap3A_487] : memref<64x127xf32, #tpu.memory_space<vmem>>, vector<64x127xf32>
      tpu.vector_store %arg13[%swap3A, %swap3A_487], %dot_general3A_474 {strides = array<i32>} : memref<64x127xf32, #tpu.memory_space<vmem>>, vector<64x127xf32>,
    } else {
    }
    %gt3A = arith.constant 0 : i32
    %gt3A_478 = arith.cmpi sgt, %arg0, %gt3A : i32
    %convert_element_type3A_479 = arith.extui %gt3A_478 : i1 to i32
    %cond3A_480 = arith.constant 0 : i32
    %cond3A_481 = arith.cmpi ne, %convert_element_type3A_479, %cond3A_480 : i32
    scf.if %cond3A_481 {
      %get3A_487 = arith.constant 0 : index
      %get3A_488 = arith.constant 0 : index
      %get3A_489 = vector.load %arg13[%get3A_487, %get3A_488] : memref<64x127xf32, #tpu.memory_space<vmem>>, vector<64x127xf32>
      %add3A_490 = arith.addf %get3A_489, %dot_general3A_474 : vector<64x127xf32>
      %swap3A = arith.constant 0 : index
      %swap3A_491 = arith.constant 0 : index
      %swap3A_492 = vector.load %arg13[%swap3A, %swap3A_491] : memref<64x127xf32, #tpu.memory_space<vmem>>, vector<64x127xf32>
      tpu.vector_store %arg13[%swap3A, %swap3A_491], %add3A_490 {strides = array<i32>} : memref<64x127xf32, #tpu.memory_space<vmem>>, vector<64x127xf32>,
    } else {
    }
    %eq3A_482 = arith.constant 4 : i32
    %eq3A_483 = arith.cmpi eq, %arg0, %eq3A_482 : i32
    %convert_element_type3A_484 = arith.extui %eq3A_483 : i1 to i32
    %cond3A_485 = arith.constant 0 : i32
    %cond3A_486 = arith.cmpi ne, %convert_element_type3A_484, %cond3A_485 : i32
    scf.if %cond3A_486 {
      %get3A_487 = arith.constant 0 : index
      %get3A_488 = arith.constant 0 : index
      %get3A_489 = vector.load %arg13[%get3A_487, %get3A_488] : memref<64x127xf32, #tpu.memory_space<vmem>>, vector<64x127xf32>
      %mul3A_490 = arith.mulf %get3A_489, %get3A_489 : vector<64x127xf32>
      %reduce_sum3A_491 = arith.constant dense<0.000000e+00> : vector<64xf32>
      %reduce_sum3A_492 = vector.multi_reduction <add>, %mul3A_490, %reduce_sum3A_491 [1] : vector<64x127xf32> to vector<64xf32>
      %broadcast_in_dim3A_493 = vector.shape_cast %reduce_sum3A_492 : vector<64xf32> to vector<64x1xf32>
      %add3A_494 = arith.constant 9.99999997E-7 : f32
      %add3A_495 = vector.broadcast %add3A_494 : f32 to vector<64x1xf32>
      %add3A_496 = arith.addf %broadcast_in_dim3A_493, %add3A_495 : vector<64x1xf32>
      %jit3A_497 = arith.constant 9.99999997E-7 : f32
      %max3A_498 = vector.broadcast %jit3A_497 : f32 to vector<64x1xf32>
      %max3A_499 = arith.maximumf %max3A_498, %add3A_496 : vector<64x1xf32>
      %sqrt3A_500 = math.sqrt %max3A_499 : vector<64x1xf32>
      %min3A_501 = arith.constant 5.000000e+01 : f32
      %min3A_502 = vector.broadcast %min3A_501 : f32 to vector<64x1xf32>
      %min3A_503 = arith.minimumf %sqrt3A_500, %min3A_502 : vector<64x1xf32>
      %div3A_504 = arith.constant 1.000000e+00 : f32
      %div3A_505 = vector.broadcast %div3A_504 : f32 to vector<64x1xf32>
      %div3A_506 = arith.divf %min3A_503, %div3A_505 : vector<64x1xf32>
      %exp3A_507 = math.exp %div3A_506 : vector<64x1xf32>
      %neg3A_508 = arith.constant 0.000000e+00 : f32
      %neg3A_509 = vector.broadcast %neg3A_508 : f32 to vector<64x1xf32>
      %neg3A_510 = arith.subf %neg3A_509, %div3A_506 : vector<64x1xf32>
      %exp3A_511 = math.exp %neg3A_510 : vector<64x1xf32>
      %sub3A_512 = arith.subf %exp3A_507, %exp3A_511 : vector<64x1xf32>
      %mul3A_513 = arith.constant 5.000000e-01 : f32
      %mul3A_514 = vector.broadcast %mul3A_513 : f32 to vector<64x1xf32>
      %mul3A_515 = arith.mulf %mul3A_514, %sub3A_512 : vector<64x1xf32>
      %mul3A_516 = arith.constant 1.000000e+00 : f32
      %mul3A_517 = vector.broadcast %mul3A_516 : f32 to vector<64x1xf32>
      %mul3A_518 = arith.mulf %mul3A_517, %mul3A_515 : vector<64x1xf32>
      %div3A_519 = arith.divf %mul3A_518, %sqrt3A_500 : vector<64x1xf32>
      %mul3A_520 = arith.mulf %div3A_519, %div3A_519 : vector<64x1xf32>
      %mul3A_521 = arith.mulf %mul3A_520, %broadcast_in_dim3A_493 : vector<64x1xf32>
      %jit3A_522 = arith.constant 9.99999996E-13 : f32
      %max3A_523 = vector.broadcast %jit3A_522 : f32 to vector<64x1xf32>
      %max3A_524 = arith.maximumf %max3A_523, %mul3A_521 : vector<64x1xf32>
      %sqrt3A_525 = math.sqrt %max3A_524 : vector<64x1xf32>
      %div3A_526 = arith.constant 1.000000e+03 : f32
      %div3A_527 = vector.broadcast %div3A_526 : f32 to vector<64x1xf32>
      %div3A_528 = arith.divf %div3A_527, %sqrt3A_525 : vector<64x1xf32>
      %min3A_529 = arith.constant 1.000000e+00 : f32
      %min3A_530 = vector.broadcast %min3A_529 : f32 to vector<64x1xf32>
      %min3A_531 = arith.minimumf %min3A_530, %div3A_528 : vector<64x1xf32>
      %mul3A_532 = arith.mulf %div3A_519, %min3A_531 : vector<64x1xf32>
      %eq3A_533 = arith.constant 0x7F800000 : f32
      %eq3A_534 = vector.broadcast %eq3A_533 : f32 to vector<64x1xf32>
      %eq3A_535 = arith.cmpf oeq, %mul3A_521, %eq3A_534 : vector<64x1xf32>
      %mul3A_536 = arith.mulf %mul3A_521, %min3A_531 : vector<64x1xf32>
      %mul3A_537 = arith.mulf %mul3A_536, %min3A_531 : vector<64x1xf32>
      %jit3A_538 = arith.constant 0.000000e+00 : f32
      %broadcast_in_dim3A_539 = vector.broadcast %jit3A_538 : f32 to vector<64x1xf32>
      %select_n3A_540 = arith.select %eq3A_535, %broadcast_in_dim3A_539, %mul3A_537 : vector<64x1xi1>, vector<64x1xf32>
      %add3A_541 = arith.constant 1.000000e+00 : f32
      %add3A_542 = vector.broadcast %add3A_541 : f32 to vector<64x1xf32>
      %add3A_543 = arith.addf %add3A_542, %select_n3A_540 : vector<64x1xf32>
      %sqrt3A_544 = math.sqrt %add3A_543 : vector<64x1xf32>
      %div3A_545 = arith.constant 1.000000e+00 : f32
      %div3A_546 = vector.broadcast %div3A_545 : f32 to vector<64x1xf32>
      %div3A_547 = arith.divf %sqrt3A_544, %div3A_546 : vector<64x1xf32>
      %add3A_548 = arith.constant 9.99999997E-7 : f32
      %add3A_549 = vector.broadcast %add3A_548 : f32 to vector<64x1xf32>
      %add3A_550 = arith.addf %div3A_547, %add3A_549 : vector<64x1xf32>
      %jit3A_551 = arith.constant 1.000000e+00 : f32
      %max3A_552 = vector.broadcast %jit3A_551 : f32 to vector<64x1xf32>
      %max3A_553 = arith.maximumf %max3A_552, %add3A_550 : vector<64x1xf32>
      %mul3A_554 = arith.mulf %max3A_553, %max3A_553 : vector<64x1xf32>
      %sub3A_555 = arith.constant 1.000000e+00 : f32
      %sub3A_556 = vector.broadcast %sub3A_555 : f32 to vector<64x1xf32>
      %sub3A_557 = arith.subf %mul3A_554, %sub3A_556 : vector<64x1xf32>
      %jit3A_558 = arith.constant 9.99999996E-13 : f32
      %max3A_559 = vector.broadcast %jit3A_558 : f32 to vector<64x1xf32>
      %max3A_560 = arith.maximumf %max3A_559, %sub3A_557 : vector<64x1xf32>
      %sqrt3A_561 = math.sqrt %max3A_560 : vector<64x1xf32>
      %add3A_562 = arith.addf %max3A_553, %sqrt3A_561 : vector<64x1xf32>
      %log3A_563 = math.log %add3A_562 : vector<64x1xf32>
      %mul3A_564 = arith.constant 1.000000e+00 : f32
      %mul3A_565 = vector.broadcast %mul3A_564 : f32 to vector<64x1xf32>
      %mul3A_566 = arith.mulf %mul3A_565, %log3A_563 : vector<64x1xf32>
      %jit3A_567 = arith.constant 9.99999996E-13 : f32
      %max3A_568 = vector.broadcast %jit3A_567 : f32 to vector<64x1xf32>
      %max3A_569 = arith.maximumf %max3A_568, %select_n3A_540 : vector<64x1xf32>
      %add3A_570 = arith.constant 9.99999997E-7 : f32
      %add3A_571 = vector.broadcast %add3A_570 : f32 to vector<64x1xf32>
      %add3A_572 = arith.addf %max3A_569, %add3A_571 : vector<64x1xf32>
      %sqrt3A_573 = math.sqrt %add3A_572 : vector<64x1xf32>
      %div3A_574 = arith.divf %mul3A_566, %sqrt3A_573 : vector<64x1xf32>
      %mul3A_575 = arith.mulf %mul3A_532, %div3A_574 : vector<64x1xf32>
      %get3A_576 = arith.constant 0 : index
      %get3A_577 = arith.constant 0 : index
      %get3A_578 = vector.load %arg9[%get3A_576, %get3A_577] : memref<39x127xf32, #tpu.memory_space<vmem>>, vector<39x127xf32>
      %dot_general3A_579 = arith.constant dense<0.000000e+00> : vector<64x39xf32>
      %dot_general3A_580 = tpu.matmul %get3A_489, %get3A_578, %dot_general3A_579 {dimension_numbers = #tpu.dot_dimension_numbers<[1], [1], [0], [0], [0, 0, 1, 0], [], []>, transpose_lhs_hint = false} : vector<64x127xf32>, vector<39x127xf32>, vector<64x39xf32> -> vector<64x39xf32>
      %mul3A_581 = vector.broadcast %mul3A_575 : vector<64x1xf32> to vector<64x39xf32>
      %mul3A_582 = arith.mulf %mul3A_581, %dot_general3A_580 : vector<64x39xf32>
      %get3A_583 = arith.constant 0 : index
      %get3A_584 = arith.constant 0 : index
      %get3A_585 = vector.load %arg10[%get3A_583, %get3A_584] : memref<1x39xf32, #tpu.memory_space<vmem>>, vector<1x39xf32>
      %add3A_586 = vector.broadcast %get3A_585 : vector<1x39xf32> to vector<64x39xf32>
      %add3A_587 = arith.addf %mul3A_582, %add3A_586 : vector<64x39xf32>
      %mul3A_588 = arith.mulf %add3A_587, %add3A_587 : vector<64x39xf32>
      %reduce_sum3A_589 = arith.constant dense<0.000000e+00> : vector<64xf32>
      %reduce_sum3A_590 = vector.multi_reduction <add>, %mul3A_588, %reduce_sum3A_589 [1] : vector<64x39xf32> to vector<64xf32>
      %broadcast_in_dim3A_591 = vector.shape_cast %reduce_sum3A_590 : vector<64xf32> to vector<64x1xf32>
      %add3A_592 = arith.constant 9.99999997E-7 : f32
      %add3A_593 = vector.broadcast %add3A_592 : f32 to vector<64x1xf32>
      %add3A_594 = arith.addf %broadcast_in_dim3A_591, %add3A_593 : vector<64x1xf32>
      %jit3A_595 = arith.constant 9.99999997E-7 : f32
      %max3A_596 = vector.broadcast %jit3A_595 : f32 to vector<64x1xf32>
      %max3A_597 = arith.maximumf %max3A_596, %add3A_594 : vector<64x1xf32>
      %sqrt3A_598 = math.sqrt %max3A_597 : vector<64x1xf32>
      %min3A_599 = arith.constant 5.000000e+01 : f32
      %min3A_600 = vector.broadcast %min3A_599 : f32 to vector<64x1xf32>
      %min3A_601 = arith.minimumf %sqrt3A_598, %min3A_600 : vector<64x1xf32>
      %div3A_602 = arith.constant 1.000000e+00 : f32
      %div3A_603 = vector.broadcast %div3A_602 : f32 to vector<64x1xf32>
      %div3A_604 = arith.divf %min3A_601, %div3A_603 : vector<64x1xf32>
      %exp3A_605 = math.exp %div3A_604 : vector<64x1xf32>
      %neg3A_606 = arith.constant 0.000000e+00 : f32
      %neg3A_607 = vector.broadcast %neg3A_606 : f32 to vector<64x1xf32>
      %neg3A_608 = arith.subf %neg3A_607, %div3A_604 : vector<64x1xf32>
      %exp3A_609 = math.exp %neg3A_608 : vector<64x1xf32>
      %sub3A_610 = arith.subf %exp3A_605, %exp3A_609 : vector<64x1xf32>
      %mul3A_611 = arith.constant 5.000000e-01 : f32
      %mul3A_612 = vector.broadcast %mul3A_611 : f32 to vector<64x1xf32>
      %mul3A_613 = arith.mulf %mul3A_612, %sub3A_610 : vector<64x1xf32>
      %mul3A_614 = arith.constant 1.000000e+00 : f32
      %mul3A_615 = vector.broadcast %mul3A_614 : f32 to vector<64x1xf32>
      %mul3A_616 = arith.mulf %mul3A_615, %mul3A_613 : vector<64x1xf32>
      %div3A_617 = arith.divf %mul3A_616, %sqrt3A_598 : vector<64x1xf32>
      %mul3A_618 = arith.mulf %div3A_617, %div3A_617 : vector<64x1xf32>
      %mul3A_619 = arith.mulf %mul3A_618, %broadcast_in_dim3A_591 : vector<64x1xf32>
      %jit3A_620 = arith.constant 9.99999996E-13 : f32
      %max3A_621 = vector.broadcast %jit3A_620 : f32 to vector<64x1xf32>
      %max3A_622 = arith.maximumf %max3A_621, %mul3A_619 : vector<64x1xf32>
      %sqrt3A_623 = math.sqrt %max3A_622 : vector<64x1xf32>
      %div3A_624 = arith.constant 1.000000e+03 : f32
      %div3A_625 = vector.broadcast %div3A_624 : f32 to vector<64x1xf32>
      %div3A_626 = arith.divf %div3A_625, %sqrt3A_623 : vector<64x1xf32>
      %min3A_627 = arith.constant 1.000000e+00 : f32
      %min3A_628 = vector.broadcast %min3A_627 : f32 to vector<64x1xf32>
      %min3A_629 = arith.minimumf %min3A_628, %div3A_626 : vector<64x1xf32>
      %mul3A_630 = arith.mulf %div3A_617, %min3A_629 : vector<64x1xf32>
      %eq3A_631 = arith.constant 0x7F800000 : f32
      %eq3A_632 = vector.broadcast %eq3A_631 : f32 to vector<64x1xf32>
      %eq3A_633 = arith.cmpf oeq, %mul3A_619, %eq3A_632 : vector<64x1xf32>
      %mul3A_634 = arith.mulf %mul3A_619, %min3A_629 : vector<64x1xf32>
      %mul3A_635 = arith.mulf %mul3A_634, %min3A_629 : vector<64x1xf32>
      %jit3A_636 = arith.constant 0.000000e+00 : f32
      %broadcast_in_dim3A_637 = vector.broadcast %jit3A_636 : f32 to vector<64x1xf32>
      %select_n3A_638 = arith.select %eq3A_633, %broadcast_in_dim3A_637, %mul3A_635 : vector<64x1xi1>, vector<64x1xf32>
      %add3A_639 = arith.constant 1.000000e+00 : f32
      %add3A_640 = vector.broadcast %add3A_639 : f32 to vector<64x1xf32>
      %add3A_641 = arith.addf %add3A_640, %select_n3A_638 : vector<64x1xf32>
      %sqrt3A_642 = math.sqrt %add3A_641 : vector<64x1xf32>
      %div3A_643 = arith.constant 1.000000e+00 : f32
      %div3A_644 = vector.broadcast %div3A_643 : f32 to vector<64x1xf32>
      %div3A_645 = arith.divf %sqrt3A_642, %div3A_644 : vector<64x1xf32>
      %add3A_646 = arith.constant 9.99999997E-7 : f32
      %add3A_647 = vector.broadcast %add3A_646 : f32 to vector<64x1xf32>
      %add3A_648 = arith.addf %div3A_645, %add3A_647 : vector<64x1xf32>
      %jit3A_649 = arith.constant 1.000000e+00 : f32
      %max3A_650 = vector.broadcast %jit3A_649 : f32 to vector<64x1xf32>
      %max3A_651 = arith.maximumf %max3A_650, %add3A_648 : vector<64x1xf32>
      %mul3A_652 = arith.mulf %max3A_651, %max3A_651 : vector<64x1xf32>
      %sub3A_653 = arith.constant 1.000000e+00 : f32
      %sub3A_654 = vector.broadcast %sub3A_653 : f32 to vector<64x1xf32>
      %sub3A_655 = arith.subf %mul3A_652, %sub3A_654 : vector<64x1xf32>
      %jit3A_656 = arith.constant 9.99999996E-13 : f32
      %max3A_657 = vector.broadcast %jit3A_656 : f32 to vector<64x1xf32>
      %max3A_658 = arith.maximumf %max3A_657, %sub3A_655 : vector<64x1xf32>
      %sqrt3A_659 = math.sqrt %max3A_658 : vector<64x1xf32>
      %add3A_660 = arith.addf %max3A_651, %sqrt3A_659 : vector<64x1xf32>
      %log3A_661 = math.log %add3A_660 : vector<64x1xf32>
      %mul3A_662 = arith.constant 1.000000e+00 : f32
      %mul3A_663 = vector.broadcast %mul3A_662 : f32 to vector<64x1xf32>
      %mul3A_664 = arith.mulf %mul3A_663, %log3A_661 : vector<64x1xf32>
      %jit3A_665 = arith.constant 9.99999996E-13 : f32
      %max3A_666 = vector.broadcast %jit3A_665 : f32 to vector<64x1xf32>
      %max3A_667 = arith.maximumf %max3A_666, %select_n3A_638 : vector<64x1xf32>
      %add3A_668 = arith.constant 9.99999997E-7 : f32
      %add3A_669 = vector.broadcast %add3A_668 : f32 to vector<64x1xf32>
      %add3A_670 = arith.addf %max3A_667, %add3A_669 : vector<64x1xf32>
      %sqrt3A_671 = math.sqrt %add3A_670 : vector<64x1xf32>
      %div3A_672 = arith.divf %mul3A_664, %sqrt3A_671 : vector<64x1xf32>
      %mul3A_673 = arith.mulf %mul3A_630, %div3A_672 : vector<64x1xf32>
      %mul3A_674 = vector.broadcast %mul3A_673 : vector<64x1xf32> to vector<64x39xf32>
      %mul3A_675 = arith.mulf %mul3A_674, %add3A_587 : vector<64x39xf32>
      %swap3A = arith.constant 0 : index
      %swap3A_676 = arith.constant 0 : index
      %swap3A_677 = vector.load %arg11[%swap3A, %swap3A_676] : memref<64x39xf32, #tpu.memory_space<vmem>>, vector<64x39xf32>
      tpu.vector_store %arg11[%swap3A, %swap3A_676], %mul3A_675 {strides = array<i32>} : memref<64x39xf32, #tpu.memory_space<vmem>>, vector<64x39xf32>,
      %reduce_max3A = arith.constant dense<0xFF800000> : vector<64xf32>
      %reduce_max3A_678 = vector.multi_reduction <maximumf>, %mul3A_675, %reduce_max3A [1] : vector<64x39xf32> to vector<64xf32>
      %broadcast_in_dim3A_679 = vector.shape_cast %reduce_max3A_678 : vector<64xf32> to vector<64x1xf32>
      %max3A_680 = arith.constant 0.000000e+00 : f32
      %max3A_681 = vector.broadcast %max3A_680 : f32 to vector<64x1xf32>
      %max3A_682 = arith.maximumf %broadcast_in_dim3A_679, %max3A_681 : vector<64x1xf32>
      %sub3A_683 = vector.broadcast %max3A_682 : vector<64x1xf32> to vector<64x39xf32>
      %sub3A_684 = arith.subf %mul3A_675, %sub3A_683 : vector<64x39xf32>
      %exp3A_685 = math.exp %sub3A_684 : vector<64x39xf32>
      %reduce_sum3A_686 = arith.constant dense<0.000000e+00> : vector<64xf32>
      %reduce_sum3A_687 = vector.multi_reduction <add>, %exp3A_685, %reduce_sum3A_686 [1] : vector<64x39xf32> to vector<64xf32>
      %broadcast_in_dim3A_688 = vector.shape_cast %reduce_sum3A_687 : vector<64xf32> to vector<64x1xf32>
      %neg3A_689 = arith.constant 0.000000e+00 : f32
      %neg3A_690 = vector.broadcast %neg3A_689 : f32 to vector<64x1xf32>
      %neg3A_691 = arith.subf %neg3A_690, %max3A_682 : vector<64x1xf32>
      %exp3A_692 = math.exp %neg3A_691 : vector<64x1xf32>
      %add3A_693 = arith.addf %broadcast_in_dim3A_688, %exp3A_692 : vector<64x1xf32>
      %div3A_694 = vector.broadcast %add3A_693 : vector<64x1xf32> to vector<64x39xf32>
      %div3A_695 = arith.divf %exp3A_685, %div3A_694 : vector<64x39xf32>
      %mul3A_696 = arith.mulf %div3A_695, %div3A_695 : vector<64x39xf32>
      %reduce_sum3A_697 = arith.constant dense<0.000000e+00> : vector<64xf32>
      %reduce_sum3A_698 = vector.multi_reduction <add>, %mul3A_696, %reduce_sum3A_697 [1] : vector<64x39xf32> to vector<64xf32>
      %broadcast_in_dim3A_699 = vector.shape_cast %reduce_sum3A_698 : vector<64xf32> to vector<64x1xf32>
      %add3A_700 = arith.constant 9.99999997E-7 : f32
      %add3A_701 = vector.broadcast %add3A_700 : f32 to vector<64x1xf32>
      %add3A_702 = arith.addf %broadcast_in_dim3A_699, %add3A_701 : vector<64x1xf32>
      %jit3A_703 = arith.constant 9.99999997E-7 : f32
      %max3A_704 = vector.broadcast %jit3A_703 : f32 to vector<64x1xf32>
      %max3A_705 = arith.maximumf %max3A_704, %add3A_702 : vector<64x1xf32>
      %sqrt3A_706 = math.sqrt %max3A_705 : vector<64x1xf32>
      %min3A_707 = arith.constant 5.000000e+01 : f32
      %min3A_708 = vector.broadcast %min3A_707 : f32 to vector<64x1xf32>
      %min3A_709 = arith.minimumf %sqrt3A_706, %min3A_708 : vector<64x1xf32>
      %div3A_710 = arith.constant 1.000000e+00 : f32
      %div3A_711 = vector.broadcast %div3A_710 : f32 to vector<64x1xf32>
      %div3A_712 = arith.divf %min3A_709, %div3A_711 : vector<64x1xf32>
      %exp3A_713 = math.exp %div3A_712 : vector<64x1xf32>
      %neg3A_714 = arith.constant 0.000000e+00 : f32
      %neg3A_715 = vector.broadcast %neg3A_714 : f32 to vector<64x1xf32>
      %neg3A_716 = arith.subf %neg3A_715, %div3A_712 : vector<64x1xf32>
      %exp3A_717 = math.exp %neg3A_716 : vector<64x1xf32>
      %sub3A_718 = arith.subf %exp3A_713, %exp3A_717 : vector<64x1xf32>
      %mul3A_719 = arith.constant 5.000000e-01 : f32
      %mul3A_720 = vector.broadcast %mul3A_719 : f32 to vector<64x1xf32>
      %mul3A_721 = arith.mulf %mul3A_720, %sub3A_718 : vector<64x1xf32>
      %mul3A_722 = arith.constant 1.000000e+00 : f32
      %mul3A_723 = vector.broadcast %mul3A_722 : f32 to vector<64x1xf32>
      %mul3A_724 = arith.mulf %mul3A_723, %mul3A_721 : vector<64x1xf32>
      %div3A_725 = arith.divf %mul3A_724, %sqrt3A_706 : vector<64x1xf32>
      %mul3A_726 = arith.mulf %div3A_725, %div3A_725 : vector<64x1xf32>
      %mul3A_727 = arith.mulf %mul3A_726, %broadcast_in_dim3A_699 : vector<64x1xf32>
      %jit3A_728 = arith.constant 9.99999996E-13 : f32
      %max3A_729 = vector.broadcast %jit3A_728 : f32 to vector<64x1xf32>
      %max3A_730 = arith.maximumf %max3A_729, %mul3A_727 : vector<64x1xf32>
      %sqrt3A_731 = math.sqrt %max3A_730 : vector<64x1xf32>
      %div3A_732 = arith.constant 1.000000e+03 : f32
      %div3A_733 = vector.broadcast %div3A_732 : f32 to vector<64x1xf32>
      %div3A_734 = arith.divf %div3A_733, %sqrt3A_731 : vector<64x1xf32>
      %min3A_735 = arith.constant 1.000000e+00 : f32
      %min3A_736 = vector.broadcast %min3A_735 : f32 to vector<64x1xf32>
      %min3A_737 = arith.minimumf %min3A_736, %div3A_734 : vector<64x1xf32>
      %mul3A_738 = arith.mulf %div3A_725, %min3A_737 : vector<64x1xf32>
      %mul3A_739 = vector.broadcast %mul3A_738 : vector<64x1xf32> to vector<64x39xf32>
      %mul3A_740 = arith.mulf %mul3A_739, %div3A_695 : vector<64x39xf32>
      %swap3A_741 = arith.constant 0 : index
      %swap3A_742 = arith.constant 0 : index
      %swap3A_743 = vector.load %arg12[%swap3A_741, %swap3A_742] : memref<64x39xf32, #tpu.memory_space<vmem>>, vector<64x39xf32>
      tpu.vector_store %arg12[%swap3A_741, %swap3A_742], %mul3A_740 {strides = array<i32>} : memref<64x39xf32, #tpu.memory_space<vmem>>, vector<64x39xf32>,
    } else {
    }
    return
  }
  func.func @transform_0(%arg0: i32) -> (i32, i32) {
    %c0_i32 = arith.constant 0 : i32
    %c0_i32_0 = arith.constant 0 : i32
    return %arg0, %c0_i32 : i32, i32
  }
  func.func @transform_1(%arg0: i32) -> (i32, i32) {
    %c0_i32 = arith.constant 0 : i32
    %c0_i32_0 = arith.constant 0 : i32
    return %arg0, %c0_i32 : i32, i32
  }
  func.func @transform_2(%arg0: i32) -> (i32, i32) {
    %add3A = arith.constant 5 : i32
    %add3A_0 = arith.addi %arg0, %add3A : i32
    %c0_i32 = arith.constant 0 : i32
    %c0_i32_1 = arith.constant 0 : i32
    return %add3A_0, %c0_i32 : i32, i32
  }
  func.func @transform_3(%arg0: i32) -> (i32, i32, i32) {
    %c0_i32 = arith.constant 0 : i32
    %c0_i32_0 = arith.constant 0 : i32
    %c0_i32_1 = arith.constant 0 : i32
    return %arg0, %c0_i32, %c0_i32_0 : i32, i32, i32
  }
  func.func @transform_4(%arg0: i32) -> (i32, i32) {
    %c0_i32 = arith.constant 0 : i32
    %c0_i32_0 = arith.constant 0 : i32
    %c0_i32_1 = arith.constant 0 : i32
    return %c0_i32, %c0_i32_0 : i32, i32
  }
  func.func @transform_5(%arg0: i32) -> (i32, i32) {
    %c0_i32 = arith.constant 0 : i32
    %c0_i32_0 = arith.constant 0 : i32
    %c0_i32_1 = arith.constant 0 : i32
    return %c0_i32, %c0_i32_0 : i32, i32
  }
  func.func @transform_6(%arg0: i32) -> (i32, i32) {
    %c0_i32 = arith.constant 0 : i32
    %c0_i32_0 = arith.constant 0 : i32
    %c0_i32_1 = arith.constant 0 : i32
    return %c0_i32, %c0_i32_0 : i32, i32
  }
  func.func @transform_7(%arg0: i32) -> (i32, i32) {
    %c0_i32 = arith.constant 0 : i32
    %c0_i32_0 = arith.constant 0 : i32
    %c0_i32_1 = arith.constant 0 : i32
    return %c0_i32, %c0_i32_0 : i32, i32
  }
  func.func @transform_8(%arg0: i32) -> (i32, i32) {
    %c0_i32 = arith.constant 0 : i32
    %c0_i32_0 = arith.constant 0 : i32
    %c0_i32_1 = arith.constant 0 : i32
    return %c0_i32, %c0_i32_0 : i32, i32
  }
  func.func @transform_9(%arg0: i32) -> (i32, i32) {
    %c0_i32 = arith.constant 0 : i32
    %c0_i32_0 = arith.constant 0 : i32
    %c0_i32_1 = arith.constant 0 : i32
    return %c0_i32, %c0_i32_0 : i32, i32
  }
  func.func @transform_10(%arg0: i32) -> (i32, i32) {
    %c0_i32 = arith.constant 0 : i32
    %c0_i32_0 = arith.constant 0 : i32
    %c0_i32_1 = arith.constant 0 : i32
    return %c0_i32, %c0_i32_0 : i32, i32
  }
  func.func @transform_11(%arg0: i32) -> (i32, i32) {
    %c0_i32 = arith.constant 0 : i32
    %c0_i32_0 = arith.constant 0 : i32
    %c0_i32_1 = arith.constant 0 : i32
    return %c0_i32, %c0_i32_0 : i32, i32
  }
}

</mosaic_0001>

<sc_bundles>
// kernel: kernel.5.cloned.1.call-start
scs
__scs_entry_jumppad:
0x0: {  	(pc) =	sbr.rel $0x88, $3  }
0x1: {  	(tag) =	ssettag $0x0;
	lr =	simm.s32 $0x1  }
0x2: {  	[smem:$0x3F98] =	sst lr;
	_ =	strace $0xD0000000  }
0x3: {  	_ = 	snop  }
0x4: {  	_ = 	snop  }
0x5: {  	_ = 	snop  }
0x6: {  	_ = 	snop  }
0x7: {  	_ = 	snop  }
__scs_overlays_trampoline_lowered:
0x8: {  	[smem:$0x3FA7] =	sst s0  }
0x9: {  	[smem:$0x3FA8] =	sst s1  }
0xa: {  	[smem:$0x3FA9] =	sst s2  }
0xb: {  	[smem:$0x3FAA] =	sst s3  }
0xc: {  	[smem:$0x3FAB] =	sst s4  }
0xd: {  	[smem:$0x3FAC] =	sst s5  }
0xe: {  	[smem:$0x3FAD] =	sst s6  }
0xf: {  	[smem:$0x3FAE] =	sst s7  }
0x10: {  	[smem:$0x3FAF] =	sst s8  }
0x11: {  	[smem:$0x3FB0] =	sst s9;
	s0 =	simm.s32 @!p0 $0x0  }
0x12: {  	s1 =	sld [smem:$0x3F96];
	s0 =	simm.s32 @p0 $0x1  }
0x13: {  	[smem:$0x3FB1] =	sst s0;
	s0 =	simm.s32 @!p1 $0x0  }
0x14: {  	s2 =	sld [smem:$0x3F95];
	s0 =	simm.s32 @p1 $0x1  }
0x15: {  	[smem:$0x3FB2] =	sst s0;
	s0 =	simm.s32 @!p2 $0x0  }
0x16: {  	s3 =	sld [smem:$0x3FDB];
	s0 =	simm.s32 @p2 $0x1  }
0x17: {  	s4 =	simm.s32 $0x1BF5;
	[smem:$0x3FB4] =	sst s0  }
0x18: {  	s0 =	sld [smem:$0x3F97];
	_ =	swait.ge [sflag:s4], $0x0  }
0x19: {  	s7 =	sld [smem:$0x3F98]  }
0x1a: {  	s8 =	sadd.s32 $0xFFFFE003, lr  }
0x1b: {  	s9 =	sadd.s32 $0xFFFFFEF7, lr;
	s5 =	simm.s32 $0xFFFFFFFF;
	p2 =	slt.u32 s8, $0xFFFFF086  }
0x1c: {  	p1 =	slt.u32 s9, $0xF7A;
	s5 =	simm.s32 @!p2 $0x0  }
0x1d: {  	s5 =	simm.s32 @p1 $0x1;
	p0 =	seq.s32 s7, s2  }
0x1e: {  	s7 =	smul.u32 @!p0 $0xF7A, s2;
	p2 =	seq.s32 @!p0 s5, $0x0  }
0x1f: {  	s9 =	smul.u32 $0xF7A, s1;
	s8 =	simm.s32 @!p0 $0x1BF5;
	p2 =	por !p2, p0  }
0x20: {  	[sflag:s8] =	ssyncset.s32 @!p0 $0xFFFFF086;
	s6 =	sadd.s32 @!p0 s3, s7;
	s7 =	simm.s32 @!p0 $0x108  }
0x21: {  	s3 =	sadd.s32 s3, s9;
	s6 =	sadd.s32 @!p0 $0x88, s6;
	s7 =	simm.s32 @p2 $0x1082  }
0x22: {  	[simem:s7], [sflag:s8] =	dma.local @!p0 [hbm:s6], $0xF7A  }
0x23: {  	s9 =	sor.u32 $0xD0000000, s2;
	s6 =	simm.s32 $0x108;
	_ =	swait.ge @!p0 [sflag:s8], $0x0  }
0x24: {  	s3 =	sadd.s32 $0x88, s3;
	s6 =	simm.s32 @!p1 $0x1082;
	[sflag:s4] =	ssyncset.s32 $0xFFFFF086  }
0x25: {  	[simem:s6], [sflag:s4] =	dma.local [hbm:s3], $0xF7A  }
0x26: {  	[smem:$0x3F98] =	sst s1;
	(tag) =	ssettag s2;
	_ =	strace s9  }
0x27: {  	s1 =	sld [smem:$0x3FA8]  }
0x28: {  	s2 =	sld [smem:$0x3FA9]  }
0x29: {  	s4 =	sld [smem:$0x3FAB]  }
0x2a: {  	p0 =	seq.s32 s5, $0x0;
	s5 =	sld [smem:$0x3FAC]  }
0x2b: {  	s6 =	sld [smem:$0x3FAD]  }
0x2c: {  	s7 =	sld [smem:$0x3FAE]  }
0x2d: {  	s3 =	simm.s32 $0x108;
	s8 =	sld [smem:$0x3FAF]  }
0x2e: {  	s3 =	simm.s32 @!p0 $0x1082;
	s9 =	sld [smem:$0x3FB0]  }
0x2f: {  	lr =	sadd.s32 s0, s3;
	s0 =	sld [smem:$0x3FA7]  }
0x30: {  	s3 =	sld [smem:$0x3FAA]  }
0x31: {  	[smem:$0x3FB3] =	sst s10  }
0x32: {  	s10 =	sld [smem:$0x3FB1];
	_ =	sdelay $0x3  }
0x33: {  	p0 =	seq.s32 s10, $0x1;
	s10 =	sld [smem:$0x3FB3];
	_ =	sdelay $0x3  }
0x34: {  	[smem:$0x3FB3] =	sst s10  }
0x35: {  	s10 =	sld [smem:$0x3FB2];
	_ =	sdelay $0x3  }
0x36: {  	p1 =	seq.s32 s10, $0x1;
	s10 =	sld [smem:$0x3FB3];
	_ =	sdelay $0x3  }
0x37: {  	[smem:$0x3FB3] =	sst s10  }
0x38: {  	s10 =	sld [smem:$0x3FB4]  }
0x39: {  	_ = 	snop;
	(pc) =	sbr.ind lr, $3  }
0x3a: {  	_ = 	snop  }
0x3b: {  	_ = 	snop  }
0x3c: {  	p2 =	seq.s32 s10, $0x1;
	s10 =	sld [smem:$0x3FB3]  }
0x3d: {  	_ =	shalt  }
0x3e: {  	_ =	shalt  }
0x3f: {  	_ =	shalt  }
0x40: {  	_ =	shalt  }
0x41: {  	_ =	shalt  }
0x42: {  	_ =	shalt  }
0x43: {  	_ =	shalt  }
0x44: {  	_ =	shalt  }
0x45: {  	_ =	shalt  }
0x46: {  	_ =	shalt  }
0x47: {  	_ =	shalt  }
0x48: {  	_ =	shalt  }
0x49: {  	_ =	shalt  }
0x4a: {  	_ =	shalt  }
0x4b: {  	_ =	shalt  }
0x4c: {  	_ =	shalt  }
0x4d: {  	_ =	shalt  }
0x4e: {  	_ =	shalt  }
0x4f: {  	_ =	shalt  }
0x50: {  	_ =	shalt  }
0x51: {  	_ =	shalt  }
0x52: {  	_ =	shalt  }
0x53: {  	_ =	shalt  }
0x54: {  	_ =	shalt  }
0x55: {  	_ =	shalt  }
0x56: {  	_ =	shalt  }
0x57: {  	_ =	shalt  }
0x58: {  	_ =	shalt  }
0x59: {  	_ =	shalt  }
0x5a: {  	_ =	shalt  }
0x5b: {  	_ =	shalt  }
0x5c: {  	_ =	shalt  }
0x5d: {  	_ =	shalt  }
0x5e: {  	_ =	shalt  }
0x5f: {  	_ =	shalt  }
0x60: {  	_ =	shalt  }
0x61: {  	_ =	shalt  }
0x62: {  	_ =	shalt  }
0x63: {  	_ =	shalt  }
0x64: {  	_ =	shalt  }
0x65: {  	_ =	shalt  }
0x66: {  	_ =	shalt  }
0x67: {  	_ =	shalt  }
0x68: {  	_ =	shalt  }
0x69: {  	_ =	shalt  }
0x6a: {  	_ =	shalt  }
0x6b: {  	_ =	shalt  }
0x6c: {  	_ =	shalt  }
0x6d: {  	_ =	shalt  }
0x6e: {  	_ =	shalt  }
0x6f: {  	_ =	shalt  }
0x70: {  	_ =	shalt  }
0x71: {  	_ =	shalt  }
0x72: {  	_ =	shalt  }
0x73: {  	_ =	shalt  }
0x74: {  	_ =	shalt  }
0x75: {  	_ =	shalt  }
0x76: {  	_ =	shalt  }
0x77: {  	_ =	shalt  }
0x78: {  	_ =	shalt  }
0x79: {  	_ =	shalt  }
0x7a: {  	_ =	shalt  }
0x7b: {  	_ =	shalt  }
0x7c: {  	_ =	shalt  }
0x7d: {  	_ =	shalt  }
0x7e: {  	_ =	shalt  }
0x7f: {  	_ =	shalt  }
0x80: {  	_ =	shalt  }
0x81: {  	_ =	shalt  }
0x82: {  	_ =	shalt  }
0x83: {  	_ =	shalt  }
0x84: {  	_ =	shalt  }
0x85: {  	_ =	shalt  }
0x86: {  	_ =	shalt  }
0x87: {  	_ =	shalt  }
.Lfunc_end0:
.L_simem_size_0:
called_computation_lowered:
.L_overlay_start_0:
0x88: {  	s2 =	sld [smem:$0x3FD9]  }
0x89: {  	s3 =	sld [smem:$0x3FFE];
	_ =	sdelay $0x1  }
0x8a: {  	s1 =	srdreg.scid  }
0x8b: {  	s0 =	sand.u32 $0x1, s1  }
0x8c: {  	s16 =	sshll.u32 s0, $0xA;
	s2 =	sadd.s32 s3, s2  }
0x8d: {  	s2 =	sadd.s32 s2, s16  }
0x8e: {  	[smem:$0x3FBF] =	sst s2  }
0x8f: {  	_ = 	snop  }
0x90: {  	(tm) =	ssettm $0x1  }
0x91: {  	s17 =	sld [smem:$0x3FFB];
	_ =	sdelay $0x3  }
0x92: {  	_ =	strace s17  }
0x93: {  	s2 =	sld [smem:$0x3FFC];
	_ =	sdelay $0x3  }
0x94: {  	_ =	strace s2  }
0x95: {  	s2 =	sld [smem:$0x3FFD];
	_ =	sdelay $0x3  }
0x96: {  	_ =	strace s2  }
0x97: {  	_ =	strace $0x8FFFFFFF  }
0x98: {  	s18 =	sld [smem:$0x3FDB];
	_ =	sdelay $0x1  }
0x99: {  	s19 =	simm.s32 $_scs_section_size  }
0x9a: {  	s4 =	simm.s32 $_size__tile_overlayer_lowered;
	s5 =	simm.s32 $_tile_overlayer_lowered  }
0x9b: {  	s22 =	simm.s32 $0x1BFF;
	s21 =	sshll.u32 s5, $0x1;
	s2 =	sadd.s32 s19, s18  }
0x9c: {  	s6 =	simm.s32 $0x0;
	s20 =	sshll.u32 s4, $0x1;
	s4 =	sadd.s32 s21, s2  }
0x9d: {  	[timem:s6], [sflag:s22] =	dma.local [hbm:s4], s20  }
0x9e: {  	_ =	swait.ge [sflag:s22], s20  }
0x9f: {  	s3 =	ssub.s32 $0x0, s20;
	[sflag:s22] =	ssyncset.done $0x0  }
0xa0: {  	[sflag:s22] =	ssyncadd.s32 s3;
	_ =	sdelay $0x1  }
0xa1: {  	s23 =	simm.s32 $0x1B8B  }
0xa2: {  	_ =	swait.ge [sflag:s23], $0x1  }
0xa3: {  	[sflag:s23] =	ssyncset.done $0x0  }
0xa4: {  	s25 =	simm.s32 $0x1B8E;
	s24 =	sld [smem:$0x3FFE];
	[sflag:s23] =	ssyncadd.s32 $0xFFFFFFFF  }
0xa5: {  	s26 =	simm.s32 $execute0_lowered;
	[smem:$0x3FD2] =	sst s25  }
0xa6: {  	s4 =	sshll.u32 s26, $0x1;
	_ =	strace $0x80000046;
	[dreg:$0x1] =	wrdreg $0xFFFFFFFF  }
0xa7: {  	s28 =	simm.s32 $_size_execute0_lowered;
	s2 =	sadd.s32 s2, s4;
	[dreg:$0x0] =	wrdreg $0x0  }
0xa8: {  	s4 =	sshll.u32 s28, $0x1;
	[dreg:$0x2] =	wrdreg s2  }
0xa9: {  	[dreg:$0x3] =	wrdreg s4  }
0xaa: {  	[dreg:$0x4] =	wrdreg $0xC0  }
0xab: {  	_ =	task [dreg:s6], $0x5FFFF  }
0xac: {  	[dreg:$0x1] =	wrdreg $0xFFFFFFFF  }
0xad: {  	[dreg:$0x0] =	wrdreg $0x60  }
0xae: {  	[dreg:$0x2] =	wrdreg s24  }
0xaf: {  	[dreg:$0x3] =	wrdreg $0xBD000  }
0xb0: {  	[dreg:$0x4] =	wrdreg $0x9  }
0xb1: {  	_ =	task.clear_ibuf [dreg:s6], $0x5FFFF;
	_ =	strace $0x90000046  }
0xb2: {  	s29 =	simm.s32 $0x9;
	_ =	strace $0x80000048  }
0xb3: {  	_ =	swait.ge [sflag:s29], $0x1  }
0xb4: {  	[sflag:s29] =	ssyncadd.s32 $0xFFFFFFFF  }
0xb5: {  	_ =	strace $0x90000048  }
0xb6: {  	_ =	sfence  }
0xb7: {  	s30 =	sld [smem:$0x0];
	_ =	sdelay $0x2  }
0xb8: {  	s31 =	sshll.u32 s1, $0xD;
	s1 =	sshrl.u32 s1, $0x2  }
0xb9: {  	s3 =	sand.u32 $0x4000, s31;
	s1 =	sadd.s32 s1, s30  }
0xba: {  	s0 =	sor.u32 s3, s0;
	s1 =	sshll.u32 s1, $0x11  }
0xbb: {  	s0 =	sor.u32 s1, s0  }
0xbc: {  	s0 =	sadd.s32 $0x8F2B, s0  }
0xbd: {  	[sflag:s0] =	ssyncadd.remote.s32 $0x1  }
0xbe: {  	_ =	sfence.sel $0xFFFF  }
0xbf: {  	[dreg:$0x0] =	wrdreg $0xFFFFFFFF;
	(pc) =	sbr.abs _section_cstart, $3  }
0xc0: {  	[dreg:$0x1] =	wrdreg $0xFFFFFFFF  }
0xc1: {  	_ =	task.clear_ibuf [dreg:s6], $0x2FFFF;
	_ =	strace $0x9FFFFFFF  }
0xc2: {  	(tm) =	ssettm $0x7FFFFFFF  }
0xc3: {  	_ =	shalt  }
tec
execute0_lowered:
.L_overlay_start_1:
0x0: {  	(tag) =	ssettag $0x1  }
0x1: {  	s1 =	rddreg [dreg:$0x0]  }
0x2: {  	s2 =	rddreg [dreg:$0x1];
	s3 =	simm.s32 $0x0  }
0x3: {  	[smem:$0x7FF] =	sst s3;
	s5 =	sadd.s32 $0x138000, s2  }
0x4: {  	s12 =	simm.s32 $0x1A80;
	_ =	strace $0x80000047;
	[dreg:$0x3] =	wrdreg s5  }
0x5: {  	s13 =	simm.s32 $0x1B00;
	[dreg:$0xc] =	wrdreg s12  }
0x6: {  	s14 =	simm.s32 $0x2780;
	[dreg:$0xd] =	wrdreg s13  }
0x7: {  	s15 =	simm.s32 $0x1B80;
	[dreg:$0xe] =	wrdreg s14  }
0x8: {  	s16 =	simm.s32 $0x2800;
	[dreg:$0xf] =	wrdreg s15  }
0x9: {  	s17 =	simm.s32 $0x1C00;
	[dreg:$0x10] =	wrdreg s16  }
0xa: {  	s18 =	simm.s32 $0x2880;
	[dreg:$0x11] =	wrdreg s17  }
0xb: {  	s19 =	simm.s32 $0x1C80;
	[dreg:$0x12] =	wrdreg s18  }
0xc: {  	s20 =	simm.s32 $0x2900;
	[dreg:$0x13] =	wrdreg s19  }
0xd: {  	[dreg:$0x14] =	wrdreg s20;
	s12 =	simm.s32 $0x2000  }
0xe: {  	s13 =	simm.s32 $0x2C80;
	[smem:$0x7DD] =	sst s12  }
0xf: {  	s14 =	simm.s32 $0x2080;
	[smem:$0x7DE] =	sst s13  }
0x10: {  	s15 =	simm.s32 $0x2D00;
	[smem:$0x7DF] =	sst s14  }
0x11: {  	s16 =	simm.s32 $0x2100;
	[smem:$0x7E0] =	sst s15  }
0x12: {  	s17 =	simm.s32 $0x2D80;
	[smem:$0x7E1] =	sst s16  }
0x13: {  	s18 =	simm.s32 $0x2180;
	[smem:$0x7E2] =	sst s17  }
0x14: {  	s0 =	srdreg.scid;
	s19 =	simm.s32 $0x2E00;
	[smem:$0x7E3] =	sst s18  }
0x15: {  	s10 =	stileid.u32;
	s20 =	simm.s32 $0x2200;
	[smem:$0x7E4] =	sst s19  }
0x16: {  	s0 =	sand.u32 $0x1, s0;
	[smem:$0x7E5] =	sst s20;
	s12 =	simm.s32 $0x3180  }
0x17: {  	s6 =	smul.u32 $0x2700, s10;
	s13 =	simm.s32 $0x2580;
	[smem:$0x7F2] =	sst s12  }
0x18: {  	s9 =	sadd.s32 $0x3F000, s1;
	s15 =	simm.s32 $0x3200;
	[smem:$0x7F3] =	sst s13  }
0x19: {  	s7 =	smul.u32 $0x27100, s0;
	s16 =	simm.s32 $0x2600;
	[smem:$0x7F4] =	sst s15  }
0x1a: {  	s8 =	smul.u32 $0x138800, s0;
	s17 =	simm.s32 $0x3280;
	[smem:$0x7F5] =	sst s16  }
0x1b: {  	s19 =	simm.s32 $0x2680;
	s6 =	sadd.s32 s6, s7;
	[smem:$0x7F6] =	sst s17  }
0x1c: {  	s7 =	sshrl.u32 s8, $0x3;
	[smem:$0x7F7] =	sst s19;
	s8 =	sadd.s32 s9, s6  }
0x1d: {  	s6 =	simm.s32 $0x2B00;
	[dreg:$0xa] =	wrdreg s8  }
0x1e: {  	s9 =	sadd.s32 s9, s7;
	s7 =	simm.s32 $0x1F00;
	[dreg:$0x1c] =	wrdreg s6  }
0x1f: {  	s4 =	sshll.u32 s0, $0x4;
	s11 =	sadd.s32 $0x27000, s9;
	[dreg:$0x1d] =	wrdreg s7  }
0x20: {  	s4 =	sor.u32 s10, s4;
	s8 =	simm.s32 $0x2B80;
	[dreg:$0xb] =	wrdreg s11  }
0x21: {  	s4 =	smul.u32 $0x2710, s4;
	s9 =	simm.s32 $0x1F80;
	[dreg:$0x1e] =	wrdreg s8  }
0x22: {  	s23 =	sadd.s32 $0x32A00, s1;
	s6 =	simm.s32 $0x2400;
	[dreg:$0x1f] =	wrdreg s9  }
0x23: {  	s25 =	sshrl.u32 s4, $0x3;
	s7 =	simm.s32 $0x3080;
	[smem:$0x7ED] =	sst s6  }
0x24: {  	s24 =	sadd.s32 $0x28C00, s1;
	s4 =	sadd.s32 s23, s25;
	[smem:$0x7EE] =	sst s7  }
0x25: {  	s21 =	sadd.s32 s24, s25;
	[dreg:$0x4] =	wrdreg s4  }
0x26: {  	s11 =	simm.s32 $0x2C00;
	[dreg:$0x5] =	wrdreg s21  }
0x27: {  	s8 =	simm.s32 $0x2480;
	[smem:$0x7DC] =	sst s11  }
0x28: {  	s22 =	sadd.s32 $0x1A0, s25;
	s9 =	simm.s32 $0x3100;
	[smem:$0x7EF] =	sst s8  }
0x29: {  	s26 =	sadd.s32 s23, s22;
	[smem:$0x7F0] =	sst s9  }
0x2a: {  	s29 =	sadd.s32 $0x4E0, s25;
	s28 =	sadd.s32 s24, s22;
	[dreg:$0x6] =	wrdreg s26  }
0x2b: {  	s30 =	sadd.s32 s23, s29;
	[dreg:$0x7] =	wrdreg s28  }
0x2c: {  	s5 =	sadd.s32 s24, s29;
	[dreg:$0x8] =	wrdreg s30  }
0x2d: {  	s21 =	simm.s32 $0x1D00;
	[dreg:$0x9] =	wrdreg s5  }
0x2e: {  	s22 =	simm.s32 $0x2980;
	[dreg:$0x15] =	wrdreg s21  }
0x2f: {  	s29 =	simm.s32 $0x1E00;
	[dreg:$0x16] =	wrdreg s22  }
0x30: {  	s11 =	simm.s32 $0x2500;
	[dreg:$0x19] =	wrdreg s29  }
0x31: {  	s26 =	simm.s32 $0x1D80;
	[smem:$0x7F1] =	sst s11  }
0x32: {  	s28 =	simm.s32 $0x2A00;
	[dreg:$0x17] =	wrdreg s26  }
0x33: {  	s30 =	simm.s32 $0x2A80;
	[dreg:$0x18] =	wrdreg s28  }
0x34: {  	s5 =	simm.s32 $0x1E80;
	[dreg:$0x1a] =	wrdreg s30  }
0x35: {  	s21 =	simm.s32 $0x2E80;
	[dreg:$0x1b] =	wrdreg s5  }
0x36: {  	s22 =	simm.s32 $0x2280;
	[smem:$0x7E6] =	sst s21  }
0x37: {  	s29 =	simm.s32 $0x2F80;
	[smem:$0x7E7] =	sst s22  }
0x38: {  	s14 =	smul.u32 $0x4E000, s10;
	s26 =	simm.s32 $0x2F00;
	[smem:$0x7EA] =	sst s29  }
0x39: {  	s20 =	sshll.u32 s10, $0x6;
	s28 =	simm.s32 $0x2300;
	[smem:$0x7E8] =	sst s26  }
0x3a: {  	s7 =	simm.s32 $0x5;
	s30 =	simm.s32 $0x2380;
	[smem:$0x7E9] =	sst s28  }
0x3b: {  	s4 =	sadd.s32 $0x3C800, s1;
	s5 =	simm.s32 $0x3000;
	[smem:$0x7EB] =	sst s30  }
0x3c: {  	s21 =	simm.s32 $0x3300;
	[smem:$0x7EC] =	sst s5;
	s5 =	sshrl.u32 s14, $0x2  }
0x3d: {  	s22 =	simm.s32 $0x3380;
	[smem:$0x7F8] =	sst s21;
	s18 =	sadd.s32 s5, s2  }
0x3e: {  	s8 =	sor.u32 $0x1C05, s20;
	[smem:$0x7F9] =	sst s22;
	s18 =	sshrl.u32 s18, $0x3  }
0x3f: {  	[spmem:s18], [sflag:s8] =	dma.local [hbm:s4], $0x2700  }
0x40: {  	_ =	swait.ge [sflag:s7], $0x2700  }
0x41: {  	p0 =	sne.s32 s10, $0xF;
	s5 =	rddreg [dreg:$0x3]  }
0x42: {  	[sflag:s7] =	ssyncset.done $0x0;
	[smem:$0x7DB] =	sst s4;
	s6 =	sshrl.u32 @!p0 s5, $0x3  }
0x43: {  	[sflag:s7] =	ssyncadd.s32 $0xFFFFD900;
	s5 =	simm.s32 @!p0 $0x5;
	[smem:$0x7FD] =	sst s6  }
0x44: {  	[spmem:s6], [sflag:s8] =	dma.local @!p0 [hbm:s4], $0x100  }
0x45: {  	_ =	swait.ge @!p0 [sflag:s5], $0x100  }
0x46: {  	[sflag:s5] =	ssyncset.done @!p0 $0x0  }
0x47: {  	[sflag:s5] =	ssyncadd.s32 @!p0 $0xFFFFFF00  }
0x48: {  	[bflag:$0x0] =	sbarrier.arrive $0xFFFF  }
0x49: {  	s26 =	rddreg [dreg:$0x4]  }
0x4a: {  	[tilespmem:s3], [sflag:$0x5] =	stream.linear.gather [hbm4b:s26+s3], $0xD00, $0x38;
	[tilespmem:$0x1F580] =	vst v63  }
0x4b: {  	_ =	swait.ge [sflag:s7], $0xD00  }
0x4c: {  	[sflag:s7] =	ssyncset.done $0x0  }
0x4d: {  	s31 =	simm.s32 $0xD00;
	s28 =	rddreg [dreg:$0x5];
	[sflag:s7] =	ssyncadd.s32 $0xFFFFF300  }
0x4e: {  	[tilespmem:s31], [sflag:$0x5] =	stream.linear.gather [hbm4b:s28+s3], $0xD00, $0x38;
	[tilespmem:$0x1F580] =	vst v63  }
0x4f: {  	_ =	swait.ge [sflag:s7], $0xD00  }
0x50: {  	[sflag:s7] =	ssyncset.done $0x0  }
0x51: {  	s30 =	simm.s32 $0x1A00;
	s11 =	rddreg [dreg:$0x6];
	[sflag:s7] =	ssyncadd.s32 $0xFFFFF300  }
0x52: {  	[tilespmem:s30], [sflag:$0x4] =	stream.linear.gather [hbm4b:s11+s3], $0xD00, $0x38;
	[tilespmem:$0x1F580] =	vst v63  }
0x53: {  	s4 =	simm.s32 $0x2700;
	s12 =	rddreg [dreg:$0x7]  }
0x54: {  	[tilespmem:s4], [sflag:$0x4] =	stream.linear.gather [hbm4b:s12+s3], $0xD00, $0x38;
	[tilespmem:$0x1F580] =	vst v63  }
0x55: {  	s13 =	simm.s32 $0x80;
	s14 =	simm.s32 $0x3400;
	s12 =	sadd.s32 $0x1A00, s1  }
0x56: {  	[tilespmem:s14], [sflag:$0x2] =	stream.indirect.gather [hbm4b:s12+s13], $0x80, s3, s13, $0xb8;
	[tilespmem:$0x1F580] =	vst v63  }
0x57: {  	s15 =	simm.s32 $0x7400;
	s16 =	simm.s32 $0x2  }
0x58: {  	[tilespmem:s15], [sflag:$0x2] =	stream.indirect.gather [hbm4b:s12+s13], $0x80, s13, s13, $0xb8;
	[tilespmem:$0x1F580] =	vst v63  }
0x59: {  	_ =	swait.ge [sflag:s16], $0x4000  }
0x5a: {  	[sflag:s16] =	ssyncset.done $0x0  }
0x5b: {  	s17 =	simm.s32 $0x3;
	[sflag:s16] =	ssyncadd.s32 $0xFFFFC000  }
0x5c: {  	[spmem:s2] =	stream.indirect.scatter.add.f32 [tilespmem:s14], [sflag:$0x3], $0x80, s31, s13, $0xb8;
	[tilespmem:$0x1F580] =	vst v63  }
0x5d: {  	_ =	swait.ge [sflag:s17], $0x4000  }
0x5e: {  	[sflag:s17] =	ssyncset.done $0x0  }
0x5f: {  	s29 =	simm.s32 $0x100;
	[sflag:s17] =	ssyncadd.s32 $0xFFFFC000  }
0x60: {  	[tilespmem:s14], [sflag:$0x2] =	stream.indirect.gather [hbm4b:s12+s13], $0x80, s29, s13, $0xb8;
	[tilespmem:$0x1F580] =	vst v63  }
0x61: {  	_ =	swait.ge [sflag:s16], $0x4000  }
0x62: {  	[sflag:s16] =	ssyncset.done $0x0  }
0x63: {  	s5 =	simm.s32 $0xD80;
	[sflag:s16] =	ssyncadd.s32 $0xFFFFC000  }
0x64: {  	[spmem:s2] =	stream.indirect.scatter.add.f32 [tilespmem:s15], [sflag:$0x3], $0x80, s5, s13, $0xb8;
	[tilespmem:$0x1F580] =	vst v63  }
0x65: {  	_ =	swait.ge [sflag:s17], $0x4000  }
0x66: {  	[sflag:s17] =	ssyncset.done $0x0  }
0x67: {  	s6 =	simm.s32 $0x180;
	[sflag:s17] =	ssyncadd.s32 $0xFFFFC000  }
0x68: {  	[tilespmem:s15], [sflag:$0x2] =	stream.indirect.gather [hbm4b:s12+s13], $0x80, s6, s13, $0xb8;
	[tilespmem:$0x1F580] =	vst v63  }
0x69: {  	_ =	swait.ge [sflag:s16], $0x4000  }
0x6a: {  	[sflag:s16] =	ssyncset.done $0x0  }
0x6b: {  	s9 =	simm.s32 $0xE00;
	[sflag:s16] =	ssyncadd.s32 $0xFFFFC000  }
0x6c: {  	[spmem:s2] =	stream.indirect.scatter.add.f32 [tilespmem:s14], [sflag:$0x3], $0x80, s9, s13, $0xb8;
	[tilespmem:$0x1F580] =	vst v63  }
0x6d: {  	_ =	swait.ge [sflag:s17], $0x4000  }
0x6e: {  	[sflag:s17] =	ssyncset.done $0x0  }
0x6f: {  	s10 =	simm.s32 $0x200;
	[sflag:s17] =	ssyncadd.s32 $0xFFFFC000  }
0x70: {  	[tilespmem:s14], [sflag:$0x2] =	stream.indirect.gather [hbm4b:s12+s13], $0x80, s10, s13, $0xb8;
	[tilespmem:$0x1F580] =	vst v63  }
0x71: {  	_ =	swait.ge [sflag:s16], $0x4000  }
0x72: {  	[sflag:s16] =	ssyncset.done $0x0  }
0x73: {  	s11 =	simm.s32 $0xE80;
	[sflag:s16] =	ssyncadd.s32 $0xFFFFC000  }
0x74: {  	[spmem:s2] =	stream.indirect.scatter.add.f32 [tilespmem:s15], [sflag:$0x3], $0x80, s11, s13, $0xb8;
	[tilespmem:$0x1F580] =	vst v63  }
0x75: {  	_ =	swait.ge [sflag:s17], $0x4000  }
0x76: {  	[sflag:s17] =	ssyncset.done $0x0  }
0x77: {  	s19 =	simm.s32 $0x280;
	[sflag:s17] =	ssyncadd.s32 $0xFFFFC000  }
0x78: {  	[tilespmem:s15], [sflag:$0x2] =	stream.indirect.gather [hbm4b:s12+s13], $0x80, s19, s13, $0xb8;
	[tilespmem:$0x1F580] =	vst v63  }
0x79: {  	_ =	swait.ge [sflag:s16], $0x4000  }
0x7a: {  	[sflag:s16] =	ssyncset.done $0x0  }
0x7b: {  	s20 =	simm.s32 $0xF00;
	[sflag:s16] =	ssyncadd.s32 $0xFFFFC000  }
0x7c: {  	[spmem:s2] =	stream.indirect.scatter.add.f32 [tilespmem:s14], [sflag:$0x3], $0x80, s20, s13, $0xb8;
	[tilespmem:$0x1F580] =	vst v63  }
0x7d: {  	_ =	swait.ge [sflag:s17], $0x4000  }
0x7e: {  	[sflag:s17] =	ssyncset.done $0x0  }
0x7f: {  	s21 =	simm.s32 $0x300;
	[sflag:s17] =	ssyncadd.s32 $0xFFFFC000  }
0x80: {  	[tilespmem:s14], [sflag:$0x2] =	stream.indirect.gather [hbm4b:s12+s13], $0x80, s21, s13, $0xb8;
	[tilespmem:$0x1F580] =	vst v63  }
0x81: {  	_ =	swait.ge [sflag:s16], $0x4000  }
0x82: {  	[sflag:s16] =	ssyncset.done $0x0  }
0x83: {  	s22 =	simm.s32 $0xF80;
	[sflag:s16] =	ssyncadd.s32 $0xFFFFC000  }
0x84: {  	[spmem:s2] =	stream.indirect.scatter.add.f32 [tilespmem:s15], [sflag:$0x3], $0x80, s22, s13, $0xb8;
	[tilespmem:$0x1F580] =	vst v63  }
0x85: {  	_ =	swait.ge [sflag:s17], $0x4000  }
0x86: {  	[sflag:s17] =	ssyncset.done $0x0  }
0x87: {  	s26 =	simm.s32 $0x380;
	[sflag:s17] =	ssyncadd.s32 $0xFFFFC000  }
0x88: {  	[tilespmem:s15], [sflag:$0x2] =	stream.indirect.gather [hbm4b:s12+s13], $0x80, s26, s13, $0xb8;
	[tilespmem:$0x1F580] =	vst v63  }
0x89: {  	_ =	swait.ge [sflag:s16], $0x4000  }
0x8a: {  	[sflag:s16] =	ssyncset.done $0x0  }
0x8b: {  	s28 =	simm.s32 $0x1000;
	[sflag:s16] =	ssyncadd.s32 $0xFFFFC000  }
0x8c: {  	[spmem:s2] =	stream.indirect.scatter.add.f32 [tilespmem:s14], [sflag:$0x3], $0x80, s28, s13, $0xb8;
	[tilespmem:$0x1F580] =	vst v63  }
0x8d: {  	_ =	swait.ge [sflag:s17], $0x4000  }
0x8e: {  	[sflag:s17] =	ssyncset.done $0x0  }
0x8f: {  	s29 =	simm.s32 $0x400;
	[sflag:s17] =	ssyncadd.s32 $0xFFFFC000  }
0x90: {  	[tilespmem:s14], [sflag:$0x2] =	stream.indirect.gather [hbm4b:s12+s13], $0x80, s29, s13, $0xb8;
	[tilespmem:$0x1F580] =	vst v63  }
0x91: {  	_ =	swait.ge [sflag:s16], $0x4000  }
0x92: {  	[sflag:s16] =	ssyncset.done $0x0  }
0x93: {  	s5 =	simm.s32 $0x1080;
	[sflag:s16] =	ssyncadd.s32 $0xFFFFC000  }
0x94: {  	[spmem:s2] =	stream.indirect.scatter.add.f32 [tilespmem:s15], [sflag:$0x3], $0x80, s5, s13, $0xb8;
	[tilespmem:$0x1F580] =	vst v63  }
0x95: {  	_ =	swait.ge [sflag:s17], $0x4000  }
0x96: {  	[sflag:s17] =	ssyncset.done $0x0  }
0x97: {  	s6 =	simm.s32 $0x480;
	[sflag:s17] =	ssyncadd.s32 $0xFFFFC000  }
0x98: {  	[tilespmem:s15], [sflag:$0x2] =	stream.indirect.gather [hbm4b:s12+s13], $0x80, s6, s13, $0xb8;
	[tilespmem:$0x1F580] =	vst v63  }
0x99: {  	_ =	swait.ge [sflag:s16], $0x4000  }
0x9a: {  	[sflag:s16] =	ssyncset.done $0x0  }
0x9b: {  	s9 =	simm.s32 $0x1100;
	[sflag:s16] =	ssyncadd.s32 $0xFFFFC000  }
0x9c: {  	[spmem:s2] =	stream.indirect.scatter.add.f32 [tilespmem:s14], [sflag:$0x3], $0x80, s9, s13, $0xb8;
	[tilespmem:$0x1F580] =	vst v63  }
0x9d: {  	_ =	swait.ge [sflag:s17], $0x4000  }
0x9e: {  	[sflag:s17] =	ssyncset.done $0x0  }
0x9f: {  	s10 =	simm.s32 $0x500;
	[sflag:s17] =	ssyncadd.s32 $0xFFFFC000  }
0xa0: {  	[tilespmem:s14], [sflag:$0x2] =	stream.indirect.gather [hbm4b:s12+s13], $0x80, s10, s13, $0xb8;
	[tilespmem:$0x1F580] =	vst v63  }
0xa1: {  	_ =	swait.ge [sflag:s16], $0x4000  }
0xa2: {  	[sflag:s16] =	ssyncset.done $0x0  }
0xa3: {  	s11 =	simm.s32 $0x1180;
	[sflag:s16] =	ssyncadd.s32 $0xFFFFC000  }
0xa4: {  	[spmem:s2] =	stream.indirect.scatter.add.f32 [tilespmem:s15], [sflag:$0x3], $0x80, s11, s13, $0xb8;
	[tilespmem:$0x1F580] =	vst v63  }
0xa5: {  	_ =	swait.ge [sflag:s17], $0x4000  }
0xa6: {  	[sflag:s17] =	ssyncset.done $0x0  }
0xa7: {  	s19 =	simm.s32 $0x580;
	[sflag:s17] =	ssyncadd.s32 $0xFFFFC000  }
0xa8: {  	[tilespmem:s15], [sflag:$0x2] =	stream.indirect.gather [hbm4b:s12+s13], $0x80, s19, s13, $0xb8;
	[tilespmem:$0x1F580] =	vst v63  }
0xa9: {  	_ =	swait.ge [sflag:s16], $0x4000  }
0xaa: {  	[sflag:s16] =	ssyncset.done $0x0  }
0xab: {  	s20 =	simm.s32 $0x1200;
	[sflag:s16] =	ssyncadd.s32 $0xFFFFC000  }
0xac: {  	[spmem:s2] =	stream.indirect.scatter.add.f32 [tilespmem:s14], [sflag:$0x3], $0x80, s20, s13, $0xb8;
	[tilespmem:$0x1F580] =	vst v63  }
0xad: {  	_ =	swait.ge [sflag:s17], $0x4000  }
0xae: {  	[sflag:s17] =	ssyncset.done $0x0  }
0xaf: {  	s21 =	simm.s32 $0x600;
	[sflag:s17] =	ssyncadd.s32 $0xFFFFC000  }
0xb0: {  	[tilespmem:s14], [sflag:$0x2] =	stream.indirect.gather [hbm4b:s12+s13], $0x80, s21, s13, $0xb8;
	[tilespmem:$0x1F580] =	vst v63  }
0xb1: {  	_ =	swait.ge [sflag:s16], $0x4000  }
0xb2: {  	[sflag:s16] =	ssyncset.done $0x0  }
0xb3: {  	s22 =	simm.s32 $0x1280;
	[sflag:s16] =	ssyncadd.s32 $0xFFFFC000  }
0xb4: {  	[spmem:s2] =	stream.indirect.scatter.add.f32 [tilespmem:s15], [sflag:$0x3], $0x80, s22, s13, $0xb8;
	[tilespmem:$0x1F580] =	vst v63  }
0xb5: {  	_ =	swait.ge [sflag:s17], $0x4000  }
0xb6: {  	[sflag:s17] =	ssyncset.done $0x0  }
0xb7: {  	s26 =	simm.s32 $0x680;
	[sflag:s17] =	ssyncadd.s32 $0xFFFFC000  }
0xb8: {  	[tilespmem:s15], [sflag:$0x2] =	stream.indirect.gather [hbm4b:s12+s13], $0x80, s26, s13, $0xb8;
	[tilespmem:$0x1F580] =	vst v63  }
0xb9: {  	_ =	swait.ge [sflag:s16], $0x4000  }
0xba: {  	[sflag:s16] =	ssyncset.done $0x0  }
0xbb: {  	s28 =	simm.s32 $0x1300;
	[sflag:s16] =	ssyncadd.s32 $0xFFFFC000  }
0xbc: {  	[spmem:s2] =	stream.indirect.scatter.add.f32 [tilespmem:s14], [sflag:$0x3], $0x80, s28, s13, $0xb8;
	[tilespmem:$0x1F580] =	vst v63  }
0xbd: {  	_ =	swait.ge [sflag:s17], $0x4000  }
0xbe: {  	[sflag:s17] =	ssyncset.done $0x0  }
0xbf: {  	s29 =	simm.s32 $0x700;
	[sflag:s17] =	ssyncadd.s32 $0xFFFFC000  }
0xc0: {  	[tilespmem:s14], [sflag:$0x2] =	stream.indirect.gather [hbm4b:s12+s13], $0x80, s29, s13, $0xb8;
	[tilespmem:$0x1F580] =	vst v63  }
0xc1: {  	_ =	swait.ge [sflag:s16], $0x4000  }
0xc2: {  	[sflag:s16] =	ssyncset.done $0x0  }
0xc3: {  	s5 =	simm.s32 $0x1380;
	[sflag:s16] =	ssyncadd.s32 $0xFFFFC000  }
0xc4: {  	[spmem:s2] =	stream.indirect.scatter.add.f32 [tilespmem:s15], [sflag:$0x3], $0x80, s5, s13, $0xb8;
	[tilespmem:$0x1F580] =	vst v63  }
0xc5: {  	_ =	swait.ge [sflag:s17], $0x4000  }
0xc6: {  	[sflag:s17] =	ssyncset.done $0x0  }
0xc7: {  	s6 =	simm.s32 $0x780;
	[sflag:s17] =	ssyncadd.s32 $0xFFFFC000  }
0xc8: {  	[tilespmem:s15], [sflag:$0x2] =	stream.indirect.gather [hbm4b:s12+s13], $0x80, s6, s13, $0xb8;
	[tilespmem:$0x1F580] =	vst v63  }
0xc9: {  	_ =	swait.ge [sflag:s16], $0x4000  }
0xca: {  	[sflag:s16] =	ssyncset.done $0x0  }
0xcb: {  	s9 =	simm.s32 $0x1400;
	[sflag:s16] =	ssyncadd.s32 $0xFFFFC000  }
0xcc: {  	[spmem:s2] =	stream.indirect.scatter.add.f32 [tilespmem:s14], [sflag:$0x3], $0x80, s9, s13, $0xb8;
	[tilespmem:$0x1F580] =	vst v63  }
0xcd: {  	_ =	swait.ge [sflag:s17], $0x4000  }
0xce: {  	[sflag:s17] =	ssyncset.done $0x0  }
0xcf: {  	s10 =	simm.s32 $0x800;
	[sflag:s17] =	ssyncadd.s32 $0xFFFFC000  }
0xd0: {  	[tilespmem:s14], [sflag:$0x2] =	stream.indirect.gather [hbm4b:s12+s13], $0x80, s10, s13, $0xb8;
	[tilespmem:$0x1F580] =	vst v63  }
0xd1: {  	_ =	swait.ge [sflag:s16], $0x4000  }
0xd2: {  	[sflag:s16] =	ssyncset.done $0x0  }
0xd3: {  	s11 =	simm.s32 $0x1480;
	[sflag:s16] =	ssyncadd.s32 $0xFFFFC000  }
0xd4: {  	[spmem:s2] =	stream.indirect.scatter.add.f32 [tilespmem:s15], [sflag:$0x3], $0x80, s11, s13, $0xb8;
	[tilespmem:$0x1F580] =	vst v63  }
0xd5: {  	_ =	swait.ge [sflag:s17], $0x4000  }
0xd6: {  	[sflag:s17] =	ssyncset.done $0x0  }
0xd7: {  	s19 =	simm.s32 $0x880;
	[sflag:s17] =	ssyncadd.s32 $0xFFFFC000  }
0xd8: {  	[tilespmem:s15], [sflag:$0x2] =	stream.indirect.gather [hbm4b:s12+s13], $0x80, s19, s13, $0xb8;
	[tilespmem:$0x1F580] =	vst v63  }
0xd9: {  	_ =	swait.ge [sflag:s16], $0x4000  }
0xda: {  	[sflag:s16] =	ssyncset.done $0x0  }
0xdb: {  	s20 =	simm.s32 $0x1500;
	[sflag:s16] =	ssyncadd.s32 $0xFFFFC000  }
0xdc: {  	[spmem:s2] =	stream.indirect.scatter.add.f32 [tilespmem:s14], [sflag:$0x3], $0x80, s20, s13, $0xb8;
	[tilespmem:$0x1F580] =	vst v63  }
0xdd: {  	_ =	swait.ge [sflag:s17], $0x4000  }
0xde: {  	[sflag:s17] =	ssyncset.done $0x0  }
0xdf: {  	s21 =	simm.s32 $0x900;
	[sflag:s17] =	ssyncadd.s32 $0xFFFFC000  }
0xe0: {  	[tilespmem:s14], [sflag:$0x2] =	stream.indirect.gather [hbm4b:s12+s13], $0x80, s21, s13, $0xb8;
	[tilespmem:$0x1F580] =	vst v63  }
0xe1: {  	_ =	swait.ge [sflag:s16], $0x4000  }
0xe2: {  	[sflag:s16] =	ssyncset.done $0x0  }
0xe3: {  	s22 =	simm.s32 $0x1580;
	[sflag:s16] =	ssyncadd.s32 $0xFFFFC000  }
0xe4: {  	[spmem:s2] =	stream.indirect.scatter.add.f32 [tilespmem:s15], [sflag:$0x3], $0x80, s22, s13, $0xb8;
	[tilespmem:$0x1F580] =	vst v63  }
0xe5: {  	_ =	swait.ge [sflag:s17], $0x4000  }
0xe6: {  	[sflag:s17] =	ssyncset.done $0x0  }
0xe7: {  	s26 =	simm.s32 $0x980;
	[sflag:s17] =	ssyncadd.s32 $0xFFFFC000  }
0xe8: {  	[tilespmem:s15], [sflag:$0x2] =	stream.indirect.gather [hbm4b:s12+s13], $0x80, s26, s13, $0xb8;
	[tilespmem:$0x1F580] =	vst v63  }
0xe9: {  	_ =	swait.ge [sflag:s16], $0x4000  }
0xea: {  	[sflag:s16] =	ssyncset.done $0x0  }
0xeb: {  	s28 =	simm.s32 $0x1600;
	[sflag:s16] =	ssyncadd.s32 $0xFFFFC000  }
0xec: {  	[spmem:s2] =	stream.indirect.scatter.add.f32 [tilespmem:s14], [sflag:$0x3], $0x80, s28, s13, $0xb8;
	[tilespmem:$0x1F580] =	vst v63  }
0xed: {  	_ =	swait.ge [sflag:s17], $0x4000  }
0xee: {  	[sflag:s17] =	ssyncset.done $0x0  }
0xef: {  	s29 =	simm.s32 $0xA00;
	[sflag:s17] =	ssyncadd.s32 $0xFFFFC000  }
0xf0: {  	[tilespmem:s14], [sflag:$0x2] =	stream.indirect.gather [hbm4b:s12+s13], $0x80, s29, s13, $0xb8;
	[tilespmem:$0x1F580] =	vst v63  }
0xf1: {  	_ =	swait.ge [sflag:s16], $0x4000  }
0xf2: {  	[sflag:s16] =	ssyncset.done $0x0  }
0xf3: {  	s29 =	simm.s32 $0x1680;
	[sflag:s16] =	ssyncadd.s32 $0xFFFFC000  }
0xf4: {  	[spmem:s2] =	stream.indirect.scatter.add.f32 [tilespmem:s15], [sflag:$0x3], $0x80, s29, s13, $0xb8;
	[tilespmem:$0x1F580] =	vst v63  }
0xf5: {  	_ =	swait.ge [sflag:s17], $0x4000  }
0xf6: {  	[sflag:s17] =	ssyncset.done $0x0  }
0xf7: {  	s28 =	simm.s32 $0xA80;
	[sflag:s17] =	ssyncadd.s32 $0xFFFFC000  }
0xf8: {  	[tilespmem:s15], [sflag:$0x2] =	stream.indirect.gather [hbm4b:s12+s13], $0x80, s28, s13, $0xb8;
	[tilespmem:$0x1F580] =	vst v63  }
0xf9: {  	_ =	swait.ge [sflag:s16], $0x4000  }
0xfa: {  	[sflag:s16] =	ssyncset.done $0x0  }
0xfb: {  	s26 =	simm.s32 $0x1700;
	[sflag:s16] =	ssyncadd.s32 $0xFFFFC000  }
0xfc: {  	[spmem:s2] =	stream.indirect.scatter.add.f32 [tilespmem:s14], [sflag:$0x3], $0x80, s26, s13, $0xb8;
	[tilespmem:$0x1F580] =	vst v63  }
0xfd: {  	_ =	swait.ge [sflag:s17], $0x4000  }
0xfe: {  	[sflag:s17] =	ssyncset.done $0x0  }
0xff: {  	s21 =	simm.s32 $0xB00;
	[sflag:s17] =	ssyncadd.s32 $0xFFFFC000  }
0x100: {  	[tilespmem:s14], [sflag:$0x2] =	stream.indirect.gather [hbm4b:s12+s13], $0x80, s21, s13, $0xb8;
	[tilespmem:$0x1F580] =	vst v63  }
0x101: {  	_ =	swait.ge [sflag:s16], $0x4000  }
0x102: {  	[sflag:s16] =	ssyncset.done $0x0  }
0x103: {  	s20 =	simm.s32 $0x1780;
	[sflag:s16] =	ssyncadd.s32 $0xFFFFC000  }
0x104: {  	[spmem:s2] =	stream.indirect.scatter.add.f32 [tilespmem:s15], [sflag:$0x3], $0x80, s20, s13, $0xb8;
	[tilespmem:$0x1F580] =	vst v63  }
0x105: {  	_ =	swait.ge [sflag:s17], $0x4000  }
0x106: {  	[sflag:s17] =	ssyncset.done $0x0  }
0x107: {  	s19 =	simm.s32 $0xB80;
	[sflag:s17] =	ssyncadd.s32 $0xFFFFC000  }
0x108: {  	[tilespmem:s15], [sflag:$0x2] =	stream.indirect.gather [hbm4b:s12+s13], $0x80, s19, s13, $0xb8;
	[tilespmem:$0x1F580] =	vst v63  }
0x109: {  	_ =	swait.ge [sflag:s16], $0x4000  }
0x10a: {  	[sflag:s16] =	ssyncset.done $0x0  }
0x10b: {  	s11 =	simm.s32 $0x1800;
	[sflag:s16] =	ssyncadd.s32 $0xFFFFC000  }
0x10c: {  	[spmem:s2] =	stream.indirect.scatter.add.f32 [tilespmem:s14], [sflag:$0x3], $0x80, s11, s13, $0xb8;
	[tilespmem:$0x1F580] =	vst v63  }
0x10d: {  	_ =	swait.ge [sflag:s17], $0x4000  }
0x10e: {  	[sflag:s17] =	ssyncset.done $0x0  }
0x10f: {  	s10 =	simm.s32 $0xC00;
	[sflag:s17] =	ssyncadd.s32 $0xFFFFC000  }
0x110: {  	[tilespmem:s14], [sflag:$0x2] =	stream.indirect.gather [hbm4b:s12+s13], $0x80, s10, s13, $0xb8;
	[tilespmem:$0x1F580] =	vst v63  }
0x111: {  	_ =	swait.ge [sflag:s16], $0x4000  }
0x112: {  	[sflag:s16] =	ssyncset.done $0x0  }
0x113: {  	s9 =	simm.s32 $0x1880;
	[sflag:s16] =	ssyncadd.s32 $0xFFFFC000  }
0x114: {  	[spmem:s2] =	stream.indirect.scatter.add.f32 [tilespmem:s15], [sflag:$0x3], $0x80, s9, s13, $0xb8;
	[tilespmem:$0x1F580] =	vst v63  }
0x115: {  	_ =	swait.ge [sflag:s17], $0x4000  }
0x116: {  	[sflag:s17] =	ssyncset.done $0x0  }
0x117: {  	s6 =	simm.s32 $0xC80;
	[sflag:s17] =	ssyncadd.s32 $0xFFFFC000  }
0x118: {  	[tilespmem:s15], [sflag:$0x2] =	stream.indirect.gather [hbm4b:s12+s13], $0x80, s6, s13, $0xb8;
	[tilespmem:$0x1F580] =	vst v63  }
0x119: {  	_ =	swait.ge [sflag:s16], $0x4000  }
0x11a: {  	[sflag:s16] =	ssyncset.done $0x0  }
0x11b: {  	s5 =	simm.s32 $0x1900;
	[sflag:s16] =	ssyncadd.s32 $0xFFFFC000  }
0x11c: {  	[spmem:s2] =	stream.indirect.scatter.add.f32 [tilespmem:s14], [sflag:$0x3], $0x80, s5, s13, $0xb8;
	[tilespmem:$0x1F580] =	vst v63  }
0x11d: {  	_ =	swait.ge [sflag:s16], $0x4000  }
0x11e: {  	[sflag:s16] =	ssyncset.done $0x0  }
0x11f: {  	s1 =	simm.s32 $0x1980;
	[sflag:s16] =	ssyncadd.s32 $0xFFFFC000  }
0x120: {  	[spmem:s2] =	stream.indirect.scatter.add.f32 [tilespmem:s15], [sflag:$0x3], $0x80, s1, s13, $0xb8;
	[tilespmem:$0x1F580] =	vst v63  }
0x121: {  	_ =	swait.ge [sflag:s17], $0x4000  }
0x122: {  	[sflag:s17] =	ssyncset.done $0x0  }
0x123: {  	[sflag:s17] =	ssyncadd.s32 $0xFFFFC000  }
0x124: {  	_ =	swait.ge [sflag:s17], $0x4000  }
0x125: {  	[sflag:s17] =	ssyncset.done $0x0  }
0x126: {  	s22 =	simm.s32 $0x4;
	[sflag:s17] =	ssyncadd.s32 $0xFFFFC000  }
0x127: {  	_ =	swait.ge [sflag:s22], $0xD00  }
0x128: {  	[sflag:s22] =	ssyncset.done $0x0  }
0x129: {  	[sflag:s22] =	ssyncadd.s32 $0xFFFFF300  }
0x12a: {  	_ =	swait.ge [sflag:s22], $0xD00  }
0x12b: {  	s25 =	sadd.s32 $0x340, s25;
	[sflag:s22] =	ssyncset.done $0x0  }
0x12c: {  	s23 =	sadd.s32 s23, s25;
	[sflag:s22] =	ssyncadd.s32 $0xFFFFF300  }
0x12d: {  	[tilespmem:s3], [sflag:$0x4] =	stream.linear.gather [hbm4b:s23+s3], $0xD00, $0x38;
	[tilespmem:$0x1F580] =	vst v63  }
0x12e: {  	s24 =	sadd.s32 s24, s25  }
0x12f: {  	[tilespmem:s31], [sflag:$0x4] =	stream.linear.gather [hbm4b:s24+s3], $0xD00, $0x38;
	[tilespmem:$0x1F580] =	vst v63  }
0x130: {  	_ = 	snop  }
0x131: {  	[tilespmem:s14], [sflag:$0x2] =	stream.indirect.gather [hbm4b:s12+s13], $0x80, s30, s13, $0xb8;
	[tilespmem:$0x1F580] =	vst v63  }
0x132: {  	s25 =	rddreg [dreg:$0xc]  }
0x133: {  	[tilespmem:s15], [sflag:$0x2] =	stream.indirect.gather [hbm4b:s12+s13], $0x80, s25, s13, $0xb8;
	[tilespmem:$0x1F580] =	vst v63  }
0x134: {  	_ =	swait.ge [sflag:s16], $0x4000  }
0x135: {  	[sflag:s16] =	ssyncset.done $0x0  }
0x136: {  	[sflag:s16] =	ssyncadd.s32 $0xFFFFC000  }
0x137: {  	[spmem:s2] =	stream.indirect.scatter.add.f32 [tilespmem:s14], [sflag:$0x3], $0x80, s4, s13, $0xb8;
	[tilespmem:$0x1F580] =	vst v63  }
0x138: {  	_ =	swait.ge [sflag:s17], $0x4000  }
0x139: {  	[sflag:s17] =	ssyncset.done $0x0  }
0x13a: {  	s25 =	rddreg [dreg:$0xd];
	[sflag:s17] =	ssyncadd.s32 $0xFFFFC000  }
0x13b: {  	[tilespmem:s14], [sflag:$0x2] =	stream.indirect.gather [hbm4b:s12+s13], $0x80, s25, s13, $0xb8;
	[tilespmem:$0x1F580] =	vst v63  }
0x13c: {  	_ =	swait.ge [sflag:s16], $0x4000  }
0x13d: {  	[sflag:s16] =	ssyncset.done $0x0  }
0x13e: {  	s25 =	rddreg [dreg:$0xe];
	[sflag:s16] =	ssyncadd.s32 $0xFFFFC000  }
0x13f: {  	[spmem:s2] =	stream.indirect.scatter.add.f32 [tilespmem:s15], [sflag:$0x3], $0x80, s25, s13, $0xb8;
	[tilespmem:$0x1F580] =	vst v63  }
0x140: {  	_ =	swait.ge [sflag:s17], $0x4000  }
0x141: {  	[sflag:s17] =	ssyncset.done $0x0  }
0x142: {  	s25 =	rddreg [dreg:$0xf];
	[sflag:s17] =	ssyncadd.s32 $0xFFFFC000  }
0x143: {  	[tilespmem:s15], [sflag:$0x2] =	stream.indirect.gather [hbm4b:s12+s13], $0x80, s25, s13, $0xb8;
	[tilespmem:$0x1F580] =	vst v63  }
0x144: {  	_ =	swait.ge [sflag:s16], $0x4000  }
0x145: {  	[sflag:s16] =	ssyncset.done $0x0  }
0x146: {  	s25 =	rddreg [dreg:$0x10];
	[sflag:s16] =	ssyncadd.s32 $0xFFFFC000  }
0x147: {  	[spmem:s2] =	stream.indirect.scatter.add.f32 [tilespmem:s14], [sflag:$0x3], $0x80, s25, s13, $0xb8;
	[tilespmem:$0x1F580] =	vst v63  }
0x148: {  	_ =	swait.ge [sflag:s17], $0x4000  }
0x149: {  	[sflag:s17] =	ssyncset.done $0x0  }
0x14a: {  	s25 =	rddreg [dreg:$0x11];
	[sflag:s17] =	ssyncadd.s32 $0xFFFFC000  }
0x14b: {  	[tilespmem:s14], [sflag:$0x2] =	stream.indirect.gather [hbm4b:s12+s13], $0x80, s25, s13, $0xb8;
	[tilespmem:$0x1F580] =	vst v63  }
0x14c: {  	_ =	swait.ge [sflag:s16], $0x4000  }
0x14d: {  	[sflag:s16] =	ssyncset.done $0x0  }
0x14e: {  	s25 =	rddreg [dreg:$0x12];
	[sflag:s16] =	ssyncadd.s32 $0xFFFFC000  }
0x14f: {  	[spmem:s2] =	stream.indirect.scatter.add.f32 [tilespmem:s15], [sflag:$0x3], $0x80, s25, s13, $0xb8;
	[tilespmem:$0x1F580] =	vst v63  }
0x150: {  	_ =	swait.ge [sflag:s17], $0x4000  }
0x151: {  	[sflag:s17] =	ssyncset.done $0x0  }
0x152: {  	s25 =	rddreg [dreg:$0x13];
	[sflag:s17] =	ssyncadd.s32 $0xFFFFC000  }
0x153: {  	[tilespmem:s15], [sflag:$0x2] =	stream.indirect.gather [hbm4b:s12+s13], $0x80, s25, s13, $0xb8;
	[tilespmem:$0x1F580] =	vst v63  }
0x154: {  	_ =	swait.ge [sflag:s16], $0x4000  }
0x155: {  	[sflag:s16] =	ssyncset.done $0x0  }
0x156: {  	s25 =	rddreg [dreg:$0x14];
	[sflag:s16] =	ssyncadd.s32 $0xFFFFC000  }
0x157: {  	[spmem:s2] =	stream.indirect.scatter.add.f32 [tilespmem:s14], [sflag:$0x3], $0x80, s25, s13, $0xb8;
	[tilespmem:$0x1F580] =	vst v63  }
0x158: {  	_ =	swait.ge [sflag:s17], $0x4000  }
0x159: {  	[sflag:s17] =	ssyncset.done $0x0  }
0x15a: {  	s25 =	rddreg [dreg:$0x15];
	[sflag:s17] =	ssyncadd.s32 $0xFFFFC000  }
0x15b: {  	[tilespmem:s14], [sflag:$0x2] =	stream.indirect.gather [hbm4b:s12+s13], $0x80, s25, s13, $0xb8;
	[tilespmem:$0x1F580] =	vst v63  }
0x15c: {  	_ =	swait.ge [sflag:s16], $0x4000  }
0x15d: {  	[sflag:s16] =	ssyncset.done $0x0  }
0x15e: {  	s25 =	rddreg [dreg:$0x16];
	[sflag:s16] =	ssyncadd.s32 $0xFFFFC000  }
0x15f: {  	[spmem:s2] =	stream.indirect.scatter.add.f32 [tilespmem:s15], [sflag:$0x3], $0x80, s25, s13, $0xb8;
	[tilespmem:$0x1F580] =	vst v63  }
0x160: {  	_ =	swait.ge [sflag:s17], $0x4000  }
0x161: {  	[sflag:s17] =	ssyncset.done $0x0  }
0x162: {  	s25 =	rddreg [dreg:$0x17];
	[sflag:s17] =	ssyncadd.s32 $0xFFFFC000  }
0x163: {  	[tilespmem:s15], [sflag:$0x2] =	stream.indirect.gather [hbm4b:s12+s13], $0x80, s25, s13, $0xb8;
	[tilespmem:$0x1F580] =	vst v63  }
0x164: {  	_ =	swait.ge [sflag:s16], $0x4000  }
0x165: {  	[sflag:s16] =	ssyncset.done $0x0  }
0x166: {  	s25 =	rddreg [dreg:$0x18];
	[sflag:s16] =	ssyncadd.s32 $0xFFFFC000  }
0x167: {  	[spmem:s2] =	stream.indirect.scatter.add.f32 [tilespmem:s14], [sflag:$0x3], $0x80, s25, s13, $0xb8;
	[tilespmem:$0x1F580] =	vst v63  }
0x168: {  	_ =	swait.ge [sflag:s17], $0x4000  }
0x169: {  	[sflag:s17] =	ssyncset.done $0x0  }
0x16a: {  	s25 =	rddreg [dreg:$0x19];
	[sflag:s17] =	ssyncadd.s32 $0xFFFFC000  }
0x16b: {  	[tilespmem:s14], [sflag:$0x2] =	stream.indirect.gather [hbm4b:s12+s13], $0x80, s25, s13, $0xb8;
	[tilespmem:$0x1F580] =	vst v63  }
0x16c: {  	_ =	swait.ge [sflag:s16], $0x4000  }
0x16d: {  	[sflag:s16] =	ssyncset.done $0x0  }
0x16e: {  	s25 =	rddreg [dreg:$0x1a];
	[sflag:s16] =	ssyncadd.s32 $0xFFFFC000  }
0x16f: {  	[spmem:s2] =	stream.indirect.scatter.add.f32 [tilespmem:s15], [sflag:$0x3], $0x80, s25, s13, $0xb8;
	[tilespmem:$0x1F580] =	vst v63  }
0x170: {  	_ =	swait.ge [sflag:s17], $0x4000  }
0x171: {  	[sflag:s17] =	ssyncset.done $0x0  }
0x172: {  	s25 =	rddreg [dreg:$0x1b];
	[sflag:s17] =	ssyncadd.s32 $0xFFFFC000  }
0x173: {  	[tilespmem:s15], [sflag:$0x2] =	stream.indirect.gather [hbm4b:s12+s13], $0x80, s25, s13, $0xb8;
	[tilespmem:$0x1F580] =	vst v63  }
0x174: {  	_ =	swait.ge [sflag:s16], $0x4000  }
0x175: {  	[sflag:s16] =	ssyncset.done $0x0  }
0x176: {  	s25 =	rddreg [dreg:$0x1c];
	[sflag:s16] =	ssyncadd.s32 $0xFFFFC000  }
0x177: {  	[spmem:s2] =	stream.indirect.scatter.add.f32 [tilespmem:s14], [sflag:$0x3], $0x80, s25, s13, $0xb8;
	[tilespmem:$0x1F580] =	vst v63  }
0x178: {  	_ =	swait.ge [sflag:s17], $0x4000  }
0x179: {  	[sflag:s17] =	ssyncset.done $0x0  }
0x17a: {  	s25 =	rddreg [dreg:$0x1d];
	[sflag:s17] =	ssyncadd.s32 $0xFFFFC000  }
0x17b: {  	[tilespmem:s14], [sflag:$0x2] =	stream.indirect.gather [hbm4b:s12+s13], $0x80, s25, s13, $0xb8;
	[tilespmem:$0x1F580] =	vst v63  }
0x17c: {  	_ =	swait.ge [sflag:s16], $0x4000  }
0x17d: {  	[sflag:s16] =	ssyncset.done $0x0  }
0x17e: {  	s25 =	rddreg [dreg:$0x1e];
	[sflag:s16] =	ssyncadd.s32 $0xFFFFC000  }
0x17f: {  	[spmem:s2] =	stream.indirect.scatter.add.f32 [tilespmem:s15], [sflag:$0x3], $0x80, s25, s13, $0xb8;
	[tilespmem:$0x1F580] =	vst v63  }
0x180: {  	_ =	swait.ge [sflag:s17], $0x4000  }
0x181: {  	[sflag:s17] =	ssyncset.done $0x0  }
0x182: {  	s25 =	rddreg [dreg:$0x1f];
	[sflag:s17] =	ssyncadd.s32 $0xFFFFC000  }
0x183: {  	[tilespmem:s15], [sflag:$0x2] =	stream.indirect.gather [hbm4b:s12+s13], $0x80, s25, s13, $0xb8;
	[tilespmem:$0x1F580] =	vst v63  }
0x184: {  	_ =	swait.ge [sflag:s16], $0x4000  }
0x185: {  	s25 =	sld [smem:$0x7DC]  }
0x186: {  	[sflag:s16] =	ssyncset.done $0x0  }
0x187: {  	[sflag:s16] =	ssyncadd.s32 $0xFFFFC000  }
0x188: {  	[spmem:s2] =	stream.indirect.scatter.add.f32 [tilespmem:s14], [sflag:$0x3], $0x80, s25, s13, $0xb8;
	[tilespmem:$0x1F580] =	vst v63  }
0x189: {  	_ =	swait.ge [sflag:s17], $0x4000  }
0x18a: {  	s25 =	sld [smem:$0x7DD]  }
0x18b: {  	[sflag:s17] =	ssyncset.done $0x0  }
0x18c: {  	[sflag:s17] =	ssyncadd.s32 $0xFFFFC000  }
0x18d: {  	[tilespmem:s14], [sflag:$0x2] =	stream.indirect.gather [hbm4b:s12+s13], $0x80, s25, s13, $0xb8;
	[tilespmem:$0x1F580] =	vst v63  }
0x18e: {  	_ =	swait.ge [sflag:s16], $0x4000  }
0x18f: {  	s25 =	sld [smem:$0x7DE]  }
0x190: {  	[sflag:s16] =	ssyncset.done $0x0  }
0x191: {  	[sflag:s16] =	ssyncadd.s32 $0xFFFFC000  }
0x192: {  	[spmem:s2] =	stream.indirect.scatter.add.f32 [tilespmem:s15], [sflag:$0x3], $0x80, s25, s13, $0xb8;
	[tilespmem:$0x1F580] =	vst v63  }
0x193: {  	_ =	swait.ge [sflag:s17], $0x4000  }
0x194: {  	s25 =	sld [smem:$0x7DF]  }
0x195: {  	[sflag:s17] =	ssyncset.done $0x0  }
0x196: {  	[sflag:s17] =	ssyncadd.s32 $0xFFFFC000  }
0x197: {  	[tilespmem:s15], [sflag:$0x2] =	stream.indirect.gather [hbm4b:s12+s13], $0x80, s25, s13, $0xb8;
	[tilespmem:$0x1F580] =	vst v63  }
0x198: {  	_ =	swait.ge [sflag:s16], $0x4000  }
0x199: {  	s25 =	sld [smem:$0x7E0]  }
0x19a: {  	[sflag:s16] =	ssyncset.done $0x0  }
0x19b: {  	[sflag:s16] =	ssyncadd.s32 $0xFFFFC000  }
0x19c: {  	[spmem:s2] =	stream.indirect.scatter.add.f32 [tilespmem:s14], [sflag:$0x3], $0x80, s25, s13, $0xb8;
	[tilespmem:$0x1F580] =	vst v63  }
0x19d: {  	_ =	swait.ge [sflag:s17], $0x4000  }
0x19e: {  	s25 =	sld [smem:$0x7E1]  }
0x19f: {  	[sflag:s17] =	ssyncset.done $0x0  }
0x1a0: {  	[sflag:s17] =	ssyncadd.s32 $0xFFFFC000  }
0x1a1: {  	[tilespmem:s14], [sflag:$0x2] =	stream.indirect.gather [hbm4b:s12+s13], $0x80, s25, s13, $0xb8;
	[tilespmem:$0x1F580] =	vst v63  }
0x1a2: {  	_ =	swait.ge [sflag:s16], $0x4000  }
0x1a3: {  	s25 =	sld [smem:$0x7E2]  }
0x1a4: {  	[sflag:s16] =	ssyncset.done $0x0  }
0x1a5: {  	[sflag:s16] =	ssyncadd.s32 $0xFFFFC000  }
0x1a6: {  	[spmem:s2] =	stream.indirect.scatter.add.f32 [tilespmem:s15], [sflag:$0x3], $0x80, s25, s13, $0xb8;
	[tilespmem:$0x1F580] =	vst v63  }
0x1a7: {  	_ =	swait.ge [sflag:s17], $0x4000  }
0x1a8: {  	s25 =	sld [smem:$0x7E3]  }
0x1a9: {  	[sflag:s17] =	ssyncset.done $0x0  }
0x1aa: {  	[sflag:s17] =	ssyncadd.s32 $0xFFFFC000  }
0x1ab: {  	[tilespmem:s15], [sflag:$0x2] =	stream.indirect.gather [hbm4b:s12+s13], $0x80, s25, s13, $0xb8;
	[tilespmem:$0x1F580] =	vst v63  }
0x1ac: {  	_ =	swait.ge [sflag:s16], $0x4000  }
0x1ad: {  	s25 =	sld [smem:$0x7E4]  }
0x1ae: {  	[sflag:s16] =	ssyncset.done $0x0  }
0x1af: {  	[sflag:s16] =	ssyncadd.s32 $0xFFFFC000  }
0x1b0: {  	[spmem:s2] =	stream.indirect.scatter.add.f32 [tilespmem:s14], [sflag:$0x3], $0x80, s25, s13, $0xb8;
	[tilespmem:$0x1F580] =	vst v63  }
0x1b1: {  	_ =	swait.ge [sflag:s17], $0x4000  }
0x1b2: {  	s25 =	sld [smem:$0x7E5]  }
0x1b3: {  	[sflag:s17] =	ssyncset.done $0x0  }
0x1b4: {  	[sflag:s17] =	ssyncadd.s32 $0xFFFFC000  }
0x1b5: {  	[tilespmem:s14], [sflag:$0x2] =	stream.indirect.gather [hbm4b:s12+s13], $0x80, s25, s13, $0xb8;
	[tilespmem:$0x1F580] =	vst v63  }
0x1b6: {  	_ =	swait.ge [sflag:s16], $0x4000  }
0x1b7: {  	s25 =	sld [smem:$0x7E6]  }
0x1b8: {  	[sflag:s16] =	ssyncset.done $0x0  }
0x1b9: {  	[sflag:s16] =	ssyncadd.s32 $0xFFFFC000  }
0x1ba: {  	[spmem:s2] =	stream.indirect.scatter.add.f32 [tilespmem:s15], [sflag:$0x3], $0x80, s25, s13, $0xb8;
	[tilespmem:$0x1F580] =	vst v63  }
0x1bb: {  	_ =	swait.ge [sflag:s17], $0x4000  }
0x1bc: {  	s25 =	sld [smem:$0x7E7]  }
0x1bd: {  	[sflag:s17] =	ssyncset.done $0x0  }
0x1be: {  	[sflag:s17] =	ssyncadd.s32 $0xFFFFC000  }
0x1bf: {  	[tilespmem:s15], [sflag:$0x2] =	stream.indirect.gather [hbm4b:s12+s13], $0x80, s25, s13, $0xb8;
	[tilespmem:$0x1F580] =	vst v63  }
0x1c0: {  	_ =	swait.ge [sflag:s16], $0x4000  }
0x1c1: {  	s25 =	sld [smem:$0x7E8]  }
0x1c2: {  	[sflag:s16] =	ssyncset.done $0x0  }
0x1c3: {  	[sflag:s16] =	ssyncadd.s32 $0xFFFFC000  }
0x1c4: {  	[spmem:s2] =	stream.indirect.scatter.add.f32 [tilespmem:s14], [sflag:$0x3], $0x80, s25, s13, $0xb8;
	[tilespmem:$0x1F580] =	vst v63  }
0x1c5: {  	_ =	swait.ge [sflag:s17], $0x4000  }
0x1c6: {  	s25 =	sld [smem:$0x7E9]  }
0x1c7: {  	[sflag:s17] =	ssyncset.done $0x0  }
0x1c8: {  	[sflag:s17] =	ssyncadd.s32 $0xFFFFC000  }
0x1c9: {  	[tilespmem:s14], [sflag:$0x2] =	stream.indirect.gather [hbm4b:s12+s13], $0x80, s25, s13, $0xb8;
	[tilespmem:$0x1F580] =	vst v63  }
0x1ca: {  	_ =	swait.ge [sflag:s16], $0x4000  }
0x1cb: {  	s25 =	sld [smem:$0x7EA]  }
0x1cc: {  	[sflag:s16] =	ssyncset.done $0x0  }
0x1cd: {  	[sflag:s16] =	ssyncadd.s32 $0xFFFFC000  }
0x1ce: {  	[spmem:s2] =	stream.indirect.scatter.add.f32 [tilespmem:s15], [sflag:$0x3], $0x80, s25, s13, $0xb8;
	[tilespmem:$0x1F580] =	vst v63  }
0x1cf: {  	_ =	swait.ge [sflag:s17], $0x4000  }
0x1d0: {  	s25 =	sld [smem:$0x7EB]  }
0x1d1: {  	[sflag:s17] =	ssyncset.done $0x0  }
0x1d2: {  	[sflag:s17] =	ssyncadd.s32 $0xFFFFC000  }
0x1d3: {  	[tilespmem:s15], [sflag:$0x2] =	stream.indirect.gather [hbm4b:s12+s13], $0x80, s25, s13, $0xb8;
	[tilespmem:$0x1F580] =	vst v63  }
0x1d4: {  	_ =	swait.ge [sflag:s16], $0x4000  }
0x1d5: {  	s25 =	sld [smem:$0x7EC]  }
0x1d6: {  	[sflag:s16] =	ssyncset.done $0x0  }
0x1d7: {  	[sflag:s16] =	ssyncadd.s32 $0xFFFFC000  }
0x1d8: {  	[spmem:s2] =	stream.indirect.scatter.add.f32 [tilespmem:s14], [sflag:$0x3], $0x80, s25, s13, $0xb8;
	[tilespmem:$0x1F580] =	vst v63  }
0x1d9: {  	_ =	swait.ge [sflag:s17], $0x4000  }
0x1da: {  	s25 =	sld [smem:$0x7ED]  }
0x1db: {  	[sflag:s17] =	ssyncset.done $0x0  }
0x1dc: {  	[sflag:s17] =	ssyncadd.s32 $0xFFFFC000  }
0x1dd: {  	[tilespmem:s14], [sflag:$0x2] =	stream.indirect.gather [hbm4b:s12+s13], $0x80, s25, s13, $0xb8;
	[tilespmem:$0x1F580] =	vst v63  }
0x1de: {  	_ =	swait.ge [sflag:s16], $0x4000  }
0x1df: {  	s25 =	sld [smem:$0x7EE]  }
0x1e0: {  	[sflag:s16] =	ssyncset.done $0x0  }
0x1e1: {  	[sflag:s16] =	ssyncadd.s32 $0xFFFFC000  }
0x1e2: {  	[spmem:s2] =	stream.indirect.scatter.add.f32 [tilespmem:s15], [sflag:$0x3], $0x80, s25, s13, $0xb8;
	[tilespmem:$0x1F580] =	vst v63  }
0x1e3: {  	_ =	swait.ge [sflag:s17], $0x4000  }
0x1e4: {  	s25 =	sld [smem:$0x7EF]  }
0x1e5: {  	[sflag:s17] =	ssyncset.done $0x0  }
0x1e6: {  	[sflag:s17] =	ssyncadd.s32 $0xFFFFC000  }
0x1e7: {  	[tilespmem:s15], [sflag:$0x2] =	stream.indirect.gather [hbm4b:s12+s13], $0x80, s25, s13, $0xb8;
	[tilespmem:$0x1F580] =	vst v63  }
0x1e8: {  	_ =	swait.ge [sflag:s16], $0x4000  }
0x1e9: {  	s25 =	sld [smem:$0x7F0]  }
0x1ea: {  	[sflag:s16] =	ssyncset.done $0x0  }
0x1eb: {  	[sflag:s16] =	ssyncadd.s32 $0xFFFFC000  }
0x1ec: {  	[spmem:s2] =	stream.indirect.scatter.add.f32 [tilespmem:s14], [sflag:$0x3], $0x80, s25, s13, $0xb8;
	[tilespmem:$0x1F580] =	vst v63  }
0x1ed: {  	_ =	swait.ge [sflag:s17], $0x4000  }
0x1ee: {  	s25 =	sld [smem:$0x7F1]  }
0x1ef: {  	[sflag:s17] =	ssyncset.done $0x0  }
0x1f0: {  	[sflag:s17] =	ssyncadd.s32 $0xFFFFC000  }
0x1f1: {  	[tilespmem:s14], [sflag:$0x2] =	stream.indirect.gather [hbm4b:s12+s13], $0x80, s25, s13, $0xb8;
	[tilespmem:$0x1F580] =	vst v63  }
0x1f2: {  	_ =	swait.ge [sflag:s16], $0x4000  }
0x1f3: {  	s25 =	sld [smem:$0x7F2]  }
0x1f4: {  	[sflag:s16] =	ssyncset.done $0x0  }
0x1f5: {  	[sflag:s16] =	ssyncadd.s32 $0xFFFFC000  }
0x1f6: {  	[spmem:s2] =	stream.indirect.scatter.add.f32 [tilespmem:s15], [sflag:$0x3], $0x80, s25, s13, $0xb8;
	[tilespmem:$0x1F580] =	vst v63  }
0x1f7: {  	_ =	swait.ge [sflag:s17], $0x4000  }
0x1f8: {  	s25 =	sld [smem:$0x7F3]  }
0x1f9: {  	[sflag:s17] =	ssyncset.done $0x0  }
0x1fa: {  	[sflag:s17] =	ssyncadd.s32 $0xFFFFC000  }
0x1fb: {  	[tilespmem:s15], [sflag:$0x2] =	stream.indirect.gather [hbm4b:s12+s13], $0x80, s25, s13, $0xb8;
	[tilespmem:$0x1F580] =	vst v63  }
0x1fc: {  	_ =	swait.ge [sflag:s16], $0x4000  }
0x1fd: {  	s25 =	sld [smem:$0x7F4]  }
0x1fe: {  	[sflag:s16] =	ssyncset.done $0x0  }
0x1ff: {  	[sflag:s16] =	ssyncadd.s32 $0xFFFFC000  }
0x200: {  	[spmem:s2] =	stream.indirect.scatter.add.f32 [tilespmem:s14], [sflag:$0x3], $0x80, s25, s13, $0xb8;
	[tilespmem:$0x1F580] =	vst v63  }
0x201: {  	_ =	swait.ge [sflag:s17], $0x4000  }
0x202: {  	s25 =	sld [smem:$0x7F5]  }
0x203: {  	[sflag:s17] =	ssyncset.done $0x0  }
0x204: {  	[sflag:s17] =	ssyncadd.s32 $0xFFFFC000  }
0x205: {  	[tilespmem:s14], [sflag:$0x2] =	stream.indirect.gather [hbm4b:s12+s13], $0x80, s25, s13, $0xb8;
	[tilespmem:$0x1F580] =	vst v63  }
0x206: {  	_ =	swait.ge [sflag:s16], $0x4000  }
0x207: {  	s25 =	sld [smem:$0x7F6]  }
0x208: {  	[sflag:s16] =	ssyncset.done $0x0  }
0x209: {  	[sflag:s16] =	ssyncadd.s32 $0xFFFFC000  }
0x20a: {  	[spmem:s2] =	stream.indirect.scatter.add.f32 [tilespmem:s15], [sflag:$0x3], $0x80, s25, s13, $0xb8;
	[tilespmem:$0x1F580] =	vst v63  }
0x20b: {  	_ =	swait.ge [sflag:s17], $0x4000  }
0x20c: {  	s25 =	sld [smem:$0x7F7]  }
0x20d: {  	[sflag:s17] =	ssyncset.done $0x0  }
0x20e: {  	[sflag:s17] =	ssyncadd.s32 $0xFFFFC000  }
0x20f: {  	[tilespmem:s15], [sflag:$0x2] =	stream.indirect.gather [hbm4b:s12+s13], $0x80, s25, s13, $0xb8;
	[tilespmem:$0x1F580] =	vst v63  }
0x210: {  	_ =	swait.ge [sflag:s16], $0x4000  }
0x211: {  	s25 =	sld [smem:$0x7F8]  }
0x212: {  	[sflag:s16] =	ssyncset.done $0x0  }
0x213: {  	[sflag:s16] =	ssyncadd.s32 $0xFFFFC000  }
0x214: {  	[spmem:s2] =	stream.indirect.scatter.add.f32 [tilespmem:s14], [sflag:$0x3], $0x80, s25, s13, $0xb8;
	[tilespmem:$0x1F580] =	vst v63  }
0x215: {  	_ =	swait.ge [sflag:s16], $0x4000  }
0x216: {  	s25 =	sld [smem:$0x7F9]  }
0x217: {  	[sflag:s16] =	ssyncset.done $0x0  }
0x218: {  	[sflag:s16] =	ssyncadd.s32 $0xFFFFC000  }
0x219: {  	[spmem:s2] =	stream.indirect.scatter.add.f32 [tilespmem:s15], [sflag:$0x3], $0x80, s25, s13, $0xb8;
	[tilespmem:$0x1F580] =	vst v63  }
0x21a: {  	_ =	swait.ge [sflag:s17], $0x4000  }
0x21b: {  	[sflag:s17] =	ssyncset.done $0x0  }
0x21c: {  	[sflag:s17] =	ssyncadd.s32 $0xFFFFC000  }
0x21d: {  	_ =	swait.ge [sflag:s17], $0x4000  }
0x21e: {  	[sflag:s17] =	ssyncset.done $0x0  }
0x21f: {  	[sflag:s17] =	ssyncadd.s32 $0xFFFFC000  }
0x220: {  	_ =	swait.ge [sflag:s22], $0xD00  }
0x221: {  	[sflag:s22] =	ssyncset.done $0x0  }
0x222: {  	[sflag:s22] =	ssyncadd.s32 $0xFFFFF300  }
0x223: {  	_ =	swait.ge [sflag:s22], $0xD00  }
0x224: {  	[sflag:s22] =	ssyncset.done $0x0  }
0x225: {  	[sflag:s22] =	ssyncadd.s32 $0xFFFFF300  }
0x226: {  	[tilespmem:s30], [sflag:$0x4] =	stream.linear.gather [hbm4b:s23+s3], $0xD00, $0x38;
	[tilespmem:$0x1F580] =	vst v63  }
0x227: {  	_ = 	snop  }
0x228: {  	[tilespmem:s4], [sflag:$0x4] =	stream.linear.gather [hbm4b:s24+s3], $0xD00, $0x38;
	[tilespmem:$0x1F580] =	vst v63  }
0x229: {  	[smem:$0x7FA] =	sst s23  }
0x22a: {  	[tilespmem:s14], [sflag:$0x2] =	stream.indirect.gather [hbm4b:s12+s13], $0x80, s3, s13, $0xb8;
	[tilespmem:$0x1F580] =	vst v63  }
0x22b: {  	[smem:$0x7FB] =	sst s24  }
0x22c: {  	[tilespmem:s15], [sflag:$0x2] =	stream.indirect.gather [hbm4b:s12+s13], $0x80, s13, s13, $0xb8;
	[tilespmem:$0x1F580] =	vst v63  }
0x22d: {  	_ =	swait.ge [sflag:s16], $0x4000  }
0x22e: {  	[sflag:s16] =	ssyncset.done $0x0  }
0x22f: {  	[sflag:s16] =	ssyncadd.s32 $0xFFFFC000  }
0x230: {  	[spmem:s2] =	stream.indirect.scatter.add.f32 [tilespmem:s14], [sflag:$0x3], $0x80, s31, s13, $0xb8;
	[tilespmem:$0x1F580] =	vst v63  }
0x231: {  	_ =	swait.ge [sflag:s17], $0x4000  }
0x232: {  	[sflag:s17] =	ssyncset.done $0x0  }
0x233: {  	s30 =	simm.s32 $0x100;
	[sflag:s17] =	ssyncadd.s32 $0xFFFFC000  }
0x234: {  	[tilespmem:s14], [sflag:$0x2] =	stream.indirect.gather [hbm4b:s12+s13], $0x80, s30, s13, $0xb8;
	[tilespmem:$0x1F580] =	vst v63  }
0x235: {  	_ =	swait.ge [sflag:s16], $0x4000  }
0x236: {  	[sflag:s16] =	ssyncset.done $0x0  }
0x237: {  	s23 =	simm.s32 $0xD80;
	[sflag:s16] =	ssyncadd.s32 $0xFFFFC000  }
0x238: {  	[spmem:s2] =	stream.indirect.scatter.add.f32 [tilespmem:s15], [sflag:$0x3], $0x80, s23, s13, $0xb8;
	[tilespmem:$0x1F580] =	vst v63  }
0x239: {  	_ =	swait.ge [sflag:s17], $0x4000  }
0x23a: {  	[sflag:s17] =	ssyncset.done $0x0  }
0x23b: {  	s24 =	simm.s32 $0x180;
	[sflag:s17] =	ssyncadd.s32 $0xFFFFC000  }
0x23c: {  	[tilespmem:s15], [sflag:$0x2] =	stream.indirect.gather [hbm4b:s12+s13], $0x80, s24, s13, $0xb8;
	[tilespmem:$0x1F580] =	vst v63  }
0x23d: {  	_ =	swait.ge [sflag:s16], $0x4000  }
0x23e: {  	[sflag:s16] =	ssyncset.done $0x0  }
0x23f: {  	s25 =	simm.s32 $0xE00;
	[sflag:s16] =	ssyncadd.s32 $0xFFFFC000  }
0x240: {  	[spmem:s2] =	stream.indirect.scatter.add.f32 [tilespmem:s14], [sflag:$0x3], $0x80, s25, s13, $0xb8;
	[tilespmem:$0x1F580] =	vst v63  }
0x241: {  	_ =	swait.ge [sflag:s17], $0x4000  }
0x242: {  	[sflag:s17] =	ssyncset.done $0x0  }
0x243: {  	s30 =	simm.s32 $0x200;
	[sflag:s17] =	ssyncadd.s32 $0xFFFFC000  }
0x244: {  	[tilespmem:s14], [sflag:$0x2] =	stream.indirect.gather [hbm4b:s12+s13], $0x80, s30, s13, $0xb8;
	[tilespmem:$0x1F580] =	vst v63  }
0x245: {  	_ =	swait.ge [sflag:s16], $0x4000  }
0x246: {  	[sflag:s16] =	ssyncset.done $0x0  }
0x247: {  	s23 =	simm.s32 $0xE80;
	[sflag:s16] =	ssyncadd.s32 $0xFFFFC000  }
0x248: {  	[spmem:s2] =	stream.indirect.scatter.add.f32 [tilespmem:s15], [sflag:$0x3], $0x80, s23, s13, $0xb8;
	[tilespmem:$0x1F580] =	vst v63  }
0x249: {  	_ =	swait.ge [sflag:s17], $0x4000  }
0x24a: {  	[sflag:s17] =	ssyncset.done $0x0  }
0x24b: {  	s24 =	simm.s32 $0x280;
	[sflag:s17] =	ssyncadd.s32 $0xFFFFC000  }
0x24c: {  	[tilespmem:s15], [sflag:$0x2] =	stream.indirect.gather [hbm4b:s12+s13], $0x80, s24, s13, $0xb8;
	[tilespmem:$0x1F580] =	vst v63  }
0x24d: {  	_ =	swait.ge [sflag:s16], $0x4000  }
0x24e: {  	[sflag:s16] =	ssyncset.done $0x0  }
0x24f: {  	s25 =	simm.s32 $0xF00;
	[sflag:s16] =	ssyncadd.s32 $0xFFFFC000  }
0x250: {  	[spmem:s2] =	stream.indirect.scatter.add.f32 [tilespmem:s14], [sflag:$0x3], $0x80, s25, s13, $0xb8;
	[tilespmem:$0x1F580] =	vst v63  }
0x251: {  	_ =	swait.ge [sflag:s17], $0x4000  }
0x252: {  	[sflag:s17] =	ssyncset.done $0x0  }
0x253: {  	s30 =	simm.s32 $0x300;
	[sflag:s17] =	ssyncadd.s32 $0xFFFFC000  }
0x254: {  	[tilespmem:s14], [sflag:$0x2] =	stream.indirect.gather [hbm4b:s12+s13], $0x80, s30, s13, $0xb8;
	[tilespmem:$0x1F580] =	vst v63  }
0x255: {  	_ =	swait.ge [sflag:s16], $0x4000  }
0x256: {  	[sflag:s16] =	ssyncset.done $0x0  }
0x257: {  	s23 =	simm.s32 $0xF80;
	[sflag:s16] =	ssyncadd.s32 $0xFFFFC000  }
0x258: {  	[spmem:s2] =	stream.indirect.scatter.add.f32 [tilespmem:s15], [sflag:$0x3], $0x80, s23, s13, $0xb8;
	[tilespmem:$0x1F580] =	vst v63  }
0x259: {  	_ =	swait.ge [sflag:s17], $0x4000  }
0x25a: {  	[sflag:s17] =	ssyncset.done $0x0  }
0x25b: {  	s24 =	simm.s32 $0x380;
	[sflag:s17] =	ssyncadd.s32 $0xFFFFC000  }
0x25c: {  	[tilespmem:s15], [sflag:$0x2] =	stream.indirect.gather [hbm4b:s12+s13], $0x80, s24, s13, $0xb8;
	[tilespmem:$0x1F580] =	vst v63  }
0x25d: {  	_ =	swait.ge [sflag:s16], $0x4000  }
0x25e: {  	[sflag:s16] =	ssyncset.done $0x0  }
0x25f: {  	s25 =	simm.s32 $0x1000;
	[sflag:s16] =	ssyncadd.s32 $0xFFFFC000  }
0x260: {  	[spmem:s2] =	stream.indirect.scatter.add.f32 [tilespmem:s14], [sflag:$0x3], $0x80, s25, s13, $0xb8;
	[tilespmem:$0x1F580] =	vst v63  }
0x261: {  	_ =	swait.ge [sflag:s17], $0x4000  }
0x262: {  	[sflag:s17] =	ssyncset.done $0x0  }
0x263: {  	s30 =	simm.s32 $0x400;
	[sflag:s17] =	ssyncadd.s32 $0xFFFFC000  }
0x264: {  	[tilespmem:s14], [sflag:$0x2] =	stream.indirect.gather [hbm4b:s12+s13], $0x80, s30, s13, $0xb8;
	[tilespmem:$0x1F580] =	vst v63  }
0x265: {  	_ =	swait.ge [sflag:s16], $0x4000  }
0x266: {  	[sflag:s16] =	ssyncset.done $0x0  }
0x267: {  	s23 =	simm.s32 $0x1080;
	[sflag:s16] =	ssyncadd.s32 $0xFFFFC000  }
0x268: {  	[spmem:s2] =	stream.indirect.scatter.add.f32 [tilespmem:s15], [sflag:$0x3], $0x80, s23, s13, $0xb8;
	[tilespmem:$0x1F580] =	vst v63  }
0x269: {  	_ =	swait.ge [sflag:s17], $0x4000  }
0x26a: {  	[sflag:s17] =	ssyncset.done $0x0  }
0x26b: {  	s24 =	simm.s32 $0x480;
	[sflag:s17] =	ssyncadd.s32 $0xFFFFC000  }
0x26c: {  	[tilespmem:s15], [sflag:$0x2] =	stream.indirect.gather [hbm4b:s12+s13], $0x80, s24, s13, $0xb8;
	[tilespmem:$0x1F580] =	vst v63  }
0x26d: {  	_ =	swait.ge [sflag:s16], $0x4000  }
0x26e: {  	[sflag:s16] =	ssyncset.done $0x0  }
0x26f: {  	s25 =	simm.s32 $0x1100;
	[sflag:s16] =	ssyncadd.s32 $0xFFFFC000  }
0x270: {  	[spmem:s2] =	stream.indirect.scatter.add.f32 [tilespmem:s14], [sflag:$0x3], $0x80, s25, s13, $0xb8;
	[tilespmem:$0x1F580] =	vst v63  }
0x271: {  	_ =	swait.ge [sflag:s17], $0x4000  }
0x272: {  	[sflag:s17] =	ssyncset.done $0x0  }
0x273: {  	s30 =	simm.s32 $0x500;
	[sflag:s17] =	ssyncadd.s32 $0xFFFFC000  }
0x274: {  	[tilespmem:s14], [sflag:$0x2] =	stream.indirect.gather [hbm4b:s12+s13], $0x80, s30, s13, $0xb8;
	[tilespmem:$0x1F580] =	vst v63  }
0x275: {  	_ =	swait.ge [sflag:s16], $0x4000  }
0x276: {  	[sflag:s16] =	ssyncset.done $0x0  }
0x277: {  	s23 =	simm.s32 $0x1180;
	[sflag:s16] =	ssyncadd.s32 $0xFFFFC000  }
0x278: {  	[spmem:s2] =	stream.indirect.scatter.add.f32 [tilespmem:s15], [sflag:$0x3], $0x80, s23, s13, $0xb8;
	[tilespmem:$0x1F580] =	vst v63  }
0x279: {  	_ =	swait.ge [sflag:s17], $0x4000  }
0x27a: {  	[sflag:s17] =	ssyncset.done $0x0  }
0x27b: {  	s24 =	simm.s32 $0x580;
	[sflag:s17] =	ssyncadd.s32 $0xFFFFC000  }
0x27c: {  	[tilespmem:s15], [sflag:$0x2] =	stream.indirect.gather [hbm4b:s12+s13], $0x80, s24, s13, $0xb8;
	[tilespmem:$0x1F580] =	vst v63  }
0x27d: {  	_ =	swait.ge [sflag:s16], $0x4000  }
0x27e: {  	[sflag:s16] =	ssyncset.done $0x0  }
0x27f: {  	s25 =	simm.s32 $0x1200;
	[sflag:s16] =	ssyncadd.s32 $0xFFFFC000  }
0x280: {  	[spmem:s2] =	stream.indirect.scatter.add.f32 [tilespmem:s14], [sflag:$0x3], $0x80, s25, s13, $0xb8;
	[tilespmem:$0x1F580] =	vst v63  }
0x281: {  	_ =	swait.ge [sflag:s17], $0x4000  }
0x282: {  	[sflag:s17] =	ssyncset.done $0x0  }
0x283: {  	s30 =	simm.s32 $0x600;
	[sflag:s17] =	ssyncadd.s32 $0xFFFFC000  }
0x284: {  	[tilespmem:s14], [sflag:$0x2] =	stream.indirect.gather [hbm4b:s12+s13], $0x80, s30, s13, $0xb8;
	[tilespmem:$0x1F580] =	vst v63  }
0x285: {  	_ =	swait.ge [sflag:s16], $0x4000  }
0x286: {  	[sflag:s16] =	ssyncset.done $0x0  }
0x287: {  	s23 =	simm.s32 $0x1280;
	[sflag:s16] =	ssyncadd.s32 $0xFFFFC000  }
0x288: {  	[spmem:s2] =	stream.indirect.scatter.add.f32 [tilespmem:s15], [sflag:$0x3], $0x80, s23, s13, $0xb8;
	[tilespmem:$0x1F580] =	vst v63  }
0x289: {  	_ =	swait.ge [sflag:s17], $0x4000  }
0x28a: {  	[sflag:s17] =	ssyncset.done $0x0  }
0x28b: {  	s24 =	simm.s32 $0x680;
	[sflag:s17] =	ssyncadd.s32 $0xFFFFC000  }
0x28c: {  	[tilespmem:s15], [sflag:$0x2] =	stream.indirect.gather [hbm4b:s12+s13], $0x80, s24, s13, $0xb8;
	[tilespmem:$0x1F580] =	vst v63  }
0x28d: {  	_ =	swait.ge [sflag:s16], $0x4000  }
0x28e: {  	[sflag:s16] =	ssyncset.done $0x0  }
0x28f: {  	s25 =	simm.s32 $0x1300;
	[sflag:s16] =	ssyncadd.s32 $0xFFFFC000  }
0x290: {  	[spmem:s2] =	stream.indirect.scatter.add.f32 [tilespmem:s14], [sflag:$0x3], $0x80, s25, s13, $0xb8;
	[tilespmem:$0x1F580] =	vst v63  }
0x291: {  	_ =	swait.ge [sflag:s17], $0x4000  }
0x292: {  	[sflag:s17] =	ssyncset.done $0x0  }
0x293: {  	s30 =	simm.s32 $0x700;
	[sflag:s17] =	ssyncadd.s32 $0xFFFFC000  }
0x294: {  	[tilespmem:s14], [sflag:$0x2] =	stream.indirect.gather [hbm4b:s12+s13], $0x80, s30, s13, $0xb8;
	[tilespmem:$0x1F580] =	vst v63  }
0x295: {  	_ =	swait.ge [sflag:s16], $0x4000  }
0x296: {  	[sflag:s16] =	ssyncset.done $0x0  }
0x297: {  	s23 =	simm.s32 $0x1380;
	[sflag:s16] =	ssyncadd.s32 $0xFFFFC000  }
0x298: {  	[spmem:s2] =	stream.indirect.scatter.add.f32 [tilespmem:s15], [sflag:$0x3], $0x80, s23, s13, $0xb8;
	[tilespmem:$0x1F580] =	vst v63  }
0x299: {  	_ =	swait.ge [sflag:s17], $0x4000  }
0x29a: {  	[sflag:s17] =	ssyncset.done $0x0  }
0x29b: {  	s24 =	simm.s32 $0x780;
	[sflag:s17] =	ssyncadd.s32 $0xFFFFC000  }
0x29c: {  	[tilespmem:s15], [sflag:$0x2] =	stream.indirect.gather [hbm4b:s12+s13], $0x80, s24, s13, $0xb8;
	[tilespmem:$0x1F580] =	vst v63  }
0x29d: {  	_ =	swait.ge [sflag:s16], $0x4000  }
0x29e: {  	[sflag:s16] =	ssyncset.done $0x0  }
0x29f: {  	s25 =	simm.s32 $0x1400;
	[sflag:s16] =	ssyncadd.s32 $0xFFFFC000  }
0x2a0: {  	[spmem:s2] =	stream.indirect.scatter.add.f32 [tilespmem:s14], [sflag:$0x3], $0x80, s25, s13, $0xb8;
	[tilespmem:$0x1F580] =	vst v63  }
0x2a1: {  	_ =	swait.ge [sflag:s17], $0x4000  }
0x2a2: {  	[sflag:s17] =	ssyncset.done $0x0  }
0x2a3: {  	s30 =	simm.s32 $0x800;
	[sflag:s17] =	ssyncadd.s32 $0xFFFFC000  }
0x2a4: {  	[tilespmem:s14], [sflag:$0x2] =	stream.indirect.gather [hbm4b:s12+s13], $0x80, s30, s13, $0xb8;
	[tilespmem:$0x1F580] =	vst v63  }
0x2a5: {  	_ =	swait.ge [sflag:s16], $0x4000  }
0x2a6: {  	[sflag:s16] =	ssyncset.done $0x0  }
0x2a7: {  	s23 =	simm.s32 $0x1480;
	[sflag:s16] =	ssyncadd.s32 $0xFFFFC000  }
0x2a8: {  	[spmem:s2] =	stream.indirect.scatter.add.f32 [tilespmem:s15], [sflag:$0x3], $0x80, s23, s13, $0xb8;
	[tilespmem:$0x1F580] =	vst v63  }
0x2a9: {  	_ =	swait.ge [sflag:s17], $0x4000  }
0x2aa: {  	[sflag:s17] =	ssyncset.done $0x0  }
0x2ab: {  	s24 =	simm.s32 $0x880;
	[sflag:s17] =	ssyncadd.s32 $0xFFFFC000  }
0x2ac: {  	[tilespmem:s15], [sflag:$0x2] =	stream.indirect.gather [hbm4b:s12+s13], $0x80, s24, s13, $0xb8;
	[tilespmem:$0x1F580] =	vst v63  }
0x2ad: {  	_ =	swait.ge [sflag:s16], $0x4000  }
0x2ae: {  	[sflag:s16] =	ssyncset.done $0x0  }
0x2af: {  	s25 =	simm.s32 $0x1500;
	[sflag:s16] =	ssyncadd.s32 $0xFFFFC000  }
0x2b0: {  	[spmem:s2] =	stream.indirect.scatter.add.f32 [tilespmem:s14], [sflag:$0x3], $0x80, s25, s13, $0xb8;
	[tilespmem:$0x1F580] =	vst v63  }
0x2b1: {  	_ =	swait.ge [sflag:s17], $0x4000  }
0x2b2: {  	[sflag:s17] =	ssyncset.done $0x0  }
0x2b3: {  	s30 =	simm.s32 $0x900;
	[sflag:s17] =	ssyncadd.s32 $0xFFFFC000  }
0x2b4: {  	[tilespmem:s14], [sflag:$0x2] =	stream.indirect.gather [hbm4b:s12+s13], $0x80, s30, s13, $0xb8;
	[tilespmem:$0x1F580] =	vst v63  }
0x2b5: {  	_ =	swait.ge [sflag:s16], $0x4000  }
0x2b6: {  	[sflag:s16] =	ssyncset.done $0x0  }
0x2b7: {  	s23 =	simm.s32 $0x1580;
	[sflag:s16] =	ssyncadd.s32 $0xFFFFC000  }
0x2b8: {  	[spmem:s2] =	stream.indirect.scatter.add.f32 [tilespmem:s15], [sflag:$0x3], $0x80, s23, s13, $0xb8;
	[tilespmem:$0x1F580] =	vst v63  }
0x2b9: {  	_ =	swait.ge [sflag:s17], $0x4000  }
0x2ba: {  	[sflag:s17] =	ssyncset.done $0x0  }
0x2bb: {  	s24 =	simm.s32 $0x980;
	[sflag:s17] =	ssyncadd.s32 $0xFFFFC000  }
0x2bc: {  	[tilespmem:s15], [sflag:$0x2] =	stream.indirect.gather [hbm4b:s12+s13], $0x80, s24, s13, $0xb8;
	[tilespmem:$0x1F580] =	vst v63  }
0x2bd: {  	_ =	swait.ge [sflag:s16], $0x4000  }
0x2be: {  	[sflag:s16] =	ssyncset.done $0x0  }
0x2bf: {  	s25 =	simm.s32 $0x1600;
	[sflag:s16] =	ssyncadd.s32 $0xFFFFC000  }
0x2c0: {  	[spmem:s2] =	stream.indirect.scatter.add.f32 [tilespmem:s14], [sflag:$0x3], $0x80, s25, s13, $0xb8;
	[tilespmem:$0x1F580] =	vst v63  }
0x2c1: {  	_ =	swait.ge [sflag:s17], $0x4000  }
0x2c2: {  	[sflag:s17] =	ssyncset.done $0x0  }
0x2c3: {  	s30 =	simm.s32 $0xA00;
	[sflag:s17] =	ssyncadd.s32 $0xFFFFC000  }
0x2c4: {  	[tilespmem:s14], [sflag:$0x2] =	stream.indirect.gather [hbm4b:s12+s13], $0x80, s30, s13, $0xb8;
	[tilespmem:$0x1F580] =	vst v63  }
0x2c5: {  	_ =	swait.ge [sflag:s16], $0x4000  }
0x2c6: {  	[sflag:s16] =	ssyncset.done $0x0  }
0x2c7: {  	[sflag:s16] =	ssyncadd.s32 $0xFFFFC000  }
0x2c8: {  	[spmem:s2] =	stream.indirect.scatter.add.f32 [tilespmem:s15], [sflag:$0x3], $0x80, s29, s13, $0xb8;
	[tilespmem:$0x1F580] =	vst v63  }
0x2c9: {  	_ =	swait.ge [sflag:s17], $0x4000  }
0x2ca: {  	[sflag:s17] =	ssyncset.done $0x0  }
0x2cb: {  	[sflag:s17] =	ssyncadd.s32 $0xFFFFC000  }
0x2cc: {  	[tilespmem:s15], [sflag:$0x2] =	stream.indirect.gather [hbm4b:s12+s13], $0x80, s28, s13, $0xb8;
	[tilespmem:$0x1F580] =	vst v63  }
0x2cd: {  	_ =	swait.ge [sflag:s16], $0x4000  }
0x2ce: {  	[sflag:s16] =	ssyncset.done $0x0  }
0x2cf: {  	[sflag:s16] =	ssyncadd.s32 $0xFFFFC000  }
0x2d0: {  	[spmem:s2] =	stream.indirect.scatter.add.f32 [tilespmem:s14], [sflag:$0x3], $0x80, s26, s13, $0xb8;
	[tilespmem:$0x1F580] =	vst v63  }
0x2d1: {  	_ =	swait.ge [sflag:s17], $0x4000  }
0x2d2: {  	[sflag:s17] =	ssyncset.done $0x0  }
0x2d3: {  	[sflag:s17] =	ssyncadd.s32 $0xFFFFC000  }
0x2d4: {  	[tilespmem:s14], [sflag:$0x2] =	stream.indirect.gather [hbm4b:s12+s13], $0x80, s21, s13, $0xb8;
	[tilespmem:$0x1F580] =	vst v63  }
0x2d5: {  	_ =	swait.ge [sflag:s16], $0x4000  }
0x2d6: {  	[sflag:s16] =	ssyncset.done $0x0  }
0x2d7: {  	[sflag:s16] =	ssyncadd.s32 $0xFFFFC000  }
0x2d8: {  	[spmem:s2] =	stream.indirect.scatter.add.f32 [tilespmem:s15], [sflag:$0x3], $0x80, s20, s13, $0xb8;
	[tilespmem:$0x1F580] =	vst v63  }
0x2d9: {  	_ =	swait.ge [sflag:s17], $0x4000  }
0x2da: {  	[sflag:s17] =	ssyncset.done $0x0  }
0x2db: {  	[sflag:s17] =	ssyncadd.s32 $0xFFFFC000  }
0x2dc: {  	[tilespmem:s15], [sflag:$0x2] =	stream.indirect.gather [hbm4b:s12+s13], $0x80, s19, s13, $0xb8;
	[tilespmem:$0x1F580] =	vst v63  }
0x2dd: {  	_ =	swait.ge [sflag:s16], $0x4000  }
0x2de: {  	[sflag:s16] =	ssyncset.done $0x0  }
0x2df: {  	[sflag:s16] =	ssyncadd.s32 $0xFFFFC000  }
0x2e0: {  	[spmem:s2] =	stream.indirect.scatter.add.f32 [tilespmem:s14], [sflag:$0x3], $0x80, s11, s13, $0xb8;
	[tilespmem:$0x1F580] =	vst v63  }
0x2e1: {  	_ =	swait.ge [sflag:s17], $0x4000  }
0x2e2: {  	[sflag:s17] =	ssyncset.done $0x0  }
0x2e3: {  	[sflag:s17] =	ssyncadd.s32 $0xFFFFC000  }
0x2e4: {  	[tilespmem:s14], [sflag:$0x2] =	stream.indirect.gather [hbm4b:s12+s13], $0x80, s10, s13, $0xb8;
	[tilespmem:$0x1F580] =	vst v63  }
0x2e5: {  	_ =	swait.ge [sflag:s16], $0x4000  }
0x2e6: {  	[sflag:s16] =	ssyncset.done $0x0  }
0x2e7: {  	[sflag:s16] =	ssyncadd.s32 $0xFFFFC000  }
0x2e8: {  	[spmem:s2] =	stream.indirect.scatter.add.f32 [tilespmem:s15], [sflag:$0x3], $0x80, s9, s13, $0xb8;
	[tilespmem:$0x1F580] =	vst v63  }
0x2e9: {  	_ =	swait.ge [sflag:s17], $0x4000  }
0x2ea: {  	[sflag:s17] =	ssyncset.done $0x0  }
0x2eb: {  	[sflag:s17] =	ssyncadd.s32 $0xFFFFC000  }
0x2ec: {  	[tilespmem:s15], [sflag:$0x2] =	stream.indirect.gather [hbm4b:s12+s13], $0x80, s6, s13, $0xb8;
	[tilespmem:$0x1F580] =	vst v63  }
0x2ed: {  	_ =	swait.ge [sflag:s16], $0x4000  }
0x2ee: {  	[sflag:s16] =	ssyncset.done $0x0  }
0x2ef: {  	[sflag:s16] =	ssyncadd.s32 $0xFFFFC000  }
0x2f0: {  	[spmem:s2] =	stream.indirect.scatter.add.f32 [tilespmem:s14], [sflag:$0x3], $0x80, s5, s13, $0xb8;
	[tilespmem:$0x1F580] =	vst v63  }
0x2f1: {  	_ =	swait.ge [sflag:s16], $0x4000  }
0x2f2: {  	[sflag:s16] =	ssyncset.done $0x0  }
0x2f3: {  	[sflag:s16] =	ssyncadd.s32 $0xFFFFC000  }
0x2f4: {  	[spmem:s2] =	stream.indirect.scatter.add.f32 [tilespmem:s15], [sflag:$0x3], $0x80, s1, s13, $0xb8;
	[tilespmem:$0x1F580] =	vst v63  }
0x2f5: {  	_ =	swait.ge [sflag:s17], $0x4000  }
0x2f6: {  	[sflag:s17] =	ssyncset.done $0x0  }
0x2f7: {  	[sflag:s17] =	ssyncadd.s32 $0xFFFFC000  }
0x2f8: {  	_ =	swait.ge [sflag:s17], $0x4000  }
0x2f9: {  	[sflag:s17] =	ssyncset.done $0x0  }
0x2fa: {  	[sflag:s17] =	ssyncadd.s32 $0xFFFFC000  }
0x2fb: {  	_ =	swait.ge [sflag:s22], $0xD00  }
0x2fc: {  	[sflag:s22] =	ssyncset.done $0x0  }
0x2fd: {  	[sflag:s22] =	ssyncadd.s32 $0xFFFFF300  }
0x2fe: {  	_ =	swait.ge [sflag:s22], $0xD00  }
0x2ff: {  	[sflag:s22] =	ssyncset.done $0x0  }
0x300: {  	s24 =	simm.s32 $0xB400;
	s23 =	rddreg [dreg:$0x8];
	[sflag:s22] =	ssyncadd.s32 $0xFFFFF300  }
0x301: {  	[tilespmem:s24], [sflag:$0x5] =	stream.linear.gather [hbm4b:s23+s3], $0x10, $0x38;
	[tilespmem:$0x1F580] =	vst v63  }
0x302: {  	_ =	swait.ge [sflag:s7], $0x10  }
0x303: {  	[sflag:s7] =	ssyncset.done $0x0  }
0x304: {  	s26 =	simm.s32 $0xB480;
	s25 =	rddreg [dreg:$0x9];
	[sflag:s7] =	ssyncadd.s32 $0xFFFFFFF0  }
0x305: {  	[tilespmem:s26], [sflag:$0x5] =	stream.linear.gather [hbm4b:s25+s3], $0x10, $0x38;
	[tilespmem:$0x1F580] =	vst v63  }
0x306: {  	_ =	swait.ge [sflag:s7], $0x10  }
0x307: {  	s30 =	simm.s32 $0x1;
	[sflag:s7] =	ssyncset.done $0x0  }
0x308: {  	s29 =	simm.s32 $0xB500;
	s28 =	simm.s32 $0x10;
	[sflag:s7] =	ssyncadd.s32 $0xFFFFFFF0  }
0x309: {  	[tilespmem:s29], [sflag:$0x1] =	stream.indirect.gather [hbm4b:s12+s28], $0x80, s24, s28, $0xb8;
	[tilespmem:$0x1F580] =	vst v63  }
0x30a: {  	_ =	swait.ge [sflag:s30], $0x800  }
0x30b: {  	[sflag:s30] =	ssyncset.done $0x0  }
0x30c: {  	[sflag:s30] =	ssyncadd.s32 $0xFFFFF800  }
0x30d: {  	[spmem:s2] =	stream.indirect.scatter.add.f32 [tilespmem:s29], [sflag:$0x5], $0x80, s26, s28, $0xb8;
	[tilespmem:$0x1F580] =	vst v63  }
0x30e: {  	_ =	swait.ge [sflag:s7], $0x800  }
0x30f: {  	[sflag:s7] =	ssyncset.done $0x0  }
0x310: {  	[sflag:s7] =	ssyncadd.s32 $0xFFFFF800  }
0x311: {  	[bflag:$0x0] =	sbarrier.arrive $0xFFFF  }
0x312: {  	s31 =	rddreg [dreg:$0xa]  }
0x313: {  	[smem:$0x7FC] =	sst s18  }
0x314: {  	[hbm:s31], [sflag:s8] =	dma.local [spmem:s18], $0x2700  }
0x315: {  	_ =	swait.ge [sflag:s7], $0x2700  }
0x316: {  	s1 =	sld [smem:$0x7FD]  }
0x317: {  	[sflag:s7] =	ssyncset.done $0x0  }
0x318: {  	s0 =	ssub.s32 $0x2, s0;
	s31 =	rddreg [dreg:$0xb];
	[sflag:s7] =	ssyncadd.s32 $0xFFFFD900  }
0x319: {  	[hbm:s31], [sflag:s8] =	dma.local @!p0 [spmem:s1], $0x100  }
0x31a: {  	s31 =	sshrl.u32 s0, $0x1  }
0x31b: {  	s0 =	ssub.s32 s0, s31  }
0x31c: {  	s0 =	smax.u32 s0, $0x1  }
0x31d: {  	s31 =	sadd.s32 $0xFFFFFFFF, s0  }
0x31e: {  	p1 =	sne.s32 s31, $0x0  }
.Ltmp0:
0x31f: {  	_ = 	snop;
	(pc) =	sbr.rel @!p1 .LBB2_3-.Ltmp0, $4  }
0x320: {  	_ = 	snop  }
0x321: {  	s0 =	simm.s32 @!p0 $0x5  }
0x322: {  	_ =	swait.ge @!p0 [sflag:s0], $0x100  }
0x323: {  	[sflag:s0] =	ssyncset.done @!p0 $0x0  }
0x324: {  	s30 =	simm.s32 $0xD00;
	s11 =	simm.s32 $0x1A00;
	s19 =	simm.s32 $0xD80  }
0x325: {  	s20 =	simm.s32 $0x180;
	s21 =	simm.s32 $0xE00;
	s25 =	simm.s32 $0x200  }
0x326: {  	s26 =	simm.s32 $0xE80;
	s28 =	simm.s32 $0x280;
	s29 =	simm.s32 $0xF00  }
0x327: {  	s10 =	simm.s32 $0x300;
	s23 =	simm.s32 $0x380;
	s24 =	simm.s32 $0x1000  }
.LBB2_2:
0x328: {  	s1 =	sld [smem:$0x7DB]  }
0x329: {  	s9 =	sld [smem:$0x7FC];
	_ =	sdelay $0x1  }
0x32a: {  	[sflag:s0] =	ssyncadd.s32 @!p0 $0xFFFFFF00  }
0x32b: {  	[spmem:s9], [sflag:s8] =	dma.local [hbm:s1], $0x2700  }
0x32c: {  	_ =	swait.ge [sflag:s7], $0x2700  }
0x32d: {  	[sflag:s7] =	ssyncset.done $0x0;
	s0 =	rddreg [dreg:$0x3]  }
0x32e: {  	s4 =	simm.s32 @!p0 $0x5;
	[sflag:s7] =	ssyncadd.s32 $0xFFFFD900;
	s0 =	sshrl.u32 @!p0 s0, $0x3  }
0x32f: {  	[spmem:s0], [sflag:s8] =	dma.local @!p0 [hbm:s1], $0x100  }
0x330: {  	_ =	swait.ge @!p0 [sflag:s4], $0x100  }
0x331: {  	[sflag:s4] =	ssyncset.done @!p0 $0x0  }
0x332: {  	[sflag:s4] =	ssyncadd.s32 @!p0 $0xFFFFFF00  }
0x333: {  	[bflag:$0x0] =	sbarrier.arrive $0xFFFF  }
0x334: {  	s6 =	rddreg [dreg:$0x4]  }
0x335: {  	[tilespmem:s3], [sflag:$0x5] =	stream.linear.gather [hbm4b:s6+s3], $0xD00, $0x38;
	[tilespmem:$0x1F580] =	vst v63  }
0x336: {  	_ =	swait.ge [sflag:s7], $0xD00  }
0x337: {  	[sflag:s7] =	ssyncset.done $0x0  }
0x338: {  	s18 =	rddreg [dreg:$0x5];
	[sflag:s7] =	ssyncadd.s32 $0xFFFFF300  }
0x339: {  	[tilespmem:s30], [sflag:$0x5] =	stream.linear.gather [hbm4b:s18+s3], $0xD00, $0x38;
	[tilespmem:$0x1F580] =	vst v63  }
0x33a: {  	_ =	swait.ge [sflag:s7], $0xD00  }
0x33b: {  	[sflag:s7] =	ssyncset.done $0x0  }
0x33c: {  	s4 =	rddreg [dreg:$0x6];
	[sflag:s7] =	ssyncadd.s32 $0xFFFFF300  }
0x33d: {  	[tilespmem:s11], [sflag:$0x4] =	stream.linear.gather [hbm4b:s4+s3], $0xD00, $0x38;
	[tilespmem:$0x1F580] =	vst v63  }
0x33e: {  	s18 =	rddreg [dreg:$0x7];
	s4 =	simm.s32 $0x2700  }
0x33f: {  	[tilespmem:s4], [sflag:$0x4] =	stream.linear.gather [hbm4b:s18+s3], $0xD00, $0x38;
	[tilespmem:$0x1F580] =	vst v63  }
0x340: {  	_ = 	snop  }
0x341: {  	[tilespmem:s14], [sflag:$0x2] =	stream.indirect.gather [hbm4b:s12+s13], $0x80, s3, s13, $0xb8;
	[tilespmem:$0x1F580] =	vst v63  }
0x342: {  	_ = 	snop  }
0x343: {  	[tilespmem:s15], [sflag:$0x2] =	stream.indirect.gather [hbm4b:s12+s13], $0x80, s13, s13, $0xb8;
	[tilespmem:$0x1F580] =	vst v63  }
0x344: {  	_ =	swait.ge [sflag:s16], $0x4000  }
0x345: {  	[sflag:s16] =	ssyncset.done $0x0  }
0x346: {  	[sflag:s16] =	ssyncadd.s32 $0xFFFFC000  }
0x347: {  	[spmem:s2] =	stream.indirect.scatter.add.f32 [tilespmem:s14], [sflag:$0x3], $0x80, s30, s13, $0xb8;
	[tilespmem:$0x1F580] =	vst v63  }
0x348: {  	_ =	swait.ge [sflag:s17], $0x4000  }
0x349: {  	[sflag:s17] =	ssyncset.done $0x0  }
0x34a: {  	s18 =	simm.s32 $0x100;
	[sflag:s17] =	ssyncadd.s32 $0xFFFFC000  }
0x34b: {  	[tilespmem:s14], [sflag:$0x2] =	stream.indirect.gather [hbm4b:s12+s13], $0x80, s18, s13, $0xb8;
	[tilespmem:$0x1F580] =	vst v63  }
0x34c: {  	_ =	swait.ge [sflag:s16], $0x4000  }
0x34d: {  	[sflag:s16] =	ssyncset.done $0x0  }
0x34e: {  	[sflag:s16] =	ssyncadd.s32 $0xFFFFC000  }
0x34f: {  	[spmem:s2] =	stream.indirect.scatter.add.f32 [tilespmem:s15], [sflag:$0x3], $0x80, s19, s13, $0xb8;
	[tilespmem:$0x1F580] =	vst v63  }
0x350: {  	_ =	swait.ge [sflag:s17], $0x4000  }
0x351: {  	[sflag:s17] =	ssyncset.done $0x0  }
0x352: {  	[sflag:s17] =	ssyncadd.s32 $0xFFFFC000  }
0x353: {  	[tilespmem:s15], [sflag:$0x2] =	stream.indirect.gather [hbm4b:s12+s13], $0x80, s20, s13, $0xb8;
	[tilespmem:$0x1F580] =	vst v63  }
0x354: {  	_ =	swait.ge [sflag:s16], $0x4000  }
0x355: {  	[sflag:s16] =	ssyncset.done $0x0  }
0x356: {  	[sflag:s16] =	ssyncadd.s32 $0xFFFFC000  }
0x357: {  	[spmem:s2] =	stream.indirect.scatter.add.f32 [tilespmem:s14], [sflag:$0x3], $0x80, s21, s13, $0xb8;
	[tilespmem:$0x1F580] =	vst v63  }
0x358: {  	_ =	swait.ge [sflag:s17], $0x4000  }
0x359: {  	[sflag:s17] =	ssyncset.done $0x0  }
0x35a: {  	[sflag:s17] =	ssyncadd.s32 $0xFFFFC000  }
0x35b: {  	[tilespmem:s14], [sflag:$0x2] =	stream.indirect.gather [hbm4b:s12+s13], $0x80, s25, s13, $0xb8;
	[tilespmem:$0x1F580] =	vst v63  }
0x35c: {  	_ =	swait.ge [sflag:s16], $0x4000  }
0x35d: {  	[sflag:s16] =	ssyncset.done $0x0  }
0x35e: {  	[sflag:s16] =	ssyncadd.s32 $0xFFFFC000  }
0x35f: {  	[spmem:s2] =	stream.indirect.scatter.add.f32 [tilespmem:s15], [sflag:$0x3], $0x80, s26, s13, $0xb8;
	[tilespmem:$0x1F580] =	vst v63  }
0x360: {  	_ =	swait.ge [sflag:s17], $0x4000  }
0x361: {  	[sflag:s17] =	ssyncset.done $0x0  }
0x362: {  	[sflag:s17] =	ssyncadd.s32 $0xFFFFC000  }
0x363: {  	[tilespmem:s15], [sflag:$0x2] =	stream.indirect.gather [hbm4b:s12+s13], $0x80, s28, s13, $0xb8;
	[tilespmem:$0x1F580] =	vst v63  }
0x364: {  	_ =	swait.ge [sflag:s16], $0x4000  }
0x365: {  	[sflag:s16] =	ssyncset.done $0x0  }
0x366: {  	[sflag:s16] =	ssyncadd.s32 $0xFFFFC000  }
0x367: {  	[spmem:s2] =	stream.indirect.scatter.add.f32 [tilespmem:s14], [sflag:$0x3], $0x80, s29, s13, $0xb8;
	[tilespmem:$0x1F580] =	vst v63  }
0x368: {  	_ =	swait.ge [sflag:s17], $0x4000  }
0x369: {  	[sflag:s17] =	ssyncset.done $0x0  }
0x36a: {  	[sflag:s17] =	ssyncadd.s32 $0xFFFFC000  }
0x36b: {  	[tilespmem:s14], [sflag:$0x2] =	stream.indirect.gather [hbm4b:s12+s13], $0x80, s10, s13, $0xb8;
	[tilespmem:$0x1F580] =	vst v63  }
0x36c: {  	_ =	swait.ge [sflag:s16], $0x4000  }
0x36d: {  	[sflag:s16] =	ssyncset.done $0x0  }
0x36e: {  	s5 =	simm.s32 $0xF80;
	[sflag:s16] =	ssyncadd.s32 $0xFFFFC000  }
0x36f: {  	[spmem:s2] =	stream.indirect.scatter.add.f32 [tilespmem:s15], [sflag:$0x3], $0x80, s5, s13, $0xb8;
	[tilespmem:$0x1F580] =	vst v63  }
0x370: {  	_ =	swait.ge [sflag:s17], $0x4000  }
0x371: {  	[sflag:s17] =	ssyncset.done $0x0  }
0x372: {  	[sflag:s17] =	ssyncadd.s32 $0xFFFFC000  }
0x373: {  	[tilespmem:s15], [sflag:$0x2] =	stream.indirect.gather [hbm4b:s12+s13], $0x80, s23, s13, $0xb8;
	[tilespmem:$0x1F580] =	vst v63  }
0x374: {  	_ =	swait.ge [sflag:s16], $0x4000  }
0x375: {  	[sflag:s16] =	ssyncset.done $0x0  }
0x376: {  	[sflag:s16] =	ssyncadd.s32 $0xFFFFC000  }
0x377: {  	[spmem:s2] =	stream.indirect.scatter.add.f32 [tilespmem:s14], [sflag:$0x3], $0x80, s24, s13, $0xb8;
	[tilespmem:$0x1F580] =	vst v63  }
0x378: {  	_ =	swait.ge [sflag:s17], $0x4000  }
0x379: {  	[sflag:s17] =	ssyncset.done $0x0  }
0x37a: {  	s6 =	simm.s32 $0x400;
	[sflag:s17] =	ssyncadd.s32 $0xFFFFC000  }
0x37b: {  	[tilespmem:s14], [sflag:$0x2] =	stream.indirect.gather [hbm4b:s12+s13], $0x80, s6, s13, $0xb8;
	[tilespmem:$0x1F580] =	vst v63  }
0x37c: {  	_ =	swait.ge [sflag:s16], $0x4000  }
0x37d: {  	[sflag:s16] =	ssyncset.done $0x0  }
0x37e: {  	s5 =	simm.s32 $0x1080;
	[sflag:s16] =	ssyncadd.s32 $0xFFFFC000  }
0x37f: {  	[spmem:s2] =	stream.indirect.scatter.add.f32 [tilespmem:s15], [sflag:$0x3], $0x80, s5, s13, $0xb8;
	[tilespmem:$0x1F580] =	vst v63  }
0x380: {  	_ =	swait.ge [sflag:s17], $0x4000  }
0x381: {  	[sflag:s17] =	ssyncset.done $0x0  }
0x382: {  	s6 =	simm.s32 $0x480;
	[sflag:s17] =	ssyncadd.s32 $0xFFFFC000  }
0x383: {  	[tilespmem:s15], [sflag:$0x2] =	stream.indirect.gather [hbm4b:s12+s13], $0x80, s6, s13, $0xb8;
	[tilespmem:$0x1F580] =	vst v63  }
0x384: {  	_ =	swait.ge [sflag:s16], $0x4000  }
0x385: {  	[sflag:s16] =	ssyncset.done $0x0  }
0x386: {  	s5 =	simm.s32 $0x1100;
	[sflag:s16] =	ssyncadd.s32 $0xFFFFC000  }
0x387: {  	[spmem:s2] =	stream.indirect.scatter.add.f32 [tilespmem:s14], [sflag:$0x3], $0x80, s5, s13, $0xb8;
	[tilespmem:$0x1F580] =	vst v63  }
0x388: {  	_ =	swait.ge [sflag:s17], $0x4000  }
0x389: {  	[sflag:s17] =	ssyncset.done $0x0  }
0x38a: {  	s6 =	simm.s32 $0x500;
	[sflag:s17] =	ssyncadd.s32 $0xFFFFC000  }
0x38b: {  	[tilespmem:s14], [sflag:$0x2] =	stream.indirect.gather [hbm4b:s12+s13], $0x80, s6, s13, $0xb8;
	[tilespmem:$0x1F580] =	vst v63  }
0x38c: {  	_ =	swait.ge [sflag:s16], $0x4000  }
0x38d: {  	[sflag:s16] =	ssyncset.done $0x0  }
0x38e: {  	s5 =	simm.s32 $0x1180;
	[sflag:s16] =	ssyncadd.s32 $0xFFFFC000  }
0x38f: {  	[spmem:s2] =	stream.indirect.scatter.add.f32 [tilespmem:s15], [sflag:$0x3], $0x80, s5, s13, $0xb8;
	[tilespmem:$0x1F580] =	vst v63  }
0x390: {  	_ =	swait.ge [sflag:s17], $0x4000  }
0x391: {  	[sflag:s17] =	ssyncset.done $0x0  }
0x392: {  	s6 =	simm.s32 $0x580;
	[sflag:s17] =	ssyncadd.s32 $0xFFFFC000  }
0x393: {  	[tilespmem:s15], [sflag:$0x2] =	stream.indirect.gather [hbm4b:s12+s13], $0x80, s6, s13, $0xb8;
	[tilespmem:$0x1F580] =	vst v63  }
0x394: {  	_ =	swait.ge [sflag:s16], $0x4000  }
0x395: {  	[sflag:s16] =	ssyncset.done $0x0  }
0x396: {  	s5 =	simm.s32 $0x1200;
	[sflag:s16] =	ssyncadd.s32 $0xFFFFC000  }
0x397: {  	[spmem:s2] =	stream.indirect.scatter.add.f32 [tilespmem:s14], [sflag:$0x3], $0x80, s5, s13, $0xb8;
	[tilespmem:$0x1F580] =	vst v63  }
0x398: {  	_ =	swait.ge [sflag:s17], $0x4000  }
0x399: {  	[sflag:s17] =	ssyncset.done $0x0  }
0x39a: {  	s6 =	simm.s32 $0x600;
	[sflag:s17] =	ssyncadd.s32 $0xFFFFC000  }
0x39b: {  	[tilespmem:s14], [sflag:$0x2] =	stream.indirect.gather [hbm4b:s12+s13], $0x80, s6, s13, $0xb8;
	[tilespmem:$0x1F580] =	vst v63  }
0x39c: {  	_ =	swait.ge [sflag:s16], $0x4000  }
0x39d: {  	[sflag:s16] =	ssyncset.done $0x0  }
0x39e: {  	s5 =	simm.s32 $0x1280;
	[sflag:s16] =	ssyncadd.s32 $0xFFFFC000  }
0x39f: {  	[spmem:s2] =	stream.indirect.scatter.add.f32 [tilespmem:s15], [sflag:$0x3], $0x80, s5, s13, $0xb8;
	[tilespmem:$0x1F580] =	vst v63  }
0x3a0: {  	_ =	swait.ge [sflag:s17], $0x4000  }
0x3a1: {  	[sflag:s17] =	ssyncset.done $0x0  }
0x3a2: {  	s6 =	simm.s32 $0x680;
	[sflag:s17] =	ssyncadd.s32 $0xFFFFC000  }
0x3a3: {  	[tilespmem:s15], [sflag:$0x2] =	stream.indirect.gather [hbm4b:s12+s13], $0x80, s6, s13, $0xb8;
	[tilespmem:$0x1F580] =	vst v63  }
0x3a4: {  	_ =	swait.ge [sflag:s16], $0x4000  }
0x3a5: {  	[sflag:s16] =	ssyncset.done $0x0  }
0x3a6: {  	s5 =	simm.s32 $0x1300;
	[sflag:s16] =	ssyncadd.s32 $0xFFFFC000  }
0x3a7: {  	[spmem:s2] =	stream.indirect.scatter.add.f32 [tilespmem:s14], [sflag:$0x3], $0x80, s5, s13, $0xb8;
	[tilespmem:$0x1F580] =	vst v63  }
0x3a8: {  	_ =	swait.ge [sflag:s17], $0x4000  }
0x3a9: {  	[sflag:s17] =	ssyncset.done $0x0  }
0x3aa: {  	s6 =	simm.s32 $0x700;
	[sflag:s17] =	ssyncadd.s32 $0xFFFFC000  }
0x3ab: {  	[tilespmem:s14], [sflag:$0x2] =	stream.indirect.gather [hbm4b:s12+s13], $0x80, s6, s13, $0xb8;
	[tilespmem:$0x1F580] =	vst v63  }
0x3ac: {  	_ =	swait.ge [sflag:s16], $0x4000  }
0x3ad: {  	[sflag:s16] =	ssyncset.done $0x0  }
0x3ae: {  	s5 =	simm.s32 $0x1380;
	[sflag:s16] =	ssyncadd.s32 $0xFFFFC000  }
0x3af: {  	[spmem:s2] =	stream.indirect.scatter.add.f32 [tilespmem:s15], [sflag:$0x3], $0x80, s5, s13, $0xb8;
	[tilespmem:$0x1F580] =	vst v63  }
0x3b0: {  	_ =	swait.ge [sflag:s17], $0x4000  }
0x3b1: {  	[sflag:s17] =	ssyncset.done $0x0  }
0x3b2: {  	s6 =	simm.s32 $0x780;
	[sflag:s17] =	ssyncadd.s32 $0xFFFFC000  }
0x3b3: {  	[tilespmem:s15], [sflag:$0x2] =	stream.indirect.gather [hbm4b:s12+s13], $0x80, s6, s13, $0xb8;
	[tilespmem:$0x1F580] =	vst v63  }
0x3b4: {  	_ =	swait.ge [sflag:s16], $0x4000  }
0x3b5: {  	[sflag:s16] =	ssyncset.done $0x0  }
0x3b6: {  	s5 =	simm.s32 $0x1400;
	[sflag:s16] =	ssyncadd.s32 $0xFFFFC000  }
0x3b7: {  	[spmem:s2] =	stream.indirect.scatter.add.f32 [tilespmem:s14], [sflag:$0x3], $0x80, s5, s13, $0xb8;
	[tilespmem:$0x1F580] =	vst v63  }
0x3b8: {  	_ =	swait.ge [sflag:s17], $0x4000  }
0x3b9: {  	[sflag:s17] =	ssyncset.done $0x0  }
0x3ba: {  	s6 =	simm.s32 $0x800;
	[sflag:s17] =	ssyncadd.s32 $0xFFFFC000  }
0x3bb: {  	[tilespmem:s14], [sflag:$0x2] =	stream.indirect.gather [hbm4b:s12+s13], $0x80, s6, s13, $0xb8;
	[tilespmem:$0x1F580] =	vst v63  }
0x3bc: {  	_ =	swait.ge [sflag:s16], $0x4000  }
0x3bd: {  	[sflag:s16] =	ssyncset.done $0x0  }
0x3be: {  	s5 =	simm.s32 $0x1480;
	[sflag:s16] =	ssyncadd.s32 $0xFFFFC000  }
0x3bf: {  	[spmem:s2] =	stream.indirect.scatter.add.f32 [tilespmem:s15], [sflag:$0x3], $0x80, s5, s13, $0xb8;
	[tilespmem:$0x1F580] =	vst v63  }
0x3c0: {  	_ =	swait.ge [sflag:s17], $0x4000  }
0x3c1: {  	[sflag:s17] =	ssyncset.done $0x0  }
0x3c2: {  	s6 =	simm.s32 $0x880;
	[sflag:s17] =	ssyncadd.s32 $0xFFFFC000  }
0x3c3: {  	[tilespmem:s15], [sflag:$0x2] =	stream.indirect.gather [hbm4b:s12+s13], $0x80, s6, s13, $0xb8;
	[tilespmem:$0x1F580] =	vst v63  }
0x3c4: {  	_ =	swait.ge [sflag:s16], $0x4000  }
0x3c5: {  	[sflag:s16] =	ssyncset.done $0x0  }
0x3c6: {  	s5 =	simm.s32 $0x1500;
	[sflag:s16] =	ssyncadd.s32 $0xFFFFC000  }
0x3c7: {  	[spmem:s2] =	stream.indirect.scatter.add.f32 [tilespmem:s14], [sflag:$0x3], $0x80, s5, s13, $0xb8;
	[tilespmem:$0x1F580] =	vst v63  }
0x3c8: {  	_ =	swait.ge [sflag:s17], $0x4000  }
0x3c9: {  	[sflag:s17] =	ssyncset.done $0x0  }
0x3ca: {  	s6 =	simm.s32 $0x900;
	[sflag:s17] =	ssyncadd.s32 $0xFFFFC000  }
0x3cb: {  	[tilespmem:s14], [sflag:$0x2] =	stream.indirect.gather [hbm4b:s12+s13], $0x80, s6, s13, $0xb8;
	[tilespmem:$0x1F580] =	vst v63  }
0x3cc: {  	_ =	swait.ge [sflag:s16], $0x4000  }
0x3cd: {  	[sflag:s16] =	ssyncset.done $0x0  }
0x3ce: {  	s5 =	simm.s32 $0x1580;
	[sflag:s16] =	ssyncadd.s32 $0xFFFFC000  }
0x3cf: {  	[spmem:s2] =	stream.indirect.scatter.add.f32 [tilespmem:s15], [sflag:$0x3], $0x80, s5, s13, $0xb8;
	[tilespmem:$0x1F580] =	vst v63  }
0x3d0: {  	_ =	swait.ge [sflag:s17], $0x4000  }
0x3d1: {  	[sflag:s17] =	ssyncset.done $0x0  }
0x3d2: {  	s6 =	simm.s32 $0x980;
	[sflag:s17] =	ssyncadd.s32 $0xFFFFC000  }
0x3d3: {  	[tilespmem:s15], [sflag:$0x2] =	stream.indirect.gather [hbm4b:s12+s13], $0x80, s6, s13, $0xb8;
	[tilespmem:$0x1F580] =	vst v63  }
0x3d4: {  	_ =	swait.ge [sflag:s16], $0x4000  }
0x3d5: {  	[sflag:s16] =	ssyncset.done $0x0  }
0x3d6: {  	s5 =	simm.s32 $0x1600;
	[sflag:s16] =	ssyncadd.s32 $0xFFFFC000  }
0x3d7: {  	[spmem:s2] =	stream.indirect.scatter.add.f32 [tilespmem:s14], [sflag:$0x3], $0x80, s5, s13, $0xb8;
	[tilespmem:$0x1F580] =	vst v63  }
0x3d8: {  	_ =	swait.ge [sflag:s17], $0x4000  }
0x3d9: {  	[sflag:s17] =	ssyncset.done $0x0  }
0x3da: {  	s6 =	simm.s32 $0xA00;
	[sflag:s17] =	ssyncadd.s32 $0xFFFFC000  }
0x3db: {  	[tilespmem:s14], [sflag:$0x2] =	stream.indirect.gather [hbm4b:s12+s13], $0x80, s6, s13, $0xb8;
	[tilespmem:$0x1F580] =	vst v63  }
0x3dc: {  	_ =	swait.ge [sflag:s16], $0x4000  }
0x3dd: {  	[sflag:s16] =	ssyncset.done $0x0  }
0x3de: {  	s5 =	simm.s32 $0x1680;
	[sflag:s16] =	ssyncadd.s32 $0xFFFFC000  }
0x3df: {  	[spmem:s2] =	stream.indirect.scatter.add.f32 [tilespmem:s15], [sflag:$0x3], $0x80, s5, s13, $0xb8;
	[tilespmem:$0x1F580] =	vst v63  }
0x3e0: {  	_ =	swait.ge [sflag:s17], $0x4000  }
0x3e1: {  	[sflag:s17] =	ssyncset.done $0x0  }
0x3e2: {  	s6 =	simm.s32 $0xA80;
	[sflag:s17] =	ssyncadd.s32 $0xFFFFC000  }
0x3e3: {  	[tilespmem:s15], [sflag:$0x2] =	stream.indirect.gather [hbm4b:s12+s13], $0x80, s6, s13, $0xb8;
	[tilespmem:$0x1F580] =	vst v63  }
0x3e4: {  	_ =	swait.ge [sflag:s16], $0x4000  }
0x3e5: {  	[sflag:s16] =	ssyncset.done $0x0  }
0x3e6: {  	s5 =	simm.s32 $0x1700;
	[sflag:s16] =	ssyncadd.s32 $0xFFFFC000  }
0x3e7: {  	[spmem:s2] =	stream.indirect.scatter.add.f32 [tilespmem:s14], [sflag:$0x3], $0x80, s5, s13, $0xb8;
	[tilespmem:$0x1F580] =	vst v63  }
0x3e8: {  	_ =	swait.ge [sflag:s17], $0x4000  }
0x3e9: {  	[sflag:s17] =	ssyncset.done $0x0  }
0x3ea: {  	s6 =	simm.s32 $0xB00;
	[sflag:s17] =	ssyncadd.s32 $0xFFFFC000  }
0x3eb: {  	[tilespmem:s14], [sflag:$0x2] =	stream.indirect.gather [hbm4b:s12+s13], $0x80, s6, s13, $0xb8;
	[tilespmem:$0x1F580] =	vst v63  }
0x3ec: {  	_ =	swait.ge [sflag:s16], $0x4000  }
0x3ed: {  	[sflag:s16] =	ssyncset.done $0x0  }
0x3ee: {  	s5 =	simm.s32 $0x1780;
	[sflag:s16] =	ssyncadd.s32 $0xFFFFC000  }
0x3ef: {  	[spmem:s2] =	stream.indirect.scatter.add.f32 [tilespmem:s15], [sflag:$0x3], $0x80, s5, s13, $0xb8;
	[tilespmem:$0x1F580] =	vst v63  }
0x3f0: {  	_ =	swait.ge [sflag:s17], $0x4000  }
0x3f1: {  	[sflag:s17] =	ssyncset.done $0x0  }
0x3f2: {  	s6 =	simm.s32 $0xB80;
	[sflag:s17] =	ssyncadd.s32 $0xFFFFC000  }
0x3f3: {  	[tilespmem:s15], [sflag:$0x2] =	stream.indirect.gather [hbm4b:s12+s13], $0x80, s6, s13, $0xb8;
	[tilespmem:$0x1F580] =	vst v63  }
0x3f4: {  	_ =	swait.ge [sflag:s16], $0x4000  }
0x3f5: {  	[sflag:s16] =	ssyncset.done $0x0  }
0x3f6: {  	s5 =	simm.s32 $0x1800;
	[sflag:s16] =	ssyncadd.s32 $0xFFFFC000  }
0x3f7: {  	[spmem:s2] =	stream.indirect.scatter.add.f32 [tilespmem:s14], [sflag:$0x3], $0x80, s5, s13, $0xb8;
	[tilespmem:$0x1F580] =	vst v63  }
0x3f8: {  	_ =	swait.ge [sflag:s17], $0x4000  }
0x3f9: {  	[sflag:s17] =	ssyncset.done $0x0  }
0x3fa: {  	s6 =	simm.s32 $0xC00;
	[sflag:s17] =	ssyncadd.s32 $0xFFFFC000  }
0x3fb: {  	[tilespmem:s14], [sflag:$0x2] =	stream.indirect.gather [hbm4b:s12+s13], $0x80, s6, s13, $0xb8;
	[tilespmem:$0x1F580] =	vst v63  }
0x3fc: {  	_ =	swait.ge [sflag:s16], $0x4000  }
0x3fd: {  	[sflag:s16] =	ssyncset.done $0x0  }
0x3fe: {  	s5 =	simm.s32 $0x1880;
	[sflag:s16] =	ssyncadd.s32 $0xFFFFC000  }
0x3ff: {  	[spmem:s2] =	stream.indirect.scatter.add.f32 [tilespmem:s15], [sflag:$0x3], $0x80, s5, s13, $0xb8;
	[tilespmem:$0x1F580] =	vst v63  }
0x400: {  	_ =	swait.ge [sflag:s17], $0x4000  }
0x401: {  	[sflag:s17] =	ssyncset.done $0x0  }
0x402: {  	s6 =	simm.s32 $0xC80;
	[sflag:s17] =	ssyncadd.s32 $0xFFFFC000  }
0x403: {  	[tilespmem:s15], [sflag:$0x2] =	stream.indirect.gather [hbm4b:s12+s13], $0x80, s6, s13, $0xb8;
	[tilespmem:$0x1F580] =	vst v63  }
0x404: {  	_ =	swait.ge [sflag:s16], $0x4000  }
0x405: {  	[sflag:s16] =	ssyncset.done $0x0  }
0x406: {  	s5 =	simm.s32 $0x1900;
	[sflag:s16] =	ssyncadd.s32 $0xFFFFC000  }
0x407: {  	[spmem:s2] =	stream.indirect.scatter.add.f32 [tilespmem:s14], [sflag:$0x3], $0x80, s5, s13, $0xb8;
	[tilespmem:$0x1F580] =	vst v63  }
0x408: {  	_ =	swait.ge [sflag:s16], $0x4000  }
0x409: {  	[sflag:s16] =	ssyncset.done $0x0  }
0x40a: {  	s6 =	simm.s32 $0x1980;
	[sflag:s16] =	ssyncadd.s32 $0xFFFFC000  }
0x40b: {  	[spmem:s2] =	stream.indirect.scatter.add.f32 [tilespmem:s15], [sflag:$0x3], $0x80, s6, s13, $0xb8;
	[tilespmem:$0x1F580] =	vst v63  }
0x40c: {  	_ =	swait.ge [sflag:s17], $0x4000  }
0x40d: {  	[sflag:s17] =	ssyncset.done $0x0  }
0x40e: {  	[sflag:s17] =	ssyncadd.s32 $0xFFFFC000  }
0x40f: {  	_ =	swait.ge [sflag:s17], $0x4000  }
0x410: {  	[sflag:s17] =	ssyncset.done $0x0  }
0x411: {  	[sflag:s17] =	ssyncadd.s32 $0xFFFFC000  }
0x412: {  	_ =	swait.ge [sflag:s22], $0xD00  }
0x413: {  	[sflag:s22] =	ssyncset.done $0x0  }
0x414: {  	[sflag:s22] =	ssyncadd.s32 $0xFFFFF300  }
0x415: {  	_ =	swait.ge [sflag:s22], $0xD00  }
0x416: {  	s5 =	sld [smem:$0x7FA]  }
0x417: {  	[sflag:s22] =	ssyncset.done $0x0  }
0x418: {  	s6 =	sld [smem:$0x7FB];
	[sflag:s22] =	ssyncadd.s32 $0xFFFFF300  }
0x419: {  	[tilespmem:s3], [sflag:$0x4] =	stream.linear.gather [hbm4b:s5+s3], $0xD00, $0x38;
	[tilespmem:$0x1F580] =	vst v63  }
0x41a: {  	_ = 	snop  }
0x41b: {  	[tilespmem:s30], [sflag:$0x4] =	stream.linear.gather [hbm4b:s6+s3], $0xD00, $0x38;
	[tilespmem:$0x1F580] =	vst v63  }
0x41c: {  	_ = 	snop  }
0x41d: {  	[tilespmem:s14], [sflag:$0x2] =	stream.indirect.gather [hbm4b:s12+s13], $0x80, s11, s13, $0xb8;
	[tilespmem:$0x1F580] =	vst v63  }
0x41e: {  	s1 =	rddreg [dreg:$0xc]  }
0x41f: {  	[tilespmem:s15], [sflag:$0x2] =	stream.indirect.gather [hbm4b:s12+s13], $0x80, s1, s13, $0xb8;
	[tilespmem:$0x1F580] =	vst v63  }
0x420: {  	_ =	swait.ge [sflag:s16], $0x4000  }
0x421: {  	[sflag:s16] =	ssyncset.done $0x0  }
0x422: {  	[sflag:s16] =	ssyncadd.s32 $0xFFFFC000  }
0x423: {  	[spmem:s2] =	stream.indirect.scatter.add.f32 [tilespmem:s14], [sflag:$0x3], $0x80, s4, s13, $0xb8;
	[tilespmem:$0x1F580] =	vst v63  }
0x424: {  	_ =	swait.ge [sflag:s17], $0x4000  }
0x425: {  	[sflag:s17] =	ssyncset.done $0x0  }
0x426: {  	s1 =	rddreg [dreg:$0xd];
	[sflag:s17] =	ssyncadd.s32 $0xFFFFC000  }
0x427: {  	[tilespmem:s14], [sflag:$0x2] =	stream.indirect.gather [hbm4b:s12+s13], $0x80, s1, s13, $0xb8;
	[tilespmem:$0x1F580] =	vst v63  }
0x428: {  	_ =	swait.ge [sflag:s16], $0x4000  }
0x429: {  	[sflag:s16] =	ssyncset.done $0x0  }
0x42a: {  	s1 =	rddreg [dreg:$0xe];
	[sflag:s16] =	ssyncadd.s32 $0xFFFFC000  }
0x42b: {  	[spmem:s2] =	stream.indirect.scatter.add.f32 [tilespmem:s15], [sflag:$0x3], $0x80, s1, s13, $0xb8;
	[tilespmem:$0x1F580] =	vst v63  }
0x42c: {  	_ =	swait.ge [sflag:s17], $0x4000  }
0x42d: {  	[sflag:s17] =	ssyncset.done $0x0  }
0x42e: {  	s1 =	rddreg [dreg:$0xf];
	[sflag:s17] =	ssyncadd.s32 $0xFFFFC000  }
0x42f: {  	[tilespmem:s15], [sflag:$0x2] =	stream.indirect.gather [hbm4b:s12+s13], $0x80, s1, s13, $0xb8;
	[tilespmem:$0x1F580] =	vst v63  }
0x430: {  	_ =	swait.ge [sflag:s16], $0x4000  }
0x431: {  	[sflag:s16] =	ssyncset.done $0x0  }
0x432: {  	s1 =	rddreg [dreg:$0x10];
	[sflag:s16] =	ssyncadd.s32 $0xFFFFC000  }
0x433: {  	[spmem:s2] =	stream.indirect.scatter.add.f32 [tilespmem:s14], [sflag:$0x3], $0x80, s1, s13, $0xb8;
	[tilespmem:$0x1F580] =	vst v63  }
0x434: {  	_ =	swait.ge [sflag:s17], $0x4000  }
0x435: {  	[sflag:s17] =	ssyncset.done $0x0  }
0x436: {  	s1 =	rddreg [dreg:$0x11];
	[sflag:s17] =	ssyncadd.s32 $0xFFFFC000  }
0x437: {  	[tilespmem:s14], [sflag:$0x2] =	stream.indirect.gather [hbm4b:s12+s13], $0x80, s1, s13, $0xb8;
	[tilespmem:$0x1F580] =	vst v63  }
0x438: {  	_ =	swait.ge [sflag:s16], $0x4000  }
0x439: {  	[sflag:s16] =	ssyncset.done $0x0  }
0x43a: {  	s1 =	rddreg [dreg:$0x12];
	[sflag:s16] =	ssyncadd.s32 $0xFFFFC000  }
0x43b: {  	[spmem:s2] =	stream.indirect.scatter.add.f32 [tilespmem:s15], [sflag:$0x3], $0x80, s1, s13, $0xb8;
	[tilespmem:$0x1F580] =	vst v63  }
0x43c: {  	_ =	swait.ge [sflag:s17], $0x4000  }
0x43d: {  	[sflag:s17] =	ssyncset.done $0x0  }
0x43e: {  	s1 =	rddreg [dreg:$0x13];
	[sflag:s17] =	ssyncadd.s32 $0xFFFFC000  }
0x43f: {  	[tilespmem:s15], [sflag:$0x2] =	stream.indirect.gather [hbm4b:s12+s13], $0x80, s1, s13, $0xb8;
	[tilespmem:$0x1F580] =	vst v63  }
0x440: {  	_ =	swait.ge [sflag:s16], $0x4000  }
0x441: {  	[sflag:s16] =	ssyncset.done $0x0  }
0x442: {  	s1 =	rddreg [dreg:$0x14];
	[sflag:s16] =	ssyncadd.s32 $0xFFFFC000  }
0x443: {  	[spmem:s2] =	stream.indirect.scatter.add.f32 [tilespmem:s14], [sflag:$0x3], $0x80, s1, s13, $0xb8;
	[tilespmem:$0x1F580] =	vst v63  }
0x444: {  	_ =	swait.ge [sflag:s17], $0x4000  }
0x445: {  	[sflag:s17] =	ssyncset.done $0x0  }
0x446: {  	s1 =	rddreg [dreg:$0x15];
	[sflag:s17] =	ssyncadd.s32 $0xFFFFC000  }
0x447: {  	[tilespmem:s14], [sflag:$0x2] =	stream.indirect.gather [hbm4b:s12+s13], $0x80, s1, s13, $0xb8;
	[tilespmem:$0x1F580] =	vst v63  }
0x448: {  	_ =	swait.ge [sflag:s16], $0x4000  }
0x449: {  	[sflag:s16] =	ssyncset.done $0x0  }
0x44a: {  	s1 =	rddreg [dreg:$0x16];
	[sflag:s16] =	ssyncadd.s32 $0xFFFFC000  }
0x44b: {  	[spmem:s2] =	stream.indirect.scatter.add.f32 [tilespmem:s15], [sflag:$0x3], $0x80, s1, s13, $0xb8;
	[tilespmem:$0x1F580] =	vst v63  }
0x44c: {  	_ =	swait.ge [sflag:s17], $0x4000  }
0x44d: {  	[sflag:s17] =	ssyncset.done $0x0  }
0x44e: {  	s1 =	rddreg [dreg:$0x17];
	[sflag:s17] =	ssyncadd.s32 $0xFFFFC000  }
0x44f: {  	[tilespmem:s15], [sflag:$0x2] =	stream.indirect.gather [hbm4b:s12+s13], $0x80, s1, s13, $0xb8;
	[tilespmem:$0x1F580] =	vst v63  }
0x450: {  	_ =	swait.ge [sflag:s16], $0x4000  }
0x451: {  	[sflag:s16] =	ssyncset.done $0x0  }
0x452: {  	s1 =	rddreg [dreg:$0x18];
	[sflag:s16] =	ssyncadd.s32 $0xFFFFC000  }
0x453: {  	[spmem:s2] =	stream.indirect.scatter.add.f32 [tilespmem:s14], [sflag:$0x3], $0x80, s1, s13, $0xb8;
	[tilespmem:$0x1F580] =	vst v63  }
0x454: {  	_ =	swait.ge [sflag:s17], $0x4000  }
0x455: {  	[sflag:s17] =	ssyncset.done $0x0  }
0x456: {  	s1 =	rddreg [dreg:$0x19];
	[sflag:s17] =	ssyncadd.s32 $0xFFFFC000  }
0x457: {  	[tilespmem:s14], [sflag:$0x2] =	stream.indirect.gather [hbm4b:s12+s13], $0x80, s1, s13, $0xb8;
	[tilespmem:$0x1F580] =	vst v63  }
0x458: {  	_ =	swait.ge [sflag:s16], $0x4000  }
0x459: {  	[sflag:s16] =	ssyncset.done $0x0  }
0x45a: {  	s1 =	rddreg [dreg:$0x1a];
	[sflag:s16] =	ssyncadd.s32 $0xFFFFC000  }
0x45b: {  	[spmem:s2] =	stream.indirect.scatter.add.f32 [tilespmem:s15], [sflag:$0x3], $0x80, s1, s13, $0xb8;
	[tilespmem:$0x1F580] =	vst v63  }
0x45c: {  	_ =	swait.ge [sflag:s17], $0x4000  }
0x45d: {  	[sflag:s17] =	ssyncset.done $0x0  }
0x45e: {  	s1 =	rddreg [dreg:$0x1b];
	[sflag:s17] =	ssyncadd.s32 $0xFFFFC000  }
0x45f: {  	[tilespmem:s15], [sflag:$0x2] =	stream.indirect.gather [hbm4b:s12+s13], $0x80, s1, s13, $0xb8;
	[tilespmem:$0x1F580] =	vst v63  }
0x460: {  	_ =	swait.ge [sflag:s16], $0x4000  }
0x461: {  	[sflag:s16] =	ssyncset.done $0x0  }
0x462: {  	s1 =	rddreg [dreg:$0x1c];
	[sflag:s16] =	ssyncadd.s32 $0xFFFFC000  }
0x463: {  	[spmem:s2] =	stream.indirect.scatter.add.f32 [tilespmem:s14], [sflag:$0x3], $0x80, s1, s13, $0xb8;
	[tilespmem:$0x1F580] =	vst v63  }
0x464: {  	_ =	swait.ge [sflag:s17], $0x4000  }
0x465: {  	[sflag:s17] =	ssyncset.done $0x0  }
0x466: {  	s1 =	rddreg [dreg:$0x1d];
	[sflag:s17] =	ssyncadd.s32 $0xFFFFC000  }
0x467: {  	[tilespmem:s14], [sflag:$0x2] =	stream.indirect.gather [hbm4b:s12+s13], $0x80, s1, s13, $0xb8;
	[tilespmem:$0x1F580] =	vst v63  }
0x468: {  	_ =	swait.ge [sflag:s16], $0x4000  }
0x469: {  	[sflag:s16] =	ssyncset.done $0x0  }
0x46a: {  	s1 =	rddreg [dreg:$0x1e];
	[sflag:s16] =	ssyncadd.s32 $0xFFFFC000  }
0x46b: {  	[spmem:s2] =	stream.indirect.scatter.add.f32 [tilespmem:s15], [sflag:$0x3], $0x80, s1, s13, $0xb8;
	[tilespmem:$0x1F580] =	vst v63  }
0x46c: {  	_ =	swait.ge [sflag:s17], $0x4000  }
0x46d: {  	[sflag:s17] =	ssyncset.done $0x0  }
0x46e: {  	s1 =	rddreg [dreg:$0x1f];
	[sflag:s17] =	ssyncadd.s32 $0xFFFFC000  }
0x46f: {  	[tilespmem:s15], [sflag:$0x2] =	stream.indirect.gather [hbm4b:s12+s13], $0x80, s1, s13, $0xb8;
	[tilespmem:$0x1F580] =	vst v63  }
0x470: {  	_ =	swait.ge [sflag:s16], $0x4000  }
0x471: {  	s1 =	sld [smem:$0x7DC]  }
0x472: {  	[sflag:s16] =	ssyncset.done $0x0  }
0x473: {  	[sflag:s16] =	ssyncadd.s32 $0xFFFFC000  }
0x474: {  	[spmem:s2] =	stream.indirect.scatter.add.f32 [tilespmem:s14], [sflag:$0x3], $0x80, s1, s13, $0xb8;
	[tilespmem:$0x1F580] =	vst v63  }
0x475: {  	_ =	swait.ge [sflag:s17], $0x4000  }
0x476: {  	s1 =	sld [smem:$0x7DD]  }
0x477: {  	[sflag:s17] =	ssyncset.done $0x0  }
0x478: {  	[sflag:s17] =	ssyncadd.s32 $0xFFFFC000  }
0x479: {  	[tilespmem:s14], [sflag:$0x2] =	stream.indirect.gather [hbm4b:s12+s13], $0x80, s1, s13, $0xb8;
	[tilespmem:$0x1F580] =	vst v63  }
0x47a: {  	_ =	swait.ge [sflag:s16], $0x4000  }
0x47b: {  	s1 =	sld [smem:$0x7DE]  }
0x47c: {  	[sflag:s16] =	ssyncset.done $0x0  }
0x47d: {  	[sflag:s16] =	ssyncadd.s32 $0xFFFFC000  }
0x47e: {  	[spmem:s2] =	stream.indirect.scatter.add.f32 [tilespmem:s15], [sflag:$0x3], $0x80, s1, s13, $0xb8;
	[tilespmem:$0x1F580] =	vst v63  }
0x47f: {  	_ =	swait.ge [sflag:s17], $0x4000  }
0x480: {  	s1 =	sld [smem:$0x7DF]  }
0x481: {  	[sflag:s17] =	ssyncset.done $0x0  }
0x482: {  	[sflag:s17] =	ssyncadd.s32 $0xFFFFC000  }
0x483: {  	[tilespmem:s15], [sflag:$0x2] =	stream.indirect.gather [hbm4b:s12+s13], $0x80, s1, s13, $0xb8;
	[tilespmem:$0x1F580] =	vst v63  }
0x484: {  	_ =	swait.ge [sflag:s16], $0x4000  }
0x485: {  	s1 =	sld [smem:$0x7E0]  }
0x486: {  	[sflag:s16] =	ssyncset.done $0x0  }
0x487: {  	[sflag:s16] =	ssyncadd.s32 $0xFFFFC000  }
0x488: {  	[spmem:s2] =	stream.indirect.scatter.add.f32 [tilespmem:s14], [sflag:$0x3], $0x80, s1, s13, $0xb8;
	[tilespmem:$0x1F580] =	vst v63  }
0x489: {  	_ =	swait.ge [sflag:s17], $0x4000  }
0x48a: {  	s1 =	sld [smem:$0x7E1]  }
0x48b: {  	[sflag:s17] =	ssyncset.done $0x0  }
0x48c: {  	[sflag:s17] =	ssyncadd.s32 $0xFFFFC000  }
0x48d: {  	[tilespmem:s14], [sflag:$0x2] =	stream.indirect.gather [hbm4b:s12+s13], $0x80, s1, s13, $0xb8;
	[tilespmem:$0x1F580] =	vst v63  }
0x48e: {  	_ =	swait.ge [sflag:s16], $0x4000  }
0x48f: {  	s1 =	sld [smem:$0x7E2]  }
0x490: {  	[sflag:s16] =	ssyncset.done $0x0  }
0x491: {  	[sflag:s16] =	ssyncadd.s32 $0xFFFFC000  }
0x492: {  	[spmem:s2] =	stream.indirect.scatter.add.f32 [tilespmem:s15], [sflag:$0x3], $0x80, s1, s13, $0xb8;
	[tilespmem:$0x1F580] =	vst v63  }
0x493: {  	_ =	swait.ge [sflag:s17], $0x4000  }
0x494: {  	s1 =	sld [smem:$0x7E3]  }
0x495: {  	[sflag:s17] =	ssyncset.done $0x0  }
0x496: {  	[sflag:s17] =	ssyncadd.s32 $0xFFFFC000  }
0x497: {  	[tilespmem:s15], [sflag:$0x2] =	stream.indirect.gather [hbm4b:s12+s13], $0x80, s1, s13, $0xb8;
	[tilespmem:$0x1F580] =	vst v63  }
0x498: {  	_ =	swait.ge [sflag:s16], $0x4000  }
0x499: {  	s1 =	sld [smem:$0x7E4]  }
0x49a: {  	[sflag:s16] =	ssyncset.done $0x0  }
0x49b: {  	[sflag:s16] =	ssyncadd.s32 $0xFFFFC000  }
0x49c: {  	[spmem:s2] =	stream.indirect.scatter.add.f32 [tilespmem:s14], [sflag:$0x3], $0x80, s1, s13, $0xb8;
	[tilespmem:$0x1F580] =	vst v63  }
0x49d: {  	_ =	swait.ge [sflag:s17], $0x4000  }
0x49e: {  	s1 =	sld [smem:$0x7E5]  }
0x49f: {  	[sflag:s17] =	ssyncset.done $0x0  }
0x4a0: {  	[sflag:s17] =	ssyncadd.s32 $0xFFFFC000  }
0x4a1: {  	[tilespmem:s14], [sflag:$0x2] =	stream.indirect.gather [hbm4b:s12+s13], $0x80, s1, s13, $0xb8;
	[tilespmem:$0x1F580] =	vst v63  }
0x4a2: {  	_ =	swait.ge [sflag:s16], $0x4000  }
0x4a3: {  	s1 =	sld [smem:$0x7E6]  }
0x4a4: {  	[sflag:s16] =	ssyncset.done $0x0  }
0x4a5: {  	[sflag:s16] =	ssyncadd.s32 $0xFFFFC000  }
0x4a6: {  	[spmem:s2] =	stream.indirect.scatter.add.f32 [tilespmem:s15], [sflag:$0x3], $0x80, s1, s13, $0xb8;
	[tilespmem:$0x1F580] =	vst v63  }
0x4a7: {  	_ =	swait.ge [sflag:s17], $0x4000  }
0x4a8: {  	s1 =	sld [smem:$0x7E7]  }
0x4a9: {  	[sflag:s17] =	ssyncset.done $0x0  }
0x4aa: {  	[sflag:s17] =	ssyncadd.s32 $0xFFFFC000  }
0x4ab: {  	[tilespmem:s15], [sflag:$0x2] =	stream.indirect.gather [hbm4b:s12+s13], $0x80, s1, s13, $0xb8;
	[tilespmem:$0x1F580] =	vst v63  }
0x4ac: {  	_ =	swait.ge [sflag:s16], $0x4000  }
0x4ad: {  	s1 =	sld [smem:$0x7E8]  }
0x4ae: {  	[sflag:s16] =	ssyncset.done $0x0  }
0x4af: {  	[sflag:s16] =	ssyncadd.s32 $0xFFFFC000  }
0x4b0: {  	[spmem:s2] =	stream.indirect.scatter.add.f32 [tilespmem:s14], [sflag:$0x3], $0x80, s1, s13, $0xb8;
	[tilespmem:$0x1F580] =	vst v63  }
0x4b1: {  	_ =	swait.ge [sflag:s17], $0x4000  }
0x4b2: {  	s1 =	sld [smem:$0x7E9]  }
0x4b3: {  	[sflag:s17] =	ssyncset.done $0x0  }
0x4b4: {  	[sflag:s17] =	ssyncadd.s32 $0xFFFFC000  }
0x4b5: {  	[tilespmem:s14], [sflag:$0x2] =	stream.indirect.gather [hbm4b:s12+s13], $0x80, s1, s13, $0xb8;
	[tilespmem:$0x1F580] =	vst v63  }
0x4b6: {  	_ =	swait.ge [sflag:s16], $0x4000  }
0x4b7: {  	s1 =	sld [smem:$0x7EA]  }
0x4b8: {  	[sflag:s16] =	ssyncset.done $0x0  }
0x4b9: {  	[sflag:s16] =	ssyncadd.s32 $0xFFFFC000  }
0x4ba: {  	[spmem:s2] =	stream.indirect.scatter.add.f32 [tilespmem:s15], [sflag:$0x3], $0x80, s1, s13, $0xb8;
	[tilespmem:$0x1F580] =	vst v63  }
0x4bb: {  	_ =	swait.ge [sflag:s17], $0x4000  }
0x4bc: {  	s1 =	sld [smem:$0x7EB]  }
0x4bd: {  	[sflag:s17] =	ssyncset.done $0x0  }
0x4be: {  	[sflag:s17] =	ssyncadd.s32 $0xFFFFC000  }
0x4bf: {  	[tilespmem:s15], [sflag:$0x2] =	stream.indirect.gather [hbm4b:s12+s13], $0x80, s1, s13, $0xb8;
	[tilespmem:$0x1F580] =	vst v63  }
0x4c0: {  	_ =	swait.ge [sflag:s16], $0x4000  }
0x4c1: {  	s1 =	sld [smem:$0x7EC]  }
0x4c2: {  	[sflag:s16] =	ssyncset.done $0x0  }
0x4c3: {  	[sflag:s16] =	ssyncadd.s32 $0xFFFFC000  }
0x4c4: {  	[spmem:s2] =	stream.indirect.scatter.add.f32 [tilespmem:s14], [sflag:$0x3], $0x80, s1, s13, $0xb8;
	[tilespmem:$0x1F580] =	vst v63  }
0x4c5: {  	_ =	swait.ge [sflag:s17], $0x4000  }
0x4c6: {  	s1 =	sld [smem:$0x7ED]  }
0x4c7: {  	[sflag:s17] =	ssyncset.done $0x0  }
0x4c8: {  	[sflag:s17] =	ssyncadd.s32 $0xFFFFC000  }
0x4c9: {  	[tilespmem:s14], [sflag:$0x2] =	stream.indirect.gather [hbm4b:s12+s13], $0x80, s1, s13, $0xb8;
	[tilespmem:$0x1F580] =	vst v63  }
0x4ca: {  	_ =	swait.ge [sflag:s16], $0x4000  }
0x4cb: {  	s1 =	sld [smem:$0x7EE]  }
0x4cc: {  	[sflag:s16] =	ssyncset.done $0x0  }
0x4cd: {  	[sflag:s16] =	ssyncadd.s32 $0xFFFFC000  }
0x4ce: {  	[spmem:s2] =	stream.indirect.scatter.add.f32 [tilespmem:s15], [sflag:$0x3], $0x80, s1, s13, $0xb8;
	[tilespmem:$0x1F580] =	vst v63  }
0x4cf: {  	_ =	swait.ge [sflag:s17], $0x4000  }
0x4d0: {  	s1 =	sld [smem:$0x7EF]  }
0x4d1: {  	[sflag:s17] =	ssyncset.done $0x0  }
0x4d2: {  	[sflag:s17] =	ssyncadd.s32 $0xFFFFC000  }
0x4d3: {  	[tilespmem:s15], [sflag:$0x2] =	stream.indirect.gather [hbm4b:s12+s13], $0x80, s1, s13, $0xb8;
	[tilespmem:$0x1F580] =	vst v63  }
0x4d4: {  	_ =	swait.ge [sflag:s16], $0x4000  }
0x4d5: {  	s1 =	sld [smem:$0x7F0]  }
0x4d6: {  	[sflag:s16] =	ssyncset.done $0x0  }
0x4d7: {  	[sflag:s16] =	ssyncadd.s32 $0xFFFFC000  }
0x4d8: {  	[spmem:s2] =	stream.indirect.scatter.add.f32 [tilespmem:s14], [sflag:$0x3], $0x80, s1, s13, $0xb8;
	[tilespmem:$0x1F580] =	vst v63  }
0x4d9: {  	_ =	swait.ge [sflag:s17], $0x4000  }
0x4da: {  	s1 =	sld [smem:$0x7F1]  }
0x4db: {  	[sflag:s17] =	ssyncset.done $0x0  }
0x4dc: {  	[sflag:s17] =	ssyncadd.s32 $0xFFFFC000  }
0x4dd: {  	[tilespmem:s14], [sflag:$0x2] =	stream.indirect.gather [hbm4b:s12+s13], $0x80, s1, s13, $0xb8;
	[tilespmem:$0x1F580] =	vst v63  }
0x4de: {  	_ =	swait.ge [sflag:s16], $0x4000  }
0x4df: {  	s1 =	sld [smem:$0x7F2]  }
0x4e0: {  	[sflag:s16] =	ssyncset.done $0x0  }
0x4e1: {  	[sflag:s16] =	ssyncadd.s32 $0xFFFFC000  }
0x4e2: {  	[spmem:s2] =	stream.indirect.scatter.add.f32 [tilespmem:s15], [sflag:$0x3], $0x80, s1, s13, $0xb8;
	[tilespmem:$0x1F580] =	vst v63  }
0x4e3: {  	_ =	swait.ge [sflag:s17], $0x4000  }
0x4e4: {  	s1 =	sld [smem:$0x7F3]  }
0x4e5: {  	[sflag:s17] =	ssyncset.done $0x0  }
0x4e6: {  	[sflag:s17] =	ssyncadd.s32 $0xFFFFC000  }
0x4e7: {  	[tilespmem:s15], [sflag:$0x2] =	stream.indirect.gather [hbm4b:s12+s13], $0x80, s1, s13, $0xb8;
	[tilespmem:$0x1F580] =	vst v63  }
0x4e8: {  	_ =	swait.ge [sflag:s16], $0x4000  }
0x4e9: {  	s1 =	sld [smem:$0x7F4]  }
0x4ea: {  	[sflag:s16] =	ssyncset.done $0x0  }
0x4eb: {  	[sflag:s16] =	ssyncadd.s32 $0xFFFFC000  }
0x4ec: {  	[spmem:s2] =	stream.indirect.scatter.add.f32 [tilespmem:s14], [sflag:$0x3], $0x80, s1, s13, $0xb8;
	[tilespmem:$0x1F580] =	vst v63  }
0x4ed: {  	_ =	swait.ge [sflag:s17], $0x4000  }
0x4ee: {  	s1 =	sld [smem:$0x7F5]  }
0x4ef: {  	[sflag:s17] =	ssyncset.done $0x0  }
0x4f0: {  	[sflag:s17] =	ssyncadd.s32 $0xFFFFC000  }
0x4f1: {  	[tilespmem:s14], [sflag:$0x2] =	stream.indirect.gather [hbm4b:s12+s13], $0x80, s1, s13, $0xb8;
	[tilespmem:$0x1F580] =	vst v63  }
0x4f2: {  	_ =	swait.ge [sflag:s16], $0x4000  }
0x4f3: {  	s1 =	sld [smem:$0x7F6]  }
0x4f4: {  	[sflag:s16] =	ssyncset.done $0x0  }
0x4f5: {  	[sflag:s16] =	ssyncadd.s32 $0xFFFFC000  }
0x4f6: {  	[spmem:s2] =	stream.indirect.scatter.add.f32 [tilespmem:s15], [sflag:$0x3], $0x80, s1, s13, $0xb8;
	[tilespmem:$0x1F580] =	vst v63  }
0x4f7: {  	_ =	swait.ge [sflag:s17], $0x4000  }
0x4f8: {  	s1 =	sld [smem:$0x7F7]  }
0x4f9: {  	[sflag:s17] =	ssyncset.done $0x0  }
0x4fa: {  	[sflag:s17] =	ssyncadd.s32 $0xFFFFC000  }
0x4fb: {  	[tilespmem:s15], [sflag:$0x2] =	stream.indirect.gather [hbm4b:s12+s13], $0x80, s1, s13, $0xb8;
	[tilespmem:$0x1F580] =	vst v63  }
0x4fc: {  	_ =	swait.ge [sflag:s16], $0x4000  }
0x4fd: {  	s1 =	sld [smem:$0x7F8]  }
0x4fe: {  	[sflag:s16] =	ssyncset.done $0x0  }
0x4ff: {  	[sflag:s16] =	ssyncadd.s32 $0xFFFFC000  }
0x500: {  	[spmem:s2] =	stream.indirect.scatter.add.f32 [tilespmem:s14], [sflag:$0x3], $0x80, s1, s13, $0xb8;
	[tilespmem:$0x1F580] =	vst v63  }
0x501: {  	_ =	swait.ge [sflag:s16], $0x4000  }
0x502: {  	s1 =	sld [smem:$0x7F9]  }
0x503: {  	[sflag:s16] =	ssyncset.done $0x0  }
0x504: {  	[sflag:s16] =	ssyncadd.s32 $0xFFFFC000  }
0x505: {  	[spmem:s2] =	stream.indirect.scatter.add.f32 [tilespmem:s15], [sflag:$0x3], $0x80, s1, s13, $0xb8;
	[tilespmem:$0x1F580] =	vst v63  }
0x506: {  	_ =	swait.ge [sflag:s17], $0x4000  }
0x507: {  	[sflag:s17] =	ssyncset.done $0x0  }
0x508: {  	[sflag:s17] =	ssyncadd.s32 $0xFFFFC000  }
0x509: {  	_ =	swait.ge [sflag:s17], $0x4000  }
0x50a: {  	[sflag:s17] =	ssyncset.done $0x0  }
0x50b: {  	[sflag:s17] =	ssyncadd.s32 $0xFFFFC000  }
0x50c: {  	_ =	swait.ge [sflag:s22], $0xD00  }
0x50d: {  	[sflag:s22] =	ssyncset.done $0x0  }
0x50e: {  	[sflag:s22] =	ssyncadd.s32 $0xFFFFF300  }
0x50f: {  	_ =	swait.ge [sflag:s22], $0xD00  }
0x510: {  	[sflag:s22] =	ssyncset.done $0x0  }
0x511: {  	[sflag:s22] =	ssyncadd.s32 $0xFFFFF300  }
0x512: {  	[tilespmem:s11], [sflag:$0x4] =	stream.linear.gather [hbm4b:s5+s3], $0xD00, $0x38;
	[tilespmem:$0x1F580] =	vst v63  }
0x513: {  	_ = 	snop  }
0x514: {  	[tilespmem:s4], [sflag:$0x4] =	stream.linear.gather [hbm4b:s6+s3], $0xD00, $0x38;
	[tilespmem:$0x1F580] =	vst v63  }
0x515: {  	_ = 	snop  }
0x516: {  	[tilespmem:s14], [sflag:$0x2] =	stream.indirect.gather [hbm4b:s12+s13], $0x80, s3, s13, $0xb8;
	[tilespmem:$0x1F580] =	vst v63  }
0x517: {  	_ = 	snop  }
0x518: {  	[tilespmem:s15], [sflag:$0x2] =	stream.indirect.gather [hbm4b:s12+s13], $0x80, s13, s13, $0xb8;
	[tilespmem:$0x1F580] =	vst v63  }
0x519: {  	_ =	swait.ge [sflag:s16], $0x4000  }
0x51a: {  	[sflag:s16] =	ssyncset.done $0x0  }
0x51b: {  	[sflag:s16] =	ssyncadd.s32 $0xFFFFC000  }
0x51c: {  	[spmem:s2] =	stream.indirect.scatter.add.f32 [tilespmem:s14], [sflag:$0x3], $0x80, s30, s13, $0xb8;
	[tilespmem:$0x1F580] =	vst v63  }
0x51d: {  	_ =	swait.ge [sflag:s17], $0x4000  }
0x51e: {  	[sflag:s17] =	ssyncset.done $0x0  }
0x51f: {  	[sflag:s17] =	ssyncadd.s32 $0xFFFFC000  }
0x520: {  	[tilespmem:s14], [sflag:$0x2] =	stream.indirect.gather [hbm4b:s12+s13], $0x80, s18, s13, $0xb8;
	[tilespmem:$0x1F580] =	vst v63  }
0x521: {  	_ =	swait.ge [sflag:s16], $0x4000  }
0x522: {  	[sflag:s16] =	ssyncset.done $0x0  }
0x523: {  	[sflag:s16] =	ssyncadd.s32 $0xFFFFC000  }
0x524: {  	[spmem:s2] =	stream.indirect.scatter.add.f32 [tilespmem:s15], [sflag:$0x3], $0x80, s19, s13, $0xb8;
	[tilespmem:$0x1F580] =	vst v63  }
0x525: {  	_ =	swait.ge [sflag:s17], $0x4000  }
0x526: {  	[sflag:s17] =	ssyncset.done $0x0  }
0x527: {  	[sflag:s17] =	ssyncadd.s32 $0xFFFFC000  }
0x528: {  	[tilespmem:s15], [sflag:$0x2] =	stream.indirect.gather [hbm4b:s12+s13], $0x80, s20, s13, $0xb8;
	[tilespmem:$0x1F580] =	vst v63  }
0x529: {  	_ =	swait.ge [sflag:s16], $0x4000  }
0x52a: {  	[sflag:s16] =	ssyncset.done $0x0  }
0x52b: {  	[sflag:s16] =	ssyncadd.s32 $0xFFFFC000  }
0x52c: {  	[spmem:s2] =	stream.indirect.scatter.add.f32 [tilespmem:s14], [sflag:$0x3], $0x80, s21, s13, $0xb8;
	[tilespmem:$0x1F580] =	vst v63  }
0x52d: {  	_ =	swait.ge [sflag:s17], $0x4000  }
0x52e: {  	[sflag:s17] =	ssyncset.done $0x0  }
0x52f: {  	[sflag:s17] =	ssyncadd.s32 $0xFFFFC000  }
0x530: {  	[tilespmem:s14], [sflag:$0x2] =	stream.indirect.gather [hbm4b:s12+s13], $0x80, s25, s13, $0xb8;
	[tilespmem:$0x1F580] =	vst v63  }
0x531: {  	_ =	swait.ge [sflag:s16], $0x4000  }
0x532: {  	[sflag:s16] =	ssyncset.done $0x0  }
0x533: {  	[sflag:s16] =	ssyncadd.s32 $0xFFFFC000  }
0x534: {  	[spmem:s2] =	stream.indirect.scatter.add.f32 [tilespmem:s15], [sflag:$0x3], $0x80, s26, s13, $0xb8;
	[tilespmem:$0x1F580] =	vst v63  }
0x535: {  	_ =	swait.ge [sflag:s17], $0x4000  }
0x536: {  	[sflag:s17] =	ssyncset.done $0x0  }
0x537: {  	[sflag:s17] =	ssyncadd.s32 $0xFFFFC000  }
0x538: {  	[tilespmem:s15], [sflag:$0x2] =	stream.indirect.gather [hbm4b:s12+s13], $0x80, s28, s13, $0xb8;
	[tilespmem:$0x1F580] =	vst v63  }
0x539: {  	_ =	swait.ge [sflag:s16], $0x4000  }
0x53a: {  	[sflag:s16] =	ssyncset.done $0x0  }
0x53b: {  	[sflag:s16] =	ssyncadd.s32 $0xFFFFC000  }
0x53c: {  	[spmem:s2] =	stream.indirect.scatter.add.f32 [tilespmem:s14], [sflag:$0x3], $0x80, s29, s13, $0xb8;
	[tilespmem:$0x1F580] =	vst v63  }
0x53d: {  	_ =	swait.ge [sflag:s17], $0x4000  }
0x53e: {  	[sflag:s17] =	ssyncset.done $0x0  }
0x53f: {  	[sflag:s17] =	ssyncadd.s32 $0xFFFFC000  }
0x540: {  	[tilespmem:s14], [sflag:$0x2] =	stream.indirect.gather [hbm4b:s12+s13], $0x80, s10, s13, $0xb8;
	[tilespmem:$0x1F580] =	vst v63  }
0x541: {  	_ =	swait.ge [sflag:s16], $0x4000  }
0x542: {  	[sflag:s16] =	ssyncset.done $0x0  }
0x543: {  	s4 =	simm.s32 $0xF80;
	[sflag:s16] =	ssyncadd.s32 $0xFFFFC000  }
0x544: {  	[spmem:s2] =	stream.indirect.scatter.add.f32 [tilespmem:s15], [sflag:$0x3], $0x80, s4, s13, $0xb8;
	[tilespmem:$0x1F580] =	vst v63  }
0x545: {  	_ =	swait.ge [sflag:s17], $0x4000  }
0x546: {  	[sflag:s17] =	ssyncset.done $0x0  }
0x547: {  	[sflag:s17] =	ssyncadd.s32 $0xFFFFC000  }
0x548: {  	[tilespmem:s15], [sflag:$0x2] =	stream.indirect.gather [hbm4b:s12+s13], $0x80, s23, s13, $0xb8;
	[tilespmem:$0x1F580] =	vst v63  }
0x549: {  	_ =	swait.ge [sflag:s16], $0x4000  }
0x54a: {  	[sflag:s16] =	ssyncset.done $0x0  }
0x54b: {  	[sflag:s16] =	ssyncadd.s32 $0xFFFFC000  }
0x54c: {  	[spmem:s2] =	stream.indirect.scatter.add.f32 [tilespmem:s14], [sflag:$0x3], $0x80, s24, s13, $0xb8;
	[tilespmem:$0x1F580] =	vst v63  }
0x54d: {  	_ =	swait.ge [sflag:s17], $0x4000  }
0x54e: {  	[sflag:s17] =	ssyncset.done $0x0  }
0x54f: {  	s5 =	simm.s32 $0x400;
	[sflag:s17] =	ssyncadd.s32 $0xFFFFC000  }
0x550: {  	[tilespmem:s14], [sflag:$0x2] =	stream.indirect.gather [hbm4b:s12+s13], $0x80, s5, s13, $0xb8;
	[tilespmem:$0x1F580] =	vst v63  }
0x551: {  	_ =	swait.ge [sflag:s16], $0x4000  }
0x552: {  	[sflag:s16] =	ssyncset.done $0x0  }
0x553: {  	s6 =	simm.s32 $0x1080;
	[sflag:s16] =	ssyncadd.s32 $0xFFFFC000  }
0x554: {  	[spmem:s2] =	stream.indirect.scatter.add.f32 [tilespmem:s15], [sflag:$0x3], $0x80, s6, s13, $0xb8;
	[tilespmem:$0x1F580] =	vst v63  }
0x555: {  	_ =	swait.ge [sflag:s17], $0x4000  }
0x556: {  	[sflag:s17] =	ssyncset.done $0x0  }
0x557: {  	s18 =	simm.s32 $0x480;
	[sflag:s17] =	ssyncadd.s32 $0xFFFFC000  }
0x558: {  	[tilespmem:s15], [sflag:$0x2] =	stream.indirect.gather [hbm4b:s12+s13], $0x80, s18, s13, $0xb8;
	[tilespmem:$0x1F580] =	vst v63  }
0x559: {  	_ =	swait.ge [sflag:s16], $0x4000  }
0x55a: {  	[sflag:s16] =	ssyncset.done $0x0  }
0x55b: {  	s4 =	simm.s32 $0x1100;
	[sflag:s16] =	ssyncadd.s32 $0xFFFFC000  }
0x55c: {  	[spmem:s2] =	stream.indirect.scatter.add.f32 [tilespmem:s14], [sflag:$0x3], $0x80, s4, s13, $0xb8;
	[tilespmem:$0x1F580] =	vst v63  }
0x55d: {  	_ =	swait.ge [sflag:s17], $0x4000  }
0x55e: {  	[sflag:s17] =	ssyncset.done $0x0  }
0x55f: {  	s5 =	simm.s32 $0x500;
	[sflag:s17] =	ssyncadd.s32 $0xFFFFC000  }
0x560: {  	[tilespmem:s14], [sflag:$0x2] =	stream.indirect.gather [hbm4b:s12+s13], $0x80, s5, s13, $0xb8;
	[tilespmem:$0x1F580] =	vst v63  }
0x561: {  	_ =	swait.ge [sflag:s16], $0x4000  }
0x562: {  	[sflag:s16] =	ssyncset.done $0x0  }
0x563: {  	s6 =	simm.s32 $0x1180;
	[sflag:s16] =	ssyncadd.s32 $0xFFFFC000  }
0x564: {  	[spmem:s2] =	stream.indirect.scatter.add.f32 [tilespmem:s15], [sflag:$0x3], $0x80, s6, s13, $0xb8;
	[tilespmem:$0x1F580] =	vst v63  }
0x565: {  	_ =	swait.ge [sflag:s17], $0x4000  }
0x566: {  	[sflag:s17] =	ssyncset.done $0x0  }
0x567: {  	s18 =	simm.s32 $0x580;
	[sflag:s17] =	ssyncadd.s32 $0xFFFFC000  }
0x568: {  	[tilespmem:s15], [sflag:$0x2] =	stream.indirect.gather [hbm4b:s12+s13], $0x80, s18, s13, $0xb8;
	[tilespmem:$0x1F580] =	vst v63  }
0x569: {  	_ =	swait.ge [sflag:s16], $0x4000  }
0x56a: {  	[sflag:s16] =	ssyncset.done $0x0  }
0x56b: {  	s4 =	simm.s32 $0x1200;
	[sflag:s16] =	ssyncadd.s32 $0xFFFFC000  }
0x56c: {  	[spmem:s2] =	stream.indirect.scatter.add.f32 [tilespmem:s14], [sflag:$0x3], $0x80, s4, s13, $0xb8;
	[tilespmem:$0x1F580] =	vst v63  }
0x56d: {  	_ =	swait.ge [sflag:s17], $0x4000  }
0x56e: {  	[sflag:s17] =	ssyncset.done $0x0  }
0x56f: {  	s5 =	simm.s32 $0x600;
	[sflag:s17] =	ssyncadd.s32 $0xFFFFC000  }
0x570: {  	[tilespmem:s14], [sflag:$0x2] =	stream.indirect.gather [hbm4b:s12+s13], $0x80, s5, s13, $0xb8;
	[tilespmem:$0x1F580] =	vst v63  }
0x571: {  	_ =	swait.ge [sflag:s16], $0x4000  }
0x572: {  	[sflag:s16] =	ssyncset.done $0x0  }
0x573: {  	s6 =	simm.s32 $0x1280;
	[sflag:s16] =	ssyncadd.s32 $0xFFFFC000  }
0x574: {  	[spmem:s2] =	stream.indirect.scatter.add.f32 [tilespmem:s15], [sflag:$0x3], $0x80, s6, s13, $0xb8;
	[tilespmem:$0x1F580] =	vst v63  }
0x575: {  	_ =	swait.ge [sflag:s17], $0x4000  }
0x576: {  	[sflag:s17] =	ssyncset.done $0x0  }
0x577: {  	s18 =	simm.s32 $0x680;
	[sflag:s17] =	ssyncadd.s32 $0xFFFFC000  }
0x578: {  	[tilespmem:s15], [sflag:$0x2] =	stream.indirect.gather [hbm4b:s12+s13], $0x80, s18, s13, $0xb8;
	[tilespmem:$0x1F580] =	vst v63  }
0x579: {  	_ =	swait.ge [sflag:s16], $0x4000  }
0x57a: {  	[sflag:s16] =	ssyncset.done $0x0  }
0x57b: {  	s4 =	simm.s32 $0x1300;
	[sflag:s16] =	ssyncadd.s32 $0xFFFFC000  }
0x57c: {  	[spmem:s2] =	stream.indirect.scatter.add.f32 [tilespmem:s14], [sflag:$0x3], $0x80, s4, s13, $0xb8;
	[tilespmem:$0x1F580] =	vst v63  }
0x57d: {  	_ =	swait.ge [sflag:s17], $0x4000  }
0x57e: {  	[sflag:s17] =	ssyncset.done $0x0  }
0x57f: {  	s5 =	simm.s32 $0x700;
	[sflag:s17] =	ssyncadd.s32 $0xFFFFC000  }
0x580: {  	[tilespmem:s14], [sflag:$0x2] =	stream.indirect.gather [hbm4b:s12+s13], $0x80, s5, s13, $0xb8;
	[tilespmem:$0x1F580] =	vst v63  }
0x581: {  	_ =	swait.ge [sflag:s16], $0x4000  }
0x582: {  	[sflag:s16] =	ssyncset.done $0x0  }
0x583: {  	s6 =	simm.s32 $0x1380;
	[sflag:s16] =	ssyncadd.s32 $0xFFFFC000  }
0x584: {  	[spmem:s2] =	stream.indirect.scatter.add.f32 [tilespmem:s15], [sflag:$0x3], $0x80, s6, s13, $0xb8;
	[tilespmem:$0x1F580] =	vst v63  }
0x585: {  	_ =	swait.ge [sflag:s17], $0x4000  }
0x586: {  	[sflag:s17] =	ssyncset.done $0x0  }
0x587: {  	s18 =	simm.s32 $0x780;
	[sflag:s17] =	ssyncadd.s32 $0xFFFFC000  }
0x588: {  	[tilespmem:s15], [sflag:$0x2] =	stream.indirect.gather [hbm4b:s12+s13], $0x80, s18, s13, $0xb8;
	[tilespmem:$0x1F580] =	vst v63  }
0x589: {  	_ =	swait.ge [sflag:s16], $0x4000  }
0x58a: {  	[sflag:s16] =	ssyncset.done $0x0  }
0x58b: {  	s4 =	simm.s32 $0x1400;
	[sflag:s16] =	ssyncadd.s32 $0xFFFFC000  }
0x58c: {  	[spmem:s2] =	stream.indirect.scatter.add.f32 [tilespmem:s14], [sflag:$0x3], $0x80, s4, s13, $0xb8;
	[tilespmem:$0x1F580] =	vst v63  }
0x58d: {  	_ =	swait.ge [sflag:s17], $0x4000  }
0x58e: {  	[sflag:s17] =	ssyncset.done $0x0  }
0x58f: {  	s5 =	simm.s32 $0x800;
	[sflag:s17] =	ssyncadd.s32 $0xFFFFC000  }
0x590: {  	[tilespmem:s14], [sflag:$0x2] =	stream.indirect.gather [hbm4b:s12+s13], $0x80, s5, s13, $0xb8;
	[tilespmem:$0x1F580] =	vst v63  }
0x591: {  	_ =	swait.ge [sflag:s16], $0x4000  }
0x592: {  	[sflag:s16] =	ssyncset.done $0x0  }
0x593: {  	s6 =	simm.s32 $0x1480;
	[sflag:s16] =	ssyncadd.s32 $0xFFFFC000  }
0x594: {  	[spmem:s2] =	stream.indirect.scatter.add.f32 [tilespmem:s15], [sflag:$0x3], $0x80, s6, s13, $0xb8;
	[tilespmem:$0x1F580] =	vst v63  }
0x595: {  	_ =	swait.ge [sflag:s17], $0x4000  }
0x596: {  	[sflag:s17] =	ssyncset.done $0x0  }
0x597: {  	s18 =	simm.s32 $0x880;
	[sflag:s17] =	ssyncadd.s32 $0xFFFFC000  }
0x598: {  	[tilespmem:s15], [sflag:$0x2] =	stream.indirect.gather [hbm4b:s12+s13], $0x80, s18, s13, $0xb8;
	[tilespmem:$0x1F580] =	vst v63  }
0x599: {  	_ =	swait.ge [sflag:s16], $0x4000  }
0x59a: {  	[sflag:s16] =	ssyncset.done $0x0  }
0x59b: {  	s4 =	simm.s32 $0x1500;
	[sflag:s16] =	ssyncadd.s32 $0xFFFFC000  }
0x59c: {  	[spmem:s2] =	stream.indirect.scatter.add.f32 [tilespmem:s14], [sflag:$0x3], $0x80, s4, s13, $0xb8;
	[tilespmem:$0x1F580] =	vst v63  }
0x59d: {  	_ =	swait.ge [sflag:s17], $0x4000  }
0x59e: {  	[sflag:s17] =	ssyncset.done $0x0  }
0x59f: {  	s5 =	simm.s32 $0x900;
	[sflag:s17] =	ssyncadd.s32 $0xFFFFC000  }
0x5a0: {  	[tilespmem:s14], [sflag:$0x2] =	stream.indirect.gather [hbm4b:s12+s13], $0x80, s5, s13, $0xb8;
	[tilespmem:$0x1F580] =	vst v63  }
0x5a1: {  	_ =	swait.ge [sflag:s16], $0x4000  }
0x5a2: {  	[sflag:s16] =	ssyncset.done $0x0  }
0x5a3: {  	s6 =	simm.s32 $0x1580;
	[sflag:s16] =	ssyncadd.s32 $0xFFFFC000  }
0x5a4: {  	[spmem:s2] =	stream.indirect.scatter.add.f32 [tilespmem:s15], [sflag:$0x3], $0x80, s6, s13, $0xb8;
	[tilespmem:$0x1F580] =	vst v63  }
0x5a5: {  	_ =	swait.ge [sflag:s17], $0x4000  }
0x5a6: {  	[sflag:s17] =	ssyncset.done $0x0  }
0x5a7: {  	s18 =	simm.s32 $0x980;
	[sflag:s17] =	ssyncadd.s32 $0xFFFFC000  }
0x5a8: {  	[tilespmem:s15], [sflag:$0x2] =	stream.indirect.gather [hbm4b:s12+s13], $0x80, s18, s13, $0xb8;
	[tilespmem:$0x1F580] =	vst v63  }
0x5a9: {  	_ =	swait.ge [sflag:s16], $0x4000  }
0x5aa: {  	[sflag:s16] =	ssyncset.done $0x0  }
0x5ab: {  	s4 =	simm.s32 $0x1600;
	[sflag:s16] =	ssyncadd.s32 $0xFFFFC000  }
0x5ac: {  	[spmem:s2] =	stream.indirect.scatter.add.f32 [tilespmem:s14], [sflag:$0x3], $0x80, s4, s13, $0xb8;
	[tilespmem:$0x1F580] =	vst v63  }
0x5ad: {  	_ =	swait.ge [sflag:s17], $0x4000  }
0x5ae: {  	[sflag:s17] =	ssyncset.done $0x0  }
0x5af: {  	s5 =	simm.s32 $0xA00;
	[sflag:s17] =	ssyncadd.s32 $0xFFFFC000  }
0x5b0: {  	[tilespmem:s14], [sflag:$0x2] =	stream.indirect.gather [hbm4b:s12+s13], $0x80, s5, s13, $0xb8;
	[tilespmem:$0x1F580] =	vst v63  }
0x5b1: {  	_ =	swait.ge [sflag:s16], $0x4000  }
0x5b2: {  	[sflag:s16] =	ssyncset.done $0x0  }
0x5b3: {  	s6 =	simm.s32 $0x1680;
	[sflag:s16] =	ssyncadd.s32 $0xFFFFC000  }
0x5b4: {  	[spmem:s2] =	stream.indirect.scatter.add.f32 [tilespmem:s15], [sflag:$0x3], $0x80, s6, s13, $0xb8;
	[tilespmem:$0x1F580] =	vst v63  }
0x5b5: {  	_ =	swait.ge [sflag:s17], $0x4000  }
0x5b6: {  	[sflag:s17] =	ssyncset.done $0x0  }
0x5b7: {  	s18 =	simm.s32 $0xA80;
	[sflag:s17] =	ssyncadd.s32 $0xFFFFC000  }
0x5b8: {  	[tilespmem:s15], [sflag:$0x2] =	stream.indirect.gather [hbm4b:s12+s13], $0x80, s18, s13, $0xb8;
	[tilespmem:$0x1F580] =	vst v63  }
0x5b9: {  	_ =	swait.ge [sflag:s16], $0x4000  }
0x5ba: {  	[sflag:s16] =	ssyncset.done $0x0  }
0x5bb: {  	s4 =	simm.s32 $0x1700;
	[sflag:s16] =	ssyncadd.s32 $0xFFFFC000  }
0x5bc: {  	[spmem:s2] =	stream.indirect.scatter.add.f32 [tilespmem:s14], [sflag:$0x3], $0x80, s4, s13, $0xb8;
	[tilespmem:$0x1F580] =	vst v63  }
0x5bd: {  	_ =	swait.ge [sflag:s17], $0x4000  }
0x5be: {  	[sflag:s17] =	ssyncset.done $0x0  }
0x5bf: {  	s5 =	simm.s32 $0xB00;
	[sflag:s17] =	ssyncadd.s32 $0xFFFFC000  }
0x5c0: {  	[tilespmem:s14], [sflag:$0x2] =	stream.indirect.gather [hbm4b:s12+s13], $0x80, s5, s13, $0xb8;
	[tilespmem:$0x1F580] =	vst v63  }
0x5c1: {  	_ =	swait.ge [sflag:s16], $0x4000  }
0x5c2: {  	[sflag:s16] =	ssyncset.done $0x0  }
0x5c3: {  	s6 =	simm.s32 $0x1780;
	[sflag:s16] =	ssyncadd.s32 $0xFFFFC000  }
0x5c4: {  	[spmem:s2] =	stream.indirect.scatter.add.f32 [tilespmem:s15], [sflag:$0x3], $0x80, s6, s13, $0xb8;
	[tilespmem:$0x1F580] =	vst v63  }
0x5c5: {  	_ =	swait.ge [sflag:s17], $0x4000  }
0x5c6: {  	[sflag:s17] =	ssyncset.done $0x0  }
0x5c7: {  	s18 =	simm.s32 $0xB80;
	[sflag:s17] =	ssyncadd.s32 $0xFFFFC000  }
0x5c8: {  	[tilespmem:s15], [sflag:$0x2] =	stream.indirect.gather [hbm4b:s12+s13], $0x80, s18, s13, $0xb8;
	[tilespmem:$0x1F580] =	vst v63  }
0x5c9: {  	_ =	swait.ge [sflag:s16], $0x4000  }
0x5ca: {  	[sflag:s16] =	ssyncset.done $0x0  }
0x5cb: {  	s4 =	simm.s32 $0x1800;
	[sflag:s16] =	ssyncadd.s32 $0xFFFFC000  }
0x5cc: {  	[spmem:s2] =	stream.indirect.scatter.add.f32 [tilespmem:s14], [sflag:$0x3], $0x80, s4, s13, $0xb8;
	[tilespmem:$0x1F580] =	vst v63  }
0x5cd: {  	_ =	swait.ge [sflag:s17], $0x4000  }
0x5ce: {  	[sflag:s17] =	ssyncset.done $0x0  }
0x5cf: {  	s5 =	simm.s32 $0xC00;
	[sflag:s17] =	ssyncadd.s32 $0xFFFFC000  }
0x5d0: {  	[tilespmem:s14], [sflag:$0x2] =	stream.indirect.gather [hbm4b:s12+s13], $0x80, s5, s13, $0xb8;
	[tilespmem:$0x1F580] =	vst v63  }
0x5d1: {  	_ =	swait.ge [sflag:s16], $0x4000  }
0x5d2: {  	[sflag:s16] =	ssyncset.done $0x0  }
0x5d3: {  	s6 =	simm.s32 $0x1880;
	[sflag:s16] =	ssyncadd.s32 $0xFFFFC000  }
0x5d4: {  	[spmem:s2] =	stream.indirect.scatter.add.f32 [tilespmem:s15], [sflag:$0x3], $0x80, s6, s13, $0xb8;
	[tilespmem:$0x1F580] =	vst v63  }
0x5d5: {  	_ =	swait.ge [sflag:s17], $0x4000  }
0x5d6: {  	[sflag:s17] =	ssyncset.done $0x0  }
0x5d7: {  	s18 =	simm.s32 $0xC80;
	[sflag:s17] =	ssyncadd.s32 $0xFFFFC000  }
0x5d8: {  	[tilespmem:s15], [sflag:$0x2] =	stream.indirect.gather [hbm4b:s12+s13], $0x80, s18, s13, $0xb8;
	[tilespmem:$0x1F580] =	vst v63  }
0x5d9: {  	_ =	swait.ge [sflag:s16], $0x4000  }
0x5da: {  	[sflag:s16] =	ssyncset.done $0x0  }
0x5db: {  	s4 =	simm.s32 $0x1900;
	[sflag:s16] =	ssyncadd.s32 $0xFFFFC000  }
0x5dc: {  	[spmem:s2] =	stream.indirect.scatter.add.f32 [tilespmem:s14], [sflag:$0x3], $0x80, s4, s13, $0xb8;
	[tilespmem:$0x1F580] =	vst v63  }
0x5dd: {  	_ =	swait.ge [sflag:s16], $0x4000  }
0x5de: {  	[sflag:s16] =	ssyncset.done $0x0  }
0x5df: {  	s5 =	simm.s32 $0x1980;
	[sflag:s16] =	ssyncadd.s32 $0xFFFFC000  }
0x5e0: {  	[spmem:s2] =	stream.indirect.scatter.add.f32 [tilespmem:s15], [sflag:$0x3], $0x80, s5, s13, $0xb8;
	[tilespmem:$0x1F580] =	vst v63  }
0x5e1: {  	_ =	swait.ge [sflag:s17], $0x4000  }
0x5e2: {  	[sflag:s17] =	ssyncset.done $0x0  }
0x5e3: {  	[sflag:s17] =	ssyncadd.s32 $0xFFFFC000  }
0x5e4: {  	_ =	swait.ge [sflag:s17], $0x4000  }
0x5e5: {  	[sflag:s17] =	ssyncset.done $0x0  }
0x5e6: {  	[sflag:s17] =	ssyncadd.s32 $0xFFFFC000  }
0x5e7: {  	_ =	swait.ge [sflag:s22], $0xD00  }
0x5e8: {  	[sflag:s22] =	ssyncset.done $0x0  }
0x5e9: {  	[sflag:s22] =	ssyncadd.s32 $0xFFFFF300  }
0x5ea: {  	_ =	swait.ge [sflag:s22], $0xD00  }
0x5eb: {  	[sflag:s22] =	ssyncset.done $0x0  }
0x5ec: {  	s18 =	simm.s32 $0xB400;
	s6 =	rddreg [dreg:$0x8];
	[sflag:s22] =	ssyncadd.s32 $0xFFFFF300  }
0x5ed: {  	[tilespmem:s18], [sflag:$0x5] =	stream.linear.gather [hbm4b:s6+s3], $0x10, $0x38;
	[tilespmem:$0x1F580] =	vst v63  }
0x5ee: {  	_ =	swait.ge [sflag:s7], $0x10  }
0x5ef: {  	[sflag:s7] =	ssyncset.done $0x0  }
0x5f0: {  	s5 =	simm.s32 $0xB480;
	s6 =	rddreg [dreg:$0x9];
	[sflag:s7] =	ssyncadd.s32 $0xFFFFFFF0  }
0x5f1: {  	[tilespmem:s5], [sflag:$0x5] =	stream.linear.gather [hbm4b:s6+s3], $0x10, $0x38;
	[tilespmem:$0x1F580] =	vst v63  }
0x5f2: {  	_ =	swait.ge [sflag:s7], $0x10  }
0x5f3: {  	[sflag:s7] =	ssyncset.done $0x0  }
0x5f4: {  	s1 =	simm.s32 $0x10;
	s6 =	simm.s32 $0xB500;
	[sflag:s7] =	ssyncadd.s32 $0xFFFFFFF0  }
0x5f5: {  	[tilespmem:s6], [sflag:$0x1] =	stream.indirect.gather [hbm4b:s12+s1], $0x80, s18, s1, $0xb8;
	[tilespmem:$0x1F580] =	vst v63  }
0x5f6: {  	s18 =	simm.s32 $0x1  }
0x5f7: {  	_ =	swait.ge [sflag:s18], $0x800  }
0x5f8: {  	[sflag:s18] =	ssyncset.done $0x0  }
0x5f9: {  	[sflag:s18] =	ssyncadd.s32 $0xFFFFF800  }
0x5fa: {  	[spmem:s2] =	stream.indirect.scatter.add.f32 [tilespmem:s6], [sflag:$0x5], $0x80, s5, s1, $0xb8;
	[tilespmem:$0x1F580] =	vst v63  }
0x5fb: {  	_ =	swait.ge [sflag:s7], $0x800  }
0x5fc: {  	[sflag:s7] =	ssyncset.done $0x0  }
0x5fd: {  	[sflag:s7] =	ssyncadd.s32 $0xFFFFF800  }
0x5fe: {  	[bflag:$0x0] =	sbarrier.arrive $0xFFFF  }
0x5ff: {  	s18 =	rddreg [dreg:$0xa]  }
0x600: {  	[hbm:s18], [sflag:s8] =	dma.local [spmem:s9], $0x2700  }
0x601: {  	s31 =	sadd.s32 $0xFFFFFFFF, s31;
	_ =	swait.ge [sflag:s7], $0x2700  }
0x602: {  	p1 =	sne.s32 s31, $0x0;
	[sflag:s7] =	ssyncset.done $0x0  }
.Ltmp1:
0x603: {  	s1 =	rddreg [dreg:$0xb];
	[sflag:s7] =	ssyncadd.s32 $0xFFFFD900;
	(pc) =	sbr.rel @p1 .LBB2_2-.Ltmp1, $4  }
0x604: {  	[hbm:s1], [sflag:s8] =	dma.local @!p0 [spmem:s0], $0x100  }
0x605: {  	s0 =	simm.s32 @!p0 $0x5  }
0x606: {  	_ =	swait.ge @!p0 [sflag:s0], $0x100  }
0x607: {  	[sflag:s0] =	ssyncset.done @!p0 $0x0  }
.LBB2_3:
0x608: {  	[sflag:s0] =	ssyncadd.s32 @!p0 $0xFFFFFF00  }
0x609: {  	_ =	sfence.sel $0x180000  }
0x60a: {  	[bflag:$0x0] =	sbarrier.arrive $0xFFFF  }
0x60b: {  	_ =	strace $0x90000047  }
0x60c: {  	s31 =	stileid.u32;
	[bflag:$0x2] =	sbarrier.arrive $0xFFFF  }
0x60d: {  	p0 =	sne.s32 s31, $0x0;
	s0 =	rddreg [dreg:$0x2]  }
0x60e: {  	s0 =	sadd.s32 @!p0 $0x100000, s0  }
0x60f: {  	[sflag:s0] =	ssyncadd.tile.s32 @!p0 $0x1;
	_ =	shalt  }
.Lfunc_end2:
_tile_overlayer_lowered:
.L_overlay_start_2:
0x610: {  	(tag) =	ssettag $0x2  }
0x611: {  	s0 =	rddreg [dreg:$0x0];
	s2 =	stileid.u32  }
0x612: {  	s1 =	rddreg [dreg:$0x1];
	p0 =	sne.s32 s2, $0x0  }
0x613: {  	s3 =	rddreg [dreg:$0x2];
	[bflag:$0x3] =	sbarrier.arrive $0xFFFF;
	s2 =	simm.s32 @!p0 $0x1C05  }
0x614: {  	[timem:s3], [sflag:s2] =	dma.local @!p0 [hbm:s0], s1  }
0x615: {  	s0 =	simm.s32 @!p0 $0x5  }
0x616: {  	_ =	swait.ge @!p0 [sflag:s0], s1  }
0x617: {  	s1 =	ssub.s32 @!p0 $0x0, s1;
	[sflag:s0] =	ssyncset.done @!p0 $0x0  }
0x618: {  	[sflag:s0] =	ssyncadd.s32 @!p0 s1  }
0x619: {  	[bflag:$0x3] =	sbarrier.arrive $0xFFFF  }
0x61a: {  	_ =	shalt  }

</sc_bundles>
